<compile_context>
chip_gen: v7x
topology: tpu7x:2x2x1
jax: 0.10.2.dev20260603
libtpu: 0.0.44.dev20260713+nightly
codegen_flags: <defaults>
</compile_context>

<pallas_src>
import jax
import jax.numpy as jnp
from jax import lax
from jax.experimental import pallas as pl
from jax.experimental.pallas import tpu as pltpu
from jax.experimental.pallas import tpu_sc as plsc

_N = 50000
_E = 250000
_D = 128
_NC, _NS = 2, 16
_NPASS = 2
_RNG = 12544
_NPAD = _NC * _NPASS * _RNG
_ACC = _RNG + 16
_ZPT = _ACC // _NS
_WPT = _RNG // _NS
_CH = 128
_NCHUNK = 123
_EPT = _NCHUNK * _CH
_CH2 = _CH
_NCHUNK2 = _NCHUNK
_EPT2 = _EPT
_EPAD = _NS * _EPT
_BM = 512
_GRID = _NPAD // _BM


def _make_segsum():
  mesh = plsc.VectorSubcoreMesh(core_axis_name="c", subcore_axis_name="s")
  out_type = [jax.ShapeDtypeStruct((_NPAD, _D), jnp.float32)] * 4
  scratch = [
      pltpu.VMEM_SHARED((_ACC, _D), jnp.float32),
      pltpu.VMEM((_CH,), jnp.int32), pltpu.VMEM((_CH,), jnp.int32),
      pltpu.VMEM((_CH,), jnp.int32), pltpu.VMEM((_CH,), jnp.int32),
      pltpu.VMEM((_CH,), jnp.int32), pltpu.VMEM((_CH,), jnp.int32),
      pltpu.VMEM((_CH, _D), jnp.float32),
      pltpu.SemaphoreType.DMA, pltpu.SemaphoreType.DMA,
  ]

  def body(*refs):
    hs = refs[0:4]
    srcs = refs[4:8]
    dsts = refs[8:12]
    Ss = refs[12:16]
    (acc, src0, src1, dst0, dst1, dl0, dl1, rows0,
     sia0, sib0) = refs[16:]
    cid = lax.axis_index("c")
    sid = lax.axis_index("s")
    zero16 = jnp.zeros((16,), jnp.float32)

    def compute_dloc(dst_r, dl_r, base):
      def jloop(j, jcarry):
        d = dst_r[pl.ds(j * 16, 16)]
        m = (d >= base) & (d < base + _RNG)
        dl_r[pl.ds(j * 16, 16)] = jnp.where(m, d - base, _RNG)
        return jcarry
      lax.fori_loop(0, _CH // 16, jloop, 0)

    for r in range(4):
      h, se, de, S = hs[r], srcs[r], dsts[r], Ss[r]

      def pass_body(p, carry, h=h, se=se, de=de, S=S):
        base = (cid * _NPASS + p) * _RNG
        ebase = sid * _EPT

        def fill(i, fcarry):
          for j in range(_D // 16):
            rows0[i, pl.ds(16 * j, 16)] = zero16
          return fcarry

        lax.fori_loop(0, _CH, fill, 0)

        def zloop(zc, zcarry):
          off = jnp.minimum(zc * _CH, _ZPT - _CH)
          pltpu.sync_copy(rows0, acc.at[pl.ds(sid * _ZPT + off, _CH)])
          return zcarry

        lax.fori_loop(0, -(-_ZPT // _CH), zloop, 0)
        plsc.subcore_barrier()

        def cloop(ch, ccarry):
          e0 = ebase + ch * _CH
          ia = pltpu.async_copy(se.at[pl.ds(e0, _CH)], src0, sia0)
          ib = pltpu.async_copy(de.at[pl.ds(e0, _CH)], dst0, sib0)
          ib.wait()
          compute_dloc(dst0, dl0, base)
          ia.wait()
          pltpu.sync_copy(h.at[src0], rows0)
          pltpu.sync_copy(rows0, acc.at[dl0], add=True)
          return ccarry

        lax.fori_loop(0, _NCHUNK, cloop, 0)
        plsc.subcore_barrier()
        row0 = sid * _WPT
        pltpu.sync_copy(acc.at[pl.ds(row0, _WPT)],
                        S.at[pl.ds(base + row0, _WPT)])
        plsc.subcore_barrier()
        return carry

      lax.fori_loop(0, _NPASS, pass_body, 0)

  return pl.kernel(body, out_type=tuple(out_type), mesh=mesh,
                   scratch_types=tuple(scratch))


def _make_counts():
  mesh = plsc.VectorSubcoreMesh(core_axis_name="c", subcore_axis_name="s")
  out_type = [jax.ShapeDtypeStruct((_NPAD, 16), jnp.float32)] * 4
  scratch = [
      pltpu.VMEM_SHARED((_ACC, 16), jnp.float32),
      pltpu.VMEM((_CH2,), jnp.int32), pltpu.VMEM((_CH2,), jnp.int32),
      pltpu.VMEM((_CH2,), jnp.int32), pltpu.VMEM((_CH2,), jnp.int32),
      pltpu.VMEM((_CH2, 16), jnp.float32),
      pltpu.VMEM((_CH2, 16), jnp.float32),
      pltpu.SemaphoreType.DMA, pltpu.SemaphoreType.DMA,
  ]

  def body(*refs):
    dsts = refs[0:4]
    Cs = refs[4:8]
    accc, dst0, dst1, dl0, dl1, ones_v, zbuf16, si0, si1 = refs[8:]
    cid = lax.axis_index("c")
    sid = lax.axis_index("s")
    zero16 = jnp.zeros((16,), jnp.float32)
    one16 = jnp.ones((16,), jnp.float32)

    def fill(i, carry):
      ones_v[i, :] = one16
      zbuf16[i, :] = zero16
      return carry

    lax.fori_loop(0, _CH2, fill, 0)

    def compute_dloc(dst_r, dl_r, base):
      def jloop(j, jcarry):
        d = dst_r[pl.ds(j * 16, 16)]
        m = (d >= base) & (d < base + _RNG)
        dl_r[pl.ds(j * 16, 16)] = jnp.where(m, d - base, _RNG)
        return jcarry
      lax.fori_loop(0, _CH2 // 16, jloop, 0)

    for r in range(4):
      de, C = dsts[r], Cs[r]

      def pass_body(p, carry, de=de, C=C):
        base = (cid * _NPASS + p) * _RNG
        ebase = sid * _EPT2

        def zloop(zc, zcarry):
          off = jnp.minimum(zc * _CH2, _ZPT - _CH2)
          pltpu.sync_copy(zbuf16, accc.at[pl.ds(sid * _ZPT + off, _CH2)])
          return zcarry

        lax.fori_loop(0, -(-_ZPT // _CH2), zloop, 0)
        plsc.subcore_barrier()

        def cloop(ch, ccarry):
          e0 = ebase + ch * _CH2
          pltpu.sync_copy(de.at[pl.ds(e0, _CH2)], dst0)
          compute_dloc(dst0, dl0, base)
          pltpu.sync_copy(ones_v, accc.at[dl0], add=True)
          return ccarry

        lax.fori_loop(0, _NCHUNK2, cloop, 0)
        plsc.subcore_barrier()
        row0 = sid * _WPT
        pltpu.sync_copy(accc.at[pl.ds(row0, _WPT)],
                        C.at[pl.ds(base + row0, _WPT)])
        plsc.subcore_barrier()
        return carry

      lax.fori_loop(0, _NPASS, pass_body, 0)

  return pl.kernel(body, out_type=tuple(out_type), mesh=mesh,
                   scratch_types=tuple(scratch))


def _dense_update(x, s, c, ws, wr):
  def body(x_ref, s_ref, c_ref, ws_ref, wr_ref, o_ref):
    r = 1.0 / jnp.maximum(c_ref[:, 0:1], 1.0)
    acc = jnp.dot(x_ref[:], ws_ref[:], preferred_element_type=jnp.float32)
    acc = acc + jnp.dot(s_ref[:], wr_ref[:],
                        preferred_element_type=jnp.float32) * r
    o_ref[:] = jnp.maximum(acc, 0.0)

  return pl.pallas_call(
      body,
      grid=(_GRID,),
      in_specs=[
          pl.BlockSpec((_BM, _D), lambda i: (i, 0)),
          pl.BlockSpec((_BM, _D), lambda i: (i, 0)),
          pl.BlockSpec((_BM, 16), lambda i: (i, 0)),
          pl.BlockSpec((_D, _D), lambda i: (0, 0)),
          pl.BlockSpec((_D, _D), lambda i: (0, 0)),
      ],
      out_specs=pl.BlockSpec((_BM, _D), lambda i: (i, 0)),
      out_shape=jax.ShapeDtypeStruct((_NPAD, _D), jnp.float32),
  )(x, s, c, ws, wr)


def _project(h, w1, b1, w2, b2):
  ph, pd = w1.shape[1], w2.shape[1]

  def body(h_ref, w1_ref, b1_ref, w2_ref, b2_ref, o_ref):
    t = jnp.dot(h_ref[:], w1_ref[:], preferred_element_type=jnp.float32)
    t = jax.nn.gelu(t + b1_ref[:])
    o_ref[:] = jnp.dot(t, w2_ref[:],
                       preferred_element_type=jnp.float32) + b2_ref[:]

  return pl.pallas_call(
      body,
      grid=(_GRID,),
      in_specs=[
          pl.BlockSpec((_BM, _D), lambda i: (i, 0)),
          pl.BlockSpec((_D, ph), lambda i: (0, 0)),
          pl.BlockSpec((1, ph), lambda i: (0, 0)),
          pl.BlockSpec((ph, pd), lambda i: (0, 0)),
          pl.BlockSpec((1, pd), lambda i: (0, 0)),
      ],
      out_specs=pl.BlockSpec((_BM, pd), lambda i: (i, 0)),
      out_shape=jax.ShapeDtypeStruct((_NPAD, pd), jnp.float32),
  )(h, w1, b1.reshape(1, ph), w2, b2.reshape(1, pd))


def kernel(x_drug_v1, x_dis_v1, x_drug_v2, x_dis_v2,
           ei_dd_v1, ei_rev_v1, ei_dd_v2, ei_rev_v2,
           W_rel_dd, W_rel_rev, Ws_drug, Ws_dis,
           Wp1_drug, bp1_drug, Wp2_drug, bp2_drug,
           Wp1_dis, bp1_dis, Wp2_dis, bp2_dis):
  pad_n = lambda x: jnp.pad(x, ((0, _NPAD - _N), (0, 0)))
  hd1, hs1, hd2, hs2 = map(pad_n, (x_drug_v1, x_dis_v1, x_drug_v2, x_dis_v2))

  def pad_e(ei):
    src = jnp.pad(ei[0].astype(jnp.int32), (0, _EPAD - _E))
    dst = jnp.pad(ei[1].astype(jnp.int32), (0, _EPAD - _E),
                  constant_values=_N)
    return src, dst

  s_dd1, d_dd1 = pad_e(ei_dd_v1)
  s_rv1, d_rv1 = pad_e(ei_rev_v1)
  s_dd2, d_dd2 = pad_e(ei_dd_v2)
  s_rv2, d_rv2 = pad_e(ei_rev_v2)

  seg = _make_segsum()
  cntk = _make_counts()

  C_dd1, C_rv1, C_dd2, C_rv2 = cntk(d_dd1, d_rv1, d_dd2, d_rv2)
  S_dd1, S_rv1, S_dd2, S_rv2 = seg(
      hd1, hs1, hd2, hs2,
      s_dd1, s_rv1, s_dd2, s_rv2,
      d_dd1, d_rv1, d_dd2, d_rv2)
  hd1n = _dense_update(hd1, S_rv1, C_rv1, Ws_drug[0], W_rel_rev[0])
  hs1n = _dense_update(hs1, S_dd1, C_dd1, Ws_dis[0], W_rel_dd[0])
  hd2n = _dense_update(hd2, S_rv2, C_rv2, Ws_drug[0], W_rel_rev[0])
  hs2n = _dense_update(hs2, S_dd2, C_dd2, Ws_dis[0], W_rel_dd[0])

  S_dd1, S_rv1, S_dd2, S_rv2 = seg(
      hd1n, hs1n, hd2n, hs2n,
      s_dd1, s_rv1, s_dd2, s_rv2,
      d_dd1, d_rv1, d_dd2, d_rv2)
  hd1f = _dense_update(hd1n, S_rv1, C_rv1, Ws_drug[1], W_rel_rev[1])
  hs1f = _dense_update(hs1n, S_dd1, C_dd1, Ws_dis[1], W_rel_dd[1])
  hd2f = _dense_update(hd2n, S_rv2, C_rv2, Ws_drug[1], W_rel_rev[1])
  hs2f = _dense_update(hs2n, S_dd2, C_dd2, Ws_dis[1], W_rel_dd[1])

  p1d = _project(hd1f, Wp1_drug, bp1_drug, Wp2_drug, bp2_drug)[:_N]
  p1s = _project(hs1f, Wp1_dis, bp1_dis, Wp2_dis, bp2_dis)[:_N]
  p2d = _project(hd2f, Wp1_drug, bp1_drug, Wp2_drug, bp2_drug)[:_N]
  p2s = _project(hs2f, Wp1_dis, bp1_dis, Wp2_dis, bp2_dis)[:_N]
  return (p1d, p1s, p2d, p2s)

# --- scband reference (transcript-rebuilt; emitter-appended) ---
"""Pipeline reference for scband-gcl-rgcn-model-20847771255410 (READ-ONLY COPY).

The authoritative reference and input builder live on the scoring server;
editing this copy changes nothing except your own understanding.
"""

import jax, jax.numpy as jnp
import numpy as np

N_DRUG = 50000
N_DIS = 50000
D = 128
E = 250000
PH = 256
PD = 128
L = 2


def setup_inputs(seed: int = 0) -> dict:
    key = jax.random.key(seed)
    ks = jax.random.split(key, 24)
    inp = {}
    inp["x_drug_v1"] = jax.random.normal(ks[0], (N_DRUG, D), jnp.float32)
    inp["x_dis_v1"] = jax.random.normal(ks[1], (N_DIS, D), jnp.float32)
    inp["x_drug_v2"] = jax.random.normal(ks[2], (N_DRUG, D), jnp.float32)
    inp["x_dis_v2"] = jax.random.normal(ks[3], (N_DIS, D), jnp.float32)
    # edge_index row0 = src indices, row1 = dst indices
    ei = jax.random.randint(ks[4], (2, E), 0, N_DIS)
    inp["ei_dd_v1"] = ei.at[0].set(jax.random.randint(ks[5], (E,), 0, N_DRUG))
    ei = jax.random.randint(ks[6], (2, E), 0, N_DRUG)
    inp["ei_rev_v1"] = ei.at[0].set(jax.random.randint(ks[7], (E,), 0, N_DIS))
    ei = jax.random.randint(ks[8], (2, E), 0, N_DIS)
    inp["ei_dd_v2"] = ei.at[0].set(jax.random.randint(ks[9], (E,), 0, N_DRUG))
    ei = jax.random.randint(ks[10], (2, E), 0, N_DRUG)
    inp["ei_rev_v2"] = ei.at[0].set(jax.random.randint(ks[11], (E,), 0, N_DIS))
    s = 0.05
    inp["W_rel_dd"] = jax.random.normal(ks[12], (L, D, D), jnp.float32) * s
    inp["W_rel_rev"] = jax.random.normal(ks[13], (L, D, D), jnp.float32) * s
    inp["Ws_drug"] = jax.random.normal(ks[14], (L, D, D), jnp.float32) * s
    inp["Ws_dis"] = jax.random.normal(ks[15], (L, D, D), jnp.float32) * s
    inp["Wp1_drug"] = jax.random.normal(ks[16], (D, PH), jnp.float32) * s
    inp["bp1_drug"] = jnp.zeros((PH,), jnp.float32)
    inp["Wp2_drug"] = jax.random.normal(ks[17], (PH, PD), jnp.float32) * s
    inp["bp2_drug"] = jnp.zeros((PD,), jnp.float32)
    inp["Wp1_dis"] = jax.random.normal(ks[18], (D, PH), jnp.float32) * s
    inp["bp1_dis"] = jnp.zeros((PH,), jnp.float32)
    inp["Wp2_dis"] = jax.random.normal(ks[19], (PH, PD), jnp.float32) * s
    inp["bp2_dis"] = jnp.zeros((PD,), jnp.float32)
    return inp


def _segment_mean(msgs, dst, n):
    s = jax.ops.segment_sum(msgs, dst, num_segments=n)
    cnt = jax.ops.segment_sum(jnp.ones((msgs.shape[0], 1), msgs.dtype), dst, num_segments=n)
    return s / jnp.clip(cnt, 1.0)


def _encode(x_drug, x_dis, ei_dd, ei_rev, W_rel_dd, W_rel_rev, Ws_drug, Ws_dis):
    h_drug, h_dis = x_drug, x_dis
    for l in range(L):
        # relation drug -> disease (mean-aggregated RGCN messages)
        m_dis = _segment_mean(h_drug[ei_dd[0]] @ W_rel_dd[l], ei_dd[1], N_DIS)
        # relation disease -> drug
        m_drug = _segment_mean(h_dis[ei_rev[0]] @ W_rel_rev[l], ei_rev[1], N_DRUG)
        h_drug = jax.nn.relu(h_drug @ Ws_drug[l] + m_drug)
        h_dis = jax.nn.relu(h_dis @ Ws_dis[l] + m_dis)
    return h_drug, h_dis


def _project(h, W1, b1, W2, b2):
    # ProjectionHead: Linear -> GELU -> Dropout(eval: identity) -> Linear
    return jax.nn.gelu(h @ W1 + b1) @ W2 + b2


def reference(x_drug_v1, x_dis_v1, x_drug_v2, x_dis_v2,
              ei_dd_v1, ei_rev_v1, ei_dd_v2, ei_rev_v2,
              W_rel_dd, W_rel_rev, Ws_drug, Ws_dis,
              Wp1_drug, bp1_drug, Wp2_drug, bp2_drug,
              Wp1_dis, bp1_dis, Wp2_dis, bp2_dis):
    h1d, h1s = _encode(x_drug_v1, x_dis_v1, ei_dd_v1, ei_rev_v1, W_rel_dd, W_rel_rev, Ws_drug, Ws_dis)
    h2d, h2s = _encode(x_drug_v2, x_dis_v2, ei_dd_v2, ei_rev_v2, W_rel_dd, W_rel_rev, Ws_drug, Ws_dis)
    proj1_drug = _project(h1d, Wp1_drug, bp1_drug, Wp2_drug, bp2_drug)
    proj1_dis = _project(h1s, Wp1_dis, bp1_dis, Wp2_dis, bp2_dis)
    proj2_drug = _project(h2d, Wp1_drug, bp1_drug, Wp2_drug, bp2_drug)
    proj2_dis = _project(h2s, Wp1_dis, bp1_dis, Wp2_dis, bp2_dis)
    return (proj1_drug, proj1_dis, proj2_drug, proj2_dis)

if __name__ == "__main__":
    import jax
    _d = setup_inputs()
    print(jax.jit(kernel)(*tuple(_d.values())))

</pallas_src>

<mosaic_0001>
#map = affine_map<(d0, d1) -> (0, 0)>
#map1 = affine_map<(d0, d1) -> (0)>
module attributes {stable_mosaic.version = 14 : i64} {
  func.func @body(%arg0: i32, %arg1: i32, %arg2: memref<50176x128xf32, #tpu.memory_space<hbm>>, %arg3: memref<50176x128xf32, #tpu.memory_space<hbm>>, %arg4: memref<50176x128xf32, #tpu.memory_space<hbm>>, %arg5: memref<50176x128xf32, #tpu.memory_space<hbm>>, %arg6: memref<251904xi32, #tpu.memory_space<hbm>>, %arg7: memref<251904xi32, #tpu.memory_space<hbm>>, %arg8: memref<251904xi32, #tpu.memory_space<hbm>>, %arg9: memref<251904xi32, #tpu.memory_space<hbm>>, %arg10: memref<251904xi32, #tpu.memory_space<hbm>>, %arg11: memref<251904xi32, #tpu.memory_space<hbm>>, %arg12: memref<251904xi32, #tpu.memory_space<hbm>>, %arg13: memref<251904xi32, #tpu.memory_space<hbm>>, %arg14: memref<50176x128xf32, #tpu.memory_space<hbm>>, %arg15: memref<50176x128xf32, #tpu.memory_space<hbm>>, %arg16: memref<50176x128xf32, #tpu.memory_space<hbm>>, %arg17: memref<50176x128xf32, #tpu.memory_space<hbm>>, %arg18: memref<12560x128xf32, #tpu.memory_space<vmem_shared>>, %arg19: memref<128xi32, #tpu.memory_space<vmem>>, %arg20: memref<128xi32, #tpu.memory_space<vmem>>, %arg21: memref<128xi32, #tpu.memory_space<vmem>>, %arg22: memref<128xi32, #tpu.memory_space<vmem>>, %arg23: memref<128xi32, #tpu.memory_space<vmem>>, %arg24: memref<128xi32, #tpu.memory_space<vmem>>, %arg25: memref<128x128xf32, #tpu.memory_space<vmem>>, %arg26: memref<!tpu.dma_semaphore, #tpu.memory_space<semaphore_mem>>, %arg27: memref<!tpu.dma_semaphore, #tpu.memory_space<semaphore_mem>>) attributes {dimension_semantics = [#tpu.dimension_semantics<core_parallel>, #tpu.dimension_semantics<subcore_parallel>], iteration_bounds = array<i64: 2, 16>, scalar_prefetch = 0 : i64, scratch_operands = 10 : i64, tpu.core_type = #tpu.core_type<sc_vector_subcore>, window_params = [{transform_indices = #map}, {transform_indices = #map}, {transform_indices = #map}, {transform_indices = #map}, {transform_indices = #map1}, {transform_indices = #map1}, {transform_indices = #map1}, {transform_indices = #map1}, {transform_indices = #map1}, {transform_indices = #map1}, {transform_indices = #map1}, {transform_indices = #map1}, {transform_indices = #map}, {transform_indices = #map}, {transform_indices = #map}, {transform_indices = #map}]} {
    %broadcast_in_dim3A = arith.constant 0.000000e+00 : f32
    %broadcast_in_dim3A_0 = vector.broadcast %broadcast_in_dim3A : f32 to vector<16xf32>
    %scan3A = arith.constant 0 : i32
    %scan3A_1 = arith.constant 0 : i32
    %scan3A_2 = arith.constant 2 : i32
    %scan3A_3 = arith.addi %scan3A_1, %scan3A_2 : i32
    %scan3A_4 = arith.constant 1 : i32
    scf.for %scan3A_24 = %scan3A_1 to %scan3A_3 step %scan3A_4  : i32 {
      %mul3A = arith.constant 2 : i32
      %mul3A_25 = arith.muli %arg0, %mul3A : i32
      %add3A = arith.addi %mul3A_25, %scan3A_24 : i32
      %mul3A_26 = arith.constant 12544 : i32
      %mul3A_27 = arith.muli %add3A, %mul3A_26 : i32
      %mul3A_28 = arith.constant 15744 : i32
      %mul3A_29 = arith.muli %arg1, %mul3A_28 : i32
      %scan3A_30 = arith.constant 0 : i32
      %scan3A_31 = arith.constant 0 : i32
      %scan3A_32 = arith.constant 128 : i32
      %scan3A_33 = arith.addi %scan3A_31, %scan3A_32 : i32
      %scan3A_34 = arith.constant 1 : i32
      scf.for %scan3A_53 = %scan3A_31 to %scan3A_33 step %scan3A_34  : i32 {
        %swap3A = arith.index_cast %scan3A_53 : i32 to index
        %swap3A_54 = arith.constant 0 : index
        %swap3A_55 = tpu.vector_load %arg25[%swap3A, %swap3A_54] {strides = array<i32>} : memref<128x128xf32, #tpu.memory_space<vmem>>, vector<1x16xf32>,
        %swap3A_56 = vector.shape_cast %swap3A_55 : vector<1x16xf32> to vector<16xf32>
        %swap3A_57 = vector.shape_cast %broadcast_in_dim3A_0 : vector<16xf32> to vector<1x16xf32>
        tpu.vector_store %arg25[%swap3A, %swap3A_54], %swap3A_57 {strides = array<i32>} : memref<128x128xf32, #tpu.memory_space<vmem>>, vector<1x16xf32>,
        %swap3A_58 = arith.index_cast %scan3A_53 : i32 to index
        %swap3A_59 = arith.constant 16 : index
        %swap3A_60 = tpu.vector_load %arg25[%swap3A_58, %swap3A_59] {strides = array<i32>} : memref<128x128xf32, #tpu.memory_space<vmem>>, vector<1x16xf32>,
        %swap3A_61 = vector.shape_cast %swap3A_60 : vector<1x16xf32> to vector<16xf32>
        %swap3A_62 = vector.shape_cast %broadcast_in_dim3A_0 : vector<16xf32> to vector<1x16xf32>
        tpu.vector_store %arg25[%swap3A_58, %swap3A_59], %swap3A_62 {strides = array<i32>} : memref<128x128xf32, #tpu.memory_space<vmem>>, vector<1x16xf32>,
        %swap3A_63 = arith.index_cast %scan3A_53 : i32 to index
        %swap3A_64 = arith.constant 32 : index
        %swap3A_65 = tpu.vector_load %arg25[%swap3A_63, %swap3A_64] {strides = array<i32>} : memref<128x128xf32, #tpu.memory_space<vmem>>, vector<1x16xf32>,
        %swap3A_66 = vector.shape_cast %swap3A_65 : vector<1x16xf32> to vector<16xf32>
        %swap3A_67 = vector.shape_cast %broadcast_in_dim3A_0 : vector<16xf32> to vector<1x16xf32>
        tpu.vector_store %arg25[%swap3A_63, %swap3A_64], %swap3A_67 {strides = array<i32>} : memref<128x128xf32, #tpu.memory_space<vmem>>, vector<1x16xf32>,
        %swap3A_68 = arith.index_cast %scan3A_53 : i32 to index
        %swap3A_69 = arith.constant 48 : index
        %swap3A_70 = tpu.vector_load %arg25[%swap3A_68, %swap3A_69] {strides = array<i32>} : memref<128x128xf32, #tpu.memory_space<vmem>>, vector<1x16xf32>,
        %swap3A_71 = vector.shape_cast %swap3A_70 : vector<1x16xf32> to vector<16xf32>
        %swap3A_72 = vector.shape_cast %broadcast_in_dim3A_0 : vector<16xf32> to vector<1x16xf32>
        tpu.vector_store %arg25[%swap3A_68, %swap3A_69], %swap3A_72 {strides = array<i32>} : memref<128x128xf32, #tpu.memory_space<vmem>>, vector<1x16xf32>,
        %swap3A_73 = arith.index_cast %scan3A_53 : i32 to index
        %swap3A_74 = arith.constant 64 : index
        %swap3A_75 = tpu.vector_load %arg25[%swap3A_73, %swap3A_74] {strides = array<i32>} : memref<128x128xf32, #tpu.memory_space<vmem>>, vector<1x16xf32>,
        %swap3A_76 = vector.shape_cast %swap3A_75 : vector<1x16xf32> to vector<16xf32>
        %swap3A_77 = vector.shape_cast %broadcast_in_dim3A_0 : vector<16xf32> to vector<1x16xf32>
        tpu.vector_store %arg25[%swap3A_73, %swap3A_74], %swap3A_77 {strides = array<i32>} : memref<128x128xf32, #tpu.memory_space<vmem>>, vector<1x16xf32>,
        %swap3A_78 = arith.index_cast %scan3A_53 : i32 to index
        %swap3A_79 = arith.constant 80 : index
        %swap3A_80 = tpu.vector_load %arg25[%swap3A_78, %swap3A_79] {strides = array<i32>} : memref<128x128xf32, #tpu.memory_space<vmem>>, vector<1x16xf32>,
        %swap3A_81 = vector.shape_cast %swap3A_80 : vector<1x16xf32> to vector<16xf32>
        %swap3A_82 = vector.shape_cast %broadcast_in_dim3A_0 : vector<16xf32> to vector<1x16xf32>
        tpu.vector_store %arg25[%swap3A_78, %swap3A_79], %swap3A_82 {strides = array<i32>} : memref<128x128xf32, #tpu.memory_space<vmem>>, vector<1x16xf32>,
        %swap3A_83 = arith.index_cast %scan3A_53 : i32 to index
        %swap3A_84 = arith.constant 96 : index
        %swap3A_85 = tpu.vector_load %arg25[%swap3A_83, %swap3A_84] {strides = array<i32>} : memref<128x128xf32, #tpu.memory_space<vmem>>, vector<1x16xf32>,
        %swap3A_86 = vector.shape_cast %swap3A_85 : vector<1x16xf32> to vector<16xf32>
        %swap3A_87 = vector.shape_cast %broadcast_in_dim3A_0 : vector<16xf32> to vector<1x16xf32>
        tpu.vector_store %arg25[%swap3A_83, %swap3A_84], %swap3A_87 {strides = array<i32>} : memref<128x128xf32, #tpu.memory_space<vmem>>, vector<1x16xf32>,
        %swap3A_88 = arith.index_cast %scan3A_53 : i32 to index
        %swap3A_89 = arith.constant 112 : index
        %swap3A_90 = tpu.vector_load %arg25[%swap3A_88, %swap3A_89] {strides = array<i32>} : memref<128x128xf32, #tpu.memory_space<vmem>>, vector<1x16xf32>,
        %swap3A_91 = vector.shape_cast %swap3A_90 : vector<1x16xf32> to vector<16xf32>
        %swap3A_92 = vector.shape_cast %broadcast_in_dim3A_0 : vector<16xf32> to vector<1x16xf32>
        tpu.vector_store %arg25[%swap3A_88, %swap3A_89], %swap3A_92 {strides = array<i32>} : memref<128x128xf32, #tpu.memory_space<vmem>>, vector<1x16xf32>,
      }
      %scan3A_35 = arith.constant 128 : i32
      %scan3A_36 = arith.constant 0 : i32
      %scan3A_37 = arith.constant 0 : i32
      %scan3A_38 = arith.constant 7 : i32
      %scan3A_39 = arith.addi %scan3A_37, %scan3A_38 : i32
      %scan3A_40 = arith.constant 1 : i32
      scf.for %scan3A_53 = %scan3A_37 to %scan3A_39 step %scan3A_40  : i32 {
        %mul3A_54 = arith.constant 128 : i32
        %mul3A_55 = arith.muli %scan3A_53, %mul3A_54 : i32
        %min3A = arith.constant 657 : i32
        %min3A_56 = arith.minsi %mul3A_55, %min3A : i32
        %mul3A_57 = arith.constant 785 : i32
        %mul3A_58 = arith.muli %arg1, %mul3A_57 : i32
        %add3A_59 = arith.addi %mul3A_58, %min3A_56 : i32
        "tpu.region"() ({
          %run_scoped3A = tpu.sem_alloc : memref<!tpu.dma_semaphore, #tpu.memory_space<semaphore_mem>>
          %dma_start3A = arith.constant 0 : i32
          %dma_start3A_60 = tpu.memref_slice %arg18[%add3A_59, %dma_start3A] : memref<12560x128xf32, #tpu.memory_space<vmem_shared>> -> memref<128x128xf32, #tpu.memory_space<vmem_shared>>
          %dma_start3A_61 = arith.constant 0 : i32
          %dma_start3A_62 = tpu.memref_slice %arg18[%add3A_59, %dma_start3A_61] : memref<12560x128xf32, #tpu.memory_space<vmem_shared>> -> memref<128x128xf32, #tpu.memory_space<vmem_shared>>
          tpu.enqueue_dma source(%arg25 : memref<128x128xf32, #tpu.memory_space<vmem>>) target(%dma_start3A_62 : memref<128x128xf32, #tpu.memory_space<vmem_shared>>) target_semaphore(%run_scoped3A : memref<!tpu.dma_semaphore, #tpu.memory_space<semaphore_mem>>)
          %dma_wait3A = arith.constant 0 : i32
          %dma_wait3A_63 = tpu.memref_slice %arg18[%add3A_59, %dma_wait3A] : memref<12560x128xf32, #tpu.memory_space<vmem_shared>> -> memref<128x128xf32, #tpu.memory_space<vmem_shared>>
          %dma_wait3A_64 = arith.constant 0 : i32
          %dma_wait3A_65 = tpu.memref_slice %arg18[%add3A_59, %dma_wait3A_64] : memref<12560x128xf32, #tpu.memory_space<vmem_shared>> -> memref<128x128xf32, #tpu.memory_space<vmem_shared>>
          tpu.wait_dma2 semaphore(%run_scoped3A : memref<!tpu.dma_semaphore, #tpu.memory_space<semaphore_mem>>) src(%arg25 : memref<128x128xf32, #tpu.memory_space<vmem>>) dst(%dma_wait3A_65 : memref<128x128xf32, #tpu.memory_space<vmem_shared>>)
          tpu.yield
        }) : () -> ()
      }
      %scan3A_41 = arith.constant 7 : i32
      %barrier3A = arith.constant 0 : index
      tpu.barrier barrier_id(%barrier3A)
      %scan3A_42 = arith.constant 0 : i32
      %scan3A_43 = arith.constant 0 : i32
      %scan3A_44 = arith.constant 123 : i32
      %scan3A_45 = arith.addi %scan3A_43, %scan3A_44 : i32
      %scan3A_46 = arith.constant 1 : i32
      scf.for %scan3A_53 = %scan3A_43 to %scan3A_45 step %scan3A_46  : i32 {
        %mul3A_54 = arith.constant 128 : i32
        %mul3A_55 = arith.muli %scan3A_53, %mul3A_54 : i32
        %add3A_56 = arith.addi %mul3A_29, %mul3A_55 : i32
        %dma_start3A = tpu.memref_slice %arg6[%add3A_56] : memref<251904xi32, #tpu.memory_space<hbm>> -> memref<128xi32, #tpu.memory_space<hbm>>
        %dma_start3A_57 = tpu.memref_slice %arg6[%add3A_56] : memref<251904xi32, #tpu.memory_space<hbm>> -> memref<128xi32, #tpu.memory_space<hbm>>
        tpu.enqueue_dma source(%dma_start3A_57 : memref<128xi32, #tpu.memory_space<hbm>>) target(%arg19 : memref<128xi32, #tpu.memory_space<vmem>>) target_semaphore(%arg26 : memref<!tpu.dma_semaphore, #tpu.memory_space<semaphore_mem>>)
        %dma_start3A_58 = tpu.memref_slice %arg10[%add3A_56] : memref<251904xi32, #tpu.memory_space<hbm>> -> memref<128xi32, #tpu.memory_space<hbm>>
        %dma_start3A_59 = tpu.memref_slice %arg10[%add3A_56] : memref<251904xi32, #tpu.memory_space<hbm>> -> memref<128xi32, #tpu.memory_space<hbm>>
        tpu.enqueue_dma source(%dma_start3A_59 : memref<128xi32, #tpu.memory_space<hbm>>) target(%arg21 : memref<128xi32, #tpu.memory_space<vmem>>) target_semaphore(%arg27 : memref<!tpu.dma_semaphore, #tpu.memory_space<semaphore_mem>>)
        %dma_wait3A = tpu.memref_slice %arg10[%add3A_56] : memref<251904xi32, #tpu.memory_space<hbm>> -> memref<128xi32, #tpu.memory_space<hbm>>
        %dma_wait3A_60 = tpu.memref_slice %arg10[%add3A_56] : memref<251904xi32, #tpu.memory_space<hbm>> -> memref<128xi32, #tpu.memory_space<hbm>>
        tpu.wait_dma2 semaphore(%arg27 : memref<!tpu.dma_semaphore, #tpu.memory_space<semaphore_mem>>) src(%dma_wait3A_60 : memref<128xi32, #tpu.memory_space<hbm>>) dst(%arg21 : memref<128xi32, #tpu.memory_space<vmem>>)
        %scan3A_61 = arith.constant 0 : i32
        %scan3A_62 = arith.constant 0 : i32
        %scan3A_63 = arith.constant 8 : i32
        %scan3A_64 = arith.addi %scan3A_62, %scan3A_63 : i32
        %scan3A_65 = arith.constant 1 : i32
        scf.for %scan3A_69 = %scan3A_62 to %scan3A_64 step %scan3A_65  : i32 {
          %mul3A_70 = arith.constant 16 : i32
          %mul3A_71 = arith.muli %scan3A_69, %mul3A_70 : i32
          %get3A = arith.index_cast %mul3A_71 : i32 to index
          %get3A_72 = tpu.vector_load %arg21[%get3A] {strides = array<i32>} : memref<128xi32, #tpu.memory_space<vmem>>, vector<16xi32>,
          %get3A_73 = vector.shape_cast %get3A_72 : vector<16xi32> to vector<16xi32>
          %ge3A = vector.broadcast %mul3A_27 : i32 to vector<16xi32>
          %ge3A_74 = arith.cmpi sge, %get3A_73, %ge3A : vector<16xi32>
          %add3A_75 = arith.constant 12544 : i32
          %add3A_76 = arith.addi %mul3A_27, %add3A_75 : i32
          %lt3A = vector.broadcast %add3A_76 : i32 to vector<16xi32>
          %lt3A_77 = arith.cmpi slt, %get3A_73, %lt3A : vector<16xi32>
          %and3A = arith.andi %ge3A_74, %lt3A_77 : vector<16xi1>
          %sub3A = vector.broadcast %mul3A_27 : i32 to vector<16xi32>
          %sub3A_78 = arith.subi %get3A_73, %sub3A : vector<16xi32>
          %jit3A = arith.constant 12544 : i32
          %broadcast_in_dim3A_79 = vector.broadcast %jit3A : i32 to vector<16xi32>
          %select_n3A = arith.select %and3A, %sub3A_78, %broadcast_in_dim3A_79 : vector<16xi1>, vector<16xi32>
          %mul3A_80 = arith.constant 16 : i32
          %mul3A_81 = arith.muli %scan3A_69, %mul3A_80 : i32
          %swap3A = arith.index_cast %mul3A_81 : i32 to index
          %swap3A_82 = tpu.vector_load %arg23[%swap3A] {strides = array<i32>} : memref<128xi32, #tpu.memory_space<vmem>>, vector<16xi32>,
          %swap3A_83 = vector.shape_cast %swap3A_82 : vector<16xi32> to vector<16xi32>
          %swap3A_84 = vector.shape_cast %select_n3A : vector<16xi32> to vector<16xi32>
          tpu.vector_store %arg23[%swap3A], %swap3A_84 {strides = array<i32>} : memref<128xi32, #tpu.memory_space<vmem>>, vector<16xi32>,
        }
        %scan3A_66 = arith.constant 8 : i32
        %dma_wait3A_67 = tpu.memref_slice %arg6[%add3A_56] : memref<251904xi32, #tpu.memory_space<hbm>> -> memref<128xi32, #tpu.memory_space<hbm>>
        %dma_wait3A_68 = tpu.memref_slice %arg6[%add3A_56] : memref<251904xi32, #tpu.memory_space<hbm>> -> memref<128xi32, #tpu.memory_space<hbm>>
        tpu.wait_dma2 semaphore(%arg26 : memref<!tpu.dma_semaphore, #tpu.memory_space<semaphore_mem>>) src(%dma_wait3A_68 : memref<128xi32, #tpu.memory_space<hbm>>) dst(%arg19 : memref<128xi32, #tpu.memory_space<vmem>>)
        "tpu.region"() ({
          %run_scoped3A = tpu.sem_alloc : memref<!tpu.dma_semaphore, #tpu.memory_space<semaphore_mem>>
          %dma_start3A_69 = arith.constant 0 : i32
          %dma_start3A_70 = arith.constant 0 : i32
          %dma_start3A_71 = tpu.memref_slice %arg2[%dma_start3A_69, %dma_start3A_70] : memref<50176x128xf32, #tpu.memory_space<hbm>> -> memref<50176x128xf32, #tpu.memory_space<hbm>>
          tpu.enqueue_indirect_dma source(%dma_start3A_71 : memref<50176x128xf32, #tpu.memory_space<hbm>>) target(%arg25 : memref<128x128xf32, #tpu.memory_space<vmem>>) offsets(%arg19 : memref<128xi32, #tpu.memory_space<vmem>>) semaphore(%run_scoped3A : memref<!tpu.dma_semaphore, #tpu.memory_space<semaphore_mem>>)
          %dma_wait3A_72 = arith.constant 0 : i32
          %dma_wait3A_73 = arith.constant 0 : i32
          %dma_wait3A_74 = tpu.memref_slice %arg2[%dma_wait3A_72, %dma_wait3A_73] : memref<50176x128xf32, #tpu.memory_space<hbm>> -> memref<50176x128xf32, #tpu.memory_space<hbm>>
          tpu.wait_indirect_dma semaphore(%run_scoped3A : memref<!tpu.dma_semaphore, #tpu.memory_space<semaphore_mem>>) src(%dma_wait3A_74 : memref<50176x128xf32, #tpu.memory_space<hbm>>) dst(%arg25 : memref<128x128xf32, #tpu.memory_space<vmem>>)
          tpu.yield
        }) : () -> ()
        "tpu.region"() ({
          %run_scoped3A = tpu.sem_alloc : memref<!tpu.dma_semaphore, #tpu.memory_space<semaphore_mem>>
          %dma_start3A_69 = arith.constant 0 : i32
          %dma_start3A_70 = arith.constant 0 : i32
          %dma_start3A_71 = tpu.memref_slice %arg18[%dma_start3A_69, %dma_start3A_70] : memref<12560x128xf32, #tpu.memory_space<vmem_shared>> -> memref<12560x128xf32, #tpu.memory_space<vmem_shared>>
          tpu.enqueue_indirect_dma source(%arg25 : memref<128x128xf32, #tpu.memory_space<vmem>>) target(%dma_start3A_71 : memref<12560x128xf32, #tpu.memory_space<vmem_shared>>) offsets(%arg23 : memref<128xi32, #tpu.memory_space<vmem>>) semaphore(%run_scoped3A : memref<!tpu.dma_semaphore, #tpu.memory_space<semaphore_mem>>) {add = true}
          %dma_wait3A_72 = arith.constant 0 : i32
          %dma_wait3A_73 = arith.constant 0 : i32
          %dma_wait3A_74 = tpu.memref_slice %arg18[%dma_wait3A_72, %dma_wait3A_73] : memref<12560x128xf32, #tpu.memory_space<vmem_shared>> -> memref<12560x128xf32, #tpu.memory_space<vmem_shared>>
          tpu.wait_indirect_dma semaphore(%run_scoped3A : memref<!tpu.dma_semaphore, #tpu.memory_space<semaphore_mem>>) src(%arg25 : memref<128x128xf32, #tpu.memory_space<vmem>>) dst(%dma_wait3A_74 : memref<12560x128xf32, #tpu.memory_space<vmem_shared>>)
          tpu.yield
        }) : () -> ()
      }
      %scan3A_47 = arith.constant 123 : i32
      %barrier3A_48 = arith.constant 0 : index
      tpu.barrier barrier_id(%barrier3A_48)
      %mul3A_49 = arith.constant 784 : i32
      %mul3A_50 = arith.muli %arg1, %mul3A_49 : i32
      %add3A_51 = arith.addi %mul3A_27, %mul3A_50 : i32
      "tpu.region"() ({
        %run_scoped3A = tpu.sem_alloc : memref<!tpu.dma_semaphore, #tpu.memory_space<semaphore_mem>>
        %dma_start3A = arith.constant 0 : i32
        %dma_start3A_53 = tpu.memref_slice %arg14[%add3A_51, %dma_start3A] : memref<50176x128xf32, #tpu.memory_space<hbm>> -> memref<784x128xf32, #tpu.memory_space<hbm>>
        %dma_start3A_54 = arith.constant 0 : i32
        %dma_start3A_55 = tpu.memref_slice %arg18[%mul3A_50, %dma_start3A_54] : memref<12560x128xf32, #tpu.memory_space<vmem_shared>> -> memref<784x128xf32, #tpu.memory_space<vmem_shared>>
        tpu.enqueue_dma source(%dma_start3A_55 : memref<784x128xf32, #tpu.memory_space<vmem_shared>>) target(%dma_start3A_53 : memref<784x128xf32, #tpu.memory_space<hbm>>) target_semaphore(%run_scoped3A : memref<!tpu.dma_semaphore, #tpu.memory_space<semaphore_mem>>)
        %dma_wait3A = arith.constant 0 : i32
        %dma_wait3A_56 = tpu.memref_slice %arg14[%add3A_51, %dma_wait3A] : memref<50176x128xf32, #tpu.memory_space<hbm>> -> memref<784x128xf32, #tpu.memory_space<hbm>>
        %dma_wait3A_57 = arith.constant 0 : i32
        %dma_wait3A_58 = tpu.memref_slice %arg18[%mul3A_50, %dma_wait3A_57] : memref<12560x128xf32, #tpu.memory_space<vmem_shared>> -> memref<784x128xf32, #tpu.memory_space<vmem_shared>>
        tpu.wait_dma2 semaphore(%run_scoped3A : memref<!tpu.dma_semaphore, #tpu.memory_space<semaphore_mem>>) src(%dma_wait3A_58 : memref<784x128xf32, #tpu.memory_space<vmem_shared>>) dst(%dma_wait3A_56 : memref<784x128xf32, #tpu.memory_space<hbm>>)
        tpu.yield
      }) : () -> ()
      %barrier3A_52 = arith.constant 0 : index
      tpu.barrier barrier_id(%barrier3A_52)
    }
    %scan3A_5 = arith.constant 2 : i32
    %scan3A_6 = arith.constant 0 : i32
    %scan3A_7 = arith.constant 0 : i32
    %scan3A_8 = arith.constant 2 : i32
    %scan3A_9 = arith.addi %scan3A_7, %scan3A_8 : i32
    %scan3A_10 = arith.constant 1 : i32
    scf.for %scan3A_24 = %scan3A_7 to %scan3A_9 step %scan3A_10  : i32 {
      %mul3A = arith.constant 2 : i32
      %mul3A_25 = arith.muli %arg0, %mul3A : i32
      %add3A = arith.addi %mul3A_25, %scan3A_24 : i32
      %mul3A_26 = arith.constant 12544 : i32
      %mul3A_27 = arith.muli %add3A, %mul3A_26 : i32
      %mul3A_28 = arith.constant 15744 : i32
      %mul3A_29 = arith.muli %arg1, %mul3A_28 : i32
      %scan3A_30 = arith.constant 0 : i32
      %scan3A_31 = arith.constant 0 : i32
      %scan3A_32 = arith.constant 128 : i32
      %scan3A_33 = arith.addi %scan3A_31, %scan3A_32 : i32
      %scan3A_34 = arith.constant 1 : i32
      scf.for %scan3A_53 = %scan3A_31 to %scan3A_33 step %scan3A_34  : i32 {
        %swap3A = arith.index_cast %scan3A_53 : i32 to index
        %swap3A_54 = arith.constant 0 : index
        %swap3A_55 = tpu.vector_load %arg25[%swap3A, %swap3A_54] {strides = array<i32>} : memref<128x128xf32, #tpu.memory_space<vmem>>, vector<1x16xf32>,
        %swap3A_56 = vector.shape_cast %swap3A_55 : vector<1x16xf32> to vector<16xf32>
        %swap3A_57 = vector.shape_cast %broadcast_in_dim3A_0 : vector<16xf32> to vector<1x16xf32>
        tpu.vector_store %arg25[%swap3A, %swap3A_54], %swap3A_57 {strides = array<i32>} : memref<128x128xf32, #tpu.memory_space<vmem>>, vector<1x16xf32>,
        %swap3A_58 = arith.index_cast %scan3A_53 : i32 to index
        %swap3A_59 = arith.constant 16 : index
        %swap3A_60 = tpu.vector_load %arg25[%swap3A_58, %swap3A_59] {strides = array<i32>} : memref<128x128xf32, #tpu.memory_space<vmem>>, vector<1x16xf32>,
        %swap3A_61 = vector.shape_cast %swap3A_60 : vector<1x16xf32> to vector<16xf32>
        %swap3A_62 = vector.shape_cast %broadcast_in_dim3A_0 : vector<16xf32> to vector<1x16xf32>
        tpu.vector_store %arg25[%swap3A_58, %swap3A_59], %swap3A_62 {strides = array<i32>} : memref<128x128xf32, #tpu.memory_space<vmem>>, vector<1x16xf32>,
        %swap3A_63 = arith.index_cast %scan3A_53 : i32 to index
        %swap3A_64 = arith.constant 32 : index
        %swap3A_65 = tpu.vector_load %arg25[%swap3A_63, %swap3A_64] {strides = array<i32>} : memref<128x128xf32, #tpu.memory_space<vmem>>, vector<1x16xf32>,
        %swap3A_66 = vector.shape_cast %swap3A_65 : vector<1x16xf32> to vector<16xf32>
        %swap3A_67 = vector.shape_cast %broadcast_in_dim3A_0 : vector<16xf32> to vector<1x16xf32>
        tpu.vector_store %arg25[%swap3A_63, %swap3A_64], %swap3A_67 {strides = array<i32>} : memref<128x128xf32, #tpu.memory_space<vmem>>, vector<1x16xf32>,
        %swap3A_68 = arith.index_cast %scan3A_53 : i32 to index
        %swap3A_69 = arith.constant 48 : index
        %swap3A_70 = tpu.vector_load %arg25[%swap3A_68, %swap3A_69] {strides = array<i32>} : memref<128x128xf32, #tpu.memory_space<vmem>>, vector<1x16xf32>,
        %swap3A_71 = vector.shape_cast %swap3A_70 : vector<1x16xf32> to vector<16xf32>
        %swap3A_72 = vector.shape_cast %broadcast_in_dim3A_0 : vector<16xf32> to vector<1x16xf32>
        tpu.vector_store %arg25[%swap3A_68, %swap3A_69], %swap3A_72 {strides = array<i32>} : memref<128x128xf32, #tpu.memory_space<vmem>>, vector<1x16xf32>,
        %swap3A_73 = arith.index_cast %scan3A_53 : i32 to index
        %swap3A_74 = arith.constant 64 : index
        %swap3A_75 = tpu.vector_load %arg25[%swap3A_73, %swap3A_74] {strides = array<i32>} : memref<128x128xf32, #tpu.memory_space<vmem>>, vector<1x16xf32>,
        %swap3A_76 = vector.shape_cast %swap3A_75 : vector<1x16xf32> to vector<16xf32>
        %swap3A_77 = vector.shape_cast %broadcast_in_dim3A_0 : vector<16xf32> to vector<1x16xf32>
        tpu.vector_store %arg25[%swap3A_73, %swap3A_74], %swap3A_77 {strides = array<i32>} : memref<128x128xf32, #tpu.memory_space<vmem>>, vector<1x16xf32>,
        %swap3A_78 = arith.index_cast %scan3A_53 : i32 to index
        %swap3A_79 = arith.constant 80 : index
        %swap3A_80 = tpu.vector_load %arg25[%swap3A_78, %swap3A_79] {strides = array<i32>} : memref<128x128xf32, #tpu.memory_space<vmem>>, vector<1x16xf32>,
        %swap3A_81 = vector.shape_cast %swap3A_80 : vector<1x16xf32> to vector<16xf32>
        %swap3A_82 = vector.shape_cast %broadcast_in_dim3A_0 : vector<16xf32> to vector<1x16xf32>
        tpu.vector_store %arg25[%swap3A_78, %swap3A_79], %swap3A_82 {strides = array<i32>} : memref<128x128xf32, #tpu.memory_space<vmem>>, vector<1x16xf32>,
        %swap3A_83 = arith.index_cast %scan3A_53 : i32 to index
        %swap3A_84 = arith.constant 96 : index
        %swap3A_85 = tpu.vector_load %arg25[%swap3A_83, %swap3A_84] {strides = array<i32>} : memref<128x128xf32, #tpu.memory_space<vmem>>, vector<1x16xf32>,
        %swap3A_86 = vector.shape_cast %swap3A_85 : vector<1x16xf32> to vector<16xf32>
        %swap3A_87 = vector.shape_cast %broadcast_in_dim3A_0 : vector<16xf32> to vector<1x16xf32>
        tpu.vector_store %arg25[%swap3A_83, %swap3A_84], %swap3A_87 {strides = array<i32>} : memref<128x128xf32, #tpu.memory_space<vmem>>, vector<1x16xf32>,
        %swap3A_88 = arith.index_cast %scan3A_53 : i32 to index
        %swap3A_89 = arith.constant 112 : index
        %swap3A_90 = tpu.vector_load %arg25[%swap3A_88, %swap3A_89] {strides = array<i32>} : memref<128x128xf32, #tpu.memory_space<vmem>>, vector<1x16xf32>,
        %swap3A_91 = vector.shape_cast %swap3A_90 : vector<1x16xf32> to vector<16xf32>
        %swap3A_92 = vector.shape_cast %broadcast_in_dim3A_0 : vector<16xf32> to vector<1x16xf32>
        tpu.vector_store %arg25[%swap3A_88, %swap3A_89], %swap3A_92 {strides = array<i32>} : memref<128x128xf32, #tpu.memory_space<vmem>>, vector<1x16xf32>,
      }
      %scan3A_35 = arith.constant 128 : i32
      %scan3A_36 = arith.constant 0 : i32
      %scan3A_37 = arith.constant 0 : i32
      %scan3A_38 = arith.constant 7 : i32
      %scan3A_39 = arith.addi %scan3A_37, %scan3A_38 : i32
      %scan3A_40 = arith.constant 1 : i32
      scf.for %scan3A_53 = %scan3A_37 to %scan3A_39 step %scan3A_40  : i32 {
        %mul3A_54 = arith.constant 128 : i32
        %mul3A_55 = arith.muli %scan3A_53, %mul3A_54 : i32
        %min3A = arith.constant 657 : i32
        %min3A_56 = arith.minsi %mul3A_55, %min3A : i32
        %mul3A_57 = arith.constant 785 : i32
        %mul3A_58 = arith.muli %arg1, %mul3A_57 : i32
        %add3A_59 = arith.addi %mul3A_58, %min3A_56 : i32
        "tpu.region"() ({
          %run_scoped3A = tpu.sem_alloc : memref<!tpu.dma_semaphore, #tpu.memory_space<semaphore_mem>>
          %dma_start3A = arith.constant 0 : i32
          %dma_start3A_60 = tpu.memref_slice %arg18[%add3A_59, %dma_start3A] : memref<12560x128xf32, #tpu.memory_space<vmem_shared>> -> memref<128x128xf32, #tpu.memory_space<vmem_shared>>
          %dma_start3A_61 = arith.constant 0 : i32
          %dma_start3A_62 = tpu.memref_slice %arg18[%add3A_59, %dma_start3A_61] : memref<12560x128xf32, #tpu.memory_space<vmem_shared>> -> memref<128x128xf32, #tpu.memory_space<vmem_shared>>
          tpu.enqueue_dma source(%arg25 : memref<128x128xf32, #tpu.memory_space<vmem>>) target(%dma_start3A_62 : memref<128x128xf32, #tpu.memory_space<vmem_shared>>) target_semaphore(%run_scoped3A : memref<!tpu.dma_semaphore, #tpu.memory_space<semaphore_mem>>)
          %dma_wait3A = arith.constant 0 : i32
          %dma_wait3A_63 = tpu.memref_slice %arg18[%add3A_59, %dma_wait3A] : memref<12560x128xf32, #tpu.memory_space<vmem_shared>> -> memref<128x128xf32, #tpu.memory_space<vmem_shared>>
          %dma_wait3A_64 = arith.constant 0 : i32
          %dma_wait3A_65 = tpu.memref_slice %arg18[%add3A_59, %dma_wait3A_64] : memref<12560x128xf32, #tpu.memory_space<vmem_shared>> -> memref<128x128xf32, #tpu.memory_space<vmem_shared>>
          tpu.wait_dma2 semaphore(%run_scoped3A : memref<!tpu.dma_semaphore, #tpu.memory_space<semaphore_mem>>) src(%arg25 : memref<128x128xf32, #tpu.memory_space<vmem>>) dst(%dma_wait3A_65 : memref<128x128xf32, #tpu.memory_space<vmem_shared>>)
          tpu.yield
        }) : () -> ()
      }
      %scan3A_41 = arith.constant 7 : i32
      %barrier3A = arith.constant 0 : index
      tpu.barrier barrier_id(%barrier3A)
      %scan3A_42 = arith.constant 0 : i32
      %scan3A_43 = arith.constant 0 : i32
      %scan3A_44 = arith.constant 123 : i32
      %scan3A_45 = arith.addi %scan3A_43, %scan3A_44 : i32
      %scan3A_46 = arith.constant 1 : i32
      scf.for %scan3A_53 = %scan3A_43 to %scan3A_45 step %scan3A_46  : i32 {
        %mul3A_54 = arith.constant 128 : i32
        %mul3A_55 = arith.muli %scan3A_53, %mul3A_54 : i32
        %add3A_56 = arith.addi %mul3A_29, %mul3A_55 : i32
        %dma_start3A = tpu.memref_slice %arg7[%add3A_56] : memref<251904xi32, #tpu.memory_space<hbm>> -> memref<128xi32, #tpu.memory_space<hbm>>
        %dma_start3A_57 = tpu.memref_slice %arg7[%add3A_56] : memref<251904xi32, #tpu.memory_space<hbm>> -> memref<128xi32, #tpu.memory_space<hbm>>
        tpu.enqueue_dma source(%dma_start3A_57 : memref<128xi32, #tpu.memory_space<hbm>>) target(%arg19 : memref<128xi32, #tpu.memory_space<vmem>>) target_semaphore(%arg26 : memref<!tpu.dma_semaphore, #tpu.memory_space<semaphore_mem>>)
        %dma_start3A_58 = tpu.memref_slice %arg11[%add3A_56] : memref<251904xi32, #tpu.memory_space<hbm>> -> memref<128xi32, #tpu.memory_space<hbm>>
        %dma_start3A_59 = tpu.memref_slice %arg11[%add3A_56] : memref<251904xi32, #tpu.memory_space<hbm>> -> memref<128xi32, #tpu.memory_space<hbm>>
        tpu.enqueue_dma source(%dma_start3A_59 : memref<128xi32, #tpu.memory_space<hbm>>) target(%arg21 : memref<128xi32, #tpu.memory_space<vmem>>) target_semaphore(%arg27 : memref<!tpu.dma_semaphore, #tpu.memory_space<semaphore_mem>>)
        %dma_wait3A = tpu.memref_slice %arg11[%add3A_56] : memref<251904xi32, #tpu.memory_space<hbm>> -> memref<128xi32, #tpu.memory_space<hbm>>
        %dma_wait3A_60 = tpu.memref_slice %arg11[%add3A_56] : memref<251904xi32, #tpu.memory_space<hbm>> -> memref<128xi32, #tpu.memory_space<hbm>>
        tpu.wait_dma2 semaphore(%arg27 : memref<!tpu.dma_semaphore, #tpu.memory_space<semaphore_mem>>) src(%dma_wait3A_60 : memref<128xi32, #tpu.memory_space<hbm>>) dst(%arg21 : memref<128xi32, #tpu.memory_space<vmem>>)
        %scan3A_61 = arith.constant 0 : i32
        %scan3A_62 = arith.constant 0 : i32
        %scan3A_63 = arith.constant 8 : i32
        %scan3A_64 = arith.addi %scan3A_62, %scan3A_63 : i32
        %scan3A_65 = arith.constant 1 : i32
        scf.for %scan3A_69 = %scan3A_62 to %scan3A_64 step %scan3A_65  : i32 {
          %mul3A_70 = arith.constant 16 : i32
          %mul3A_71 = arith.muli %scan3A_69, %mul3A_70 : i32
          %get3A = arith.index_cast %mul3A_71 : i32 to index
          %get3A_72 = tpu.vector_load %arg21[%get3A] {strides = array<i32>} : memref<128xi32, #tpu.memory_space<vmem>>, vector<16xi32>,
          %get3A_73 = vector.shape_cast %get3A_72 : vector<16xi32> to vector<16xi32>
          %ge3A = vector.broadcast %mul3A_27 : i32 to vector<16xi32>
          %ge3A_74 = arith.cmpi sge, %get3A_73, %ge3A : vector<16xi32>
          %add3A_75 = arith.constant 12544 : i32
          %add3A_76 = arith.addi %mul3A_27, %add3A_75 : i32
          %lt3A = vector.broadcast %add3A_76 : i32 to vector<16xi32>
          %lt3A_77 = arith.cmpi slt, %get3A_73, %lt3A : vector<16xi32>
          %and3A = arith.andi %ge3A_74, %lt3A_77 : vector<16xi1>
          %sub3A = vector.broadcast %mul3A_27 : i32 to vector<16xi32>
          %sub3A_78 = arith.subi %get3A_73, %sub3A : vector<16xi32>
          %jit3A = arith.constant 12544 : i32
          %broadcast_in_dim3A_79 = vector.broadcast %jit3A : i32 to vector<16xi32>
          %select_n3A = arith.select %and3A, %sub3A_78, %broadcast_in_dim3A_79 : vector<16xi1>, vector<16xi32>
          %mul3A_80 = arith.constant 16 : i32
          %mul3A_81 = arith.muli %scan3A_69, %mul3A_80 : i32
          %swap3A = arith.index_cast %mul3A_81 : i32 to index
          %swap3A_82 = tpu.vector_load %arg23[%swap3A] {strides = array<i32>} : memref<128xi32, #tpu.memory_space<vmem>>, vector<16xi32>,
          %swap3A_83 = vector.shape_cast %swap3A_82 : vector<16xi32> to vector<16xi32>
          %swap3A_84 = vector.shape_cast %select_n3A : vector<16xi32> to vector<16xi32>
          tpu.vector_store %arg23[%swap3A], %swap3A_84 {strides = array<i32>} : memref<128xi32, #tpu.memory_space<vmem>>, vector<16xi32>,
        }
        %scan3A_66 = arith.constant 8 : i32
        %dma_wait3A_67 = tpu.memref_slice %arg7[%add3A_56] : memref<251904xi32, #tpu.memory_space<hbm>> -> memref<128xi32, #tpu.memory_space<hbm>>
        %dma_wait3A_68 = tpu.memref_slice %arg7[%add3A_56] : memref<251904xi32, #tpu.memory_space<hbm>> -> memref<128xi32, #tpu.memory_space<hbm>>
        tpu.wait_dma2 semaphore(%arg26 : memref<!tpu.dma_semaphore, #tpu.memory_space<semaphore_mem>>) src(%dma_wait3A_68 : memref<128xi32, #tpu.memory_space<hbm>>) dst(%arg19 : memref<128xi32, #tpu.memory_space<vmem>>)
        "tpu.region"() ({
          %run_scoped3A = tpu.sem_alloc : memref<!tpu.dma_semaphore, #tpu.memory_space<semaphore_mem>>
          %dma_start3A_69 = arith.constant 0 : i32
          %dma_start3A_70 = arith.constant 0 : i32
          %dma_start3A_71 = tpu.memref_slice %arg3[%dma_start3A_69, %dma_start3A_70] : memref<50176x128xf32, #tpu.memory_space<hbm>> -> memref<50176x128xf32, #tpu.memory_space<hbm>>
          tpu.enqueue_indirect_dma source(%dma_start3A_71 : memref<50176x128xf32, #tpu.memory_space<hbm>>) target(%arg25 : memref<128x128xf32, #tpu.memory_space<vmem>>) offsets(%arg19 : memref<128xi32, #tpu.memory_space<vmem>>) semaphore(%run_scoped3A : memref<!tpu.dma_semaphore, #tpu.memory_space<semaphore_mem>>)
          %dma_wait3A_72 = arith.constant 0 : i32
          %dma_wait3A_73 = arith.constant 0 : i32
          %dma_wait3A_74 = tpu.memref_slice %arg3[%dma_wait3A_72, %dma_wait3A_73] : memref<50176x128xf32, #tpu.memory_space<hbm>> -> memref<50176x128xf32, #tpu.memory_space<hbm>>
          tpu.wait_indirect_dma semaphore(%run_scoped3A : memref<!tpu.dma_semaphore, #tpu.memory_space<semaphore_mem>>) src(%dma_wait3A_74 : memref<50176x128xf32, #tpu.memory_space<hbm>>) dst(%arg25 : memref<128x128xf32, #tpu.memory_space<vmem>>)
          tpu.yield
        }) : () -> ()
        "tpu.region"() ({
          %run_scoped3A = tpu.sem_alloc : memref<!tpu.dma_semaphore, #tpu.memory_space<semaphore_mem>>
          %dma_start3A_69 = arith.constant 0 : i32
          %dma_start3A_70 = arith.constant 0 : i32
          %dma_start3A_71 = tpu.memref_slice %arg18[%dma_start3A_69, %dma_start3A_70] : memref<12560x128xf32, #tpu.memory_space<vmem_shared>> -> memref<12560x128xf32, #tpu.memory_space<vmem_shared>>
          tpu.enqueue_indirect_dma source(%arg25 : memref<128x128xf32, #tpu.memory_space<vmem>>) target(%dma_start3A_71 : memref<12560x128xf32, #tpu.memory_space<vmem_shared>>) offsets(%arg23 : memref<128xi32, #tpu.memory_space<vmem>>) semaphore(%run_scoped3A : memref<!tpu.dma_semaphore, #tpu.memory_space<semaphore_mem>>) {add = true}
          %dma_wait3A_72 = arith.constant 0 : i32
          %dma_wait3A_73 = arith.constant 0 : i32
          %dma_wait3A_74 = tpu.memref_slice %arg18[%dma_wait3A_72, %dma_wait3A_73] : memref<12560x128xf32, #tpu.memory_space<vmem_shared>> -> memref<12560x128xf32, #tpu.memory_space<vmem_shared>>
          tpu.wait_indirect_dma semaphore(%run_scoped3A : memref<!tpu.dma_semaphore, #tpu.memory_space<semaphore_mem>>) src(%arg25 : memref<128x128xf32, #tpu.memory_space<vmem>>) dst(%dma_wait3A_74 : memref<12560x128xf32, #tpu.memory_space<vmem_shared>>)
          tpu.yield
        }) : () -> ()
      }
      %scan3A_47 = arith.constant 123 : i32
      %barrier3A_48 = arith.constant 0 : index
      tpu.barrier barrier_id(%barrier3A_48)
      %mul3A_49 = arith.constant 784 : i32
      %mul3A_50 = arith.muli %arg1, %mul3A_49 : i32
      %add3A_51 = arith.addi %mul3A_27, %mul3A_50 : i32
      "tpu.region"() ({
        %run_scoped3A = tpu.sem_alloc : memref<!tpu.dma_semaphore, #tpu.memory_space<semaphore_mem>>
        %dma_start3A = arith.constant 0 : i32
        %dma_start3A_53 = tpu.memref_slice %arg15[%add3A_51, %dma_start3A] : memref<50176x128xf32, #tpu.memory_space<hbm>> -> memref<784x128xf32, #tpu.memory_space<hbm>>
        %dma_start3A_54 = arith.constant 0 : i32
        %dma_start3A_55 = tpu.memref_slice %arg18[%mul3A_50, %dma_start3A_54] : memref<12560x128xf32, #tpu.memory_space<vmem_shared>> -> memref<784x128xf32, #tpu.memory_space<vmem_shared>>
        tpu.enqueue_dma source(%dma_start3A_55 : memref<784x128xf32, #tpu.memory_space<vmem_shared>>) target(%dma_start3A_53 : memref<784x128xf32, #tpu.memory_space<hbm>>) target_semaphore(%run_scoped3A : memref<!tpu.dma_semaphore, #tpu.memory_space<semaphore_mem>>)
        %dma_wait3A = arith.constant 0 : i32
        %dma_wait3A_56 = tpu.memref_slice %arg15[%add3A_51, %dma_wait3A] : memref<50176x128xf32, #tpu.memory_space<hbm>> -> memref<784x128xf32, #tpu.memory_space<hbm>>
        %dma_wait3A_57 = arith.constant 0 : i32
        %dma_wait3A_58 = tpu.memref_slice %arg18[%mul3A_50, %dma_wait3A_57] : memref<12560x128xf32, #tpu.memory_space<vmem_shared>> -> memref<784x128xf32, #tpu.memory_space<vmem_shared>>
        tpu.wait_dma2 semaphore(%run_scoped3A : memref<!tpu.dma_semaphore, #tpu.memory_space<semaphore_mem>>) src(%dma_wait3A_58 : memref<784x128xf32, #tpu.memory_space<vmem_shared>>) dst(%dma_wait3A_56 : memref<784x128xf32, #tpu.memory_space<hbm>>)
        tpu.yield
      }) : () -> ()
      %barrier3A_52 = arith.constant 0 : index
      tpu.barrier barrier_id(%barrier3A_52)
    }
    %scan3A_11 = arith.constant 2 : i32
    %scan3A_12 = arith.constant 0 : i32
    %scan3A_13 = arith.constant 0 : i32
    %scan3A_14 = arith.constant 2 : i32
    %scan3A_15 = arith.addi %scan3A_13, %scan3A_14 : i32
    %scan3A_16 = arith.constant 1 : i32
    scf.for %scan3A_24 = %scan3A_13 to %scan3A_15 step %scan3A_16  : i32 {
      %mul3A = arith.constant 2 : i32
      %mul3A_25 = arith.muli %arg0, %mul3A : i32
      %add3A = arith.addi %mul3A_25, %scan3A_24 : i32
      %mul3A_26 = arith.constant 12544 : i32
      %mul3A_27 = arith.muli %add3A, %mul3A_26 : i32
      %mul3A_28 = arith.constant 15744 : i32
      %mul3A_29 = arith.muli %arg1, %mul3A_28 : i32
      %scan3A_30 = arith.constant 0 : i32
      %scan3A_31 = arith.constant 0 : i32
      %scan3A_32 = arith.constant 128 : i32
      %scan3A_33 = arith.addi %scan3A_31, %scan3A_32 : i32
      %scan3A_34 = arith.constant 1 : i32
      scf.for %scan3A_53 = %scan3A_31 to %scan3A_33 step %scan3A_34  : i32 {
        %swap3A = arith.index_cast %scan3A_53 : i32 to index
        %swap3A_54 = arith.constant 0 : index
        %swap3A_55 = tpu.vector_load %arg25[%swap3A, %swap3A_54] {strides = array<i32>} : memref<128x128xf32, #tpu.memory_space<vmem>>, vector<1x16xf32>,
        %swap3A_56 = vector.shape_cast %swap3A_55 : vector<1x16xf32> to vector<16xf32>
        %swap3A_57 = vector.shape_cast %broadcast_in_dim3A_0 : vector<16xf32> to vector<1x16xf32>
        tpu.vector_store %arg25[%swap3A, %swap3A_54], %swap3A_57 {strides = array<i32>} : memref<128x128xf32, #tpu.memory_space<vmem>>, vector<1x16xf32>,
        %swap3A_58 = arith.index_cast %scan3A_53 : i32 to index
        %swap3A_59 = arith.constant 16 : index
        %swap3A_60 = tpu.vector_load %arg25[%swap3A_58, %swap3A_59] {strides = array<i32>} : memref<128x128xf32, #tpu.memory_space<vmem>>, vector<1x16xf32>,
        %swap3A_61 = vector.shape_cast %swap3A_60 : vector<1x16xf32> to vector<16xf32>
        %swap3A_62 = vector.shape_cast %broadcast_in_dim3A_0 : vector<16xf32> to vector<1x16xf32>
        tpu.vector_store %arg25[%swap3A_58, %swap3A_59], %swap3A_62 {strides = array<i32>} : memref<128x128xf32, #tpu.memory_space<vmem>>, vector<1x16xf32>,
        %swap3A_63 = arith.index_cast %scan3A_53 : i32 to index
        %swap3A_64 = arith.constant 32 : index
        %swap3A_65 = tpu.vector_load %arg25[%swap3A_63, %swap3A_64] {strides = array<i32>} : memref<128x128xf32, #tpu.memory_space<vmem>>, vector<1x16xf32>,
        %swap3A_66 = vector.shape_cast %swap3A_65 : vector<1x16xf32> to vector<16xf32>
        %swap3A_67 = vector.shape_cast %broadcast_in_dim3A_0 : vector<16xf32> to vector<1x16xf32>
        tpu.vector_store %arg25[%swap3A_63, %swap3A_64], %swap3A_67 {strides = array<i32>} : memref<128x128xf32, #tpu.memory_space<vmem>>, vector<1x16xf32>,
        %swap3A_68 = arith.index_cast %scan3A_53 : i32 to index
        %swap3A_69 = arith.constant 48 : index
        %swap3A_70 = tpu.vector_load %arg25[%swap3A_68, %swap3A_69] {strides = array<i32>} : memref<128x128xf32, #tpu.memory_space<vmem>>, vector<1x16xf32>,
        %swap3A_71 = vector.shape_cast %swap3A_70 : vector<1x16xf32> to vector<16xf32>
        %swap3A_72 = vector.shape_cast %broadcast_in_dim3A_0 : vector<16xf32> to vector<1x16xf32>
        tpu.vector_store %arg25[%swap3A_68, %swap3A_69], %swap3A_72 {strides = array<i32>} : memref<128x128xf32, #tpu.memory_space<vmem>>, vector<1x16xf32>,
        %swap3A_73 = arith.index_cast %scan3A_53 : i32 to index
        %swap3A_74 = arith.constant 64 : index
        %swap3A_75 = tpu.vector_load %arg25[%swap3A_73, %swap3A_74] {strides = array<i32>} : memref<128x128xf32, #tpu.memory_space<vmem>>, vector<1x16xf32>,
        %swap3A_76 = vector.shape_cast %swap3A_75 : vector<1x16xf32> to vector<16xf32>
        %swap3A_77 = vector.shape_cast %broadcast_in_dim3A_0 : vector<16xf32> to vector<1x16xf32>
        tpu.vector_store %arg25[%swap3A_73, %swap3A_74], %swap3A_77 {strides = array<i32>} : memref<128x128xf32, #tpu.memory_space<vmem>>, vector<1x16xf32>,
        %swap3A_78 = arith.index_cast %scan3A_53 : i32 to index
        %swap3A_79 = arith.constant 80 : index
        %swap3A_80 = tpu.vector_load %arg25[%swap3A_78, %swap3A_79] {strides = array<i32>} : memref<128x128xf32, #tpu.memory_space<vmem>>, vector<1x16xf32>,
        %swap3A_81 = vector.shape_cast %swap3A_80 : vector<1x16xf32> to vector<16xf32>
        %swap3A_82 = vector.shape_cast %broadcast_in_dim3A_0 : vector<16xf32> to vector<1x16xf32>
        tpu.vector_store %arg25[%swap3A_78, %swap3A_79], %swap3A_82 {strides = array<i32>} : memref<128x128xf32, #tpu.memory_space<vmem>>, vector<1x16xf32>,
        %swap3A_83 = arith.index_cast %scan3A_53 : i32 to index
        %swap3A_84 = arith.constant 96 : index
        %swap3A_85 = tpu.vector_load %arg25[%swap3A_83, %swap3A_84] {strides = array<i32>} : memref<128x128xf32, #tpu.memory_space<vmem>>, vector<1x16xf32>,
        %swap3A_86 = vector.shape_cast %swap3A_85 : vector<1x16xf32> to vector<16xf32>
        %swap3A_87 = vector.shape_cast %broadcast_in_dim3A_0 : vector<16xf32> to vector<1x16xf32>
        tpu.vector_store %arg25[%swap3A_83, %swap3A_84], %swap3A_87 {strides = array<i32>} : memref<128x128xf32, #tpu.memory_space<vmem>>, vector<1x16xf32>,
        %swap3A_88 = arith.index_cast %scan3A_53 : i32 to index
        %swap3A_89 = arith.constant 112 : index
        %swap3A_90 = tpu.vector_load %arg25[%swap3A_88, %swap3A_89] {strides = array<i32>} : memref<128x128xf32, #tpu.memory_space<vmem>>, vector<1x16xf32>,
        %swap3A_91 = vector.shape_cast %swap3A_90 : vector<1x16xf32> to vector<16xf32>
        %swap3A_92 = vector.shape_cast %broadcast_in_dim3A_0 : vector<16xf32> to vector<1x16xf32>
        tpu.vector_store %arg25[%swap3A_88, %swap3A_89], %swap3A_92 {strides = array<i32>} : memref<128x128xf32, #tpu.memory_space<vmem>>, vector<1x16xf32>,
      }
      %scan3A_35 = arith.constant 128 : i32
      %scan3A_36 = arith.constant 0 : i32
      %scan3A_37 = arith.constant 0 : i32
      %scan3A_38 = arith.constant 7 : i32
      %scan3A_39 = arith.addi %scan3A_37, %scan3A_38 : i32
      %scan3A_40 = arith.constant 1 : i32
      scf.for %scan3A_53 = %scan3A_37 to %scan3A_39 step %scan3A_40  : i32 {
        %mul3A_54 = arith.constant 128 : i32
        %mul3A_55 = arith.muli %scan3A_53, %mul3A_54 : i32
        %min3A = arith.constant 657 : i32
        %min3A_56 = arith.minsi %mul3A_55, %min3A : i32
        %mul3A_57 = arith.constant 785 : i32
        %mul3A_58 = arith.muli %arg1, %mul3A_57 : i32
        %add3A_59 = arith.addi %mul3A_58, %min3A_56 : i32
        "tpu.region"() ({
          %run_scoped3A = tpu.sem_alloc : memref<!tpu.dma_semaphore, #tpu.memory_space<semaphore_mem>>
          %dma_start3A = arith.constant 0 : i32
          %dma_start3A_60 = tpu.memref_slice %arg18[%add3A_59, %dma_start3A] : memref<12560x128xf32, #tpu.memory_space<vmem_shared>> -> memref<128x128xf32, #tpu.memory_space<vmem_shared>>
          %dma_start3A_61 = arith.constant 0 : i32
          %dma_start3A_62 = tpu.memref_slice %arg18[%add3A_59, %dma_start3A_61] : memref<12560x128xf32, #tpu.memory_space<vmem_shared>> -> memref<128x128xf32, #tpu.memory_space<vmem_shared>>
          tpu.enqueue_dma source(%arg25 : memref<128x128xf32, #tpu.memory_space<vmem>>) target(%dma_start3A_62 : memref<128x128xf32, #tpu.memory_space<vmem_shared>>) target_semaphore(%run_scoped3A : memref<!tpu.dma_semaphore, #tpu.memory_space<semaphore_mem>>)
          %dma_wait3A = arith.constant 0 : i32
          %dma_wait3A_63 = tpu.memref_slice %arg18[%add3A_59, %dma_wait3A] : memref<12560x128xf32, #tpu.memory_space<vmem_shared>> -> memref<128x128xf32, #tpu.memory_space<vmem_shared>>
          %dma_wait3A_64 = arith.constant 0 : i32
          %dma_wait3A_65 = tpu.memref_slice %arg18[%add3A_59, %dma_wait3A_64] : memref<12560x128xf32, #tpu.memory_space<vmem_shared>> -> memref<128x128xf32, #tpu.memory_space<vmem_shared>>
          tpu.wait_dma2 semaphore(%run_scoped3A : memref<!tpu.dma_semaphore, #tpu.memory_space<semaphore_mem>>) src(%arg25 : memref<128x128xf32, #tpu.memory_space<vmem>>) dst(%dma_wait3A_65 : memref<128x128xf32, #tpu.memory_space<vmem_shared>>)
          tpu.yield
        }) : () -> ()
      }
      %scan3A_41 = arith.constant 7 : i32
      %barrier3A = arith.constant 0 : index
      tpu.barrier barrier_id(%barrier3A)
      %scan3A_42 = arith.constant 0 : i32
      %scan3A_43 = arith.constant 0 : i32
      %scan3A_44 = arith.constant 123 : i32
      %scan3A_45 = arith.addi %scan3A_43, %scan3A_44 : i32
      %scan3A_46 = arith.constant 1 : i32
      scf.for %scan3A_53 = %scan3A_43 to %scan3A_45 step %scan3A_46  : i32 {
        %mul3A_54 = arith.constant 128 : i32
        %mul3A_55 = arith.muli %scan3A_53, %mul3A_54 : i32
        %add3A_56 = arith.addi %mul3A_29, %mul3A_55 : i32
        %dma_start3A = tpu.memref_slice %arg8[%add3A_56] : memref<251904xi32, #tpu.memory_space<hbm>> -> memref<128xi32, #tpu.memory_space<hbm>>
        %dma_start3A_57 = tpu.memref_slice %arg8[%add3A_56] : memref<251904xi32, #tpu.memory_space<hbm>> -> memref<128xi32, #tpu.memory_space<hbm>>
        tpu.enqueue_dma source(%dma_start3A_57 : memref<128xi32, #tpu.memory_space<hbm>>) target(%arg19 : memref<128xi32, #tpu.memory_space<vmem>>) target_semaphore(%arg26 : memref<!tpu.dma_semaphore, #tpu.memory_space<semaphore_mem>>)
        %dma_start3A_58 = tpu.memref_slice %arg12[%add3A_56] : memref<251904xi32, #tpu.memory_space<hbm>> -> memref<128xi32, #tpu.memory_space<hbm>>
        %dma_start3A_59 = tpu.memref_slice %arg12[%add3A_56] : memref<251904xi32, #tpu.memory_space<hbm>> -> memref<128xi32, #tpu.memory_space<hbm>>
        tpu.enqueue_dma source(%dma_start3A_59 : memref<128xi32, #tpu.memory_space<hbm>>) target(%arg21 : memref<128xi32, #tpu.memory_space<vmem>>) target_semaphore(%arg27 : memref<!tpu.dma_semaphore, #tpu.memory_space<semaphore_mem>>)
        %dma_wait3A = tpu.memref_slice %arg12[%add3A_56] : memref<251904xi32, #tpu.memory_space<hbm>> -> memref<128xi32, #tpu.memory_space<hbm>>
        %dma_wait3A_60 = tpu.memref_slice %arg12[%add3A_56] : memref<251904xi32, #tpu.memory_space<hbm>> -> memref<128xi32, #tpu.memory_space<hbm>>
        tpu.wait_dma2 semaphore(%arg27 : memref<!tpu.dma_semaphore, #tpu.memory_space<semaphore_mem>>) src(%dma_wait3A_60 : memref<128xi32, #tpu.memory_space<hbm>>) dst(%arg21 : memref<128xi32, #tpu.memory_space<vmem>>)
        %scan3A_61 = arith.constant 0 : i32
        %scan3A_62 = arith.constant 0 : i32
        %scan3A_63 = arith.constant 8 : i32
        %scan3A_64 = arith.addi %scan3A_62, %scan3A_63 : i32
        %scan3A_65 = arith.constant 1 : i32
        scf.for %scan3A_69 = %scan3A_62 to %scan3A_64 step %scan3A_65  : i32 {
          %mul3A_70 = arith.constant 16 : i32
          %mul3A_71 = arith.muli %scan3A_69, %mul3A_70 : i32
          %get3A = arith.index_cast %mul3A_71 : i32 to index
          %get3A_72 = tpu.vector_load %arg21[%get3A] {strides = array<i32>} : memref<128xi32, #tpu.memory_space<vmem>>, vector<16xi32>,
          %get3A_73 = vector.shape_cast %get3A_72 : vector<16xi32> to vector<16xi32>
          %ge3A = vector.broadcast %mul3A_27 : i32 to vector<16xi32>
          %ge3A_74 = arith.cmpi sge, %get3A_73, %ge3A : vector<16xi32>
          %add3A_75 = arith.constant 12544 : i32
          %add3A_76 = arith.addi %mul3A_27, %add3A_75 : i32
          %lt3A = vector.broadcast %add3A_76 : i32 to vector<16xi32>
          %lt3A_77 = arith.cmpi slt, %get3A_73, %lt3A : vector<16xi32>
          %and3A = arith.andi %ge3A_74, %lt3A_77 : vector<16xi1>
          %sub3A = vector.broadcast %mul3A_27 : i32 to vector<16xi32>
          %sub3A_78 = arith.subi %get3A_73, %sub3A : vector<16xi32>
          %jit3A = arith.constant 12544 : i32
          %broadcast_in_dim3A_79 = vector.broadcast %jit3A : i32 to vector<16xi32>
          %select_n3A = arith.select %and3A, %sub3A_78, %broadcast_in_dim3A_79 : vector<16xi1>, vector<16xi32>
          %mul3A_80 = arith.constant 16 : i32
          %mul3A_81 = arith.muli %scan3A_69, %mul3A_80 : i32
          %swap3A = arith.index_cast %mul3A_81 : i32 to index
          %swap3A_82 = tpu.vector_load %arg23[%swap3A] {strides = array<i32>} : memref<128xi32, #tpu.memory_space<vmem>>, vector<16xi32>,
          %swap3A_83 = vector.shape_cast %swap3A_82 : vector<16xi32> to vector<16xi32>
          %swap3A_84 = vector.shape_cast %select_n3A : vector<16xi32> to vector<16xi32>
          tpu.vector_store %arg23[%swap3A], %swap3A_84 {strides = array<i32>} : memref<128xi32, #tpu.memory_space<vmem>>, vector<16xi32>,
        }
        %scan3A_66 = arith.constant 8 : i32
        %dma_wait3A_67 = tpu.memref_slice %arg8[%add3A_56] : memref<251904xi32, #tpu.memory_space<hbm>> -> memref<128xi32, #tpu.memory_space<hbm>>
        %dma_wait3A_68 = tpu.memref_slice %arg8[%add3A_56] : memref<251904xi32, #tpu.memory_space<hbm>> -> memref<128xi32, #tpu.memory_space<hbm>>
        tpu.wait_dma2 semaphore(%arg26 : memref<!tpu.dma_semaphore, #tpu.memory_space<semaphore_mem>>) src(%dma_wait3A_68 : memref<128xi32, #tpu.memory_space<hbm>>) dst(%arg19 : memref<128xi32, #tpu.memory_space<vmem>>)
        "tpu.region"() ({
          %run_scoped3A = tpu.sem_alloc : memref<!tpu.dma_semaphore, #tpu.memory_space<semaphore_mem>>
          %dma_start3A_69 = arith.constant 0 : i32
          %dma_start3A_70 = arith.constant 0 : i32
          %dma_start3A_71 = tpu.memref_slice %arg4[%dma_start3A_69, %dma_start3A_70] : memref<50176x128xf32, #tpu.memory_space<hbm>> -> memref<50176x128xf32, #tpu.memory_space<hbm>>
          tpu.enqueue_indirect_dma source(%dma_start3A_71 : memref<50176x128xf32, #tpu.memory_space<hbm>>) target(%arg25 : memref<128x128xf32, #tpu.memory_space<vmem>>) offsets(%arg19 : memref<128xi32, #tpu.memory_space<vmem>>) semaphore(%run_scoped3A : memref<!tpu.dma_semaphore, #tpu.memory_space<semaphore_mem>>)
          %dma_wait3A_72 = arith.constant 0 : i32
          %dma_wait3A_73 = arith.constant 0 : i32
          %dma_wait3A_74 = tpu.memref_slice %arg4[%dma_wait3A_72, %dma_wait3A_73] : memref<50176x128xf32, #tpu.memory_space<hbm>> -> memref<50176x128xf32, #tpu.memory_space<hbm>>
          tpu.wait_indirect_dma semaphore(%run_scoped3A : memref<!tpu.dma_semaphore, #tpu.memory_space<semaphore_mem>>) src(%dma_wait3A_74 : memref<50176x128xf32, #tpu.memory_space<hbm>>) dst(%arg25 : memref<128x128xf32, #tpu.memory_space<vmem>>)
          tpu.yield
        }) : () -> ()
        "tpu.region"() ({
          %run_scoped3A = tpu.sem_alloc : memref<!tpu.dma_semaphore, #tpu.memory_space<semaphore_mem>>
          %dma_start3A_69 = arith.constant 0 : i32
          %dma_start3A_70 = arith.constant 0 : i32
          %dma_start3A_71 = tpu.memref_slice %arg18[%dma_start3A_69, %dma_start3A_70] : memref<12560x128xf32, #tpu.memory_space<vmem_shared>> -> memref<12560x128xf32, #tpu.memory_space<vmem_shared>>
          tpu.enqueue_indirect_dma source(%arg25 : memref<128x128xf32, #tpu.memory_space<vmem>>) target(%dma_start3A_71 : memref<12560x128xf32, #tpu.memory_space<vmem_shared>>) offsets(%arg23 : memref<128xi32, #tpu.memory_space<vmem>>) semaphore(%run_scoped3A : memref<!tpu.dma_semaphore, #tpu.memory_space<semaphore_mem>>) {add = true}
          %dma_wait3A_72 = arith.constant 0 : i32
          %dma_wait3A_73 = arith.constant 0 : i32
          %dma_wait3A_74 = tpu.memref_slice %arg18[%dma_wait3A_72, %dma_wait3A_73] : memref<12560x128xf32, #tpu.memory_space<vmem_shared>> -> memref<12560x128xf32, #tpu.memory_space<vmem_shared>>
          tpu.wait_indirect_dma semaphore(%run_scoped3A : memref<!tpu.dma_semaphore, #tpu.memory_space<semaphore_mem>>) src(%arg25 : memref<128x128xf32, #tpu.memory_space<vmem>>) dst(%dma_wait3A_74 : memref<12560x128xf32, #tpu.memory_space<vmem_shared>>)
          tpu.yield
        }) : () -> ()
      }
      %scan3A_47 = arith.constant 123 : i32
      %barrier3A_48 = arith.constant 0 : index
      tpu.barrier barrier_id(%barrier3A_48)
      %mul3A_49 = arith.constant 784 : i32
      %mul3A_50 = arith.muli %arg1, %mul3A_49 : i32
      %add3A_51 = arith.addi %mul3A_27, %mul3A_50 : i32
      "tpu.region"() ({
        %run_scoped3A = tpu.sem_alloc : memref<!tpu.dma_semaphore, #tpu.memory_space<semaphore_mem>>
        %dma_start3A = arith.constant 0 : i32
        %dma_start3A_53 = tpu.memref_slice %arg16[%add3A_51, %dma_start3A] : memref<50176x128xf32, #tpu.memory_space<hbm>> -> memref<784x128xf32, #tpu.memory_space<hbm>>
        %dma_start3A_54 = arith.constant 0 : i32
        %dma_start3A_55 = tpu.memref_slice %arg18[%mul3A_50, %dma_start3A_54] : memref<12560x128xf32, #tpu.memory_space<vmem_shared>> -> memref<784x128xf32, #tpu.memory_space<vmem_shared>>
        tpu.enqueue_dma source(%dma_start3A_55 : memref<784x128xf32, #tpu.memory_space<vmem_shared>>) target(%dma_start3A_53 : memref<784x128xf32, #tpu.memory_space<hbm>>) target_semaphore(%run_scoped3A : memref<!tpu.dma_semaphore, #tpu.memory_space<semaphore_mem>>)
        %dma_wait3A = arith.constant 0 : i32
        %dma_wait3A_56 = tpu.memref_slice %arg16[%add3A_51, %dma_wait3A] : memref<50176x128xf32, #tpu.memory_space<hbm>> -> memref<784x128xf32, #tpu.memory_space<hbm>>
        %dma_wait3A_57 = arith.constant 0 : i32
        %dma_wait3A_58 = tpu.memref_slice %arg18[%mul3A_50, %dma_wait3A_57] : memref<12560x128xf32, #tpu.memory_space<vmem_shared>> -> memref<784x128xf32, #tpu.memory_space<vmem_shared>>
        tpu.wait_dma2 semaphore(%run_scoped3A : memref<!tpu.dma_semaphore, #tpu.memory_space<semaphore_mem>>) src(%dma_wait3A_58 : memref<784x128xf32, #tpu.memory_space<vmem_shared>>) dst(%dma_wait3A_56 : memref<784x128xf32, #tpu.memory_space<hbm>>)
        tpu.yield
      }) : () -> ()
      %barrier3A_52 = arith.constant 0 : index
      tpu.barrier barrier_id(%barrier3A_52)
    }
    %scan3A_17 = arith.constant 2 : i32
    %scan3A_18 = arith.constant 0 : i32
    %scan3A_19 = arith.constant 0 : i32
    %scan3A_20 = arith.constant 2 : i32
    %scan3A_21 = arith.addi %scan3A_19, %scan3A_20 : i32
    %scan3A_22 = arith.constant 1 : i32
    scf.for %scan3A_24 = %scan3A_19 to %scan3A_21 step %scan3A_22  : i32 {
      %mul3A = arith.constant 2 : i32
      %mul3A_25 = arith.muli %arg0, %mul3A : i32
      %add3A = arith.addi %mul3A_25, %scan3A_24 : i32
      %mul3A_26 = arith.constant 12544 : i32
      %mul3A_27 = arith.muli %add3A, %mul3A_26 : i32
      %mul3A_28 = arith.constant 15744 : i32
      %mul3A_29 = arith.muli %arg1, %mul3A_28 : i32
      %scan3A_30 = arith.constant 0 : i32
      %scan3A_31 = arith.constant 0 : i32
      %scan3A_32 = arith.constant 128 : i32
      %scan3A_33 = arith.addi %scan3A_31, %scan3A_32 : i32
      %scan3A_34 = arith.constant 1 : i32
      scf.for %scan3A_53 = %scan3A_31 to %scan3A_33 step %scan3A_34  : i32 {
        %swap3A = arith.index_cast %scan3A_53 : i32 to index
        %swap3A_54 = arith.constant 0 : index
        %swap3A_55 = tpu.vector_load %arg25[%swap3A, %swap3A_54] {strides = array<i32>} : memref<128x128xf32, #tpu.memory_space<vmem>>, vector<1x16xf32>,
        %swap3A_56 = vector.shape_cast %swap3A_55 : vector<1x16xf32> to vector<16xf32>
        %swap3A_57 = vector.shape_cast %broadcast_in_dim3A_0 : vector<16xf32> to vector<1x16xf32>
        tpu.vector_store %arg25[%swap3A, %swap3A_54], %swap3A_57 {strides = array<i32>} : memref<128x128xf32, #tpu.memory_space<vmem>>, vector<1x16xf32>,
        %swap3A_58 = arith.index_cast %scan3A_53 : i32 to index
        %swap3A_59 = arith.constant 16 : index
        %swap3A_60 = tpu.vector_load %arg25[%swap3A_58, %swap3A_59] {strides = array<i32>} : memref<128x128xf32, #tpu.memory_space<vmem>>, vector<1x16xf32>,
        %swap3A_61 = vector.shape_cast %swap3A_60 : vector<1x16xf32> to vector<16xf32>
        %swap3A_62 = vector.shape_cast %broadcast_in_dim3A_0 : vector<16xf32> to vector<1x16xf32>
        tpu.vector_store %arg25[%swap3A_58, %swap3A_59], %swap3A_62 {strides = array<i32>} : memref<128x128xf32, #tpu.memory_space<vmem>>, vector<1x16xf32>,
        %swap3A_63 = arith.index_cast %scan3A_53 : i32 to index
        %swap3A_64 = arith.constant 32 : index
        %swap3A_65 = tpu.vector_load %arg25[%swap3A_63, %swap3A_64] {strides = array<i32>} : memref<128x128xf32, #tpu.memory_space<vmem>>, vector<1x16xf32>,
        %swap3A_66 = vector.shape_cast %swap3A_65 : vector<1x16xf32> to vector<16xf32>
        %swap3A_67 = vector.shape_cast %broadcast_in_dim3A_0 : vector<16xf32> to vector<1x16xf32>
        tpu.vector_store %arg25[%swap3A_63, %swap3A_64], %swap3A_67 {strides = array<i32>} : memref<128x128xf32, #tpu.memory_space<vmem>>, vector<1x16xf32>,
        %swap3A_68 = arith.index_cast %scan3A_53 : i32 to index
        %swap3A_69 = arith.constant 48 : index
        %swap3A_70 = tpu.vector_load %arg25[%swap3A_68, %swap3A_69] {strides = array<i32>} : memref<128x128xf32, #tpu.memory_space<vmem>>, vector<1x16xf32>,
        %swap3A_71 = vector.shape_cast %swap3A_70 : vector<1x16xf32> to vector<16xf32>
        %swap3A_72 = vector.shape_cast %broadcast_in_dim3A_0 : vector<16xf32> to vector<1x16xf32>
        tpu.vector_store %arg25[%swap3A_68, %swap3A_69], %swap3A_72 {strides = array<i32>} : memref<128x128xf32, #tpu.memory_space<vmem>>, vector<1x16xf32>,
        %swap3A_73 = arith.index_cast %scan3A_53 : i32 to index
        %swap3A_74 = arith.constant 64 : index
        %swap3A_75 = tpu.vector_load %arg25[%swap3A_73, %swap3A_74] {strides = array<i32>} : memref<128x128xf32, #tpu.memory_space<vmem>>, vector<1x16xf32>,
        %swap3A_76 = vector.shape_cast %swap3A_75 : vector<1x16xf32> to vector<16xf32>
        %swap3A_77 = vector.shape_cast %broadcast_in_dim3A_0 : vector<16xf32> to vector<1x16xf32>
        tpu.vector_store %arg25[%swap3A_73, %swap3A_74], %swap3A_77 {strides = array<i32>} : memref<128x128xf32, #tpu.memory_space<vmem>>, vector<1x16xf32>,
        %swap3A_78 = arith.index_cast %scan3A_53 : i32 to index
        %swap3A_79 = arith.constant 80 : index
        %swap3A_80 = tpu.vector_load %arg25[%swap3A_78, %swap3A_79] {strides = array<i32>} : memref<128x128xf32, #tpu.memory_space<vmem>>, vector<1x16xf32>,
        %swap3A_81 = vector.shape_cast %swap3A_80 : vector<1x16xf32> to vector<16xf32>
        %swap3A_82 = vector.shape_cast %broadcast_in_dim3A_0 : vector<16xf32> to vector<1x16xf32>
        tpu.vector_store %arg25[%swap3A_78, %swap3A_79], %swap3A_82 {strides = array<i32>} : memref<128x128xf32, #tpu.memory_space<vmem>>, vector<1x16xf32>,
        %swap3A_83 = arith.index_cast %scan3A_53 : i32 to index
        %swap3A_84 = arith.constant 96 : index
        %swap3A_85 = tpu.vector_load %arg25[%swap3A_83, %swap3A_84] {strides = array<i32>} : memref<128x128xf32, #tpu.memory_space<vmem>>, vector<1x16xf32>,
        %swap3A_86 = vector.shape_cast %swap3A_85 : vector<1x16xf32> to vector<16xf32>
        %swap3A_87 = vector.shape_cast %broadcast_in_dim3A_0 : vector<16xf32> to vector<1x16xf32>
        tpu.vector_store %arg25[%swap3A_83, %swap3A_84], %swap3A_87 {strides = array<i32>} : memref<128x128xf32, #tpu.memory_space<vmem>>, vector<1x16xf32>,
        %swap3A_88 = arith.index_cast %scan3A_53 : i32 to index
        %swap3A_89 = arith.constant 112 : index
        %swap3A_90 = tpu.vector_load %arg25[%swap3A_88, %swap3A_89] {strides = array<i32>} : memref<128x128xf32, #tpu.memory_space<vmem>>, vector<1x16xf32>,
        %swap3A_91 = vector.shape_cast %swap3A_90 : vector<1x16xf32> to vector<16xf32>
        %swap3A_92 = vector.shape_cast %broadcast_in_dim3A_0 : vector<16xf32> to vector<1x16xf32>
        tpu.vector_store %arg25[%swap3A_88, %swap3A_89], %swap3A_92 {strides = array<i32>} : memref<128x128xf32, #tpu.memory_space<vmem>>, vector<1x16xf32>,
      }
      %scan3A_35 = arith.constant 128 : i32
      %scan3A_36 = arith.constant 0 : i32
      %scan3A_37 = arith.constant 0 : i32
      %scan3A_38 = arith.constant 7 : i32
      %scan3A_39 = arith.addi %scan3A_37, %scan3A_38 : i32
      %scan3A_40 = arith.constant 1 : i32
      scf.for %scan3A_53 = %scan3A_37 to %scan3A_39 step %scan3A_40  : i32 {
        %mul3A_54 = arith.constant 128 : i32
        %mul3A_55 = arith.muli %scan3A_53, %mul3A_54 : i32
        %min3A = arith.constant 657 : i32
        %min3A_56 = arith.minsi %mul3A_55, %min3A : i32
        %mul3A_57 = arith.constant 785 : i32
        %mul3A_58 = arith.muli %arg1, %mul3A_57 : i32
        %add3A_59 = arith.addi %mul3A_58, %min3A_56 : i32
        "tpu.region"() ({
          %run_scoped3A = tpu.sem_alloc : memref<!tpu.dma_semaphore, #tpu.memory_space<semaphore_mem>>
          %dma_start3A = arith.constant 0 : i32
          %dma_start3A_60 = tpu.memref_slice %arg18[%add3A_59, %dma_start3A] : memref<12560x128xf32, #tpu.memory_space<vmem_shared>> -> memref<128x128xf32, #tpu.memory_space<vmem_shared>>
          %dma_start3A_61 = arith.constant 0 : i32
          %dma_start3A_62 = tpu.memref_slice %arg18[%add3A_59, %dma_start3A_61] : memref<12560x128xf32, #tpu.memory_space<vmem_shared>> -> memref<128x128xf32, #tpu.memory_space<vmem_shared>>
          tpu.enqueue_dma source(%arg25 : memref<128x128xf32, #tpu.memory_space<vmem>>) target(%dma_start3A_62 : memref<128x128xf32, #tpu.memory_space<vmem_shared>>) target_semaphore(%run_scoped3A : memref<!tpu.dma_semaphore, #tpu.memory_space<semaphore_mem>>)
          %dma_wait3A = arith.constant 0 : i32
          %dma_wait3A_63 = tpu.memref_slice %arg18[%add3A_59, %dma_wait3A] : memref<12560x128xf32, #tpu.memory_space<vmem_shared>> -> memref<128x128xf32, #tpu.memory_space<vmem_shared>>
          %dma_wait3A_64 = arith.constant 0 : i32
          %dma_wait3A_65 = tpu.memref_slice %arg18[%add3A_59, %dma_wait3A_64] : memref<12560x128xf32, #tpu.memory_space<vmem_shared>> -> memref<128x128xf32, #tpu.memory_space<vmem_shared>>
          tpu.wait_dma2 semaphore(%run_scoped3A : memref<!tpu.dma_semaphore, #tpu.memory_space<semaphore_mem>>) src(%arg25 : memref<128x128xf32, #tpu.memory_space<vmem>>) dst(%dma_wait3A_65 : memref<128x128xf32, #tpu.memory_space<vmem_shared>>)
          tpu.yield
        }) : () -> ()
      }
      %scan3A_41 = arith.constant 7 : i32
      %barrier3A = arith.constant 0 : index
      tpu.barrier barrier_id(%barrier3A)
      %scan3A_42 = arith.constant 0 : i32
      %scan3A_43 = arith.constant 0 : i32
      %scan3A_44 = arith.constant 123 : i32
      %scan3A_45 = arith.addi %scan3A_43, %scan3A_44 : i32
      %scan3A_46 = arith.constant 1 : i32
      scf.for %scan3A_53 = %scan3A_43 to %scan3A_45 step %scan3A_46  : i32 {
        %mul3A_54 = arith.constant 128 : i32
        %mul3A_55 = arith.muli %scan3A_53, %mul3A_54 : i32
        %add3A_56 = arith.addi %mul3A_29, %mul3A_55 : i32
        %dma_start3A = tpu.memref_slice %arg9[%add3A_56] : memref<251904xi32, #tpu.memory_space<hbm>> -> memref<128xi32, #tpu.memory_space<hbm>>
        %dma_start3A_57 = tpu.memref_slice %arg9[%add3A_56] : memref<251904xi32, #tpu.memory_space<hbm>> -> memref<128xi32, #tpu.memory_space<hbm>>
        tpu.enqueue_dma source(%dma_start3A_57 : memref<128xi32, #tpu.memory_space<hbm>>) target(%arg19 : memref<128xi32, #tpu.memory_space<vmem>>) target_semaphore(%arg26 : memref<!tpu.dma_semaphore, #tpu.memory_space<semaphore_mem>>)
        %dma_start3A_58 = tpu.memref_slice %arg13[%add3A_56] : memref<251904xi32, #tpu.memory_space<hbm>> -> memref<128xi32, #tpu.memory_space<hbm>>
        %dma_start3A_59 = tpu.memref_slice %arg13[%add3A_56] : memref<251904xi32, #tpu.memory_space<hbm>> -> memref<128xi32, #tpu.memory_space<hbm>>
        tpu.enqueue_dma source(%dma_start3A_59 : memref<128xi32, #tpu.memory_space<hbm>>) target(%arg21 : memref<128xi32, #tpu.memory_space<vmem>>) target_semaphore(%arg27 : memref<!tpu.dma_semaphore, #tpu.memory_space<semaphore_mem>>)
        %dma_wait3A = tpu.memref_slice %arg13[%add3A_56] : memref<251904xi32, #tpu.memory_space<hbm>> -> memref<128xi32, #tpu.memory_space<hbm>>
        %dma_wait3A_60 = tpu.memref_slice %arg13[%add3A_56] : memref<251904xi32, #tpu.memory_space<hbm>> -> memref<128xi32, #tpu.memory_space<hbm>>
        tpu.wait_dma2 semaphore(%arg27 : memref<!tpu.dma_semaphore, #tpu.memory_space<semaphore_mem>>) src(%dma_wait3A_60 : memref<128xi32, #tpu.memory_space<hbm>>) dst(%arg21 : memref<128xi32, #tpu.memory_space<vmem>>)
        %scan3A_61 = arith.constant 0 : i32
        %scan3A_62 = arith.constant 0 : i32
        %scan3A_63 = arith.constant 8 : i32
        %scan3A_64 = arith.addi %scan3A_62, %scan3A_63 : i32
        %scan3A_65 = arith.constant 1 : i32
        scf.for %scan3A_69 = %scan3A_62 to %scan3A_64 step %scan3A_65  : i32 {
          %mul3A_70 = arith.constant 16 : i32
          %mul3A_71 = arith.muli %scan3A_69, %mul3A_70 : i32
          %get3A = arith.index_cast %mul3A_71 : i32 to index
          %get3A_72 = tpu.vector_load %arg21[%get3A] {strides = array<i32>} : memref<128xi32, #tpu.memory_space<vmem>>, vector<16xi32>,
          %get3A_73 = vector.shape_cast %get3A_72 : vector<16xi32> to vector<16xi32>
          %ge3A = vector.broadcast %mul3A_27 : i32 to vector<16xi32>
          %ge3A_74 = arith.cmpi sge, %get3A_73, %ge3A : vector<16xi32>
          %add3A_75 = arith.constant 12544 : i32
          %add3A_76 = arith.addi %mul3A_27, %add3A_75 : i32
          %lt3A = vector.broadcast %add3A_76 : i32 to vector<16xi32>
          %lt3A_77 = arith.cmpi slt, %get3A_73, %lt3A : vector<16xi32>
          %and3A = arith.andi %ge3A_74, %lt3A_77 : vector<16xi1>
          %sub3A = vector.broadcast %mul3A_27 : i32 to vector<16xi32>
          %sub3A_78 = arith.subi %get3A_73, %sub3A : vector<16xi32>
          %jit3A = arith.constant 12544 : i32
          %broadcast_in_dim3A_79 = vector.broadcast %jit3A : i32 to vector<16xi32>
          %select_n3A = arith.select %and3A, %sub3A_78, %broadcast_in_dim3A_79 : vector<16xi1>, vector<16xi32>
          %mul3A_80 = arith.constant 16 : i32
          %mul3A_81 = arith.muli %scan3A_69, %mul3A_80 : i32
          %swap3A = arith.index_cast %mul3A_81 : i32 to index
          %swap3A_82 = tpu.vector_load %arg23[%swap3A] {strides = array<i32>} : memref<128xi32, #tpu.memory_space<vmem>>, vector<16xi32>,
          %swap3A_83 = vector.shape_cast %swap3A_82 : vector<16xi32> to vector<16xi32>
          %swap3A_84 = vector.shape_cast %select_n3A : vector<16xi32> to vector<16xi32>
          tpu.vector_store %arg23[%swap3A], %swap3A_84 {strides = array<i32>} : memref<128xi32, #tpu.memory_space<vmem>>, vector<16xi32>,
        }
        %scan3A_66 = arith.constant 8 : i32
        %dma_wait3A_67 = tpu.memref_slice %arg9[%add3A_56] : memref<251904xi32, #tpu.memory_space<hbm>> -> memref<128xi32, #tpu.memory_space<hbm>>
        %dma_wait3A_68 = tpu.memref_slice %arg9[%add3A_56] : memref<251904xi32, #tpu.memory_space<hbm>> -> memref<128xi32, #tpu.memory_space<hbm>>
        tpu.wait_dma2 semaphore(%arg26 : memref<!tpu.dma_semaphore, #tpu.memory_space<semaphore_mem>>) src(%dma_wait3A_68 : memref<128xi32, #tpu.memory_space<hbm>>) dst(%arg19 : memref<128xi32, #tpu.memory_space<vmem>>)
        "tpu.region"() ({
          %run_scoped3A = tpu.sem_alloc : memref<!tpu.dma_semaphore, #tpu.memory_space<semaphore_mem>>
          %dma_start3A_69 = arith.constant 0 : i32
          %dma_start3A_70 = arith.constant 0 : i32
          %dma_start3A_71 = tpu.memref_slice %arg5[%dma_start3A_69, %dma_start3A_70] : memref<50176x128xf32, #tpu.memory_space<hbm>> -> memref<50176x128xf32, #tpu.memory_space<hbm>>
          tpu.enqueue_indirect_dma source(%dma_start3A_71 : memref<50176x128xf32, #tpu.memory_space<hbm>>) target(%arg25 : memref<128x128xf32, #tpu.memory_space<vmem>>) offsets(%arg19 : memref<128xi32, #tpu.memory_space<vmem>>) semaphore(%run_scoped3A : memref<!tpu.dma_semaphore, #tpu.memory_space<semaphore_mem>>)
          %dma_wait3A_72 = arith.constant 0 : i32
          %dma_wait3A_73 = arith.constant 0 : i32
          %dma_wait3A_74 = tpu.memref_slice %arg5[%dma_wait3A_72, %dma_wait3A_73] : memref<50176x128xf32, #tpu.memory_space<hbm>> -> memref<50176x128xf32, #tpu.memory_space<hbm>>
          tpu.wait_indirect_dma semaphore(%run_scoped3A : memref<!tpu.dma_semaphore, #tpu.memory_space<semaphore_mem>>) src(%dma_wait3A_74 : memref<50176x128xf32, #tpu.memory_space<hbm>>) dst(%arg25 : memref<128x128xf32, #tpu.memory_space<vmem>>)
          tpu.yield
        }) : () -> ()
        "tpu.region"() ({
          %run_scoped3A = tpu.sem_alloc : memref<!tpu.dma_semaphore, #tpu.memory_space<semaphore_mem>>
          %dma_start3A_69 = arith.constant 0 : i32
          %dma_start3A_70 = arith.constant 0 : i32
          %dma_start3A_71 = tpu.memref_slice %arg18[%dma_start3A_69, %dma_start3A_70] : memref<12560x128xf32, #tpu.memory_space<vmem_shared>> -> memref<12560x128xf32, #tpu.memory_space<vmem_shared>>
          tpu.enqueue_indirect_dma source(%arg25 : memref<128x128xf32, #tpu.memory_space<vmem>>) target(%dma_start3A_71 : memref<12560x128xf32, #tpu.memory_space<vmem_shared>>) offsets(%arg23 : memref<128xi32, #tpu.memory_space<vmem>>) semaphore(%run_scoped3A : memref<!tpu.dma_semaphore, #tpu.memory_space<semaphore_mem>>) {add = true}
          %dma_wait3A_72 = arith.constant 0 : i32
          %dma_wait3A_73 = arith.constant 0 : i32
          %dma_wait3A_74 = tpu.memref_slice %arg18[%dma_wait3A_72, %dma_wait3A_73] : memref<12560x128xf32, #tpu.memory_space<vmem_shared>> -> memref<12560x128xf32, #tpu.memory_space<vmem_shared>>
          tpu.wait_indirect_dma semaphore(%run_scoped3A : memref<!tpu.dma_semaphore, #tpu.memory_space<semaphore_mem>>) src(%arg25 : memref<128x128xf32, #tpu.memory_space<vmem>>) dst(%dma_wait3A_74 : memref<12560x128xf32, #tpu.memory_space<vmem_shared>>)
          tpu.yield
        }) : () -> ()
      }
      %scan3A_47 = arith.constant 123 : i32
      %barrier3A_48 = arith.constant 0 : index
      tpu.barrier barrier_id(%barrier3A_48)
      %mul3A_49 = arith.constant 784 : i32
      %mul3A_50 = arith.muli %arg1, %mul3A_49 : i32
      %add3A_51 = arith.addi %mul3A_27, %mul3A_50 : i32
      "tpu.region"() ({
        %run_scoped3A = tpu.sem_alloc : memref<!tpu.dma_semaphore, #tpu.memory_space<semaphore_mem>>
        %dma_start3A = arith.constant 0 : i32
        %dma_start3A_53 = tpu.memref_slice %arg17[%add3A_51, %dma_start3A] : memref<50176x128xf32, #tpu.memory_space<hbm>> -> memref<784x128xf32, #tpu.memory_space<hbm>>
        %dma_start3A_54 = arith.constant 0 : i32
        %dma_start3A_55 = tpu.memref_slice %arg18[%mul3A_50, %dma_start3A_54] : memref<12560x128xf32, #tpu.memory_space<vmem_shared>> -> memref<784x128xf32, #tpu.memory_space<vmem_shared>>
        tpu.enqueue_dma source(%dma_start3A_55 : memref<784x128xf32, #tpu.memory_space<vmem_shared>>) target(%dma_start3A_53 : memref<784x128xf32, #tpu.memory_space<hbm>>) target_semaphore(%run_scoped3A : memref<!tpu.dma_semaphore, #tpu.memory_space<semaphore_mem>>)
        %dma_wait3A = arith.constant 0 : i32
        %dma_wait3A_56 = tpu.memref_slice %arg17[%add3A_51, %dma_wait3A] : memref<50176x128xf32, #tpu.memory_space<hbm>> -> memref<784x128xf32, #tpu.memory_space<hbm>>
        %dma_wait3A_57 = arith.constant 0 : i32
        %dma_wait3A_58 = tpu.memref_slice %arg18[%mul3A_50, %dma_wait3A_57] : memref<12560x128xf32, #tpu.memory_space<vmem_shared>> -> memref<784x128xf32, #tpu.memory_space<vmem_shared>>
        tpu.wait_dma2 semaphore(%run_scoped3A : memref<!tpu.dma_semaphore, #tpu.memory_space<semaphore_mem>>) src(%dma_wait3A_58 : memref<784x128xf32, #tpu.memory_space<vmem_shared>>) dst(%dma_wait3A_56 : memref<784x128xf32, #tpu.memory_space<hbm>>)
        tpu.yield
      }) : () -> ()
      %barrier3A_52 = arith.constant 0 : index
      tpu.barrier barrier_id(%barrier3A_52)
    }
    %scan3A_23 = arith.constant 2 : i32
    return
  }
}

#map = affine_map<(d0, d1) -> (0, 0)>
#map1 = affine_map<(d0, d1) -> (0)>
module attributes {stable_mosaic.version = 14 : i64} {
  func.func @body(%arg0: i32, %arg1: i32, %arg2: memref<50176x128xf32, #tpu.memory_space<hbm>>, %arg3: memref<50176x128xf32, #tpu.memory_space<hbm>>, %arg4: memref<50176x128xf32, #tpu.memory_space<hbm>>, %arg5: memref<50176x128xf32, #tpu.memory_space<hbm>>, %arg6: memref<251904xi32, #tpu.memory_space<hbm>>, %arg7: memref<251904xi32, #tpu.memory_space<hbm>>, %arg8: memref<251904xi32, #tpu.memory_space<hbm>>, %arg9: memref<251904xi32, #tpu.memory_space<hbm>>, %arg10: memref<251904xi32, #tpu.memory_space<hbm>>, %arg11: memref<251904xi32, #tpu.memory_space<hbm>>, %arg12: memref<251904xi32, #tpu.memory_space<hbm>>, %arg13: memref<251904xi32, #tpu.memory_space<hbm>>, %arg14: memref<50176x128xf32, #tpu.memory_space<hbm>>, %arg15: memref<50176x128xf32, #tpu.memory_space<hbm>>, %arg16: memref<50176x128xf32, #tpu.memory_space<hbm>>, %arg17: memref<50176x128xf32, #tpu.memory_space<hbm>>, %arg18: memref<12560x128xf32, #tpu.memory_space<vmem_shared>>, %arg19: memref<128xi32, #tpu.memory_space<vmem>>, %arg20: memref<128xi32, #tpu.memory_space<vmem>>, %arg21: memref<128xi32, #tpu.memory_space<vmem>>, %arg22: memref<128xi32, #tpu.memory_space<vmem>>, %arg23: memref<128xi32, #tpu.memory_space<vmem>>, %arg24: memref<128xi32, #tpu.memory_space<vmem>>, %arg25: memref<128x128xf32, #tpu.memory_space<vmem>>, %arg26: memref<!tpu.dma_semaphore, #tpu.memory_space<semaphore_mem>>, %arg27: memref<!tpu.dma_semaphore, #tpu.memory_space<semaphore_mem>>) attributes {dimension_semantics = [#tpu.dimension_semantics<core_parallel>, #tpu.dimension_semantics<subcore_parallel>], iteration_bounds = array<i64: 2, 16>, scalar_prefetch = 0 : i64, scratch_operands = 10 : i64, tpu.core_type = #tpu.core_type<sc_vector_subcore>, window_params = [{transform_indices = #map}, {transform_indices = #map}, {transform_indices = #map}, {transform_indices = #map}, {transform_indices = #map1}, {transform_indices = #map1}, {transform_indices = #map1}, {transform_indices = #map1}, {transform_indices = #map1}, {transform_indices = #map1}, {transform_indices = #map1}, {transform_indices = #map1}, {transform_indices = #map}, {transform_indices = #map}, {transform_indices = #map}, {transform_indices = #map}]} {
    %broadcast_in_dim3A = arith.constant 0.000000e+00 : f32
    %broadcast_in_dim3A_0 = vector.broadcast %broadcast_in_dim3A : f32 to vector<16xf32>
    %scan3A = arith.constant 0 : i32
    %scan3A_1 = arith.constant 0 : i32
    %scan3A_2 = arith.constant 2 : i32
    %scan3A_3 = arith.addi %scan3A_1, %scan3A_2 : i32
    %scan3A_4 = arith.constant 1 : i32
    scf.for %scan3A_24 = %scan3A_1 to %scan3A_3 step %scan3A_4  : i32 {
      %mul3A = arith.constant 2 : i32
      %mul3A_25 = arith.muli %arg0, %mul3A : i32
      %add3A = arith.addi %mul3A_25, %scan3A_24 : i32
      %mul3A_26 = arith.constant 12544 : i32
      %mul3A_27 = arith.muli %add3A, %mul3A_26 : i32
      %mul3A_28 = arith.constant 15744 : i32
      %mul3A_29 = arith.muli %arg1, %mul3A_28 : i32
      %scan3A_30 = arith.constant 0 : i32
      %scan3A_31 = arith.constant 0 : i32
      %scan3A_32 = arith.constant 128 : i32
      %scan3A_33 = arith.addi %scan3A_31, %scan3A_32 : i32
      %scan3A_34 = arith.constant 1 : i32
      scf.for %scan3A_53 = %scan3A_31 to %scan3A_33 step %scan3A_34  : i32 {
        %swap3A = arith.index_cast %scan3A_53 : i32 to index
        %swap3A_54 = arith.constant 0 : index
        %swap3A_55 = tpu.vector_load %arg25[%swap3A, %swap3A_54] {strides = array<i32>} : memref<128x128xf32, #tpu.memory_space<vmem>>, vector<1x16xf32>,
        %swap3A_56 = vector.shape_cast %swap3A_55 : vector<1x16xf32> to vector<16xf32>
        %swap3A_57 = vector.shape_cast %broadcast_in_dim3A_0 : vector<16xf32> to vector<1x16xf32>
        tpu.vector_store %arg25[%swap3A, %swap3A_54], %swap3A_57 {strides = array<i32>} : memref<128x128xf32, #tpu.memory_space<vmem>>, vector<1x16xf32>,
        %swap3A_58 = arith.index_cast %scan3A_53 : i32 to index
        %swap3A_59 = arith.constant 16 : index
        %swap3A_60 = tpu.vector_load %arg25[%swap3A_58, %swap3A_59] {strides = array<i32>} : memref<128x128xf32, #tpu.memory_space<vmem>>, vector<1x16xf32>,
        %swap3A_61 = vector.shape_cast %swap3A_60 : vector<1x16xf32> to vector<16xf32>
        %swap3A_62 = vector.shape_cast %broadcast_in_dim3A_0 : vector<16xf32> to vector<1x16xf32>
        tpu.vector_store %arg25[%swap3A_58, %swap3A_59], %swap3A_62 {strides = array<i32>} : memref<128x128xf32, #tpu.memory_space<vmem>>, vector<1x16xf32>,
        %swap3A_63 = arith.index_cast %scan3A_53 : i32 to index
        %swap3A_64 = arith.constant 32 : index
        %swap3A_65 = tpu.vector_load %arg25[%swap3A_63, %swap3A_64] {strides = array<i32>} : memref<128x128xf32, #tpu.memory_space<vmem>>, vector<1x16xf32>,
        %swap3A_66 = vector.shape_cast %swap3A_65 : vector<1x16xf32> to vector<16xf32>
        %swap3A_67 = vector.shape_cast %broadcast_in_dim3A_0 : vector<16xf32> to vector<1x16xf32>
        tpu.vector_store %arg25[%swap3A_63, %swap3A_64], %swap3A_67 {strides = array<i32>} : memref<128x128xf32, #tpu.memory_space<vmem>>, vector<1x16xf32>,
        %swap3A_68 = arith.index_cast %scan3A_53 : i32 to index
        %swap3A_69 = arith.constant 48 : index
        %swap3A_70 = tpu.vector_load %arg25[%swap3A_68, %swap3A_69] {strides = array<i32>} : memref<128x128xf32, #tpu.memory_space<vmem>>, vector<1x16xf32>,
        %swap3A_71 = vector.shape_cast %swap3A_70 : vector<1x16xf32> to vector<16xf32>
        %swap3A_72 = vector.shape_cast %broadcast_in_dim3A_0 : vector<16xf32> to vector<1x16xf32>
        tpu.vector_store %arg25[%swap3A_68, %swap3A_69], %swap3A_72 {strides = array<i32>} : memref<128x128xf32, #tpu.memory_space<vmem>>, vector<1x16xf32>,
        %swap3A_73 = arith.index_cast %scan3A_53 : i32 to index
        %swap3A_74 = arith.constant 64 : index
        %swap3A_75 = tpu.vector_load %arg25[%swap3A_73, %swap3A_74] {strides = array<i32>} : memref<128x128xf32, #tpu.memory_space<vmem>>, vector<1x16xf32>,
        %swap3A_76 = vector.shape_cast %swap3A_75 : vector<1x16xf32> to vector<16xf32>
        %swap3A_77 = vector.shape_cast %broadcast_in_dim3A_0 : vector<16xf32> to vector<1x16xf32>
        tpu.vector_store %arg25[%swap3A_73, %swap3A_74], %swap3A_77 {strides = array<i32>} : memref<128x128xf32, #tpu.memory_space<vmem>>, vector<1x16xf32>,
        %swap3A_78 = arith.index_cast %scan3A_53 : i32 to index
        %swap3A_79 = arith.constant 80 : index
        %swap3A_80 = tpu.vector_load %arg25[%swap3A_78, %swap3A_79] {strides = array<i32>} : memref<128x128xf32, #tpu.memory_space<vmem>>, vector<1x16xf32>,
        %swap3A_81 = vector.shape_cast %swap3A_80 : vector<1x16xf32> to vector<16xf32>
        %swap3A_82 = vector.shape_cast %broadcast_in_dim3A_0 : vector<16xf32> to vector<1x16xf32>
        tpu.vector_store %arg25[%swap3A_78, %swap3A_79], %swap3A_82 {strides = array<i32>} : memref<128x128xf32, #tpu.memory_space<vmem>>, vector<1x16xf32>,
        %swap3A_83 = arith.index_cast %scan3A_53 : i32 to index
        %swap3A_84 = arith.constant 96 : index
        %swap3A_85 = tpu.vector_load %arg25[%swap3A_83, %swap3A_84] {strides = array<i32>} : memref<128x128xf32, #tpu.memory_space<vmem>>, vector<1x16xf32>,
        %swap3A_86 = vector.shape_cast %swap3A_85 : vector<1x16xf32> to vector<16xf32>
        %swap3A_87 = vector.shape_cast %broadcast_in_dim3A_0 : vector<16xf32> to vector<1x16xf32>
        tpu.vector_store %arg25[%swap3A_83, %swap3A_84], %swap3A_87 {strides = array<i32>} : memref<128x128xf32, #tpu.memory_space<vmem>>, vector<1x16xf32>,
        %swap3A_88 = arith.index_cast %scan3A_53 : i32 to index
        %swap3A_89 = arith.constant 112 : index
        %swap3A_90 = tpu.vector_load %arg25[%swap3A_88, %swap3A_89] {strides = array<i32>} : memref<128x128xf32, #tpu.memory_space<vmem>>, vector<1x16xf32>,
        %swap3A_91 = vector.shape_cast %swap3A_90 : vector<1x16xf32> to vector<16xf32>
        %swap3A_92 = vector.shape_cast %broadcast_in_dim3A_0 : vector<16xf32> to vector<1x16xf32>
        tpu.vector_store %arg25[%swap3A_88, %swap3A_89], %swap3A_92 {strides = array<i32>} : memref<128x128xf32, #tpu.memory_space<vmem>>, vector<1x16xf32>,
      }
      %scan3A_35 = arith.constant 128 : i32
      %scan3A_36 = arith.constant 0 : i32
      %scan3A_37 = arith.constant 0 : i32
      %scan3A_38 = arith.constant 7 : i32
      %scan3A_39 = arith.addi %scan3A_37, %scan3A_38 : i32
      %scan3A_40 = arith.constant 1 : i32
      scf.for %scan3A_53 = %scan3A_37 to %scan3A_39 step %scan3A_40  : i32 {
        %mul3A_54 = arith.constant 128 : i32
        %mul3A_55 = arith.muli %scan3A_53, %mul3A_54 : i32
        %min3A = arith.constant 657 : i32
        %min3A_56 = arith.minsi %mul3A_55, %min3A : i32
        %mul3A_57 = arith.constant 785 : i32
        %mul3A_58 = arith.muli %arg1, %mul3A_57 : i32
        %add3A_59 = arith.addi %mul3A_58, %min3A_56 : i32
        "tpu.region"() ({
          %run_scoped3A = tpu.sem_alloc : memref<!tpu.dma_semaphore, #tpu.memory_space<semaphore_mem>>
          %dma_start3A = arith.constant 0 : i32
          %dma_start3A_60 = tpu.memref_slice %arg18[%add3A_59, %dma_start3A] : memref<12560x128xf32, #tpu.memory_space<vmem_shared>> -> memref<128x128xf32, #tpu.memory_space<vmem_shared>>
          %dma_start3A_61 = arith.constant 0 : i32
          %dma_start3A_62 = tpu.memref_slice %arg18[%add3A_59, %dma_start3A_61] : memref<12560x128xf32, #tpu.memory_space<vmem_shared>> -> memref<128x128xf32, #tpu.memory_space<vmem_shared>>
          tpu.enqueue_dma source(%arg25 : memref<128x128xf32, #tpu.memory_space<vmem>>) target(%dma_start3A_62 : memref<128x128xf32, #tpu.memory_space<vmem_shared>>) target_semaphore(%run_scoped3A : memref<!tpu.dma_semaphore, #tpu.memory_space<semaphore_mem>>)
          %dma_wait3A = arith.constant 0 : i32
          %dma_wait3A_63 = tpu.memref_slice %arg18[%add3A_59, %dma_wait3A] : memref<12560x128xf32, #tpu.memory_space<vmem_shared>> -> memref<128x128xf32, #tpu.memory_space<vmem_shared>>
          %dma_wait3A_64 = arith.constant 0 : i32
          %dma_wait3A_65 = tpu.memref_slice %arg18[%add3A_59, %dma_wait3A_64] : memref<12560x128xf32, #tpu.memory_space<vmem_shared>> -> memref<128x128xf32, #tpu.memory_space<vmem_shared>>
          tpu.wait_dma2 semaphore(%run_scoped3A : memref<!tpu.dma_semaphore, #tpu.memory_space<semaphore_mem>>) src(%arg25 : memref<128x128xf32, #tpu.memory_space<vmem>>) dst(%dma_wait3A_65 : memref<128x128xf32, #tpu.memory_space<vmem_shared>>)
          tpu.yield
        }) : () -> ()
      }
      %scan3A_41 = arith.constant 7 : i32
      %barrier3A = arith.constant 0 : index
      tpu.barrier barrier_id(%barrier3A)
      %scan3A_42 = arith.constant 0 : i32
      %scan3A_43 = arith.constant 0 : i32
      %scan3A_44 = arith.constant 123 : i32
      %scan3A_45 = arith.addi %scan3A_43, %scan3A_44 : i32
      %scan3A_46 = arith.constant 1 : i32
      scf.for %scan3A_53 = %scan3A_43 to %scan3A_45 step %scan3A_46  : i32 {
        %mul3A_54 = arith.constant 128 : i32
        %mul3A_55 = arith.muli %scan3A_53, %mul3A_54 : i32
        %add3A_56 = arith.addi %mul3A_29, %mul3A_55 : i32
        %dma_start3A = tpu.memref_slice %arg6[%add3A_56] : memref<251904xi32, #tpu.memory_space<hbm>> -> memref<128xi32, #tpu.memory_space<hbm>>
        %dma_start3A_57 = tpu.memref_slice %arg6[%add3A_56] : memref<251904xi32, #tpu.memory_space<hbm>> -> memref<128xi32, #tpu.memory_space<hbm>>
        tpu.enqueue_dma source(%dma_start3A_57 : memref<128xi32, #tpu.memory_space<hbm>>) target(%arg19 : memref<128xi32, #tpu.memory_space<vmem>>) target_semaphore(%arg26 : memref<!tpu.dma_semaphore, #tpu.memory_space<semaphore_mem>>)
        %dma_start3A_58 = tpu.memref_slice %arg10[%add3A_56] : memref<251904xi32, #tpu.memory_space<hbm>> -> memref<128xi32, #tpu.memory_space<hbm>>
        %dma_start3A_59 = tpu.memref_slice %arg10[%add3A_56] : memref<251904xi32, #tpu.memory_space<hbm>> -> memref<128xi32, #tpu.memory_space<hbm>>
        tpu.enqueue_dma source(%dma_start3A_59 : memref<128xi32, #tpu.memory_space<hbm>>) target(%arg21 : memref<128xi32, #tpu.memory_space<vmem>>) target_semaphore(%arg27 : memref<!tpu.dma_semaphore, #tpu.memory_space<semaphore_mem>>)
        %dma_wait3A = tpu.memref_slice %arg10[%add3A_56] : memref<251904xi32, #tpu.memory_space<hbm>> -> memref<128xi32, #tpu.memory_space<hbm>>
        %dma_wait3A_60 = tpu.memref_slice %arg10[%add3A_56] : memref<251904xi32, #tpu.memory_space<hbm>> -> memref<128xi32, #tpu.memory_space<hbm>>
        tpu.wait_dma2 semaphore(%arg27 : memref<!tpu.dma_semaphore, #tpu.memory_space<semaphore_mem>>) src(%dma_wait3A_60 : memref<128xi32, #tpu.memory_space<hbm>>) dst(%arg21 : memref<128xi32, #tpu.memory_space<vmem>>)
        %scan3A_61 = arith.constant 0 : i32
        %scan3A_62 = arith.constant 0 : i32
        %scan3A_63 = arith.constant 8 : i32
        %scan3A_64 = arith.addi %scan3A_62, %scan3A_63 : i32
        %scan3A_65 = arith.constant 1 : i32
        scf.for %scan3A_69 = %scan3A_62 to %scan3A_64 step %scan3A_65  : i32 {
          %mul3A_70 = arith.constant 16 : i32
          %mul3A_71 = arith.muli %scan3A_69, %mul3A_70 : i32
          %get3A = arith.index_cast %mul3A_71 : i32 to index
          %get3A_72 = tpu.vector_load %arg21[%get3A] {strides = array<i32>} : memref<128xi32, #tpu.memory_space<vmem>>, vector<16xi32>,
          %get3A_73 = vector.shape_cast %get3A_72 : vector<16xi32> to vector<16xi32>
          %ge3A = vector.broadcast %mul3A_27 : i32 to vector<16xi32>
          %ge3A_74 = arith.cmpi sge, %get3A_73, %ge3A : vector<16xi32>
          %add3A_75 = arith.constant 12544 : i32
          %add3A_76 = arith.addi %mul3A_27, %add3A_75 : i32
          %lt3A = vector.broadcast %add3A_76 : i32 to vector<16xi32>
          %lt3A_77 = arith.cmpi slt, %get3A_73, %lt3A : vector<16xi32>
          %and3A = arith.andi %ge3A_74, %lt3A_77 : vector<16xi1>
          %sub3A = vector.broadcast %mul3A_27 : i32 to vector<16xi32>
          %sub3A_78 = arith.subi %get3A_73, %sub3A : vector<16xi32>
          %jit3A = arith.constant 12544 : i32
          %broadcast_in_dim3A_79 = vector.broadcast %jit3A : i32 to vector<16xi32>
          %select_n3A = arith.select %and3A, %sub3A_78, %broadcast_in_dim3A_79 : vector<16xi1>, vector<16xi32>
          %mul3A_80 = arith.constant 16 : i32
          %mul3A_81 = arith.muli %scan3A_69, %mul3A_80 : i32
          %swap3A = arith.index_cast %mul3A_81 : i32 to index
          %swap3A_82 = tpu.vector_load %arg23[%swap3A] {strides = array<i32>} : memref<128xi32, #tpu.memory_space<vmem>>, vector<16xi32>,
          %swap3A_83 = vector.shape_cast %swap3A_82 : vector<16xi32> to vector<16xi32>
          %swap3A_84 = vector.shape_cast %select_n3A : vector<16xi32> to vector<16xi32>
          tpu.vector_store %arg23[%swap3A], %swap3A_84 {strides = array<i32>} : memref<128xi32, #tpu.memory_space<vmem>>, vector<16xi32>,
        }
        %scan3A_66 = arith.constant 8 : i32
        %dma_wait3A_67 = tpu.memref_slice %arg6[%add3A_56] : memref<251904xi32, #tpu.memory_space<hbm>> -> memref<128xi32, #tpu.memory_space<hbm>>
        %dma_wait3A_68 = tpu.memref_slice %arg6[%add3A_56] : memref<251904xi32, #tpu.memory_space<hbm>> -> memref<128xi32, #tpu.memory_space<hbm>>
        tpu.wait_dma2 semaphore(%arg26 : memref<!tpu.dma_semaphore, #tpu.memory_space<semaphore_mem>>) src(%dma_wait3A_68 : memref<128xi32, #tpu.memory_space<hbm>>) dst(%arg19 : memref<128xi32, #tpu.memory_space<vmem>>)
        "tpu.region"() ({
          %run_scoped3A = tpu.sem_alloc : memref<!tpu.dma_semaphore, #tpu.memory_space<semaphore_mem>>
          %dma_start3A_69 = arith.constant 0 : i32
          %dma_start3A_70 = arith.constant 0 : i32
          %dma_start3A_71 = tpu.memref_slice %arg2[%dma_start3A_69, %dma_start3A_70] : memref<50176x128xf32, #tpu.memory_space<hbm>> -> memref<50176x128xf32, #tpu.memory_space<hbm>>
          tpu.enqueue_indirect_dma source(%dma_start3A_71 : memref<50176x128xf32, #tpu.memory_space<hbm>>) target(%arg25 : memref<128x128xf32, #tpu.memory_space<vmem>>) offsets(%arg19 : memref<128xi32, #tpu.memory_space<vmem>>) semaphore(%run_scoped3A : memref<!tpu.dma_semaphore, #tpu.memory_space<semaphore_mem>>)
          %dma_wait3A_72 = arith.constant 0 : i32
          %dma_wait3A_73 = arith.constant 0 : i32
          %dma_wait3A_74 = tpu.memref_slice %arg2[%dma_wait3A_72, %dma_wait3A_73] : memref<50176x128xf32, #tpu.memory_space<hbm>> -> memref<50176x128xf32, #tpu.memory_space<hbm>>
          tpu.wait_indirect_dma semaphore(%run_scoped3A : memref<!tpu.dma_semaphore, #tpu.memory_space<semaphore_mem>>) src(%dma_wait3A_74 : memref<50176x128xf32, #tpu.memory_space<hbm>>) dst(%arg25 : memref<128x128xf32, #tpu.memory_space<vmem>>)
          tpu.yield
        }) : () -> ()
        "tpu.region"() ({
          %run_scoped3A = tpu.sem_alloc : memref<!tpu.dma_semaphore, #tpu.memory_space<semaphore_mem>>
          %dma_start3A_69 = arith.constant 0 : i32
          %dma_start3A_70 = arith.constant 0 : i32
          %dma_start3A_71 = tpu.memref_slice %arg18[%dma_start3A_69, %dma_start3A_70] : memref<12560x128xf32, #tpu.memory_space<vmem_shared>> -> memref<12560x128xf32, #tpu.memory_space<vmem_shared>>
          tpu.enqueue_indirect_dma source(%arg25 : memref<128x128xf32, #tpu.memory_space<vmem>>) target(%dma_start3A_71 : memref<12560x128xf32, #tpu.memory_space<vmem_shared>>) offsets(%arg23 : memref<128xi32, #tpu.memory_space<vmem>>) semaphore(%run_scoped3A : memref<!tpu.dma_semaphore, #tpu.memory_space<semaphore_mem>>) {add = true}
          %dma_wait3A_72 = arith.constant 0 : i32
          %dma_wait3A_73 = arith.constant 0 : i32
          %dma_wait3A_74 = tpu.memref_slice %arg18[%dma_wait3A_72, %dma_wait3A_73] : memref<12560x128xf32, #tpu.memory_space<vmem_shared>> -> memref<12560x128xf32, #tpu.memory_space<vmem_shared>>
          tpu.wait_indirect_dma semaphore(%run_scoped3A : memref<!tpu.dma_semaphore, #tpu.memory_space<semaphore_mem>>) src(%arg25 : memref<128x128xf32, #tpu.memory_space<vmem>>) dst(%dma_wait3A_74 : memref<12560x128xf32, #tpu.memory_space<vmem_shared>>)
          tpu.yield
        }) : () -> ()
      }
      %scan3A_47 = arith.constant 123 : i32
      %barrier3A_48 = arith.constant 0 : index
      tpu.barrier barrier_id(%barrier3A_48)
      %mul3A_49 = arith.constant 784 : i32
      %mul3A_50 = arith.muli %arg1, %mul3A_49 : i32
      %add3A_51 = arith.addi %mul3A_27, %mul3A_50 : i32
      "tpu.region"() ({
        %run_scoped3A = tpu.sem_alloc : memref<!tpu.dma_semaphore, #tpu.memory_space<semaphore_mem>>
        %dma_start3A = arith.constant 0 : i32
        %dma_start3A_53 = tpu.memref_slice %arg14[%add3A_51, %dma_start3A] : memref<50176x128xf32, #tpu.memory_space<hbm>> -> memref<784x128xf32, #tpu.memory_space<hbm>>
        %dma_start3A_54 = arith.constant 0 : i32
        %dma_start3A_55 = tpu.memref_slice %arg18[%mul3A_50, %dma_start3A_54] : memref<12560x128xf32, #tpu.memory_space<vmem_shared>> -> memref<784x128xf32, #tpu.memory_space<vmem_shared>>
        tpu.enqueue_dma source(%dma_start3A_55 : memref<784x128xf32, #tpu.memory_space<vmem_shared>>) target(%dma_start3A_53 : memref<784x128xf32, #tpu.memory_space<hbm>>) target_semaphore(%run_scoped3A : memref<!tpu.dma_semaphore, #tpu.memory_space<semaphore_mem>>)
        %dma_wait3A = arith.constant 0 : i32
        %dma_wait3A_56 = tpu.memref_slice %arg14[%add3A_51, %dma_wait3A] : memref<50176x128xf32, #tpu.memory_space<hbm>> -> memref<784x128xf32, #tpu.memory_space<hbm>>
        %dma_wait3A_57 = arith.constant 0 : i32
        %dma_wait3A_58 = tpu.memref_slice %arg18[%mul3A_50, %dma_wait3A_57] : memref<12560x128xf32, #tpu.memory_space<vmem_shared>> -> memref<784x128xf32, #tpu.memory_space<vmem_shared>>
        tpu.wait_dma2 semaphore(%run_scoped3A : memref<!tpu.dma_semaphore, #tpu.memory_space<semaphore_mem>>) src(%dma_wait3A_58 : memref<784x128xf32, #tpu.memory_space<vmem_shared>>) dst(%dma_wait3A_56 : memref<784x128xf32, #tpu.memory_space<hbm>>)
        tpu.yield
      }) : () -> ()
      %barrier3A_52 = arith.constant 0 : index
      tpu.barrier barrier_id(%barrier3A_52)
    }
    %scan3A_5 = arith.constant 2 : i32
    %scan3A_6 = arith.constant 0 : i32
    %scan3A_7 = arith.constant 0 : i32
    %scan3A_8 = arith.constant 2 : i32
    %scan3A_9 = arith.addi %scan3A_7, %scan3A_8 : i32
    %scan3A_10 = arith.constant 1 : i32
    scf.for %scan3A_24 = %scan3A_7 to %scan3A_9 step %scan3A_10  : i32 {
      %mul3A = arith.constant 2 : i32
      %mul3A_25 = arith.muli %arg0, %mul3A : i32
      %add3A = arith.addi %mul3A_25, %scan3A_24 : i32
      %mul3A_26 = arith.constant 12544 : i32
      %mul3A_27 = arith.muli %add3A, %mul3A_26 : i32
      %mul3A_28 = arith.constant 15744 : i32
      %mul3A_29 = arith.muli %arg1, %mul3A_28 : i32
      %scan3A_30 = arith.constant 0 : i32
      %scan3A_31 = arith.constant 0 : i32
      %scan3A_32 = arith.constant 128 : i32
      %scan3A_33 = arith.addi %scan3A_31, %scan3A_32 : i32
      %scan3A_34 = arith.constant 1 : i32
      scf.for %scan3A_53 = %scan3A_31 to %scan3A_33 step %scan3A_34  : i32 {
        %swap3A = arith.index_cast %scan3A_53 : i32 to index
        %swap3A_54 = arith.constant 0 : index
        %swap3A_55 = tpu.vector_load %arg25[%swap3A, %swap3A_54] {strides = array<i32>} : memref<128x128xf32, #tpu.memory_space<vmem>>, vector<1x16xf32>,
        %swap3A_56 = vector.shape_cast %swap3A_55 : vector<1x16xf32> to vector<16xf32>
        %swap3A_57 = vector.shape_cast %broadcast_in_dim3A_0 : vector<16xf32> to vector<1x16xf32>
        tpu.vector_store %arg25[%swap3A, %swap3A_54], %swap3A_57 {strides = array<i32>} : memref<128x128xf32, #tpu.memory_space<vmem>>, vector<1x16xf32>,
        %swap3A_58 = arith.index_cast %scan3A_53 : i32 to index
        %swap3A_59 = arith.constant 16 : index
        %swap3A_60 = tpu.vector_load %arg25[%swap3A_58, %swap3A_59] {strides = array<i32>} : memref<128x128xf32, #tpu.memory_space<vmem>>, vector<1x16xf32>,
        %swap3A_61 = vector.shape_cast %swap3A_60 : vector<1x16xf32> to vector<16xf32>
        %swap3A_62 = vector.shape_cast %broadcast_in_dim3A_0 : vector<16xf32> to vector<1x16xf32>
        tpu.vector_store %arg25[%swap3A_58, %swap3A_59], %swap3A_62 {strides = array<i32>} : memref<128x128xf32, #tpu.memory_space<vmem>>, vector<1x16xf32>,
        %swap3A_63 = arith.index_cast %scan3A_53 : i32 to index
        %swap3A_64 = arith.constant 32 : index
        %swap3A_65 = tpu.vector_load %arg25[%swap3A_63, %swap3A_64] {strides = array<i32>} : memref<128x128xf32, #tpu.memory_space<vmem>>, vector<1x16xf32>,
        %swap3A_66 = vector.shape_cast %swap3A_65 : vector<1x16xf32> to vector<16xf32>
        %swap3A_67 = vector.shape_cast %broadcast_in_dim3A_0 : vector<16xf32> to vector<1x16xf32>
        tpu.vector_store %arg25[%swap3A_63, %swap3A_64], %swap3A_67 {strides = array<i32>} : memref<128x128xf32, #tpu.memory_space<vmem>>, vector<1x16xf32>,
        %swap3A_68 = arith.index_cast %scan3A_53 : i32 to index
        %swap3A_69 = arith.constant 48 : index
        %swap3A_70 = tpu.vector_load %arg25[%swap3A_68, %swap3A_69] {strides = array<i32>} : memref<128x128xf32, #tpu.memory_space<vmem>>, vector<1x16xf32>,
        %swap3A_71 = vector.shape_cast %swap3A_70 : vector<1x16xf32> to vector<16xf32>
        %swap3A_72 = vector.shape_cast %broadcast_in_dim3A_0 : vector<16xf32> to vector<1x16xf32>
        tpu.vector_store %arg25[%swap3A_68, %swap3A_69], %swap3A_72 {strides = array<i32>} : memref<128x128xf32, #tpu.memory_space<vmem>>, vector<1x16xf32>,
        %swap3A_73 = arith.index_cast %scan3A_53 : i32 to index
        %swap3A_74 = arith.constant 64 : index
        %swap3A_75 = tpu.vector_load %arg25[%swap3A_73, %swap3A_74] {strides = array<i32>} : memref<128x128xf32, #tpu.memory_space<vmem>>, vector<1x16xf32>,
        %swap3A_76 = vector.shape_cast %swap3A_75 : vector<1x16xf32> to vector<16xf32>
        %swap3A_77 = vector.shape_cast %broadcast_in_dim3A_0 : vector<16xf32> to vector<1x16xf32>
        tpu.vector_store %arg25[%swap3A_73, %swap3A_74], %swap3A_77 {strides = array<i32>} : memref<128x128xf32, #tpu.memory_space<vmem>>, vector<1x16xf32>,
        %swap3A_78 = arith.index_cast %scan3A_53 : i32 to index
        %swap3A_79 = arith.constant 80 : index
        %swap3A_80 = tpu.vector_load %arg25[%swap3A_78, %swap3A_79] {strides = array<i32>} : memref<128x128xf32, #tpu.memory_space<vmem>>, vector<1x16xf32>,
        %swap3A_81 = vector.shape_cast %swap3A_80 : vector<1x16xf32> to vector<16xf32>
        %swap3A_82 = vector.shape_cast %broadcast_in_dim3A_0 : vector<16xf32> to vector<1x16xf32>
        tpu.vector_store %arg25[%swap3A_78, %swap3A_79], %swap3A_82 {strides = array<i32>} : memref<128x128xf32, #tpu.memory_space<vmem>>, vector<1x16xf32>,
        %swap3A_83 = arith.index_cast %scan3A_53 : i32 to index
        %swap3A_84 = arith.constant 96 : index
        %swap3A_85 = tpu.vector_load %arg25[%swap3A_83, %swap3A_84] {strides = array<i32>} : memref<128x128xf32, #tpu.memory_space<vmem>>, vector<1x16xf32>,
        %swap3A_86 = vector.shape_cast %swap3A_85 : vector<1x16xf32> to vector<16xf32>
        %swap3A_87 = vector.shape_cast %broadcast_in_dim3A_0 : vector<16xf32> to vector<1x16xf32>
        tpu.vector_store %arg25[%swap3A_83, %swap3A_84], %swap3A_87 {strides = array<i32>} : memref<128x128xf32, #tpu.memory_space<vmem>>, vector<1x16xf32>,
        %swap3A_88 = arith.index_cast %scan3A_53 : i32 to index
        %swap3A_89 = arith.constant 112 : index
        %swap3A_90 = tpu.vector_load %arg25[%swap3A_88, %swap3A_89] {strides = array<i32>} : memref<128x128xf32, #tpu.memory_space<vmem>>, vector<1x16xf32>,
        %swap3A_91 = vector.shape_cast %swap3A_90 : vector<1x16xf32> to vector<16xf32>
        %swap3A_92 = vector.shape_cast %broadcast_in_dim3A_0 : vector<16xf32> to vector<1x16xf32>
        tpu.vector_store %arg25[%swap3A_88, %swap3A_89], %swap3A_92 {strides = array<i32>} : memref<128x128xf32, #tpu.memory_space<vmem>>, vector<1x16xf32>,
      }
      %scan3A_35 = arith.constant 128 : i32
      %scan3A_36 = arith.constant 0 : i32
      %scan3A_37 = arith.constant 0 : i32
      %scan3A_38 = arith.constant 7 : i32
      %scan3A_39 = arith.addi %scan3A_37, %scan3A_38 : i32
      %scan3A_40 = arith.constant 1 : i32
      scf.for %scan3A_53 = %scan3A_37 to %scan3A_39 step %scan3A_40  : i32 {
        %mul3A_54 = arith.constant 128 : i32
        %mul3A_55 = arith.muli %scan3A_53, %mul3A_54 : i32
        %min3A = arith.constant 657 : i32
        %min3A_56 = arith.minsi %mul3A_55, %min3A : i32
        %mul3A_57 = arith.constant 785 : i32
        %mul3A_58 = arith.muli %arg1, %mul3A_57 : i32
        %add3A_59 = arith.addi %mul3A_58, %min3A_56 : i32
        "tpu.region"() ({
          %run_scoped3A = tpu.sem_alloc : memref<!tpu.dma_semaphore, #tpu.memory_space<semaphore_mem>>
          %dma_start3A = arith.constant 0 : i32
          %dma_start3A_60 = tpu.memref_slice %arg18[%add3A_59, %dma_start3A] : memref<12560x128xf32, #tpu.memory_space<vmem_shared>> -> memref<128x128xf32, #tpu.memory_space<vmem_shared>>
          %dma_start3A_61 = arith.constant 0 : i32
          %dma_start3A_62 = tpu.memref_slice %arg18[%add3A_59, %dma_start3A_61] : memref<12560x128xf32, #tpu.memory_space<vmem_shared>> -> memref<128x128xf32, #tpu.memory_space<vmem_shared>>
          tpu.enqueue_dma source(%arg25 : memref<128x128xf32, #tpu.memory_space<vmem>>) target(%dma_start3A_62 : memref<128x128xf32, #tpu.memory_space<vmem_shared>>) target_semaphore(%run_scoped3A : memref<!tpu.dma_semaphore, #tpu.memory_space<semaphore_mem>>)
          %dma_wait3A = arith.constant 0 : i32
          %dma_wait3A_63 = tpu.memref_slice %arg18[%add3A_59, %dma_wait3A] : memref<12560x128xf32, #tpu.memory_space<vmem_shared>> -> memref<128x128xf32, #tpu.memory_space<vmem_shared>>
          %dma_wait3A_64 = arith.constant 0 : i32
          %dma_wait3A_65 = tpu.memref_slice %arg18[%add3A_59, %dma_wait3A_64] : memref<12560x128xf32, #tpu.memory_space<vmem_shared>> -> memref<128x128xf32, #tpu.memory_space<vmem_shared>>
          tpu.wait_dma2 semaphore(%run_scoped3A : memref<!tpu.dma_semaphore, #tpu.memory_space<semaphore_mem>>) src(%arg25 : memref<128x128xf32, #tpu.memory_space<vmem>>) dst(%dma_wait3A_65 : memref<128x128xf32, #tpu.memory_space<vmem_shared>>)
          tpu.yield
        }) : () -> ()
      }
      %scan3A_41 = arith.constant 7 : i32
      %barrier3A = arith.constant 0 : index
      tpu.barrier barrier_id(%barrier3A)
      %scan3A_42 = arith.constant 0 : i32
      %scan3A_43 = arith.constant 0 : i32
      %scan3A_44 = arith.constant 123 : i32
      %scan3A_45 = arith.addi %scan3A_43, %scan3A_44 : i32
      %scan3A_46 = arith.constant 1 : i32
      scf.for %scan3A_53 = %scan3A_43 to %scan3A_45 step %scan3A_46  : i32 {
        %mul3A_54 = arith.constant 128 : i32
        %mul3A_55 = arith.muli %scan3A_53, %mul3A_54 : i32
        %add3A_56 = arith.addi %mul3A_29, %mul3A_55 : i32
        %dma_start3A = tpu.memref_slice %arg7[%add3A_56] : memref<251904xi32, #tpu.memory_space<hbm>> -> memref<128xi32, #tpu.memory_space<hbm>>
        %dma_start3A_57 = tpu.memref_slice %arg7[%add3A_56] : memref<251904xi32, #tpu.memory_space<hbm>> -> memref<128xi32, #tpu.memory_space<hbm>>
        tpu.enqueue_dma source(%dma_start3A_57 : memref<128xi32, #tpu.memory_space<hbm>>) target(%arg19 : memref<128xi32, #tpu.memory_space<vmem>>) target_semaphore(%arg26 : memref<!tpu.dma_semaphore, #tpu.memory_space<semaphore_mem>>)
        %dma_start3A_58 = tpu.memref_slice %arg11[%add3A_56] : memref<251904xi32, #tpu.memory_space<hbm>> -> memref<128xi32, #tpu.memory_space<hbm>>
        %dma_start3A_59 = tpu.memref_slice %arg11[%add3A_56] : memref<251904xi32, #tpu.memory_space<hbm>> -> memref<128xi32, #tpu.memory_space<hbm>>
        tpu.enqueue_dma source(%dma_start3A_59 : memref<128xi32, #tpu.memory_space<hbm>>) target(%arg21 : memref<128xi32, #tpu.memory_space<vmem>>) target_semaphore(%arg27 : memref<!tpu.dma_semaphore, #tpu.memory_space<semaphore_mem>>)
        %dma_wait3A = tpu.memref_slice %arg11[%add3A_56] : memref<251904xi32, #tpu.memory_space<hbm>> -> memref<128xi32, #tpu.memory_space<hbm>>
        %dma_wait3A_60 = tpu.memref_slice %arg11[%add3A_56] : memref<251904xi32, #tpu.memory_space<hbm>> -> memref<128xi32, #tpu.memory_space<hbm>>
        tpu.wait_dma2 semaphore(%arg27 : memref<!tpu.dma_semaphore, #tpu.memory_space<semaphore_mem>>) src(%dma_wait3A_60 : memref<128xi32, #tpu.memory_space<hbm>>) dst(%arg21 : memref<128xi32, #tpu.memory_space<vmem>>)
        %scan3A_61 = arith.constant 0 : i32
        %scan3A_62 = arith.constant 0 : i32
        %scan3A_63 = arith.constant 8 : i32
        %scan3A_64 = arith.addi %scan3A_62, %scan3A_63 : i32
        %scan3A_65 = arith.constant 1 : i32
        scf.for %scan3A_69 = %scan3A_62 to %scan3A_64 step %scan3A_65  : i32 {
          %mul3A_70 = arith.constant 16 : i32
          %mul3A_71 = arith.muli %scan3A_69, %mul3A_70 : i32
          %get3A = arith.index_cast %mul3A_71 : i32 to index
          %get3A_72 = tpu.vector_load %arg21[%get3A] {strides = array<i32>} : memref<128xi32, #tpu.memory_space<vmem>>, vector<16xi32>,
          %get3A_73 = vector.shape_cast %get3A_72 : vector<16xi32> to vector<16xi32>
          %ge3A = vector.broadcast %mul3A_27 : i32 to vector<16xi32>
          %ge3A_74 = arith.cmpi sge, %get3A_73, %ge3A : vector<16xi32>
          %add3A_75 = arith.constant 12544 : i32
          %add3A_76 = arith.addi %mul3A_27, %add3A_75 : i32
          %lt3A = vector.broadcast %add3A_76 : i32 to vector<16xi32>
          %lt3A_77 = arith.cmpi slt, %get3A_73, %lt3A : vector<16xi32>
          %and3A = arith.andi %ge3A_74, %lt3A_77 : vector<16xi1>
          %sub3A = vector.broadcast %mul3A_27 : i32 to vector<16xi32>
          %sub3A_78 = arith.subi %get3A_73, %sub3A : vector<16xi32>
          %jit3A = arith.constant 12544 : i32
          %broadcast_in_dim3A_79 = vector.broadcast %jit3A : i32 to vector<16xi32>
          %select_n3A = arith.select %and3A, %sub3A_78, %broadcast_in_dim3A_79 : vector<16xi1>, vector<16xi32>
          %mul3A_80 = arith.constant 16 : i32
          %mul3A_81 = arith.muli %scan3A_69, %mul3A_80 : i32
          %swap3A = arith.index_cast %mul3A_81 : i32 to index
          %swap3A_82 = tpu.vector_load %arg23[%swap3A] {strides = array<i32>} : memref<128xi32, #tpu.memory_space<vmem>>, vector<16xi32>,
          %swap3A_83 = vector.shape_cast %swap3A_82 : vector<16xi32> to vector<16xi32>
          %swap3A_84 = vector.shape_cast %select_n3A : vector<16xi32> to vector<16xi32>
          tpu.vector_store %arg23[%swap3A], %swap3A_84 {strides = array<i32>} : memref<128xi32, #tpu.memory_space<vmem>>, vector<16xi32>,
        }
        %scan3A_66 = arith.constant 8 : i32
        %dma_wait3A_67 = tpu.memref_slice %arg7[%add3A_56] : memref<251904xi32, #tpu.memory_space<hbm>> -> memref<128xi32, #tpu.memory_space<hbm>>
        %dma_wait3A_68 = tpu.memref_slice %arg7[%add3A_56] : memref<251904xi32, #tpu.memory_space<hbm>> -> memref<128xi32, #tpu.memory_space<hbm>>
        tpu.wait_dma2 semaphore(%arg26 : memref<!tpu.dma_semaphore, #tpu.memory_space<semaphore_mem>>) src(%dma_wait3A_68 : memref<128xi32, #tpu.memory_space<hbm>>) dst(%arg19 : memref<128xi32, #tpu.memory_space<vmem>>)
        "tpu.region"() ({
          %run_scoped3A = tpu.sem_alloc : memref<!tpu.dma_semaphore, #tpu.memory_space<semaphore_mem>>
          %dma_start3A_69 = arith.constant 0 : i32
          %dma_start3A_70 = arith.constant 0 : i32
          %dma_start3A_71 = tpu.memref_slice %arg3[%dma_start3A_69, %dma_start3A_70] : memref<50176x128xf32, #tpu.memory_space<hbm>> -> memref<50176x128xf32, #tpu.memory_space<hbm>>
          tpu.enqueue_indirect_dma source(%dma_start3A_71 : memref<50176x128xf32, #tpu.memory_space<hbm>>) target(%arg25 : memref<128x128xf32, #tpu.memory_space<vmem>>) offsets(%arg19 : memref<128xi32, #tpu.memory_space<vmem>>) semaphore(%run_scoped3A : memref<!tpu.dma_semaphore, #tpu.memory_space<semaphore_mem>>)
          %dma_wait3A_72 = arith.constant 0 : i32
          %dma_wait3A_73 = arith.constant 0 : i32
          %dma_wait3A_74 = tpu.memref_slice %arg3[%dma_wait3A_72, %dma_wait3A_73] : memref<50176x128xf32, #tpu.memory_space<hbm>> -> memref<50176x128xf32, #tpu.memory_space<hbm>>
          tpu.wait_indirect_dma semaphore(%run_scoped3A : memref<!tpu.dma_semaphore, #tpu.memory_space<semaphore_mem>>) src(%dma_wait3A_74 : memref<50176x128xf32, #tpu.memory_space<hbm>>) dst(%arg25 : memref<128x128xf32, #tpu.memory_space<vmem>>)
          tpu.yield
        }) : () -> ()
        "tpu.region"() ({
          %run_scoped3A = tpu.sem_alloc : memref<!tpu.dma_semaphore, #tpu.memory_space<semaphore_mem>>
          %dma_start3A_69 = arith.constant 0 : i32
          %dma_start3A_70 = arith.constant 0 : i32
          %dma_start3A_71 = tpu.memref_slice %arg18[%dma_start3A_69, %dma_start3A_70] : memref<12560x128xf32, #tpu.memory_space<vmem_shared>> -> memref<12560x128xf32, #tpu.memory_space<vmem_shared>>
          tpu.enqueue_indirect_dma source(%arg25 : memref<128x128xf32, #tpu.memory_space<vmem>>) target(%dma_start3A_71 : memref<12560x128xf32, #tpu.memory_space<vmem_shared>>) offsets(%arg23 : memref<128xi32, #tpu.memory_space<vmem>>) semaphore(%run_scoped3A : memref<!tpu.dma_semaphore, #tpu.memory_space<semaphore_mem>>) {add = true}
          %dma_wait3A_72 = arith.constant 0 : i32
          %dma_wait3A_73 = arith.constant 0 : i32
          %dma_wait3A_74 = tpu.memref_slice %arg18[%dma_wait3A_72, %dma_wait3A_73] : memref<12560x128xf32, #tpu.memory_space<vmem_shared>> -> memref<12560x128xf32, #tpu.memory_space<vmem_shared>>
          tpu.wait_indirect_dma semaphore(%run_scoped3A : memref<!tpu.dma_semaphore, #tpu.memory_space<semaphore_mem>>) src(%arg25 : memref<128x128xf32, #tpu.memory_space<vmem>>) dst(%dma_wait3A_74 : memref<12560x128xf32, #tpu.memory_space<vmem_shared>>)
          tpu.yield
        }) : () -> ()
      }
      %scan3A_47 = arith.constant 123 : i32
      %barrier3A_48 = arith.constant 0 : index
      tpu.barrier barrier_id(%barrier3A_48)
      %mul3A_49 = arith.constant 784 : i32
      %mul3A_50 = arith.muli %arg1, %mul3A_49 : i32
      %add3A_51 = arith.addi %mul3A_27, %mul3A_50 : i32
      "tpu.region"() ({
        %run_scoped3A = tpu.sem_alloc : memref<!tpu.dma_semaphore, #tpu.memory_space<semaphore_mem>>
        %dma_start3A = arith.constant 0 : i32
        %dma_start3A_53 = tpu.memref_slice %arg15[%add3A_51, %dma_start3A] : memref<50176x128xf32, #tpu.memory_space<hbm>> -> memref<784x128xf32, #tpu.memory_space<hbm>>
        %dma_start3A_54 = arith.constant 0 : i32
        %dma_start3A_55 = tpu.memref_slice %arg18[%mul3A_50, %dma_start3A_54] : memref<12560x128xf32, #tpu.memory_space<vmem_shared>> -> memref<784x128xf32, #tpu.memory_space<vmem_shared>>
        tpu.enqueue_dma source(%dma_start3A_55 : memref<784x128xf32, #tpu.memory_space<vmem_shared>>) target(%dma_start3A_53 : memref<784x128xf32, #tpu.memory_space<hbm>>) target_semaphore(%run_scoped3A : memref<!tpu.dma_semaphore, #tpu.memory_space<semaphore_mem>>)
        %dma_wait3A = arith.constant 0 : i32
        %dma_wait3A_56 = tpu.memref_slice %arg15[%add3A_51, %dma_wait3A] : memref<50176x128xf32, #tpu.memory_space<hbm>> -> memref<784x128xf32, #tpu.memory_space<hbm>>
        %dma_wait3A_57 = arith.constant 0 : i32
        %dma_wait3A_58 = tpu.memref_slice %arg18[%mul3A_50, %dma_wait3A_57] : memref<12560x128xf32, #tpu.memory_space<vmem_shared>> -> memref<784x128xf32, #tpu.memory_space<vmem_shared>>
        tpu.wait_dma2 semaphore(%run_scoped3A : memref<!tpu.dma_semaphore, #tpu.memory_space<semaphore_mem>>) src(%dma_wait3A_58 : memref<784x128xf32, #tpu.memory_space<vmem_shared>>) dst(%dma_wait3A_56 : memref<784x128xf32, #tpu.memory_space<hbm>>)
        tpu.yield
      }) : () -> ()
      %barrier3A_52 = arith.constant 0 : index
      tpu.barrier barrier_id(%barrier3A_52)
    }
    %scan3A_11 = arith.constant 2 : i32
    %scan3A_12 = arith.constant 0 : i32
    %scan3A_13 = arith.constant 0 : i32
    %scan3A_14 = arith.constant 2 : i32
    %scan3A_15 = arith.addi %scan3A_13, %scan3A_14 : i32
    %scan3A_16 = arith.constant 1 : i32
    scf.for %scan3A_24 = %scan3A_13 to %scan3A_15 step %scan3A_16  : i32 {
      %mul3A = arith.constant 2 : i32
      %mul3A_25 = arith.muli %arg0, %mul3A : i32
      %add3A = arith.addi %mul3A_25, %scan3A_24 : i32
      %mul3A_26 = arith.constant 12544 : i32
      %mul3A_27 = arith.muli %add3A, %mul3A_26 : i32
      %mul3A_28 = arith.constant 15744 : i32
      %mul3A_29 = arith.muli %arg1, %mul3A_28 : i32
      %scan3A_30 = arith.constant 0 : i32
      %scan3A_31 = arith.constant 0 : i32
      %scan3A_32 = arith.constant 128 : i32
      %scan3A_33 = arith.addi %scan3A_31, %scan3A_32 : i32
      %scan3A_34 = arith.constant 1 : i32
      scf.for %scan3A_53 = %scan3A_31 to %scan3A_33 step %scan3A_34  : i32 {
        %swap3A = arith.index_cast %scan3A_53 : i32 to index
        %swap3A_54 = arith.constant 0 : index
        %swap3A_55 = tpu.vector_load %arg25[%swap3A, %swap3A_54] {strides = array<i32>} : memref<128x128xf32, #tpu.memory_space<vmem>>, vector<1x16xf32>,
        %swap3A_56 = vector.shape_cast %swap3A_55 : vector<1x16xf32> to vector<16xf32>
        %swap3A_57 = vector.shape_cast %broadcast_in_dim3A_0 : vector<16xf32> to vector<1x16xf32>
        tpu.vector_store %arg25[%swap3A, %swap3A_54], %swap3A_57 {strides = array<i32>} : memref<128x128xf32, #tpu.memory_space<vmem>>, vector<1x16xf32>,
        %swap3A_58 = arith.index_cast %scan3A_53 : i32 to index
        %swap3A_59 = arith.constant 16 : index
        %swap3A_60 = tpu.vector_load %arg25[%swap3A_58, %swap3A_59] {strides = array<i32>} : memref<128x128xf32, #tpu.memory_space<vmem>>, vector<1x16xf32>,
        %swap3A_61 = vector.shape_cast %swap3A_60 : vector<1x16xf32> to vector<16xf32>
        %swap3A_62 = vector.shape_cast %broadcast_in_dim3A_0 : vector<16xf32> to vector<1x16xf32>
        tpu.vector_store %arg25[%swap3A_58, %swap3A_59], %swap3A_62 {strides = array<i32>} : memref<128x128xf32, #tpu.memory_space<vmem>>, vector<1x16xf32>,
        %swap3A_63 = arith.index_cast %scan3A_53 : i32 to index
        %swap3A_64 = arith.constant 32 : index
        %swap3A_65 = tpu.vector_load %arg25[%swap3A_63, %swap3A_64] {strides = array<i32>} : memref<128x128xf32, #tpu.memory_space<vmem>>, vector<1x16xf32>,
        %swap3A_66 = vector.shape_cast %swap3A_65 : vector<1x16xf32> to vector<16xf32>
        %swap3A_67 = vector.shape_cast %broadcast_in_dim3A_0 : vector<16xf32> to vector<1x16xf32>
        tpu.vector_store %arg25[%swap3A_63, %swap3A_64], %swap3A_67 {strides = array<i32>} : memref<128x128xf32, #tpu.memory_space<vmem>>, vector<1x16xf32>,
        %swap3A_68 = arith.index_cast %scan3A_53 : i32 to index
        %swap3A_69 = arith.constant 48 : index
        %swap3A_70 = tpu.vector_load %arg25[%swap3A_68, %swap3A_69] {strides = array<i32>} : memref<128x128xf32, #tpu.memory_space<vmem>>, vector<1x16xf32>,
        %swap3A_71 = vector.shape_cast %swap3A_70 : vector<1x16xf32> to vector<16xf32>
        %swap3A_72 = vector.shape_cast %broadcast_in_dim3A_0 : vector<16xf32> to vector<1x16xf32>
        tpu.vector_store %arg25[%swap3A_68, %swap3A_69], %swap3A_72 {strides = array<i32>} : memref<128x128xf32, #tpu.memory_space<vmem>>, vector<1x16xf32>,
        %swap3A_73 = arith.index_cast %scan3A_53 : i32 to index
        %swap3A_74 = arith.constant 64 : index
        %swap3A_75 = tpu.vector_load %arg25[%swap3A_73, %swap3A_74] {strides = array<i32>} : memref<128x128xf32, #tpu.memory_space<vmem>>, vector<1x16xf32>,
        %swap3A_76 = vector.shape_cast %swap3A_75 : vector<1x16xf32> to vector<16xf32>
        %swap3A_77 = vector.shape_cast %broadcast_in_dim3A_0 : vector<16xf32> to vector<1x16xf32>
        tpu.vector_store %arg25[%swap3A_73, %swap3A_74], %swap3A_77 {strides = array<i32>} : memref<128x128xf32, #tpu.memory_space<vmem>>, vector<1x16xf32>,
        %swap3A_78 = arith.index_cast %scan3A_53 : i32 to index
        %swap3A_79 = arith.constant 80 : index
        %swap3A_80 = tpu.vector_load %arg25[%swap3A_78, %swap3A_79] {strides = array<i32>} : memref<128x128xf32, #tpu.memory_space<vmem>>, vector<1x16xf32>,
        %swap3A_81 = vector.shape_cast %swap3A_80 : vector<1x16xf32> to vector<16xf32>
        %swap3A_82 = vector.shape_cast %broadcast_in_dim3A_0 : vector<16xf32> to vector<1x16xf32>
        tpu.vector_store %arg25[%swap3A_78, %swap3A_79], %swap3A_82 {strides = array<i32>} : memref<128x128xf32, #tpu.memory_space<vmem>>, vector<1x16xf32>,
        %swap3A_83 = arith.index_cast %scan3A_53 : i32 to index
        %swap3A_84 = arith.constant 96 : index
        %swap3A_85 = tpu.vector_load %arg25[%swap3A_83, %swap3A_84] {strides = array<i32>} : memref<128x128xf32, #tpu.memory_space<vmem>>, vector<1x16xf32>,
        %swap3A_86 = vector.shape_cast %swap3A_85 : vector<1x16xf32> to vector<16xf32>
        %swap3A_87 = vector.shape_cast %broadcast_in_dim3A_0 : vector<16xf32> to vector<1x16xf32>
        tpu.vector_store %arg25[%swap3A_83, %swap3A_84], %swap3A_87 {strides = array<i32>} : memref<128x128xf32, #tpu.memory_space<vmem>>, vector<1x16xf32>,
        %swap3A_88 = arith.index_cast %scan3A_53 : i32 to index
        %swap3A_89 = arith.constant 112 : index
        %swap3A_90 = tpu.vector_load %arg25[%swap3A_88, %swap3A_89] {strides = array<i32>} : memref<128x128xf32, #tpu.memory_space<vmem>>, vector<1x16xf32>,
        %swap3A_91 = vector.shape_cast %swap3A_90 : vector<1x16xf32> to vector<16xf32>
        %swap3A_92 = vector.shape_cast %broadcast_in_dim3A_0 : vector<16xf32> to vector<1x16xf32>
        tpu.vector_store %arg25[%swap3A_88, %swap3A_89], %swap3A_92 {strides = array<i32>} : memref<128x128xf32, #tpu.memory_space<vmem>>, vector<1x16xf32>,
      }
      %scan3A_35 = arith.constant 128 : i32
      %scan3A_36 = arith.constant 0 : i32
      %scan3A_37 = arith.constant 0 : i32
      %scan3A_38 = arith.constant 7 : i32
      %scan3A_39 = arith.addi %scan3A_37, %scan3A_38 : i32
      %scan3A_40 = arith.constant 1 : i32
      scf.for %scan3A_53 = %scan3A_37 to %scan3A_39 step %scan3A_40  : i32 {
        %mul3A_54 = arith.constant 128 : i32
        %mul3A_55 = arith.muli %scan3A_53, %mul3A_54 : i32
        %min3A = arith.constant 657 : i32
        %min3A_56 = arith.minsi %mul3A_55, %min3A : i32
        %mul3A_57 = arith.constant 785 : i32
        %mul3A_58 = arith.muli %arg1, %mul3A_57 : i32
        %add3A_59 = arith.addi %mul3A_58, %min3A_56 : i32
        "tpu.region"() ({
          %run_scoped3A = tpu.sem_alloc : memref<!tpu.dma_semaphore, #tpu.memory_space<semaphore_mem>>
          %dma_start3A = arith.constant 0 : i32
          %dma_start3A_60 = tpu.memref_slice %arg18[%add3A_59, %dma_start3A] : memref<12560x128xf32, #tpu.memory_space<vmem_shared>> -> memref<128x128xf32, #tpu.memory_space<vmem_shared>>
          %dma_start3A_61 = arith.constant 0 : i32
          %dma_start3A_62 = tpu.memref_slice %arg18[%add3A_59, %dma_start3A_61] : memref<12560x128xf32, #tpu.memory_space<vmem_shared>> -> memref<128x128xf32, #tpu.memory_space<vmem_shared>>
          tpu.enqueue_dma source(%arg25 : memref<128x128xf32, #tpu.memory_space<vmem>>) target(%dma_start3A_62 : memref<128x128xf32, #tpu.memory_space<vmem_shared>>) target_semaphore(%run_scoped3A : memref<!tpu.dma_semaphore, #tpu.memory_space<semaphore_mem>>)
          %dma_wait3A = arith.constant 0 : i32
          %dma_wait3A_63 = tpu.memref_slice %arg18[%add3A_59, %dma_wait3A] : memref<12560x128xf32, #tpu.memory_space<vmem_shared>> -> memref<128x128xf32, #tpu.memory_space<vmem_shared>>
          %dma_wait3A_64 = arith.constant 0 : i32
          %dma_wait3A_65 = tpu.memref_slice %arg18[%add3A_59, %dma_wait3A_64] : memref<12560x128xf32, #tpu.memory_space<vmem_shared>> -> memref<128x128xf32, #tpu.memory_space<vmem_shared>>
          tpu.wait_dma2 semaphore(%run_scoped3A : memref<!tpu.dma_semaphore, #tpu.memory_space<semaphore_mem>>) src(%arg25 : memref<128x128xf32, #tpu.memory_space<vmem>>) dst(%dma_wait3A_65 : memref<128x128xf32, #tpu.memory_space<vmem_shared>>)
          tpu.yield
        }) : () -> ()
      }
      %scan3A_41 = arith.constant 7 : i32
      %barrier3A = arith.constant 0 : index
      tpu.barrier barrier_id(%barrier3A)
      %scan3A_42 = arith.constant 0 : i32
      %scan3A_43 = arith.constant 0 : i32
      %scan3A_44 = arith.constant 123 : i32
      %scan3A_45 = arith.addi %scan3A_43, %scan3A_44 : i32
      %scan3A_46 = arith.constant 1 : i32
      scf.for %scan3A_53 = %scan3A_43 to %scan3A_45 step %scan3A_46  : i32 {
        %mul3A_54 = arith.constant 128 : i32
        %mul3A_55 = arith.muli %scan3A_53, %mul3A_54 : i32
        %add3A_56 = arith.addi %mul3A_29, %mul3A_55 : i32
        %dma_start3A = tpu.memref_slice %arg8[%add3A_56] : memref<251904xi32, #tpu.memory_space<hbm>> -> memref<128xi32, #tpu.memory_space<hbm>>
        %dma_start3A_57 = tpu.memref_slice %arg8[%add3A_56] : memref<251904xi32, #tpu.memory_space<hbm>> -> memref<128xi32, #tpu.memory_space<hbm>>
        tpu.enqueue_dma source(%dma_start3A_57 : memref<128xi32, #tpu.memory_space<hbm>>) target(%arg19 : memref<128xi32, #tpu.memory_space<vmem>>) target_semaphore(%arg26 : memref<!tpu.dma_semaphore, #tpu.memory_space<semaphore_mem>>)
        %dma_start3A_58 = tpu.memref_slice %arg12[%add3A_56] : memref<251904xi32, #tpu.memory_space<hbm>> -> memref<128xi32, #tpu.memory_space<hbm>>
        %dma_start3A_59 = tpu.memref_slice %arg12[%add3A_56] : memref<251904xi32, #tpu.memory_space<hbm>> -> memref<128xi32, #tpu.memory_space<hbm>>
        tpu.enqueue_dma source(%dma_start3A_59 : memref<128xi32, #tpu.memory_space<hbm>>) target(%arg21 : memref<128xi32, #tpu.memory_space<vmem>>) target_semaphore(%arg27 : memref<!tpu.dma_semaphore, #tpu.memory_space<semaphore_mem>>)
        %dma_wait3A = tpu.memref_slice %arg12[%add3A_56] : memref<251904xi32, #tpu.memory_space<hbm>> -> memref<128xi32, #tpu.memory_space<hbm>>
        %dma_wait3A_60 = tpu.memref_slice %arg12[%add3A_56] : memref<251904xi32, #tpu.memory_space<hbm>> -> memref<128xi32, #tpu.memory_space<hbm>>
        tpu.wait_dma2 semaphore(%arg27 : memref<!tpu.dma_semaphore, #tpu.memory_space<semaphore_mem>>) src(%dma_wait3A_60 : memref<128xi32, #tpu.memory_space<hbm>>) dst(%arg21 : memref<128xi32, #tpu.memory_space<vmem>>)
        %scan3A_61 = arith.constant 0 : i32
        %scan3A_62 = arith.constant 0 : i32
        %scan3A_63 = arith.constant 8 : i32
        %scan3A_64 = arith.addi %scan3A_62, %scan3A_63 : i32
        %scan3A_65 = arith.constant 1 : i32
        scf.for %scan3A_69 = %scan3A_62 to %scan3A_64 step %scan3A_65  : i32 {
          %mul3A_70 = arith.constant 16 : i32
          %mul3A_71 = arith.muli %scan3A_69, %mul3A_70 : i32
          %get3A = arith.index_cast %mul3A_71 : i32 to index
          %get3A_72 = tpu.vector_load %arg21[%get3A] {strides = array<i32>} : memref<128xi32, #tpu.memory_space<vmem>>, vector<16xi32>,
          %get3A_73 = vector.shape_cast %get3A_72 : vector<16xi32> to vector<16xi32>
          %ge3A = vector.broadcast %mul3A_27 : i32 to vector<16xi32>
          %ge3A_74 = arith.cmpi sge, %get3A_73, %ge3A : vector<16xi32>
          %add3A_75 = arith.constant 12544 : i32
          %add3A_76 = arith.addi %mul3A_27, %add3A_75 : i32
          %lt3A = vector.broadcast %add3A_76 : i32 to vector<16xi32>
          %lt3A_77 = arith.cmpi slt, %get3A_73, %lt3A : vector<16xi32>
          %and3A = arith.andi %ge3A_74, %lt3A_77 : vector<16xi1>
          %sub3A = vector.broadcast %mul3A_27 : i32 to vector<16xi32>
          %sub3A_78 = arith.subi %get3A_73, %sub3A : vector<16xi32>
          %jit3A = arith.constant 12544 : i32
          %broadcast_in_dim3A_79 = vector.broadcast %jit3A : i32 to vector<16xi32>
          %select_n3A = arith.select %and3A, %sub3A_78, %broadcast_in_dim3A_79 : vector<16xi1>, vector<16xi32>
          %mul3A_80 = arith.constant 16 : i32
          %mul3A_81 = arith.muli %scan3A_69, %mul3A_80 : i32
          %swap3A = arith.index_cast %mul3A_81 : i32 to index
          %swap3A_82 = tpu.vector_load %arg23[%swap3A] {strides = array<i32>} : memref<128xi32, #tpu.memory_space<vmem>>, vector<16xi32>,
          %swap3A_83 = vector.shape_cast %swap3A_82 : vector<16xi32> to vector<16xi32>
          %swap3A_84 = vector.shape_cast %select_n3A : vector<16xi32> to vector<16xi32>
          tpu.vector_store %arg23[%swap3A], %swap3A_84 {strides = array<i32>} : memref<128xi32, #tpu.memory_space<vmem>>, vector<16xi32>,
        }
        %scan3A_66 = arith.constant 8 : i32
        %dma_wait3A_67 = tpu.memref_slice %arg8[%add3A_56] : memref<251904xi32, #tpu.memory_space<hbm>> -> memref<128xi32, #tpu.memory_space<hbm>>
        %dma_wait3A_68 = tpu.memref_slice %arg8[%add3A_56] : memref<251904xi32, #tpu.memory_space<hbm>> -> memref<128xi32, #tpu.memory_space<hbm>>
        tpu.wait_dma2 semaphore(%arg26 : memref<!tpu.dma_semaphore, #tpu.memory_space<semaphore_mem>>) src(%dma_wait3A_68 : memref<128xi32, #tpu.memory_space<hbm>>) dst(%arg19 : memref<128xi32, #tpu.memory_space<vmem>>)
        "tpu.region"() ({
          %run_scoped3A = tpu.sem_alloc : memref<!tpu.dma_semaphore, #tpu.memory_space<semaphore_mem>>
          %dma_start3A_69 = arith.constant 0 : i32
          %dma_start3A_70 = arith.constant 0 : i32
          %dma_start3A_71 = tpu.memref_slice %arg4[%dma_start3A_69, %dma_start3A_70] : memref<50176x128xf32, #tpu.memory_space<hbm>> -> memref<50176x128xf32, #tpu.memory_space<hbm>>
          tpu.enqueue_indirect_dma source(%dma_start3A_71 : memref<50176x128xf32, #tpu.memory_space<hbm>>) target(%arg25 : memref<128x128xf32, #tpu.memory_space<vmem>>) offsets(%arg19 : memref<128xi32, #tpu.memory_space<vmem>>) semaphore(%run_scoped3A : memref<!tpu.dma_semaphore, #tpu.memory_space<semaphore_mem>>)
          %dma_wait3A_72 = arith.constant 0 : i32
          %dma_wait3A_73 = arith.constant 0 : i32
          %dma_wait3A_74 = tpu.memref_slice %arg4[%dma_wait3A_72, %dma_wait3A_73] : memref<50176x128xf32, #tpu.memory_space<hbm>> -> memref<50176x128xf32, #tpu.memory_space<hbm>>
          tpu.wait_indirect_dma semaphore(%run_scoped3A : memref<!tpu.dma_semaphore, #tpu.memory_space<semaphore_mem>>) src(%dma_wait3A_74 : memref<50176x128xf32, #tpu.memory_space<hbm>>) dst(%arg25 : memref<128x128xf32, #tpu.memory_space<vmem>>)
          tpu.yield
        }) : () -> ()
        "tpu.region"() ({
          %run_scoped3A = tpu.sem_alloc : memref<!tpu.dma_semaphore, #tpu.memory_space<semaphore_mem>>
          %dma_start3A_69 = arith.constant 0 : i32
          %dma_start3A_70 = arith.constant 0 : i32
          %dma_start3A_71 = tpu.memref_slice %arg18[%dma_start3A_69, %dma_start3A_70] : memref<12560x128xf32, #tpu.memory_space<vmem_shared>> -> memref<12560x128xf32, #tpu.memory_space<vmem_shared>>
          tpu.enqueue_indirect_dma source(%arg25 : memref<128x128xf32, #tpu.memory_space<vmem>>) target(%dma_start3A_71 : memref<12560x128xf32, #tpu.memory_space<vmem_shared>>) offsets(%arg23 : memref<128xi32, #tpu.memory_space<vmem>>) semaphore(%run_scoped3A : memref<!tpu.dma_semaphore, #tpu.memory_space<semaphore_mem>>) {add = true}
          %dma_wait3A_72 = arith.constant 0 : i32
          %dma_wait3A_73 = arith.constant 0 : i32
          %dma_wait3A_74 = tpu.memref_slice %arg18[%dma_wait3A_72, %dma_wait3A_73] : memref<12560x128xf32, #tpu.memory_space<vmem_shared>> -> memref<12560x128xf32, #tpu.memory_space<vmem_shared>>
          tpu.wait_indirect_dma semaphore(%run_scoped3A : memref<!tpu.dma_semaphore, #tpu.memory_space<semaphore_mem>>) src(%arg25 : memref<128x128xf32, #tpu.memory_space<vmem>>) dst(%dma_wait3A_74 : memref<12560x128xf32, #tpu.memory_space<vmem_shared>>)
          tpu.yield
        }) : () -> ()
      }
      %scan3A_47 = arith.constant 123 : i32
      %barrier3A_48 = arith.constant 0 : index
      tpu.barrier barrier_id(%barrier3A_48)
      %mul3A_49 = arith.constant 784 : i32
      %mul3A_50 = arith.muli %arg1, %mul3A_49 : i32
      %add3A_51 = arith.addi %mul3A_27, %mul3A_50 : i32
      "tpu.region"() ({
        %run_scoped3A = tpu.sem_alloc : memref<!tpu.dma_semaphore, #tpu.memory_space<semaphore_mem>>
        %dma_start3A = arith.constant 0 : i32
        %dma_start3A_53 = tpu.memref_slice %arg16[%add3A_51, %dma_start3A] : memref<50176x128xf32, #tpu.memory_space<hbm>> -> memref<784x128xf32, #tpu.memory_space<hbm>>
        %dma_start3A_54 = arith.constant 0 : i32
        %dma_start3A_55 = tpu.memref_slice %arg18[%mul3A_50, %dma_start3A_54] : memref<12560x128xf32, #tpu.memory_space<vmem_shared>> -> memref<784x128xf32, #tpu.memory_space<vmem_shared>>
        tpu.enqueue_dma source(%dma_start3A_55 : memref<784x128xf32, #tpu.memory_space<vmem_shared>>) target(%dma_start3A_53 : memref<784x128xf32, #tpu.memory_space<hbm>>) target_semaphore(%run_scoped3A : memref<!tpu.dma_semaphore, #tpu.memory_space<semaphore_mem>>)
        %dma_wait3A = arith.constant 0 : i32
        %dma_wait3A_56 = tpu.memref_slice %arg16[%add3A_51, %dma_wait3A] : memref<50176x128xf32, #tpu.memory_space<hbm>> -> memref<784x128xf32, #tpu.memory_space<hbm>>
        %dma_wait3A_57 = arith.constant 0 : i32
        %dma_wait3A_58 = tpu.memref_slice %arg18[%mul3A_50, %dma_wait3A_57] : memref<12560x128xf32, #tpu.memory_space<vmem_shared>> -> memref<784x128xf32, #tpu.memory_space<vmem_shared>>
        tpu.wait_dma2 semaphore(%run_scoped3A : memref<!tpu.dma_semaphore, #tpu.memory_space<semaphore_mem>>) src(%dma_wait3A_58 : memref<784x128xf32, #tpu.memory_space<vmem_shared>>) dst(%dma_wait3A_56 : memref<784x128xf32, #tpu.memory_space<hbm>>)
        tpu.yield
      }) : () -> ()
      %barrier3A_52 = arith.constant 0 : index
      tpu.barrier barrier_id(%barrier3A_52)
    }
    %scan3A_17 = arith.constant 2 : i32
    %scan3A_18 = arith.constant 0 : i32
    %scan3A_19 = arith.constant 0 : i32
    %scan3A_20 = arith.constant 2 : i32
    %scan3A_21 = arith.addi %scan3A_19, %scan3A_20 : i32
    %scan3A_22 = arith.constant 1 : i32
    scf.for %scan3A_24 = %scan3A_19 to %scan3A_21 step %scan3A_22  : i32 {
      %mul3A = arith.constant 2 : i32
      %mul3A_25 = arith.muli %arg0, %mul3A : i32
      %add3A = arith.addi %mul3A_25, %scan3A_24 : i32
      %mul3A_26 = arith.constant 12544 : i32
      %mul3A_27 = arith.muli %add3A, %mul3A_26 : i32
      %mul3A_28 = arith.constant 15744 : i32
      %mul3A_29 = arith.muli %arg1, %mul3A_28 : i32
      %scan3A_30 = arith.constant 0 : i32
      %scan3A_31 = arith.constant 0 : i32
      %scan3A_32 = arith.constant 128 : i32
      %scan3A_33 = arith.addi %scan3A_31, %scan3A_32 : i32
      %scan3A_34 = arith.constant 1 : i32
      scf.for %scan3A_53 = %scan3A_31 to %scan3A_33 step %scan3A_34  : i32 {
        %swap3A = arith.index_cast %scan3A_53 : i32 to index
        %swap3A_54 = arith.constant 0 : index
        %swap3A_55 = tpu.vector_load %arg25[%swap3A, %swap3A_54] {strides = array<i32>} : memref<128x128xf32, #tpu.memory_space<vmem>>, vector<1x16xf32>,
        %swap3A_56 = vector.shape_cast %swap3A_55 : vector<1x16xf32> to vector<16xf32>
        %swap3A_57 = vector.shape_cast %broadcast_in_dim3A_0 : vector<16xf32> to vector<1x16xf32>
        tpu.vector_store %arg25[%swap3A, %swap3A_54], %swap3A_57 {strides = array<i32>} : memref<128x128xf32, #tpu.memory_space<vmem>>, vector<1x16xf32>,
        %swap3A_58 = arith.index_cast %scan3A_53 : i32 to index
        %swap3A_59 = arith.constant 16 : index
        %swap3A_60 = tpu.vector_load %arg25[%swap3A_58, %swap3A_59] {strides = array<i32>} : memref<128x128xf32, #tpu.memory_space<vmem>>, vector<1x16xf32>,
        %swap3A_61 = vector.shape_cast %swap3A_60 : vector<1x16xf32> to vector<16xf32>
        %swap3A_62 = vector.shape_cast %broadcast_in_dim3A_0 : vector<16xf32> to vector<1x16xf32>
        tpu.vector_store %arg25[%swap3A_58, %swap3A_59], %swap3A_62 {strides = array<i32>} : memref<128x128xf32, #tpu.memory_space<vmem>>, vector<1x16xf32>,
        %swap3A_63 = arith.index_cast %scan3A_53 : i32 to index
        %swap3A_64 = arith.constant 32 : index
        %swap3A_65 = tpu.vector_load %arg25[%swap3A_63, %swap3A_64] {strides = array<i32>} : memref<128x128xf32, #tpu.memory_space<vmem>>, vector<1x16xf32>,
        %swap3A_66 = vector.shape_cast %swap3A_65 : vector<1x16xf32> to vector<16xf32>
        %swap3A_67 = vector.shape_cast %broadcast_in_dim3A_0 : vector<16xf32> to vector<1x16xf32>
        tpu.vector_store %arg25[%swap3A_63, %swap3A_64], %swap3A_67 {strides = array<i32>} : memref<128x128xf32, #tpu.memory_space<vmem>>, vector<1x16xf32>,
        %swap3A_68 = arith.index_cast %scan3A_53 : i32 to index
        %swap3A_69 = arith.constant 48 : index
        %swap3A_70 = tpu.vector_load %arg25[%swap3A_68, %swap3A_69] {strides = array<i32>} : memref<128x128xf32, #tpu.memory_space<vmem>>, vector<1x16xf32>,
        %swap3A_71 = vector.shape_cast %swap3A_70 : vector<1x16xf32> to vector<16xf32>
        %swap3A_72 = vector.shape_cast %broadcast_in_dim3A_0 : vector<16xf32> to vector<1x16xf32>
        tpu.vector_store %arg25[%swap3A_68, %swap3A_69], %swap3A_72 {strides = array<i32>} : memref<128x128xf32, #tpu.memory_space<vmem>>, vector<1x16xf32>,
        %swap3A_73 = arith.index_cast %scan3A_53 : i32 to index
        %swap3A_74 = arith.constant 64 : index
        %swap3A_75 = tpu.vector_load %arg25[%swap3A_73, %swap3A_74] {strides = array<i32>} : memref<128x128xf32, #tpu.memory_space<vmem>>, vector<1x16xf32>,
        %swap3A_76 = vector.shape_cast %swap3A_75 : vector<1x16xf32> to vector<16xf32>
        %swap3A_77 = vector.shape_cast %broadcast_in_dim3A_0 : vector<16xf32> to vector<1x16xf32>
        tpu.vector_store %arg25[%swap3A_73, %swap3A_74], %swap3A_77 {strides = array<i32>} : memref<128x128xf32, #tpu.memory_space<vmem>>, vector<1x16xf32>,
        %swap3A_78 = arith.index_cast %scan3A_53 : i32 to index
        %swap3A_79 = arith.constant 80 : index
        %swap3A_80 = tpu.vector_load %arg25[%swap3A_78, %swap3A_79] {strides = array<i32>} : memref<128x128xf32, #tpu.memory_space<vmem>>, vector<1x16xf32>,
        %swap3A_81 = vector.shape_cast %swap3A_80 : vector<1x16xf32> to vector<16xf32>
        %swap3A_82 = vector.shape_cast %broadcast_in_dim3A_0 : vector<16xf32> to vector<1x16xf32>
        tpu.vector_store %arg25[%swap3A_78, %swap3A_79], %swap3A_82 {strides = array<i32>} : memref<128x128xf32, #tpu.memory_space<vmem>>, vector<1x16xf32>,
        %swap3A_83 = arith.index_cast %scan3A_53 : i32 to index
        %swap3A_84 = arith.constant 96 : index
        %swap3A_85 = tpu.vector_load %arg25[%swap3A_83, %swap3A_84] {strides = array<i32>} : memref<128x128xf32, #tpu.memory_space<vmem>>, vector<1x16xf32>,
        %swap3A_86 = vector.shape_cast %swap3A_85 : vector<1x16xf32> to vector<16xf32>
        %swap3A_87 = vector.shape_cast %broadcast_in_dim3A_0 : vector<16xf32> to vector<1x16xf32>
        tpu.vector_store %arg25[%swap3A_83, %swap3A_84], %swap3A_87 {strides = array<i32>} : memref<128x128xf32, #tpu.memory_space<vmem>>, vector<1x16xf32>,
        %swap3A_88 = arith.index_cast %scan3A_53 : i32 to index
        %swap3A_89 = arith.constant 112 : index
        %swap3A_90 = tpu.vector_load %arg25[%swap3A_88, %swap3A_89] {strides = array<i32>} : memref<128x128xf32, #tpu.memory_space<vmem>>, vector<1x16xf32>,
        %swap3A_91 = vector.shape_cast %swap3A_90 : vector<1x16xf32> to vector<16xf32>
        %swap3A_92 = vector.shape_cast %broadcast_in_dim3A_0 : vector<16xf32> to vector<1x16xf32>
        tpu.vector_store %arg25[%swap3A_88, %swap3A_89], %swap3A_92 {strides = array<i32>} : memref<128x128xf32, #tpu.memory_space<vmem>>, vector<1x16xf32>,
      }
      %scan3A_35 = arith.constant 128 : i32
      %scan3A_36 = arith.constant 0 : i32
      %scan3A_37 = arith.constant 0 : i32
      %scan3A_38 = arith.constant 7 : i32
      %scan3A_39 = arith.addi %scan3A_37, %scan3A_38 : i32
      %scan3A_40 = arith.constant 1 : i32
      scf.for %scan3A_53 = %scan3A_37 to %scan3A_39 step %scan3A_40  : i32 {
        %mul3A_54 = arith.constant 128 : i32
        %mul3A_55 = arith.muli %scan3A_53, %mul3A_54 : i32
        %min3A = arith.constant 657 : i32
        %min3A_56 = arith.minsi %mul3A_55, %min3A : i32
        %mul3A_57 = arith.constant 785 : i32
        %mul3A_58 = arith.muli %arg1, %mul3A_57 : i32
        %add3A_59 = arith.addi %mul3A_58, %min3A_56 : i32
        "tpu.region"() ({
          %run_scoped3A = tpu.sem_alloc : memref<!tpu.dma_semaphore, #tpu.memory_space<semaphore_mem>>
          %dma_start3A = arith.constant 0 : i32
          %dma_start3A_60 = tpu.memref_slice %arg18[%add3A_59, %dma_start3A] : memref<12560x128xf32, #tpu.memory_space<vmem_shared>> -> memref<128x128xf32, #tpu.memory_space<vmem_shared>>
          %dma_start3A_61 = arith.constant 0 : i32
          %dma_start3A_62 = tpu.memref_slice %arg18[%add3A_59, %dma_start3A_61] : memref<12560x128xf32, #tpu.memory_space<vmem_shared>> -> memref<128x128xf32, #tpu.memory_space<vmem_shared>>
          tpu.enqueue_dma source(%arg25 : memref<128x128xf32, #tpu.memory_space<vmem>>) target(%dma_start3A_62 : memref<128x128xf32, #tpu.memory_space<vmem_shared>>) target_semaphore(%run_scoped3A : memref<!tpu.dma_semaphore, #tpu.memory_space<semaphore_mem>>)
          %dma_wait3A = arith.constant 0 : i32
          %dma_wait3A_63 = tpu.memref_slice %arg18[%add3A_59, %dma_wait3A] : memref<12560x128xf32, #tpu.memory_space<vmem_shared>> -> memref<128x128xf32, #tpu.memory_space<vmem_shared>>
          %dma_wait3A_64 = arith.constant 0 : i32
          %dma_wait3A_65 = tpu.memref_slice %arg18[%add3A_59, %dma_wait3A_64] : memref<12560x128xf32, #tpu.memory_space<vmem_shared>> -> memref<128x128xf32, #tpu.memory_space<vmem_shared>>
          tpu.wait_dma2 semaphore(%run_scoped3A : memref<!tpu.dma_semaphore, #tpu.memory_space<semaphore_mem>>) src(%arg25 : memref<128x128xf32, #tpu.memory_space<vmem>>) dst(%dma_wait3A_65 : memref<128x128xf32, #tpu.memory_space<vmem_shared>>)
          tpu.yield
        }) : () -> ()
      }
      %scan3A_41 = arith.constant 7 : i32
      %barrier3A = arith.constant 0 : index
      tpu.barrier barrier_id(%barrier3A)
      %scan3A_42 = arith.constant 0 : i32
      %scan3A_43 = arith.constant 0 : i32
      %scan3A_44 = arith.constant 123 : i32
      %scan3A_45 = arith.addi %scan3A_43, %scan3A_44 : i32
      %scan3A_46 = arith.constant 1 : i32
      scf.for %scan3A_53 = %scan3A_43 to %scan3A_45 step %scan3A_46  : i32 {
        %mul3A_54 = arith.constant 128 : i32
        %mul3A_55 = arith.muli %scan3A_53, %mul3A_54 : i32
        %add3A_56 = arith.addi %mul3A_29, %mul3A_55 : i32
        %dma_start3A = tpu.memref_slice %arg9[%add3A_56] : memref<251904xi32, #tpu.memory_space<hbm>> -> memref<128xi32, #tpu.memory_space<hbm>>
        %dma_start3A_57 = tpu.memref_slice %arg9[%add3A_56] : memref<251904xi32, #tpu.memory_space<hbm>> -> memref<128xi32, #tpu.memory_space<hbm>>
        tpu.enqueue_dma source(%dma_start3A_57 : memref<128xi32, #tpu.memory_space<hbm>>) target(%arg19 : memref<128xi32, #tpu.memory_space<vmem>>) target_semaphore(%arg26 : memref<!tpu.dma_semaphore, #tpu.memory_space<semaphore_mem>>)
        %dma_start3A_58 = tpu.memref_slice %arg13[%add3A_56] : memref<251904xi32, #tpu.memory_space<hbm>> -> memref<128xi32, #tpu.memory_space<hbm>>
        %dma_start3A_59 = tpu.memref_slice %arg13[%add3A_56] : memref<251904xi32, #tpu.memory_space<hbm>> -> memref<128xi32, #tpu.memory_space<hbm>>
        tpu.enqueue_dma source(%dma_start3A_59 : memref<128xi32, #tpu.memory_space<hbm>>) target(%arg21 : memref<128xi32, #tpu.memory_space<vmem>>) target_semaphore(%arg27 : memref<!tpu.dma_semaphore, #tpu.memory_space<semaphore_mem>>)
        %dma_wait3A = tpu.memref_slice %arg13[%add3A_56] : memref<251904xi32, #tpu.memory_space<hbm>> -> memref<128xi32, #tpu.memory_space<hbm>>
        %dma_wait3A_60 = tpu.memref_slice %arg13[%add3A_56] : memref<251904xi32, #tpu.memory_space<hbm>> -> memref<128xi32, #tpu.memory_space<hbm>>
        tpu.wait_dma2 semaphore(%arg27 : memref<!tpu.dma_semaphore, #tpu.memory_space<semaphore_mem>>) src(%dma_wait3A_60 : memref<128xi32, #tpu.memory_space<hbm>>) dst(%arg21 : memref<128xi32, #tpu.memory_space<vmem>>)
        %scan3A_61 = arith.constant 0 : i32
        %scan3A_62 = arith.constant 0 : i32
        %scan3A_63 = arith.constant 8 : i32
        %scan3A_64 = arith.addi %scan3A_62, %scan3A_63 : i32
        %scan3A_65 = arith.constant 1 : i32
        scf.for %scan3A_69 = %scan3A_62 to %scan3A_64 step %scan3A_65  : i32 {
          %mul3A_70 = arith.constant 16 : i32
          %mul3A_71 = arith.muli %scan3A_69, %mul3A_70 : i32
          %get3A = arith.index_cast %mul3A_71 : i32 to index
          %get3A_72 = tpu.vector_load %arg21[%get3A] {strides = array<i32>} : memref<128xi32, #tpu.memory_space<vmem>>, vector<16xi32>,
          %get3A_73 = vector.shape_cast %get3A_72 : vector<16xi32> to vector<16xi32>
          %ge3A = vector.broadcast %mul3A_27 : i32 to vector<16xi32>
          %ge3A_74 = arith.cmpi sge, %get3A_73, %ge3A : vector<16xi32>
          %add3A_75 = arith.constant 12544 : i32
          %add3A_76 = arith.addi %mul3A_27, %add3A_75 : i32
          %lt3A = vector.broadcast %add3A_76 : i32 to vector<16xi32>
          %lt3A_77 = arith.cmpi slt, %get3A_73, %lt3A : vector<16xi32>
          %and3A = arith.andi %ge3A_74, %lt3A_77 : vector<16xi1>
          %sub3A = vector.broadcast %mul3A_27 : i32 to vector<16xi32>
          %sub3A_78 = arith.subi %get3A_73, %sub3A : vector<16xi32>
          %jit3A = arith.constant 12544 : i32
          %broadcast_in_dim3A_79 = vector.broadcast %jit3A : i32 to vector<16xi32>
          %select_n3A = arith.select %and3A, %sub3A_78, %broadcast_in_dim3A_79 : vector<16xi1>, vector<16xi32>
          %mul3A_80 = arith.constant 16 : i32
          %mul3A_81 = arith.muli %scan3A_69, %mul3A_80 : i32
          %swap3A = arith.index_cast %mul3A_81 : i32 to index
          %swap3A_82 = tpu.vector_load %arg23[%swap3A] {strides = array<i32>} : memref<128xi32, #tpu.memory_space<vmem>>, vector<16xi32>,
          %swap3A_83 = vector.shape_cast %swap3A_82 : vector<16xi32> to vector<16xi32>
          %swap3A_84 = vector.shape_cast %select_n3A : vector<16xi32> to vector<16xi32>
          tpu.vector_store %arg23[%swap3A], %swap3A_84 {strides = array<i32>} : memref<128xi32, #tpu.memory_space<vmem>>, vector<16xi32>,
        }
        %scan3A_66 = arith.constant 8 : i32
        %dma_wait3A_67 = tpu.memref_slice %arg9[%add3A_56] : memref<251904xi32, #tpu.memory_space<hbm>> -> memref<128xi32, #tpu.memory_space<hbm>>
        %dma_wait3A_68 = tpu.memref_slice %arg9[%add3A_56] : memref<251904xi32, #tpu.memory_space<hbm>> -> memref<128xi32, #tpu.memory_space<hbm>>
        tpu.wait_dma2 semaphore(%arg26 : memref<!tpu.dma_semaphore, #tpu.memory_space<semaphore_mem>>) src(%dma_wait3A_68 : memref<128xi32, #tpu.memory_space<hbm>>) dst(%arg19 : memref<128xi32, #tpu.memory_space<vmem>>)
        "tpu.region"() ({
          %run_scoped3A = tpu.sem_alloc : memref<!tpu.dma_semaphore, #tpu.memory_space<semaphore_mem>>
          %dma_start3A_69 = arith.constant 0 : i32
          %dma_start3A_70 = arith.constant 0 : i32
          %dma_start3A_71 = tpu.memref_slice %arg5[%dma_start3A_69, %dma_start3A_70] : memref<50176x128xf32, #tpu.memory_space<hbm>> -> memref<50176x128xf32, #tpu.memory_space<hbm>>
          tpu.enqueue_indirect_dma source(%dma_start3A_71 : memref<50176x128xf32, #tpu.memory_space<hbm>>) target(%arg25 : memref<128x128xf32, #tpu.memory_space<vmem>>) offsets(%arg19 : memref<128xi32, #tpu.memory_space<vmem>>) semaphore(%run_scoped3A : memref<!tpu.dma_semaphore, #tpu.memory_space<semaphore_mem>>)
          %dma_wait3A_72 = arith.constant 0 : i32
          %dma_wait3A_73 = arith.constant 0 : i32
          %dma_wait3A_74 = tpu.memref_slice %arg5[%dma_wait3A_72, %dma_wait3A_73] : memref<50176x128xf32, #tpu.memory_space<hbm>> -> memref<50176x128xf32, #tpu.memory_space<hbm>>
          tpu.wait_indirect_dma semaphore(%run_scoped3A : memref<!tpu.dma_semaphore, #tpu.memory_space<semaphore_mem>>) src(%dma_wait3A_74 : memref<50176x128xf32, #tpu.memory_space<hbm>>) dst(%arg25 : memref<128x128xf32, #tpu.memory_space<vmem>>)
          tpu.yield
        }) : () -> ()
        "tpu.region"() ({
          %run_scoped3A = tpu.sem_alloc : memref<!tpu.dma_semaphore, #tpu.memory_space<semaphore_mem>>
          %dma_start3A_69 = arith.constant 0 : i32
          %dma_start3A_70 = arith.constant 0 : i32
          %dma_start3A_71 = tpu.memref_slice %arg18[%dma_start3A_69, %dma_start3A_70] : memref<12560x128xf32, #tpu.memory_space<vmem_shared>> -> memref<12560x128xf32, #tpu.memory_space<vmem_shared>>
          tpu.enqueue_indirect_dma source(%arg25 : memref<128x128xf32, #tpu.memory_space<vmem>>) target(%dma_start3A_71 : memref<12560x128xf32, #tpu.memory_space<vmem_shared>>) offsets(%arg23 : memref<128xi32, #tpu.memory_space<vmem>>) semaphore(%run_scoped3A : memref<!tpu.dma_semaphore, #tpu.memory_space<semaphore_mem>>) {add = true}
          %dma_wait3A_72 = arith.constant 0 : i32
          %dma_wait3A_73 = arith.constant 0 : i32
          %dma_wait3A_74 = tpu.memref_slice %arg18[%dma_wait3A_72, %dma_wait3A_73] : memref<12560x128xf32, #tpu.memory_space<vmem_shared>> -> memref<12560x128xf32, #tpu.memory_space<vmem_shared>>
          tpu.wait_indirect_dma semaphore(%run_scoped3A : memref<!tpu.dma_semaphore, #tpu.memory_space<semaphore_mem>>) src(%arg25 : memref<128x128xf32, #tpu.memory_space<vmem>>) dst(%dma_wait3A_74 : memref<12560x128xf32, #tpu.memory_space<vmem_shared>>)
          tpu.yield
        }) : () -> ()
      }
      %scan3A_47 = arith.constant 123 : i32
      %barrier3A_48 = arith.constant 0 : index
      tpu.barrier barrier_id(%barrier3A_48)
      %mul3A_49 = arith.constant 784 : i32
      %mul3A_50 = arith.muli %arg1, %mul3A_49 : i32
      %add3A_51 = arith.addi %mul3A_27, %mul3A_50 : i32
      "tpu.region"() ({
        %run_scoped3A = tpu.sem_alloc : memref<!tpu.dma_semaphore, #tpu.memory_space<semaphore_mem>>
        %dma_start3A = arith.constant 0 : i32
        %dma_start3A_53 = tpu.memref_slice %arg17[%add3A_51, %dma_start3A] : memref<50176x128xf32, #tpu.memory_space<hbm>> -> memref<784x128xf32, #tpu.memory_space<hbm>>
        %dma_start3A_54 = arith.constant 0 : i32
        %dma_start3A_55 = tpu.memref_slice %arg18[%mul3A_50, %dma_start3A_54] : memref<12560x128xf32, #tpu.memory_space<vmem_shared>> -> memref<784x128xf32, #tpu.memory_space<vmem_shared>>
        tpu.enqueue_dma source(%dma_start3A_55 : memref<784x128xf32, #tpu.memory_space<vmem_shared>>) target(%dma_start3A_53 : memref<784x128xf32, #tpu.memory_space<hbm>>) target_semaphore(%run_scoped3A : memref<!tpu.dma_semaphore, #tpu.memory_space<semaphore_mem>>)
        %dma_wait3A = arith.constant 0 : i32
        %dma_wait3A_56 = tpu.memref_slice %arg17[%add3A_51, %dma_wait3A] : memref<50176x128xf32, #tpu.memory_space<hbm>> -> memref<784x128xf32, #tpu.memory_space<hbm>>
        %dma_wait3A_57 = arith.constant 0 : i32
        %dma_wait3A_58 = tpu.memref_slice %arg18[%mul3A_50, %dma_wait3A_57] : memref<12560x128xf32, #tpu.memory_space<vmem_shared>> -> memref<784x128xf32, #tpu.memory_space<vmem_shared>>
        tpu.wait_dma2 semaphore(%run_scoped3A : memref<!tpu.dma_semaphore, #tpu.memory_space<semaphore_mem>>) src(%dma_wait3A_58 : memref<784x128xf32, #tpu.memory_space<vmem_shared>>) dst(%dma_wait3A_56 : memref<784x128xf32, #tpu.memory_space<hbm>>)
        tpu.yield
      }) : () -> ()
      %barrier3A_52 = arith.constant 0 : index
      tpu.barrier barrier_id(%barrier3A_52)
    }
    %scan3A_23 = arith.constant 2 : i32
    return
  }
}

#map = affine_map<(d0, d1) -> (0)>
#map1 = affine_map<(d0, d1) -> (0, 0)>
module attributes {stable_mosaic.version = 14 : i64} {
  func.func @body(%arg0: i32, %arg1: i32, %arg2: memref<251904xi32, #tpu.memory_space<hbm>>, %arg3: memref<251904xi32, #tpu.memory_space<hbm>>, %arg4: memref<251904xi32, #tpu.memory_space<hbm>>, %arg5: memref<251904xi32, #tpu.memory_space<hbm>>, %arg6: memref<50176x16xf32, #tpu.memory_space<hbm>>, %arg7: memref<50176x16xf32, #tpu.memory_space<hbm>>, %arg8: memref<50176x16xf32, #tpu.memory_space<hbm>>, %arg9: memref<50176x16xf32, #tpu.memory_space<hbm>>, %arg10: memref<12560x16xf32, #tpu.memory_space<vmem_shared>>, %arg11: memref<128xi32, #tpu.memory_space<vmem>>, %arg12: memref<128xi32, #tpu.memory_space<vmem>>, %arg13: memref<128xi32, #tpu.memory_space<vmem>>, %arg14: memref<128xi32, #tpu.memory_space<vmem>>, %arg15: memref<128x16xf32, #tpu.memory_space<vmem>>, %arg16: memref<128x16xf32, #tpu.memory_space<vmem>>, %arg17: memref<!tpu.dma_semaphore, #tpu.memory_space<semaphore_mem>>, %arg18: memref<!tpu.dma_semaphore, #tpu.memory_space<semaphore_mem>>) attributes {dimension_semantics = [#tpu.dimension_semantics<core_parallel>, #tpu.dimension_semantics<subcore_parallel>], iteration_bounds = array<i64: 2, 16>, scalar_prefetch = 0 : i64, scratch_operands = 9 : i64, tpu.core_type = #tpu.core_type<sc_vector_subcore>, window_params = [{transform_indices = #map}, {transform_indices = #map}, {transform_indices = #map}, {transform_indices = #map}, {transform_indices = #map1}, {transform_indices = #map1}, {transform_indices = #map1}, {transform_indices = #map1}]} {
    %broadcast_in_dim3A = arith.constant 0.000000e+00 : f32
    %broadcast_in_dim3A_0 = vector.broadcast %broadcast_in_dim3A : f32 to vector<16xf32>
    %broadcast_in_dim3A_1 = arith.constant 1.000000e+00 : f32
    %broadcast_in_dim3A_2 = vector.broadcast %broadcast_in_dim3A_1 : f32 to vector<16xf32>
    %scan3A = arith.constant 0 : i32
    %scan3A_3 = arith.constant 0 : i32
    %scan3A_4 = arith.constant 128 : i32
    %scan3A_5 = arith.addi %scan3A_3, %scan3A_4 : i32
    %scan3A_6 = arith.constant 1 : i32
    scf.for %scan3A_32 = %scan3A_3 to %scan3A_5 step %scan3A_6  : i32 {
      %swap3A = arith.index_cast %scan3A_32 : i32 to index
      %swap3A_33 = arith.constant 0 : index
      %swap3A_34 = tpu.vector_load %arg15[%swap3A, %swap3A_33] {strides = array<i32>} : memref<128x16xf32, #tpu.memory_space<vmem>>, vector<1x16xf32>,
      %swap3A_35 = vector.shape_cast %swap3A_34 : vector<1x16xf32> to vector<16xf32>
      %swap3A_36 = vector.shape_cast %broadcast_in_dim3A_2 : vector<16xf32> to vector<1x16xf32>
      tpu.vector_store %arg15[%swap3A, %swap3A_33], %swap3A_36 {strides = array<i32>} : memref<128x16xf32, #tpu.memory_space<vmem>>, vector<1x16xf32>,
      %swap3A_37 = arith.index_cast %scan3A_32 : i32 to index
      %swap3A_38 = arith.constant 0 : index
      %swap3A_39 = tpu.vector_load %arg16[%swap3A_37, %swap3A_38] {strides = array<i32>} : memref<128x16xf32, #tpu.memory_space<vmem>>, vector<1x16xf32>,
      %swap3A_40 = vector.shape_cast %swap3A_39 : vector<1x16xf32> to vector<16xf32>
      %swap3A_41 = vector.shape_cast %broadcast_in_dim3A_0 : vector<16xf32> to vector<1x16xf32>
      tpu.vector_store %arg16[%swap3A_37, %swap3A_38], %swap3A_41 {strides = array<i32>} : memref<128x16xf32, #tpu.memory_space<vmem>>, vector<1x16xf32>,
    }
    %scan3A_7 = arith.constant 128 : i32
    %scan3A_8 = arith.constant 0 : i32
    %scan3A_9 = arith.constant 0 : i32
    %scan3A_10 = arith.constant 2 : i32
    %scan3A_11 = arith.addi %scan3A_9, %scan3A_10 : i32
    %scan3A_12 = arith.constant 1 : i32
    scf.for %scan3A_32 = %scan3A_9 to %scan3A_11 step %scan3A_12  : i32 {
      %mul3A = arith.constant 2 : i32
      %mul3A_33 = arith.muli %arg0, %mul3A : i32
      %add3A = arith.addi %mul3A_33, %scan3A_32 : i32
      %mul3A_34 = arith.constant 12544 : i32
      %mul3A_35 = arith.muli %add3A, %mul3A_34 : i32
      %mul3A_36 = arith.constant 15744 : i32
      %mul3A_37 = arith.muli %arg1, %mul3A_36 : i32
      %scan3A_38 = arith.constant 0 : i32
      %scan3A_39 = arith.constant 0 : i32
      %scan3A_40 = arith.constant 7 : i32
      %scan3A_41 = arith.addi %scan3A_39, %scan3A_40 : i32
      %scan3A_42 = arith.constant 1 : i32
      scf.for %scan3A_55 = %scan3A_39 to %scan3A_41 step %scan3A_42  : i32 {
        %mul3A_56 = arith.constant 128 : i32
        %mul3A_57 = arith.muli %scan3A_55, %mul3A_56 : i32
        %min3A = arith.constant 657 : i32
        %min3A_58 = arith.minsi %mul3A_57, %min3A : i32
        %mul3A_59 = arith.constant 785 : i32
        %mul3A_60 = arith.muli %arg1, %mul3A_59 : i32
        %add3A_61 = arith.addi %mul3A_60, %min3A_58 : i32
        "tpu.region"() ({
          %run_scoped3A = tpu.sem_alloc : memref<!tpu.dma_semaphore, #tpu.memory_space<semaphore_mem>>
          %dma_start3A = arith.constant 0 : i32
          %dma_start3A_62 = tpu.memref_slice %arg10[%add3A_61, %dma_start3A] : memref<12560x16xf32, #tpu.memory_space<vmem_shared>> -> memref<128x16xf32, #tpu.memory_space<vmem_shared>>
          %dma_start3A_63 = arith.constant 0 : i32
          %dma_start3A_64 = tpu.memref_slice %arg10[%add3A_61, %dma_start3A_63] : memref<12560x16xf32, #tpu.memory_space<vmem_shared>> -> memref<128x16xf32, #tpu.memory_space<vmem_shared>>
          tpu.enqueue_dma source(%arg16 : memref<128x16xf32, #tpu.memory_space<vmem>>) target(%dma_start3A_64 : memref<128x16xf32, #tpu.memory_space<vmem_shared>>) target_semaphore(%run_scoped3A : memref<!tpu.dma_semaphore, #tpu.memory_space<semaphore_mem>>)
          %dma_wait3A = arith.constant 0 : i32
          %dma_wait3A_65 = tpu.memref_slice %arg10[%add3A_61, %dma_wait3A] : memref<12560x16xf32, #tpu.memory_space<vmem_shared>> -> memref<128x16xf32, #tpu.memory_space<vmem_shared>>
          %dma_wait3A_66 = arith.constant 0 : i32
          %dma_wait3A_67 = tpu.memref_slice %arg10[%add3A_61, %dma_wait3A_66] : memref<12560x16xf32, #tpu.memory_space<vmem_shared>> -> memref<128x16xf32, #tpu.memory_space<vmem_shared>>
          tpu.wait_dma2 semaphore(%run_scoped3A : memref<!tpu.dma_semaphore, #tpu.memory_space<semaphore_mem>>) src(%arg16 : memref<128x16xf32, #tpu.memory_space<vmem>>) dst(%dma_wait3A_67 : memref<128x16xf32, #tpu.memory_space<vmem_shared>>)
          tpu.yield
        }) : () -> ()
      }
      %scan3A_43 = arith.constant 7 : i32
      %barrier3A = arith.constant 0 : index
      tpu.barrier barrier_id(%barrier3A)
      %scan3A_44 = arith.constant 0 : i32
      %scan3A_45 = arith.constant 0 : i32
      %scan3A_46 = arith.constant 123 : i32
      %scan3A_47 = arith.addi %scan3A_45, %scan3A_46 : i32
      %scan3A_48 = arith.constant 1 : i32
      scf.for %scan3A_55 = %scan3A_45 to %scan3A_47 step %scan3A_48  : i32 {
        %mul3A_56 = arith.constant 128 : i32
        %mul3A_57 = arith.muli %scan3A_55, %mul3A_56 : i32
        %add3A_58 = arith.addi %mul3A_37, %mul3A_57 : i32
        "tpu.region"() ({
          %run_scoped3A = tpu.sem_alloc : memref<!tpu.dma_semaphore, #tpu.memory_space<semaphore_mem>>
          %dma_start3A = tpu.memref_slice %arg2[%add3A_58] : memref<251904xi32, #tpu.memory_space<hbm>> -> memref<128xi32, #tpu.memory_space<hbm>>
          %dma_start3A_65 = tpu.memref_slice %arg2[%add3A_58] : memref<251904xi32, #tpu.memory_space<hbm>> -> memref<128xi32, #tpu.memory_space<hbm>>
          tpu.enqueue_dma source(%dma_start3A_65 : memref<128xi32, #tpu.memory_space<hbm>>) target(%arg11 : memref<128xi32, #tpu.memory_space<vmem>>) target_semaphore(%run_scoped3A : memref<!tpu.dma_semaphore, #tpu.memory_space<semaphore_mem>>)
          %dma_wait3A = tpu.memref_slice %arg2[%add3A_58] : memref<251904xi32, #tpu.memory_space<hbm>> -> memref<128xi32, #tpu.memory_space<hbm>>
          %dma_wait3A_66 = tpu.memref_slice %arg2[%add3A_58] : memref<251904xi32, #tpu.memory_space<hbm>> -> memref<128xi32, #tpu.memory_space<hbm>>
          tpu.wait_dma2 semaphore(%run_scoped3A : memref<!tpu.dma_semaphore, #tpu.memory_space<semaphore_mem>>) src(%dma_wait3A_66 : memref<128xi32, #tpu.memory_space<hbm>>) dst(%arg11 : memref<128xi32, #tpu.memory_space<vmem>>)
          tpu.yield
        }) : () -> ()
        %scan3A_59 = arith.constant 0 : i32
        %scan3A_60 = arith.constant 0 : i32
        %scan3A_61 = arith.constant 8 : i32
        %scan3A_62 = arith.addi %scan3A_60, %scan3A_61 : i32
        %scan3A_63 = arith.constant 1 : i32
        scf.for %scan3A_65 = %scan3A_60 to %scan3A_62 step %scan3A_63  : i32 {
          %mul3A_66 = arith.constant 16 : i32
          %mul3A_67 = arith.muli %scan3A_65, %mul3A_66 : i32
          %get3A = arith.index_cast %mul3A_67 : i32 to index
          %get3A_68 = tpu.vector_load %arg11[%get3A] {strides = array<i32>} : memref<128xi32, #tpu.memory_space<vmem>>, vector<16xi32>,
          %get3A_69 = vector.shape_cast %get3A_68 : vector<16xi32> to vector<16xi32>
          %ge3A = vector.broadcast %mul3A_35 : i32 to vector<16xi32>
          %ge3A_70 = arith.cmpi sge, %get3A_69, %ge3A : vector<16xi32>
          %add3A_71 = arith.constant 12544 : i32
          %add3A_72 = arith.addi %mul3A_35, %add3A_71 : i32
          %lt3A = vector.broadcast %add3A_72 : i32 to vector<16xi32>
          %lt3A_73 = arith.cmpi slt, %get3A_69, %lt3A : vector<16xi32>
          %and3A = arith.andi %ge3A_70, %lt3A_73 : vector<16xi1>
          %sub3A = vector.broadcast %mul3A_35 : i32 to vector<16xi32>
          %sub3A_74 = arith.subi %get3A_69, %sub3A : vector<16xi32>
          %jit3A = arith.constant 12544 : i32
          %broadcast_in_dim3A_75 = vector.broadcast %jit3A : i32 to vector<16xi32>
          %select_n3A = arith.select %and3A, %sub3A_74, %broadcast_in_dim3A_75 : vector<16xi1>, vector<16xi32>
          %mul3A_76 = arith.constant 16 : i32
          %mul3A_77 = arith.muli %scan3A_65, %mul3A_76 : i32
          %swap3A = arith.index_cast %mul3A_77 : i32 to index
          %swap3A_78 = tpu.vector_load %arg13[%swap3A] {strides = array<i32>} : memref<128xi32, #tpu.memory_space<vmem>>, vector<16xi32>,
          %swap3A_79 = vector.shape_cast %swap3A_78 : vector<16xi32> to vector<16xi32>
          %swap3A_80 = vector.shape_cast %select_n3A : vector<16xi32> to vector<16xi32>
          tpu.vector_store %arg13[%swap3A], %swap3A_80 {strides = array<i32>} : memref<128xi32, #tpu.memory_space<vmem>>, vector<16xi32>,
        }
        %scan3A_64 = arith.constant 8 : i32
        "tpu.region"() ({
          %run_scoped3A = tpu.sem_alloc : memref<!tpu.dma_semaphore, #tpu.memory_space<semaphore_mem>>
          %dma_start3A = arith.constant 0 : i32
          %dma_start3A_65 = arith.constant 0 : i32
          %dma_start3A_66 = tpu.memref_slice %arg10[%dma_start3A, %dma_start3A_65] : memref<12560x16xf32, #tpu.memory_space<vmem_shared>> -> memref<12560x16xf32, #tpu.memory_space<vmem_shared>>
          tpu.enqueue_indirect_dma source(%arg15 : memref<128x16xf32, #tpu.memory_space<vmem>>) target(%dma_start3A_66 : memref<12560x16xf32, #tpu.memory_space<vmem_shared>>) offsets(%arg13 : memref<128xi32, #tpu.memory_space<vmem>>) semaphore(%run_scoped3A : memref<!tpu.dma_semaphore, #tpu.memory_space<semaphore_mem>>) {add = true}
          %dma_wait3A = arith.constant 0 : i32
          %dma_wait3A_67 = arith.constant 0 : i32
          %dma_wait3A_68 = tpu.memref_slice %arg10[%dma_wait3A, %dma_wait3A_67] : memref<12560x16xf32, #tpu.memory_space<vmem_shared>> -> memref<12560x16xf32, #tpu.memory_space<vmem_shared>>
          tpu.wait_indirect_dma semaphore(%run_scoped3A : memref<!tpu.dma_semaphore, #tpu.memory_space<semaphore_mem>>) src(%arg15 : memref<128x16xf32, #tpu.memory_space<vmem>>) dst(%dma_wait3A_68 : memref<12560x16xf32, #tpu.memory_space<vmem_shared>>)
          tpu.yield
        }) : () -> ()
      }
      %scan3A_49 = arith.constant 123 : i32
      %barrier3A_50 = arith.constant 0 : index
      tpu.barrier barrier_id(%barrier3A_50)
      %mul3A_51 = arith.constant 784 : i32
      %mul3A_52 = arith.muli %arg1, %mul3A_51 : i32
      %add3A_53 = arith.addi %mul3A_35, %mul3A_52 : i32
      "tpu.region"() ({
        %run_scoped3A = tpu.sem_alloc : memref<!tpu.dma_semaphore, #tpu.memory_space<semaphore_mem>>
        %dma_start3A = arith.constant 0 : i32
        %dma_start3A_55 = tpu.memref_slice %arg6[%add3A_53, %dma_start3A] : memref<50176x16xf32, #tpu.memory_space<hbm>> -> memref<784x16xf32, #tpu.memory_space<hbm>>
        %dma_start3A_56 = arith.constant 0 : i32
        %dma_start3A_57 = tpu.memref_slice %arg10[%mul3A_52, %dma_start3A_56] : memref<12560x16xf32, #tpu.memory_space<vmem_shared>> -> memref<784x16xf32, #tpu.memory_space<vmem_shared>>
        tpu.enqueue_dma source(%dma_start3A_57 : memref<784x16xf32, #tpu.memory_space<vmem_shared>>) target(%dma_start3A_55 : memref<784x16xf32, #tpu.memory_space<hbm>>) target_semaphore(%run_scoped3A : memref<!tpu.dma_semaphore, #tpu.memory_space<semaphore_mem>>)
        %dma_wait3A = arith.constant 0 : i32
        %dma_wait3A_58 = tpu.memref_slice %arg6[%add3A_53, %dma_wait3A] : memref<50176x16xf32, #tpu.memory_space<hbm>> -> memref<784x16xf32, #tpu.memory_space<hbm>>
        %dma_wait3A_59 = arith.constant 0 : i32
        %dma_wait3A_60 = tpu.memref_slice %arg10[%mul3A_52, %dma_wait3A_59] : memref<12560x16xf32, #tpu.memory_space<vmem_shared>> -> memref<784x16xf32, #tpu.memory_space<vmem_shared>>
        tpu.wait_dma2 semaphore(%run_scoped3A : memref<!tpu.dma_semaphore, #tpu.memory_space<semaphore_mem>>) src(%dma_wait3A_60 : memref<784x16xf32, #tpu.memory_space<vmem_shared>>) dst(%dma_wait3A_58 : memref<784x16xf32, #tpu.memory_space<hbm>>)
        tpu.yield
      }) : () -> ()
      %barrier3A_54 = arith.constant 0 : index
      tpu.barrier barrier_id(%barrier3A_54)
    }
    %scan3A_13 = arith.constant 2 : i32
    %scan3A_14 = arith.constant 0 : i32
    %scan3A_15 = arith.constant 0 : i32
    %scan3A_16 = arith.constant 2 : i32
    %scan3A_17 = arith.addi %scan3A_15, %scan3A_16 : i32
    %scan3A_18 = arith.constant 1 : i32
    scf.for %scan3A_32 = %scan3A_15 to %scan3A_17 step %scan3A_18  : i32 {
      %mul3A = arith.constant 2 : i32
      %mul3A_33 = arith.muli %arg0, %mul3A : i32
      %add3A = arith.addi %mul3A_33, %scan3A_32 : i32
      %mul3A_34 = arith.constant 12544 : i32
      %mul3A_35 = arith.muli %add3A, %mul3A_34 : i32
      %mul3A_36 = arith.constant 15744 : i32
      %mul3A_37 = arith.muli %arg1, %mul3A_36 : i32
      %scan3A_38 = arith.constant 0 : i32
      %scan3A_39 = arith.constant 0 : i32
      %scan3A_40 = arith.constant 7 : i32
      %scan3A_41 = arith.addi %scan3A_39, %scan3A_40 : i32
      %scan3A_42 = arith.constant 1 : i32
      scf.for %scan3A_55 = %scan3A_39 to %scan3A_41 step %scan3A_42  : i32 {
        %mul3A_56 = arith.constant 128 : i32
        %mul3A_57 = arith.muli %scan3A_55, %mul3A_56 : i32
        %min3A = arith.constant 657 : i32
        %min3A_58 = arith.minsi %mul3A_57, %min3A : i32
        %mul3A_59 = arith.constant 785 : i32
        %mul3A_60 = arith.muli %arg1, %mul3A_59 : i32
        %add3A_61 = arith.addi %mul3A_60, %min3A_58 : i32
        "tpu.region"() ({
          %run_scoped3A = tpu.sem_alloc : memref<!tpu.dma_semaphore, #tpu.memory_space<semaphore_mem>>
          %dma_start3A = arith.constant 0 : i32
          %dma_start3A_62 = tpu.memref_slice %arg10[%add3A_61, %dma_start3A] : memref<12560x16xf32, #tpu.memory_space<vmem_shared>> -> memref<128x16xf32, #tpu.memory_space<vmem_shared>>
          %dma_start3A_63 = arith.constant 0 : i32
          %dma_start3A_64 = tpu.memref_slice %arg10[%add3A_61, %dma_start3A_63] : memref<12560x16xf32, #tpu.memory_space<vmem_shared>> -> memref<128x16xf32, #tpu.memory_space<vmem_shared>>
          tpu.enqueue_dma source(%arg16 : memref<128x16xf32, #tpu.memory_space<vmem>>) target(%dma_start3A_64 : memref<128x16xf32, #tpu.memory_space<vmem_shared>>) target_semaphore(%run_scoped3A : memref<!tpu.dma_semaphore, #tpu.memory_space<semaphore_mem>>)
          %dma_wait3A = arith.constant 0 : i32
          %dma_wait3A_65 = tpu.memref_slice %arg10[%add3A_61, %dma_wait3A] : memref<12560x16xf32, #tpu.memory_space<vmem_shared>> -> memref<128x16xf32, #tpu.memory_space<vmem_shared>>
          %dma_wait3A_66 = arith.constant 0 : i32
          %dma_wait3A_67 = tpu.memref_slice %arg10[%add3A_61, %dma_wait3A_66] : memref<12560x16xf32, #tpu.memory_space<vmem_shared>> -> memref<128x16xf32, #tpu.memory_space<vmem_shared>>
          tpu.wait_dma2 semaphore(%run_scoped3A : memref<!tpu.dma_semaphore, #tpu.memory_space<semaphore_mem>>) src(%arg16 : memref<128x16xf32, #tpu.memory_space<vmem>>) dst(%dma_wait3A_67 : memref<128x16xf32, #tpu.memory_space<vmem_shared>>)
          tpu.yield
        }) : () -> ()
      }
      %scan3A_43 = arith.constant 7 : i32
      %barrier3A = arith.constant 0 : index
      tpu.barrier barrier_id(%barrier3A)
      %scan3A_44 = arith.constant 0 : i32
      %scan3A_45 = arith.constant 0 : i32
      %scan3A_46 = arith.constant 123 : i32
      %scan3A_47 = arith.addi %scan3A_45, %scan3A_46 : i32
      %scan3A_48 = arith.constant 1 : i32
      scf.for %scan3A_55 = %scan3A_45 to %scan3A_47 step %scan3A_48  : i32 {
        %mul3A_56 = arith.constant 128 : i32
        %mul3A_57 = arith.muli %scan3A_55, %mul3A_56 : i32
        %add3A_58 = arith.addi %mul3A_37, %mul3A_57 : i32
        "tpu.region"() ({
          %run_scoped3A = tpu.sem_alloc : memref<!tpu.dma_semaphore, #tpu.memory_space<semaphore_mem>>
          %dma_start3A = tpu.memref_slice %arg3[%add3A_58] : memref<251904xi32, #tpu.memory_space<hbm>> -> memref<128xi32, #tpu.memory_space<hbm>>
          %dma_start3A_65 = tpu.memref_slice %arg3[%add3A_58] : memref<251904xi32, #tpu.memory_space<hbm>> -> memref<128xi32, #tpu.memory_space<hbm>>
          tpu.enqueue_dma source(%dma_start3A_65 : memref<128xi32, #tpu.memory_space<hbm>>) target(%arg11 : memref<128xi32, #tpu.memory_space<vmem>>) target_semaphore(%run_scoped3A : memref<!tpu.dma_semaphore, #tpu.memory_space<semaphore_mem>>)
          %dma_wait3A = tpu.memref_slice %arg3[%add3A_58] : memref<251904xi32, #tpu.memory_space<hbm>> -> memref<128xi32, #tpu.memory_space<hbm>>
          %dma_wait3A_66 = tpu.memref_slice %arg3[%add3A_58] : memref<251904xi32, #tpu.memory_space<hbm>> -> memref<128xi32, #tpu.memory_space<hbm>>
          tpu.wait_dma2 semaphore(%run_scoped3A : memref<!tpu.dma_semaphore, #tpu.memory_space<semaphore_mem>>) src(%dma_wait3A_66 : memref<128xi32, #tpu.memory_space<hbm>>) dst(%arg11 : memref<128xi32, #tpu.memory_space<vmem>>)
          tpu.yield
        }) : () -> ()
        %scan3A_59 = arith.constant 0 : i32
        %scan3A_60 = arith.constant 0 : i32
        %scan3A_61 = arith.constant 8 : i32
        %scan3A_62 = arith.addi %scan3A_60, %scan3A_61 : i32
        %scan3A_63 = arith.constant 1 : i32
        scf.for %scan3A_65 = %scan3A_60 to %scan3A_62 step %scan3A_63  : i32 {
          %mul3A_66 = arith.constant 16 : i32
          %mul3A_67 = arith.muli %scan3A_65, %mul3A_66 : i32
          %get3A = arith.index_cast %mul3A_67 : i32 to index
          %get3A_68 = tpu.vector_load %arg11[%get3A] {strides = array<i32>} : memref<128xi32, #tpu.memory_space<vmem>>, vector<16xi32>,
          %get3A_69 = vector.shape_cast %get3A_68 : vector<16xi32> to vector<16xi32>
          %ge3A = vector.broadcast %mul3A_35 : i32 to vector<16xi32>
          %ge3A_70 = arith.cmpi sge, %get3A_69, %ge3A : vector<16xi32>
          %add3A_71 = arith.constant 12544 : i32
          %add3A_72 = arith.addi %mul3A_35, %add3A_71 : i32
          %lt3A = vector.broadcast %add3A_72 : i32 to vector<16xi32>
          %lt3A_73 = arith.cmpi slt, %get3A_69, %lt3A : vector<16xi32>
          %and3A = arith.andi %ge3A_70, %lt3A_73 : vector<16xi1>
          %sub3A = vector.broadcast %mul3A_35 : i32 to vector<16xi32>
          %sub3A_74 = arith.subi %get3A_69, %sub3A : vector<16xi32>
          %jit3A = arith.constant 12544 : i32
          %broadcast_in_dim3A_75 = vector.broadcast %jit3A : i32 to vector<16xi32>
          %select_n3A = arith.select %and3A, %sub3A_74, %broadcast_in_dim3A_75 : vector<16xi1>, vector<16xi32>
          %mul3A_76 = arith.constant 16 : i32
          %mul3A_77 = arith.muli %scan3A_65, %mul3A_76 : i32
          %swap3A = arith.index_cast %mul3A_77 : i32 to index
          %swap3A_78 = tpu.vector_load %arg13[%swap3A] {strides = array<i32>} : memref<128xi32, #tpu.memory_space<vmem>>, vector<16xi32>,
          %swap3A_79 = vector.shape_cast %swap3A_78 : vector<16xi32> to vector<16xi32>
          %swap3A_80 = vector.shape_cast %select_n3A : vector<16xi32> to vector<16xi32>
          tpu.vector_store %arg13[%swap3A], %swap3A_80 {strides = array<i32>} : memref<128xi32, #tpu.memory_space<vmem>>, vector<16xi32>,
        }
        %scan3A_64 = arith.constant 8 : i32
        "tpu.region"() ({
          %run_scoped3A = tpu.sem_alloc : memref<!tpu.dma_semaphore, #tpu.memory_space<semaphore_mem>>
          %dma_start3A = arith.constant 0 : i32
          %dma_start3A_65 = arith.constant 0 : i32
          %dma_start3A_66 = tpu.memref_slice %arg10[%dma_start3A, %dma_start3A_65] : memref<12560x16xf32, #tpu.memory_space<vmem_shared>> -> memref<12560x16xf32, #tpu.memory_space<vmem_shared>>
          tpu.enqueue_indirect_dma source(%arg15 : memref<128x16xf32, #tpu.memory_space<vmem>>) target(%dma_start3A_66 : memref<12560x16xf32, #tpu.memory_space<vmem_shared>>) offsets(%arg13 : memref<128xi32, #tpu.memory_space<vmem>>) semaphore(%run_scoped3A : memref<!tpu.dma_semaphore, #tpu.memory_space<semaphore_mem>>) {add = true}
          %dma_wait3A = arith.constant 0 : i32
          %dma_wait3A_67 = arith.constant 0 : i32
          %dma_wait3A_68 = tpu.memref_slice %arg10[%dma_wait3A, %dma_wait3A_67] : memref<12560x16xf32, #tpu.memory_space<vmem_shared>> -> memref<12560x16xf32, #tpu.memory_space<vmem_shared>>
          tpu.wait_indirect_dma semaphore(%run_scoped3A : memref<!tpu.dma_semaphore, #tpu.memory_space<semaphore_mem>>) src(%arg15 : memref<128x16xf32, #tpu.memory_space<vmem>>) dst(%dma_wait3A_68 : memref<12560x16xf32, #tpu.memory_space<vmem_shared>>)
          tpu.yield
        }) : () -> ()
      }
      %scan3A_49 = arith.constant 123 : i32
      %barrier3A_50 = arith.constant 0 : index
      tpu.barrier barrier_id(%barrier3A_50)
      %mul3A_51 = arith.constant 784 : i32
      %mul3A_52 = arith.muli %arg1, %mul3A_51 : i32
      %add3A_53 = arith.addi %mul3A_35, %mul3A_52 : i32
      "tpu.region"() ({
        %run_scoped3A = tpu.sem_alloc : memref<!tpu.dma_semaphore, #tpu.memory_space<semaphore_mem>>
        %dma_start3A = arith.constant 0 : i32
        %dma_start3A_55 = tpu.memref_slice %arg7[%add3A_53, %dma_start3A] : memref<50176x16xf32, #tpu.memory_space<hbm>> -> memref<784x16xf32, #tpu.memory_space<hbm>>
        %dma_start3A_56 = arith.constant 0 : i32
        %dma_start3A_57 = tpu.memref_slice %arg10[%mul3A_52, %dma_start3A_56] : memref<12560x16xf32, #tpu.memory_space<vmem_shared>> -> memref<784x16xf32, #tpu.memory_space<vmem_shared>>
        tpu.enqueue_dma source(%dma_start3A_57 : memref<784x16xf32, #tpu.memory_space<vmem_shared>>) target(%dma_start3A_55 : memref<784x16xf32, #tpu.memory_space<hbm>>) target_semaphore(%run_scoped3A : memref<!tpu.dma_semaphore, #tpu.memory_space<semaphore_mem>>)
        %dma_wait3A = arith.constant 0 : i32
        %dma_wait3A_58 = tpu.memref_slice %arg7[%add3A_53, %dma_wait3A] : memref<50176x16xf32, #tpu.memory_space<hbm>> -> memref<784x16xf32, #tpu.memory_space<hbm>>
        %dma_wait3A_59 = arith.constant 0 : i32
        %dma_wait3A_60 = tpu.memref_slice %arg10[%mul3A_52, %dma_wait3A_59] : memref<12560x16xf32, #tpu.memory_space<vmem_shared>> -> memref<784x16xf32, #tpu.memory_space<vmem_shared>>
        tpu.wait_dma2 semaphore(%run_scoped3A : memref<!tpu.dma_semaphore, #tpu.memory_space<semaphore_mem>>) src(%dma_wait3A_60 : memref<784x16xf32, #tpu.memory_space<vmem_shared>>) dst(%dma_wait3A_58 : memref<784x16xf32, #tpu.memory_space<hbm>>)
        tpu.yield
      }) : () -> ()
      %barrier3A_54 = arith.constant 0 : index
      tpu.barrier barrier_id(%barrier3A_54)
    }
    %scan3A_19 = arith.constant 2 : i32
    %scan3A_20 = arith.constant 0 : i32
    %scan3A_21 = arith.constant 0 : i32
    %scan3A_22 = arith.constant 2 : i32
    %scan3A_23 = arith.addi %scan3A_21, %scan3A_22 : i32
    %scan3A_24 = arith.constant 1 : i32
    scf.for %scan3A_32 = %scan3A_21 to %scan3A_23 step %scan3A_24  : i32 {
      %mul3A = arith.constant 2 : i32
      %mul3A_33 = arith.muli %arg0, %mul3A : i32
      %add3A = arith.addi %mul3A_33, %scan3A_32 : i32
      %mul3A_34 = arith.constant 12544 : i32
      %mul3A_35 = arith.muli %add3A, %mul3A_34 : i32
      %mul3A_36 = arith.constant 15744 : i32
      %mul3A_37 = arith.muli %arg1, %mul3A_36 : i32
      %scan3A_38 = arith.constant 0 : i32
      %scan3A_39 = arith.constant 0 : i32
      %scan3A_40 = arith.constant 7 : i32
      %scan3A_41 = arith.addi %scan3A_39, %scan3A_40 : i32
      %scan3A_42 = arith.constant 1 : i32
      scf.for %scan3A_55 = %scan3A_39 to %scan3A_41 step %scan3A_42  : i32 {
        %mul3A_56 = arith.constant 128 : i32
        %mul3A_57 = arith.muli %scan3A_55, %mul3A_56 : i32
        %min3A = arith.constant 657 : i32
        %min3A_58 = arith.minsi %mul3A_57, %min3A : i32
        %mul3A_59 = arith.constant 785 : i32
        %mul3A_60 = arith.muli %arg1, %mul3A_59 : i32
        %add3A_61 = arith.addi %mul3A_60, %min3A_58 : i32
        "tpu.region"() ({
          %run_scoped3A = tpu.sem_alloc : memref<!tpu.dma_semaphore, #tpu.memory_space<semaphore_mem>>
          %dma_start3A = arith.constant 0 : i32
          %dma_start3A_62 = tpu.memref_slice %arg10[%add3A_61, %dma_start3A] : memref<12560x16xf32, #tpu.memory_space<vmem_shared>> -> memref<128x16xf32, #tpu.memory_space<vmem_shared>>
          %dma_start3A_63 = arith.constant 0 : i32
          %dma_start3A_64 = tpu.memref_slice %arg10[%add3A_61, %dma_start3A_63] : memref<12560x16xf32, #tpu.memory_space<vmem_shared>> -> memref<128x16xf32, #tpu.memory_space<vmem_shared>>
          tpu.enqueue_dma source(%arg16 : memref<128x16xf32, #tpu.memory_space<vmem>>) target(%dma_start3A_64 : memref<128x16xf32, #tpu.memory_space<vmem_shared>>) target_semaphore(%run_scoped3A : memref<!tpu.dma_semaphore, #tpu.memory_space<semaphore_mem>>)
          %dma_wait3A = arith.constant 0 : i32
          %dma_wait3A_65 = tpu.memref_slice %arg10[%add3A_61, %dma_wait3A] : memref<12560x16xf32, #tpu.memory_space<vmem_shared>> -> memref<128x16xf32, #tpu.memory_space<vmem_shared>>
          %dma_wait3A_66 = arith.constant 0 : i32
          %dma_wait3A_67 = tpu.memref_slice %arg10[%add3A_61, %dma_wait3A_66] : memref<12560x16xf32, #tpu.memory_space<vmem_shared>> -> memref<128x16xf32, #tpu.memory_space<vmem_shared>>
          tpu.wait_dma2 semaphore(%run_scoped3A : memref<!tpu.dma_semaphore, #tpu.memory_space<semaphore_mem>>) src(%arg16 : memref<128x16xf32, #tpu.memory_space<vmem>>) dst(%dma_wait3A_67 : memref<128x16xf32, #tpu.memory_space<vmem_shared>>)
          tpu.yield
        }) : () -> ()
      }
      %scan3A_43 = arith.constant 7 : i32
      %barrier3A = arith.constant 0 : index
      tpu.barrier barrier_id(%barrier3A)
      %scan3A_44 = arith.constant 0 : i32
      %scan3A_45 = arith.constant 0 : i32
      %scan3A_46 = arith.constant 123 : i32
      %scan3A_47 = arith.addi %scan3A_45, %scan3A_46 : i32
      %scan3A_48 = arith.constant 1 : i32
      scf.for %scan3A_55 = %scan3A_45 to %scan3A_47 step %scan3A_48  : i32 {
        %mul3A_56 = arith.constant 128 : i32
        %mul3A_57 = arith.muli %scan3A_55, %mul3A_56 : i32
        %add3A_58 = arith.addi %mul3A_37, %mul3A_57 : i32
        "tpu.region"() ({
          %run_scoped3A = tpu.sem_alloc : memref<!tpu.dma_semaphore, #tpu.memory_space<semaphore_mem>>
          %dma_start3A = tpu.memref_slice %arg4[%add3A_58] : memref<251904xi32, #tpu.memory_space<hbm>> -> memref<128xi32, #tpu.memory_space<hbm>>
          %dma_start3A_65 = tpu.memref_slice %arg4[%add3A_58] : memref<251904xi32, #tpu.memory_space<hbm>> -> memref<128xi32, #tpu.memory_space<hbm>>
          tpu.enqueue_dma source(%dma_start3A_65 : memref<128xi32, #tpu.memory_space<hbm>>) target(%arg11 : memref<128xi32, #tpu.memory_space<vmem>>) target_semaphore(%run_scoped3A : memref<!tpu.dma_semaphore, #tpu.memory_space<semaphore_mem>>)
          %dma_wait3A = tpu.memref_slice %arg4[%add3A_58] : memref<251904xi32, #tpu.memory_space<hbm>> -> memref<128xi32, #tpu.memory_space<hbm>>
          %dma_wait3A_66 = tpu.memref_slice %arg4[%add3A_58] : memref<251904xi32, #tpu.memory_space<hbm>> -> memref<128xi32, #tpu.memory_space<hbm>>
          tpu.wait_dma2 semaphore(%run_scoped3A : memref<!tpu.dma_semaphore, #tpu.memory_space<semaphore_mem>>) src(%dma_wait3A_66 : memref<128xi32, #tpu.memory_space<hbm>>) dst(%arg11 : memref<128xi32, #tpu.memory_space<vmem>>)
          tpu.yield
        }) : () -> ()
        %scan3A_59 = arith.constant 0 : i32
        %scan3A_60 = arith.constant 0 : i32
        %scan3A_61 = arith.constant 8 : i32
        %scan3A_62 = arith.addi %scan3A_60, %scan3A_61 : i32
        %scan3A_63 = arith.constant 1 : i32
        scf.for %scan3A_65 = %scan3A_60 to %scan3A_62 step %scan3A_63  : i32 {
          %mul3A_66 = arith.constant 16 : i32
          %mul3A_67 = arith.muli %scan3A_65, %mul3A_66 : i32
          %get3A = arith.index_cast %mul3A_67 : i32 to index
          %get3A_68 = tpu.vector_load %arg11[%get3A] {strides = array<i32>} : memref<128xi32, #tpu.memory_space<vmem>>, vector<16xi32>,
          %get3A_69 = vector.shape_cast %get3A_68 : vector<16xi32> to vector<16xi32>
          %ge3A = vector.broadcast %mul3A_35 : i32 to vector<16xi32>
          %ge3A_70 = arith.cmpi sge, %get3A_69, %ge3A : vector<16xi32>
          %add3A_71 = arith.constant 12544 : i32
          %add3A_72 = arith.addi %mul3A_35, %add3A_71 : i32
          %lt3A = vector.broadcast %add3A_72 : i32 to vector<16xi32>
          %lt3A_73 = arith.cmpi slt, %get3A_69, %lt3A : vector<16xi32>
          %and3A = arith.andi %ge3A_70, %lt3A_73 : vector<16xi1>
          %sub3A = vector.broadcast %mul3A_35 : i32 to vector<16xi32>
          %sub3A_74 = arith.subi %get3A_69, %sub3A : vector<16xi32>
          %jit3A = arith.constant 12544 : i32
          %broadcast_in_dim3A_75 = vector.broadcast %jit3A : i32 to vector<16xi32>
          %select_n3A = arith.select %and3A, %sub3A_74, %broadcast_in_dim3A_75 : vector<16xi1>, vector<16xi32>
          %mul3A_76 = arith.constant 16 : i32
          %mul3A_77 = arith.muli %scan3A_65, %mul3A_76 : i32
          %swap3A = arith.index_cast %mul3A_77 : i32 to index
          %swap3A_78 = tpu.vector_load %arg13[%swap3A] {strides = array<i32>} : memref<128xi32, #tpu.memory_space<vmem>>, vector<16xi32>,
          %swap3A_79 = vector.shape_cast %swap3A_78 : vector<16xi32> to vector<16xi32>
          %swap3A_80 = vector.shape_cast %select_n3A : vector<16xi32> to vector<16xi32>
          tpu.vector_store %arg13[%swap3A], %swap3A_80 {strides = array<i32>} : memref<128xi32, #tpu.memory_space<vmem>>, vector<16xi32>,
        }
        %scan3A_64 = arith.constant 8 : i32
        "tpu.region"() ({
          %run_scoped3A = tpu.sem_alloc : memref<!tpu.dma_semaphore, #tpu.memory_space<semaphore_mem>>
          %dma_start3A = arith.constant 0 : i32
          %dma_start3A_65 = arith.constant 0 : i32
          %dma_start3A_66 = tpu.memref_slice %arg10[%dma_start3A, %dma_start3A_65] : memref<12560x16xf32, #tpu.memory_space<vmem_shared>> -> memref<12560x16xf32, #tpu.memory_space<vmem_shared>>
          tpu.enqueue_indirect_dma source(%arg15 : memref<128x16xf32, #tpu.memory_space<vmem>>) target(%dma_start3A_66 : memref<12560x16xf32, #tpu.memory_space<vmem_shared>>) offsets(%arg13 : memref<128xi32, #tpu.memory_space<vmem>>) semaphore(%run_scoped3A : memref<!tpu.dma_semaphore, #tpu.memory_space<semaphore_mem>>) {add = true}
          %dma_wait3A = arith.constant 0 : i32
          %dma_wait3A_67 = arith.constant 0 : i32
          %dma_wait3A_68 = tpu.memref_slice %arg10[%dma_wait3A, %dma_wait3A_67] : memref<12560x16xf32, #tpu.memory_space<vmem_shared>> -> memref<12560x16xf32, #tpu.memory_space<vmem_shared>>
          tpu.wait_indirect_dma semaphore(%run_scoped3A : memref<!tpu.dma_semaphore, #tpu.memory_space<semaphore_mem>>) src(%arg15 : memref<128x16xf32, #tpu.memory_space<vmem>>) dst(%dma_wait3A_68 : memref<12560x16xf32, #tpu.memory_space<vmem_shared>>)
          tpu.yield
        }) : () -> ()
      }
      %scan3A_49 = arith.constant 123 : i32
      %barrier3A_50 = arith.constant 0 : index
      tpu.barrier barrier_id(%barrier3A_50)
      %mul3A_51 = arith.constant 784 : i32
      %mul3A_52 = arith.muli %arg1, %mul3A_51 : i32
      %add3A_53 = arith.addi %mul3A_35, %mul3A_52 : i32
      "tpu.region"() ({
        %run_scoped3A = tpu.sem_alloc : memref<!tpu.dma_semaphore, #tpu.memory_space<semaphore_mem>>
        %dma_start3A = arith.constant 0 : i32
        %dma_start3A_55 = tpu.memref_slice %arg8[%add3A_53, %dma_start3A] : memref<50176x16xf32, #tpu.memory_space<hbm>> -> memref<784x16xf32, #tpu.memory_space<hbm>>
        %dma_start3A_56 = arith.constant 0 : i32
        %dma_start3A_57 = tpu.memref_slice %arg10[%mul3A_52, %dma_start3A_56] : memref<12560x16xf32, #tpu.memory_space<vmem_shared>> -> memref<784x16xf32, #tpu.memory_space<vmem_shared>>
        tpu.enqueue_dma source(%dma_start3A_57 : memref<784x16xf32, #tpu.memory_space<vmem_shared>>) target(%dma_start3A_55 : memref<784x16xf32, #tpu.memory_space<hbm>>) target_semaphore(%run_scoped3A : memref<!tpu.dma_semaphore, #tpu.memory_space<semaphore_mem>>)
        %dma_wait3A = arith.constant 0 : i32
        %dma_wait3A_58 = tpu.memref_slice %arg8[%add3A_53, %dma_wait3A] : memref<50176x16xf32, #tpu.memory_space<hbm>> -> memref<784x16xf32, #tpu.memory_space<hbm>>
        %dma_wait3A_59 = arith.constant 0 : i32
        %dma_wait3A_60 = tpu.memref_slice %arg10[%mul3A_52, %dma_wait3A_59] : memref<12560x16xf32, #tpu.memory_space<vmem_shared>> -> memref<784x16xf32, #tpu.memory_space<vmem_shared>>
        tpu.wait_dma2 semaphore(%run_scoped3A : memref<!tpu.dma_semaphore, #tpu.memory_space<semaphore_mem>>) src(%dma_wait3A_60 : memref<784x16xf32, #tpu.memory_space<vmem_shared>>) dst(%dma_wait3A_58 : memref<784x16xf32, #tpu.memory_space<hbm>>)
        tpu.yield
      }) : () -> ()
      %barrier3A_54 = arith.constant 0 : index
      tpu.barrier barrier_id(%barrier3A_54)
    }
    %scan3A_25 = arith.constant 2 : i32
    %scan3A_26 = arith.constant 0 : i32
    %scan3A_27 = arith.constant 0 : i32
    %scan3A_28 = arith.constant 2 : i32
    %scan3A_29 = arith.addi %scan3A_27, %scan3A_28 : i32
    %scan3A_30 = arith.constant 1 : i32
    scf.for %scan3A_32 = %scan3A_27 to %scan3A_29 step %scan3A_30  : i32 {
      %mul3A = arith.constant 2 : i32
      %mul3A_33 = arith.muli %arg0, %mul3A : i32
      %add3A = arith.addi %mul3A_33, %scan3A_32 : i32
      %mul3A_34 = arith.constant 12544 : i32
      %mul3A_35 = arith.muli %add3A, %mul3A_34 : i32
      %mul3A_36 = arith.constant 15744 : i32
      %mul3A_37 = arith.muli %arg1, %mul3A_36 : i32
      %scan3A_38 = arith.constant 0 : i32
      %scan3A_39 = arith.constant 0 : i32
      %scan3A_40 = arith.constant 7 : i32
      %scan3A_41 = arith.addi %scan3A_39, %scan3A_40 : i32
      %scan3A_42 = arith.constant 1 : i32
      scf.for %scan3A_55 = %scan3A_39 to %scan3A_41 step %scan3A_42  : i32 {
        %mul3A_56 = arith.constant 128 : i32
        %mul3A_57 = arith.muli %scan3A_55, %mul3A_56 : i32
        %min3A = arith.constant 657 : i32
        %min3A_58 = arith.minsi %mul3A_57, %min3A : i32
        %mul3A_59 = arith.constant 785 : i32
        %mul3A_60 = arith.muli %arg1, %mul3A_59 : i32
        %add3A_61 = arith.addi %mul3A_60, %min3A_58 : i32
        "tpu.region"() ({
          %run_scoped3A = tpu.sem_alloc : memref<!tpu.dma_semaphore, #tpu.memory_space<semaphore_mem>>
          %dma_start3A = arith.constant 0 : i32
          %dma_start3A_62 = tpu.memref_slice %arg10[%add3A_61, %dma_start3A] : memref<12560x16xf32, #tpu.memory_space<vmem_shared>> -> memref<128x16xf32, #tpu.memory_space<vmem_shared>>
          %dma_start3A_63 = arith.constant 0 : i32
          %dma_start3A_64 = tpu.memref_slice %arg10[%add3A_61, %dma_start3A_63] : memref<12560x16xf32, #tpu.memory_space<vmem_shared>> -> memref<128x16xf32, #tpu.memory_space<vmem_shared>>
          tpu.enqueue_dma source(%arg16 : memref<128x16xf32, #tpu.memory_space<vmem>>) target(%dma_start3A_64 : memref<128x16xf32, #tpu.memory_space<vmem_shared>>) target_semaphore(%run_scoped3A : memref<!tpu.dma_semaphore, #tpu.memory_space<semaphore_mem>>)
          %dma_wait3A = arith.constant 0 : i32
          %dma_wait3A_65 = tpu.memref_slice %arg10[%add3A_61, %dma_wait3A] : memref<12560x16xf32, #tpu.memory_space<vmem_shared>> -> memref<128x16xf32, #tpu.memory_space<vmem_shared>>
          %dma_wait3A_66 = arith.constant 0 : i32
          %dma_wait3A_67 = tpu.memref_slice %arg10[%add3A_61, %dma_wait3A_66] : memref<12560x16xf32, #tpu.memory_space<vmem_shared>> -> memref<128x16xf32, #tpu.memory_space<vmem_shared>>
          tpu.wait_dma2 semaphore(%run_scoped3A : memref<!tpu.dma_semaphore, #tpu.memory_space<semaphore_mem>>) src(%arg16 : memref<128x16xf32, #tpu.memory_space<vmem>>) dst(%dma_wait3A_67 : memref<128x16xf32, #tpu.memory_space<vmem_shared>>)
          tpu.yield
        }) : () -> ()
      }
      %scan3A_43 = arith.constant 7 : i32
      %barrier3A = arith.constant 0 : index
      tpu.barrier barrier_id(%barrier3A)
      %scan3A_44 = arith.constant 0 : i32
      %scan3A_45 = arith.constant 0 : i32
      %scan3A_46 = arith.constant 123 : i32
      %scan3A_47 = arith.addi %scan3A_45, %scan3A_46 : i32
      %scan3A_48 = arith.constant 1 : i32
      scf.for %scan3A_55 = %scan3A_45 to %scan3A_47 step %scan3A_48  : i32 {
        %mul3A_56 = arith.constant 128 : i32
        %mul3A_57 = arith.muli %scan3A_55, %mul3A_56 : i32
        %add3A_58 = arith.addi %mul3A_37, %mul3A_57 : i32
        "tpu.region"() ({
          %run_scoped3A = tpu.sem_alloc : memref<!tpu.dma_semaphore, #tpu.memory_space<semaphore_mem>>
          %dma_start3A = tpu.memref_slice %arg5[%add3A_58] : memref<251904xi32, #tpu.memory_space<hbm>> -> memref<128xi32, #tpu.memory_space<hbm>>
          %dma_start3A_65 = tpu.memref_slice %arg5[%add3A_58] : memref<251904xi32, #tpu.memory_space<hbm>> -> memref<128xi32, #tpu.memory_space<hbm>>
          tpu.enqueue_dma source(%dma_start3A_65 : memref<128xi32, #tpu.memory_space<hbm>>) target(%arg11 : memref<128xi32, #tpu.memory_space<vmem>>) target_semaphore(%run_scoped3A : memref<!tpu.dma_semaphore, #tpu.memory_space<semaphore_mem>>)
          %dma_wait3A = tpu.memref_slice %arg5[%add3A_58] : memref<251904xi32, #tpu.memory_space<hbm>> -> memref<128xi32, #tpu.memory_space<hbm>>
          %dma_wait3A_66 = tpu.memref_slice %arg5[%add3A_58] : memref<251904xi32, #tpu.memory_space<hbm>> -> memref<128xi32, #tpu.memory_space<hbm>>
          tpu.wait_dma2 semaphore(%run_scoped3A : memref<!tpu.dma_semaphore, #tpu.memory_space<semaphore_mem>>) src(%dma_wait3A_66 : memref<128xi32, #tpu.memory_space<hbm>>) dst(%arg11 : memref<128xi32, #tpu.memory_space<vmem>>)
          tpu.yield
        }) : () -> ()
        %scan3A_59 = arith.constant 0 : i32
        %scan3A_60 = arith.constant 0 : i32
        %scan3A_61 = arith.constant 8 : i32
        %scan3A_62 = arith.addi %scan3A_60, %scan3A_61 : i32
        %scan3A_63 = arith.constant 1 : i32
        scf.for %scan3A_65 = %scan3A_60 to %scan3A_62 step %scan3A_63  : i32 {
          %mul3A_66 = arith.constant 16 : i32
          %mul3A_67 = arith.muli %scan3A_65, %mul3A_66 : i32
          %get3A = arith.index_cast %mul3A_67 : i32 to index
          %get3A_68 = tpu.vector_load %arg11[%get3A] {strides = array<i32>} : memref<128xi32, #tpu.memory_space<vmem>>, vector<16xi32>,
          %get3A_69 = vector.shape_cast %get3A_68 : vector<16xi32> to vector<16xi32>
          %ge3A = vector.broadcast %mul3A_35 : i32 to vector<16xi32>
          %ge3A_70 = arith.cmpi sge, %get3A_69, %ge3A : vector<16xi32>
          %add3A_71 = arith.constant 12544 : i32
          %add3A_72 = arith.addi %mul3A_35, %add3A_71 : i32
          %lt3A = vector.broadcast %add3A_72 : i32 to vector<16xi32>
          %lt3A_73 = arith.cmpi slt, %get3A_69, %lt3A : vector<16xi32>
          %and3A = arith.andi %ge3A_70, %lt3A_73 : vector<16xi1>
          %sub3A = vector.broadcast %mul3A_35 : i32 to vector<16xi32>
          %sub3A_74 = arith.subi %get3A_69, %sub3A : vector<16xi32>
          %jit3A = arith.constant 12544 : i32
          %broadcast_in_dim3A_75 = vector.broadcast %jit3A : i32 to vector<16xi32>
          %select_n3A = arith.select %and3A, %sub3A_74, %broadcast_in_dim3A_75 : vector<16xi1>, vector<16xi32>
          %mul3A_76 = arith.constant 16 : i32
          %mul3A_77 = arith.muli %scan3A_65, %mul3A_76 : i32
          %swap3A = arith.index_cast %mul3A_77 : i32 to index
          %swap3A_78 = tpu.vector_load %arg13[%swap3A] {strides = array<i32>} : memref<128xi32, #tpu.memory_space<vmem>>, vector<16xi32>,
          %swap3A_79 = vector.shape_cast %swap3A_78 : vector<16xi32> to vector<16xi32>
          %swap3A_80 = vector.shape_cast %select_n3A : vector<16xi32> to vector<16xi32>
          tpu.vector_store %arg13[%swap3A], %swap3A_80 {strides = array<i32>} : memref<128xi32, #tpu.memory_space<vmem>>, vector<16xi32>,
        }
        %scan3A_64 = arith.constant 8 : i32
        "tpu.region"() ({
          %run_scoped3A = tpu.sem_alloc : memref<!tpu.dma_semaphore, #tpu.memory_space<semaphore_mem>>
          %dma_start3A = arith.constant 0 : i32
          %dma_start3A_65 = arith.constant 0 : i32
          %dma_start3A_66 = tpu.memref_slice %arg10[%dma_start3A, %dma_start3A_65] : memref<12560x16xf32, #tpu.memory_space<vmem_shared>> -> memref<12560x16xf32, #tpu.memory_space<vmem_shared>>
          tpu.enqueue_indirect_dma source(%arg15 : memref<128x16xf32, #tpu.memory_space<vmem>>) target(%dma_start3A_66 : memref<12560x16xf32, #tpu.memory_space<vmem_shared>>) offsets(%arg13 : memref<128xi32, #tpu.memory_space<vmem>>) semaphore(%run_scoped3A : memref<!tpu.dma_semaphore, #tpu.memory_space<semaphore_mem>>) {add = true}
          %dma_wait3A = arith.constant 0 : i32
          %dma_wait3A_67 = arith.constant 0 : i32
          %dma_wait3A_68 = tpu.memref_slice %arg10[%dma_wait3A, %dma_wait3A_67] : memref<12560x16xf32, #tpu.memory_space<vmem_shared>> -> memref<12560x16xf32, #tpu.memory_space<vmem_shared>>
          tpu.wait_indirect_dma semaphore(%run_scoped3A : memref<!tpu.dma_semaphore, #tpu.memory_space<semaphore_mem>>) src(%arg15 : memref<128x16xf32, #tpu.memory_space<vmem>>) dst(%dma_wait3A_68 : memref<12560x16xf32, #tpu.memory_space<vmem_shared>>)
          tpu.yield
        }) : () -> ()
      }
      %scan3A_49 = arith.constant 123 : i32
      %barrier3A_50 = arith.constant 0 : index
      tpu.barrier barrier_id(%barrier3A_50)
      %mul3A_51 = arith.constant 784 : i32
      %mul3A_52 = arith.muli %arg1, %mul3A_51 : i32
      %add3A_53 = arith.addi %mul3A_35, %mul3A_52 : i32
      "tpu.region"() ({
        %run_scoped3A = tpu.sem_alloc : memref<!tpu.dma_semaphore, #tpu.memory_space<semaphore_mem>>
        %dma_start3A = arith.constant 0 : i32
        %dma_start3A_55 = tpu.memref_slice %arg9[%add3A_53, %dma_start3A] : memref<50176x16xf32, #tpu.memory_space<hbm>> -> memref<784x16xf32, #tpu.memory_space<hbm>>
        %dma_start3A_56 = arith.constant 0 : i32
        %dma_start3A_57 = tpu.memref_slice %arg10[%mul3A_52, %dma_start3A_56] : memref<12560x16xf32, #tpu.memory_space<vmem_shared>> -> memref<784x16xf32, #tpu.memory_space<vmem_shared>>
        tpu.enqueue_dma source(%dma_start3A_57 : memref<784x16xf32, #tpu.memory_space<vmem_shared>>) target(%dma_start3A_55 : memref<784x16xf32, #tpu.memory_space<hbm>>) target_semaphore(%run_scoped3A : memref<!tpu.dma_semaphore, #tpu.memory_space<semaphore_mem>>)
        %dma_wait3A = arith.constant 0 : i32
        %dma_wait3A_58 = tpu.memref_slice %arg9[%add3A_53, %dma_wait3A] : memref<50176x16xf32, #tpu.memory_space<hbm>> -> memref<784x16xf32, #tpu.memory_space<hbm>>
        %dma_wait3A_59 = arith.constant 0 : i32
        %dma_wait3A_60 = tpu.memref_slice %arg10[%mul3A_52, %dma_wait3A_59] : memref<12560x16xf32, #tpu.memory_space<vmem_shared>> -> memref<784x16xf32, #tpu.memory_space<vmem_shared>>
        tpu.wait_dma2 semaphore(%run_scoped3A : memref<!tpu.dma_semaphore, #tpu.memory_space<semaphore_mem>>) src(%dma_wait3A_60 : memref<784x16xf32, #tpu.memory_space<vmem_shared>>) dst(%dma_wait3A_58 : memref<784x16xf32, #tpu.memory_space<hbm>>)
        tpu.yield
      }) : () -> ()
      %barrier3A_54 = arith.constant 0 : index
      tpu.barrier barrier_id(%barrier3A_54)
    }
    %scan3A_31 = arith.constant 2 : i32
    return
  }
}

module attributes {stable_mosaic.version = 14 : i64} {
  func.func @body(%arg0: i32, %arg1: memref<512x128xf32, #tpu.memory_space<vmem>>, %arg2: memref<512x128xf32, #tpu.memory_space<vmem>>, %arg3: memref<512x16xf32, #tpu.memory_space<vmem>>, %arg4: memref<128x128xf32, #tpu.memory_space<vmem>>, %arg5: memref<128x128xf32, #tpu.memory_space<vmem>>, %arg6: memref<512x128xf32, #tpu.memory_space<vmem>>) attributes {dimension_semantics = [#tpu.dimension_semantics<arbitrary>], iteration_bounds = array<i64: 98>, scalar_prefetch = 0 : i64, scratch_operands = 0 : i64, tpu.core_type = #tpu.core_type<tc>, window_params = [{transform_indices = @transform_0, window_bounds = array<i64: 512, 128>}, {transform_indices = @transform_1, window_bounds = array<i64: 512, 128>}, {transform_indices = @transform_2, window_bounds = array<i64: 512, 16>}, {pipeline_mode = #tpu.pipeline_mode<synchronous>, transform_indices = @transform_3, window_bounds = array<i64: 128, 128>}, {pipeline_mode = #tpu.pipeline_mode<synchronous>, transform_indices = @transform_4, window_bounds = array<i64: 128, 128>}, {transform_indices = @transform_5, window_bounds = array<i64: 512, 128>}]} {
    %get3A = arith.constant 0 : index
    %get3A_0 = arith.constant 0 : index
    %get3A_1 = vector.load %arg3[%get3A, %get3A_0] : memref<512x16xf32, #tpu.memory_space<vmem>>, vector<512x1xf32>
    %max3A = arith.constant 1.000000e+00 : f32
    %max3A_2 = vector.broadcast %max3A : f32 to vector<512x1xf32>
    %max3A_3 = arith.maximumf %get3A_1, %max3A_2 : vector<512x1xf32>
    %div3A = arith.constant 1.000000e+00 : f32
    %div3A_4 = vector.broadcast %div3A : f32 to vector<512x1xf32>
    %div3A_5 = arith.divf %div3A_4, %max3A_3 : vector<512x1xf32>
    %get3A_6 = arith.constant 0 : index
    %get3A_7 = arith.constant 0 : index
    %get3A_8 = vector.load %arg1[%get3A_6, %get3A_7] : memref<512x128xf32, #tpu.memory_space<vmem>>, vector<512x128xf32>
    %get3A_9 = arith.constant 0 : index
    %get3A_10 = arith.constant 0 : index
    %get3A_11 = vector.load %arg4[%get3A_9, %get3A_10] : memref<128x128xf32, #tpu.memory_space<vmem>>, vector<128x128xf32>
    %dot_general3A = arith.constant dense<0.000000e+00> : vector<512x128xf32>
    %dot_general3A_12 = tpu.matmul %get3A_8, %get3A_11, %dot_general3A {dimension_numbers = #tpu.dot_dimension_numbers<[1], [0], [0], [1], [0, 0, 1, 1], [], []>, transpose_lhs_hint = false} : vector<512x128xf32>, vector<128x128xf32>, vector<512x128xf32> -> vector<512x128xf32>
    %get3A_13 = arith.constant 0 : index
    %get3A_14 = arith.constant 0 : index
    %get3A_15 = vector.load %arg2[%get3A_13, %get3A_14] : memref<512x128xf32, #tpu.memory_space<vmem>>, vector<512x128xf32>
    %get3A_16 = arith.constant 0 : index
    %get3A_17 = arith.constant 0 : index
    %get3A_18 = vector.load %arg5[%get3A_16, %get3A_17] : memref<128x128xf32, #tpu.memory_space<vmem>>, vector<128x128xf32>
    %dot_general3A_19 = arith.constant dense<0.000000e+00> : vector<512x128xf32>
    %dot_general3A_20 = tpu.matmul %get3A_15, %get3A_18, %dot_general3A_19 {dimension_numbers = #tpu.dot_dimension_numbers<[1], [0], [0], [1], [0, 0, 1, 1], [], []>, transpose_lhs_hint = false} : vector<512x128xf32>, vector<128x128xf32>, vector<512x128xf32> -> vector<512x128xf32>
    %mul3A = vector.broadcast %div3A_5 : vector<512x1xf32> to vector<512x128xf32>
    %mul3A_21 = arith.mulf %dot_general3A_20, %mul3A : vector<512x128xf32>
    %add3A = arith.addf %dot_general3A_12, %mul3A_21 : vector<512x128xf32>
    %max3A_22 = arith.constant 0.000000e+00 : f32
    %max3A_23 = vector.broadcast %max3A_22 : f32 to vector<512x128xf32>
    %max3A_24 = arith.maximumf %add3A, %max3A_23 : vector<512x128xf32>
    %swap3A = arith.constant 0 : index
    %swap3A_25 = arith.constant 0 : index
    %swap3A_26 = vector.load %arg6[%swap3A, %swap3A_25] : memref<512x128xf32, #tpu.memory_space<vmem>>, vector<512x128xf32>
    tpu.vector_store %arg6[%swap3A, %swap3A_25], %max3A_24 {strides = array<i32>} : memref<512x128xf32, #tpu.memory_space<vmem>>, vector<512x128xf32>,
    return
  }
  func.func @transform_0(%arg0: i32) -> (i32, i32) {
    %c0_i32 = arith.constant 0 : i32
    %c0_i32_0 = arith.constant 0 : i32
    return %arg0, %c0_i32 : i32, i32
  }
  func.func @transform_1(%arg0: i32) -> (i32, i32) {
    %c0_i32 = arith.constant 0 : i32
    %c0_i32_0 = arith.constant 0 : i32
    return %arg0, %c0_i32 : i32, i32
  }
  func.func @transform_2(%arg0: i32) -> (i32, i32) {
    %c0_i32 = arith.constant 0 : i32
    %c0_i32_0 = arith.constant 0 : i32
    return %arg0, %c0_i32 : i32, i32
  }
  func.func @transform_3(%arg0: i32) -> (i32, i32) {
    %c0_i32 = arith.constant 0 : i32
    %c0_i32_0 = arith.constant 0 : i32
    %c0_i32_1 = arith.constant 0 : i32
    return %c0_i32, %c0_i32_0 : i32, i32
  }
  func.func @transform_4(%arg0: i32) -> (i32, i32) {
    %c0_i32 = arith.constant 0 : i32
    %c0_i32_0 = arith.constant 0 : i32
    %c0_i32_1 = arith.constant 0 : i32
    return %c0_i32, %c0_i32_0 : i32, i32
  }
  func.func @transform_5(%arg0: i32) -> (i32, i32) {
    %c0_i32 = arith.constant 0 : i32
    %c0_i32_0 = arith.constant 0 : i32
    return %arg0, %c0_i32 : i32, i32
  }
}

</mosaic_0001>

<sc_bundles>
// kernel: kernel.13.cloned.1.call-start
scs
__scs_entry_jumppad:
0x0: {  	(pc) =	sbr.rel $0x88, $3  }
0x1: {  	(tag) =	ssettag $0x0;
	lr =	simm.s32 $0x1  }
0x2: {  	[smem:$0x3F8D] =	sst lr;
	_ =	strace $0xD0000000  }
0x3: {  	_ = 	snop  }
0x4: {  	_ = 	snop  }
0x5: {  	_ = 	snop  }
0x6: {  	_ = 	snop  }
0x7: {  	_ = 	snop  }
__scs_overlays_trampoline_lowered:
0x8: {  	[smem:$0x3F9C] =	sst s0  }
0x9: {  	[smem:$0x3F9D] =	sst s1  }
0xa: {  	[smem:$0x3F9E] =	sst s2  }
0xb: {  	[smem:$0x3F9F] =	sst s3  }
0xc: {  	[smem:$0x3FA0] =	sst s4  }
0xd: {  	[smem:$0x3FA1] =	sst s5  }
0xe: {  	[smem:$0x3FA2] =	sst s6  }
0xf: {  	[smem:$0x3FA3] =	sst s7  }
0x10: {  	[smem:$0x3FA4] =	sst s8  }
0x11: {  	[smem:$0x3FA5] =	sst s9;
	s0 =	simm.s32 @!p0 $0x0  }
0x12: {  	s1 =	sld [smem:$0x3F8B];
	s0 =	simm.s32 @p0 $0x1  }
0x13: {  	[smem:$0x3FA6] =	sst s0;
	s0 =	simm.s32 @!p1 $0x0  }
0x14: {  	s2 =	sld [smem:$0x3F8A];
	s0 =	simm.s32 @p1 $0x1  }
0x15: {  	[smem:$0x3FA7] =	sst s0;
	s0 =	simm.s32 @!p2 $0x0  }
0x16: {  	s3 =	sld [smem:$0x3FDB];
	s0 =	simm.s32 @p2 $0x1  }
0x17: {  	s4 =	simm.s32 $0x1BF5;
	[smem:$0x3FA9] =	sst s0  }
0x18: {  	s0 =	sld [smem:$0x3F8C];
	_ =	swait.ge [sflag:s4], $0x0  }
0x19: {  	s7 =	sld [smem:$0x3F8D]  }
0x1a: {  	s8 =	sadd.s32 $0xFFFFE003, lr  }
0x1b: {  	s9 =	sadd.s32 $0xFFFFFEF7, lr;
	s5 =	simm.s32 $0xFFFFFFFF;
	p2 =	slt.u32 s8, $0xFFFFF086  }
0x1c: {  	p1 =	slt.u32 s9, $0xF7A;
	s5 =	simm.s32 @!p2 $0x0  }
0x1d: {  	s5 =	simm.s32 @p1 $0x1;
	p0 =	seq.s32 s7, s2  }
0x1e: {  	s7 =	smul.u32 @!p0 $0xF7A, s2;
	p2 =	seq.s32 @!p0 s5, $0x0  }
0x1f: {  	s9 =	smul.u32 $0xF7A, s1;
	s8 =	simm.s32 @!p0 $0x1BF5;
	p2 =	por !p2, p0  }
0x20: {  	[sflag:s8] =	ssyncset.s32 @!p0 $0xFFFFF086;
	s6 =	sadd.s32 @!p0 s3, s7;
	s7 =	simm.s32 @!p0 $0x108  }
0x21: {  	s3 =	sadd.s32 s3, s9;
	s6 =	sadd.s32 @!p0 $0x88, s6;
	s7 =	simm.s32 @p2 $0x1082  }
0x22: {  	[simem:s7], [sflag:s8] =	dma.local @!p0 [hbm:s6], $0xF7A  }
0x23: {  	s9 =	sor.u32 $0xD0000000, s2;
	s6 =	simm.s32 $0x108;
	_ =	swait.ge @!p0 [sflag:s8], $0x0  }
0x24: {  	s3 =	sadd.s32 $0x88, s3;
	s6 =	simm.s32 @!p1 $0x1082;
	[sflag:s4] =	ssyncset.s32 $0xFFFFF086  }
0x25: {  	[simem:s6], [sflag:s4] =	dma.local [hbm:s3], $0xF7A  }
0x26: {  	[smem:$0x3F8D] =	sst s1;
	(tag) =	ssettag s2;
	_ =	strace s9  }
0x27: {  	s1 =	sld [smem:$0x3F9D]  }
0x28: {  	s2 =	sld [smem:$0x3F9E]  }
0x29: {  	s4 =	sld [smem:$0x3FA0]  }
0x2a: {  	p0 =	seq.s32 s5, $0x0;
	s5 =	sld [smem:$0x3FA1]  }
0x2b: {  	s6 =	sld [smem:$0x3FA2]  }
0x2c: {  	s7 =	sld [smem:$0x3FA3]  }
0x2d: {  	s3 =	simm.s32 $0x108;
	s8 =	sld [smem:$0x3FA4]  }
0x2e: {  	s3 =	simm.s32 @!p0 $0x1082;
	s9 =	sld [smem:$0x3FA5]  }
0x2f: {  	lr =	sadd.s32 s0, s3;
	s0 =	sld [smem:$0x3F9C]  }
0x30: {  	s3 =	sld [smem:$0x3F9F]  }
0x31: {  	[smem:$0x3FA8] =	sst s10  }
0x32: {  	s10 =	sld [smem:$0x3FA6];
	_ =	sdelay $0x3  }
0x33: {  	p0 =	seq.s32 s10, $0x1;
	s10 =	sld [smem:$0x3FA8];
	_ =	sdelay $0x3  }
0x34: {  	[smem:$0x3FA8] =	sst s10  }
0x35: {  	s10 =	sld [smem:$0x3FA7];
	_ =	sdelay $0x3  }
0x36: {  	p1 =	seq.s32 s10, $0x1;
	s10 =	sld [smem:$0x3FA8];
	_ =	sdelay $0x3  }
0x37: {  	[smem:$0x3FA8] =	sst s10  }
0x38: {  	s10 =	sld [smem:$0x3FA9]  }
0x39: {  	_ = 	snop;
	(pc) =	sbr.ind lr, $3  }
0x3a: {  	_ = 	snop  }
0x3b: {  	_ = 	snop  }
0x3c: {  	p2 =	seq.s32 s10, $0x1;
	s10 =	sld [smem:$0x3FA8]  }
0x3d: {  	_ =	shalt  }
0x3e: {  	_ =	shalt  }
0x3f: {  	_ =	shalt  }
0x40: {  	_ =	shalt  }
0x41: {  	_ =	shalt  }
0x42: {  	_ =	shalt  }
0x43: {  	_ =	shalt  }
0x44: {  	_ =	shalt  }
0x45: {  	_ =	shalt  }
0x46: {  	_ =	shalt  }
0x47: {  	_ =	shalt  }
0x48: {  	_ =	shalt  }
0x49: {  	_ =	shalt  }
0x4a: {  	_ =	shalt  }
0x4b: {  	_ =	shalt  }
0x4c: {  	_ =	shalt  }
0x4d: {  	_ =	shalt  }
0x4e: {  	_ =	shalt  }
0x4f: {  	_ =	shalt  }
0x50: {  	_ =	shalt  }
0x51: {  	_ =	shalt  }
0x52: {  	_ =	shalt  }
0x53: {  	_ =	shalt  }
0x54: {  	_ =	shalt  }
0x55: {  	_ =	shalt  }
0x56: {  	_ =	shalt  }
0x57: {  	_ =	shalt  }
0x58: {  	_ =	shalt  }
0x59: {  	_ =	shalt  }
0x5a: {  	_ =	shalt  }
0x5b: {  	_ =	shalt  }
0x5c: {  	_ =	shalt  }
0x5d: {  	_ =	shalt  }
0x5e: {  	_ =	shalt  }
0x5f: {  	_ =	shalt  }
0x60: {  	_ =	shalt  }
0x61: {  	_ =	shalt  }
0x62: {  	_ =	shalt  }
0x63: {  	_ =	shalt  }
0x64: {  	_ =	shalt  }
0x65: {  	_ =	shalt  }
0x66: {  	_ =	shalt  }
0x67: {  	_ =	shalt  }
0x68: {  	_ =	shalt  }
0x69: {  	_ =	shalt  }
0x6a: {  	_ =	shalt  }
0x6b: {  	_ =	shalt  }
0x6c: {  	_ =	shalt  }
0x6d: {  	_ =	shalt  }
0x6e: {  	_ =	shalt  }
0x6f: {  	_ =	shalt  }
0x70: {  	_ =	shalt  }
0x71: {  	_ =	shalt  }
0x72: {  	_ =	shalt  }
0x73: {  	_ =	shalt  }
0x74: {  	_ =	shalt  }
0x75: {  	_ =	shalt  }
0x76: {  	_ =	shalt  }
0x77: {  	_ =	shalt  }
0x78: {  	_ =	shalt  }
0x79: {  	_ =	shalt  }
0x7a: {  	_ =	shalt  }
0x7b: {  	_ =	shalt  }
0x7c: {  	_ =	shalt  }
0x7d: {  	_ =	shalt  }
0x7e: {  	_ =	shalt  }
0x7f: {  	_ =	shalt  }
0x80: {  	_ =	shalt  }
0x81: {  	_ =	shalt  }
0x82: {  	_ =	shalt  }
0x83: {  	_ =	shalt  }
0x84: {  	_ =	shalt  }
0x85: {  	_ =	shalt  }
0x86: {  	_ =	shalt  }
0x87: {  	_ =	shalt  }
.Lfunc_end0:
.L_simem_size_0:
called_computation_lowered:
.L_overlay_start_0:
0x88: {  	s2 =	sld [smem:$0x3FD9]  }
0x89: {  	s3 =	sld [smem:$0x3FFE];
	_ =	sdelay $0x1  }
0x8a: {  	s1 =	srdreg.scid  }
0x8b: {  	s0 =	sand.u32 $0x1, s1  }
0x8c: {  	s17 =	sshll.u32 s0, $0xA;
	s2 =	sadd.s32 s3, s2  }
0x8d: {  	s2 =	sadd.s32 s2, s17  }
0x8e: {  	[smem:$0x3FB4] =	sst s2  }
0x8f: {  	_ = 	snop  }
0x90: {  	(tm) =	ssettm $0x1  }
0x91: {  	s18 =	sld [smem:$0x3FFB];
	_ =	sdelay $0x3  }
0x92: {  	_ =	strace s18  }
0x93: {  	s2 =	sld [smem:$0x3FFC];
	_ =	sdelay $0x3  }
0x94: {  	_ =	strace s2  }
0x95: {  	s2 =	sld [smem:$0x3FFD];
	_ =	sdelay $0x3  }
0x96: {  	_ =	strace s2  }
0x97: {  	_ =	strace $0x8FFFFFFF  }
0x98: {  	s19 =	sld [smem:$0x3FDB];
	_ =	sdelay $0x1  }
0x99: {  	s20 =	simm.s32 $_scs_section_size  }
0x9a: {  	s4 =	simm.s32 $_size__tile_overlayer_lowered;
	s5 =	simm.s32 $_tile_overlayer_lowered  }
0x9b: {  	s6 =	simm.s32 $0x1BFF;
	s21 =	sshll.u32 s5, $0x1;
	s3 =	sadd.s32 s20, s19  }
0x9c: {  	s22 =	simm.s32 $0x0;
	s4 =	sshll.u32 s4, $0x1;
	s5 =	sadd.s32 s21, s3  }
0x9d: {  	[timem:s22], [sflag:s6] =	dma.local [hbm:s5], s4  }
0x9e: {  	_ =	swait.ge [sflag:s6], s4  }
0x9f: {  	s4 =	ssub.s32 $0x0, s4;
	[sflag:s6] =	ssyncset.done $0x0  }
0xa0: {  	[sflag:s6] =	ssyncadd.s32 s4;
	_ =	sdelay $0x1  }
0xa1: {  	s23 =	simm.s32 $0x1B8B  }
0xa2: {  	_ =	swait.ge [sflag:s23], $0x1  }
0xa3: {  	[sflag:s23] =	ssyncset.done $0x0  }
0xa4: {  	[sflag:s23] =	ssyncadd.s32 $0xFFFFFFFF  }
0xa5: {  	s4 =	sld [smem:$0x0]  }
0xa6: {  	s5 =	sand.u32 $0xFFFFFFFE, s1  }
0xa7: {  	p0 =	sne.s32 s1, s5  }
0xa8: {  	s5 =	sshll.u32 @p0 s5, $0xE  }
0xa9: {  	s5 =	sadd.s32 @p0 $0x11B8D, s5;
	s6 =	sshll.u32 @p0 s4, $0x11  }
0xaa: {  	s5 =	sor.u32 @p0 s6, s5  }
0xab: {  	[sflag:s5] =	ssyncadd.remote.s32 @p0 $0x1;
	_ =	sdelay $0x1  }
0xac: {  	s5 =	simm.s32 @p0 $0x1B8D  }
0xad: {  	_ =	swait.eq @p0 [sflag:s5], $0x1  }
0xae: {  	[sflag:s5] =	ssyncadd.s32 @p0 $0xFFFFFFFF  }
0xaf: {  	s6 =	sshll.u32 @!p0 s1, $0xE  }
0xb0: {  	s6 =	sor.u32 @!p0 $0x4000, s6;
	s5 =	simm.s32 @!p0 $0x1B8D  }
0xb1: {  	s4 =	sshll.u32 @!p0 s4, $0x11;
	s6 =	sadd.s32 @!p0 $0x11B8D, s6;
	_ =	swait.eq @!p0 [sflag:s5], $0x1  }
0xb2: {  	s4 =	sor.u32 @!p0 s4, s6;
	[sflag:s5] =	ssyncadd.s32 @!p0 $0xFFFFFFFF  }
0xb3: {  	s25 =	simm.s32 $0x1B8E;
	s24 =	sld [smem:$0x3FFE];
	[sflag:s4] =	ssyncadd.remote.s32 @!p0 $0x1  }
0xb4: {  	s26 =	simm.s32 $execute0_lowered;
	[smem:$0x3FD2] =	sst s25  }
0xb5: {  	s5 =	sshll.u32 s26, $0x1;
	_ =	strace $0x80000049;
	[dreg:$0x1] =	wrdreg $0xFFFFFFFF  }
0xb6: {  	s28 =	simm.s32 $_size_execute0_lowered;
	s3 =	sadd.s32 s3, s5;
	[dreg:$0x0] =	wrdreg $0x0  }
0xb7: {  	s5 =	sshll.u32 s28, $0x1;
	[dreg:$0x2] =	wrdreg s3  }
0xb8: {  	[dreg:$0x3] =	wrdreg s5  }
0xb9: {  	[dreg:$0x4] =	wrdreg $0xC0  }
0xba: {  	_ =	task [dreg:s22], $0x5FFFF  }
0xbb: {  	[dreg:$0x1] =	wrdreg $0xFFFFFFFF  }
0xbc: {  	[dreg:$0x0] =	wrdreg $0x60  }
0xbd: {  	[dreg:$0x2] =	wrdreg s24  }
0xbe: {  	[dreg:$0x3] =	wrdreg $0x0  }
0xbf: {  	[dreg:$0x4] =	wrdreg $0x9  }
0xc0: {  	_ =	task.clear_ibuf [dreg:s22], $0x5FFFF;
	_ =	strace $0x90000049  }
0xc1: {  	s29 =	simm.s32 $0x9;
	_ =	strace $0x8000004B  }
0xc2: {  	_ =	swait.ge [sflag:s29], $0x1  }
0xc3: {  	[sflag:s29] =	ssyncadd.s32 $0xFFFFFFFF  }
0xc4: {  	_ =	strace $0x9000004B  }
0xc5: {  	_ =	sfence  }
0xc6: {  	s30 =	sld [smem:$0x0];
	_ =	sdelay $0x2  }
0xc7: {  	s31 =	sshll.u32 s1, $0xD;
	s1 =	sshrl.u32 s1, $0x2  }
0xc8: {  	s4 =	sand.u32 $0x4000, s31;
	s1 =	sadd.s32 s1, s30  }
0xc9: {  	s0 =	sor.u32 s4, s0;
	s1 =	sshll.u32 s1, $0x11  }
0xca: {  	s0 =	sor.u32 s1, s0  }
0xcb: {  	s0 =	sadd.s32 $0x8F2B, s0  }
0xcc: {  	[sflag:s0] =	ssyncadd.remote.s32 $0x1  }
0xcd: {  	_ =	sfence.sel $0xFFFF  }
0xce: {  	[dreg:$0x0] =	wrdreg $0xFFFFFFFF;
	(pc) =	sbr.abs _section_cstart, $3  }
0xcf: {  	[dreg:$0x1] =	wrdreg $0xFFFFFFFF  }
0xd0: {  	_ =	task.clear_ibuf [dreg:s22], $0x2FFFF;
	_ =	strace $0x9FFFFFFF  }
0xd1: {  	(tm) =	ssettm $0x7FFFFFFF  }
tec
execute0_lowered:
.L_overlay_start_1:
0x0: {  	(tag) =	ssettag $0x1  }
0x1: {  	s0 =	rddreg [dreg:$0x0]  }
0x2: {  	s2 =	rddreg [dreg:$0x1]  }
0x3: {  	s1 =	stileid.u32;
	s3 =	simm.s32 $0x0;
	s5 =	srdreg.scid  }
0x4: {  	s23 =	simm.s32 $0x7210;
	s24 =	simm.s32 $0x1;
	s25 =	simm.s32 $0x3110  }
0x5: {  	s28 =	simm.s32 $0x3190;
	s29 =	simm.s32 $0x3210;
	s4 =	smul.u32 $0x7B0, s1  }
0x6: {  	s8 =	sand.u32 $0x1, s5;
	s10 =	smul.u32 $0x62000, s1;
	s5 =	sadd.s32 $0x7CC800, s0  }
0x7: {  	[smem:$0x7FF] =	sst s3;
	s13 =	smul.u32 $0x62200, s1;
	s6 =	sadd.s32 $0x708800, s0  }
0x8: {  	s7 =	sadd.s32 $0x890800, s0;
	_ =	strace $0x8000004A;
	s9 =	ssub.s32 $0x2, s8  }
0x9: {  	s8 =	sshll.u32 s8, $0x1;
	s12 =	sadd.s32 s4, s0;
	s4 =	sadd.s32 $0x644800, s0  }
0xa: {  	s11 =	sshrl.u32 s9, $0x1;
	s30 =	sshrl.u32 s10, $0x2;
	s31 =	sshrl.u32 s13, $0x2  }
0xb: {  	s10 =	smul.u32 $0x310, s1;
	s1 =	simm.s32 $0x0;
	s26 =	ssub.s32 s9, s11  }
0xc: {  	s9 =	sadd.s32 s30, s2;
	s11 =	sadd.s32 s31, s2;
	s19 =	sadd.s32 $0x5800, s12  }
0xd: {  	s20 =	sadd.s32 $0xD400, s12;
	s21 =	sadd.s32 $0x15000, s12;
	s22 =	sadd.s32 $0x1CC00, s12  }
0xe: {  	s0 =	smax.u32 s26, $0x1;
	s13 =	sadd.s32 $0x4000, s11;
	s14 =	sadd.s32 $0x8000, s11  }
0xf: {  	s15 =	sadd.s32 $0xC000, s11;
	s16 =	sadd.s32 $0x10000, s11;
	s17 =	sadd.s32 $0x14000, s11  }
0x10: {  	v0 =	vimm.f32 $1.000000000e+00;
	v1 =	vimm.f32 $0.0e+00;
	s18 =	sadd.s32 $0x14880, s11;
	s26 =	simm.s32 $0x80;
	[dreg:$0x3] =	wrdreg s0  }
.LBB2_1:
0x11: {  	[dreg:$0x4] =	wrdreg s1;
	s0 =	simm.s32 $0x0  }
.LBB2_2:
0x12: {  	p0 =	sne.s32 s0, $0xFE00  }
.Ltmp0:
0x13: {  	_ = 	snop;
	(pc) =	sbr.rel @p0 .LBB2_2-.Ltmp0, $4  }
0x14: {  	_ = 	snop  }
0x15: {  	s12 =	sshra.s32 s0, $0x2  }
0x16: {  	[tilespmem:s12+$0x3210] =	vst v0  }
0x17: {  	s0 =	sadd.s32 $0x200, s0;
	[tilespmem:s12+$0x7210] =	vst v1  }
0x18: {  	s30 =	simm.s32 $0x0;
	p2 =	por $0x1, $0x1  }
.LBB2_4:
0x19: {  	[spmem:s11] =	stream.linear.scatter [tilespmem:s23], [sflag:$0x1], $0x4000, $0x38;
	[tilespmem:$0xB210] =	vst v63  }
0x1a: {  	_ =	swait.ge [sflag:s24], $0x4000  }
0x1b: {  	[sflag:s24] =	ssyncset.done $0x0  }
0x1c: {  	[sflag:s24] =	ssyncadd.s32 $0xFFFFC000  }
0x1d: {  	[spmem:s13] =	stream.linear.scatter [tilespmem:s23], [sflag:$0x1], $0x4000, $0x38;
	[tilespmem:$0xB210] =	vst v63  }
0x1e: {  	_ =	swait.ge [sflag:s24], $0x4000  }
0x1f: {  	[sflag:s24] =	ssyncset.done $0x0  }
0x20: {  	[sflag:s24] =	ssyncadd.s32 $0xFFFFC000  }
0x21: {  	[spmem:s14] =	stream.linear.scatter [tilespmem:s23], [sflag:$0x1], $0x4000, $0x38;
	[tilespmem:$0xB210] =	vst v63  }
0x22: {  	_ =	swait.ge [sflag:s24], $0x4000  }
0x23: {  	[sflag:s24] =	ssyncset.done $0x0  }
0x24: {  	[sflag:s24] =	ssyncadd.s32 $0xFFFFC000  }
0x25: {  	[spmem:s15] =	stream.linear.scatter [tilespmem:s23], [sflag:$0x1], $0x4000, $0x38;
	[tilespmem:$0xB210] =	vst v63  }
0x26: {  	_ =	swait.ge [sflag:s24], $0x4000  }
0x27: {  	[sflag:s24] =	ssyncset.done $0x0  }
0x28: {  	[sflag:s24] =	ssyncadd.s32 $0xFFFFC000  }
0x29: {  	[spmem:s16] =	stream.linear.scatter [tilespmem:s23], [sflag:$0x1], $0x4000, $0x38;
	[tilespmem:$0xB210] =	vst v63  }
0x2a: {  	_ =	swait.ge [sflag:s24], $0x4000  }
0x2b: {  	[sflag:s24] =	ssyncset.done $0x0  }
0x2c: {  	[sflag:s24] =	ssyncadd.s32 $0xFFFFC000  }
0x2d: {  	[spmem:s17] =	stream.linear.scatter [tilespmem:s23], [sflag:$0x1], $0x4000, $0x38;
	[tilespmem:$0xB210] =	vst v63  }
0x2e: {  	_ =	swait.ge [sflag:s24], $0x4000  }
0x2f: {  	[sflag:s24] =	ssyncset.done $0x0  }
0x30: {  	[sflag:s24] =	ssyncadd.s32 $0xFFFFC000  }
0x31: {  	[spmem:s18] =	stream.linear.scatter [tilespmem:s23], [sflag:$0x1], $0x4000, $0x38;
	[tilespmem:$0xB210] =	vst v63  }
0x32: {  	_ =	swait.ge [sflag:s24], $0x4000  }
0x33: {  	[sflag:s24] =	ssyncset.done $0x0  }
0x34: {  	[sflag:s24] =	ssyncadd.s32 $0xFFFFC000  }
0x35: {  	s0 =	sadd.s32 $0x0, s19;
	[bflag:$0x0] =	sbarrier.arrive $0xFFFF  }
0x36: {  	[tilespmem:s25], [sflag:$0x1] =	stream.linear.gather [hbm4b:s0+s3], $0x80, $0x38;
	[tilespmem:$0xB210] =	vst v63  }
0x37: {  	_ =	swait.ge [sflag:s24], $0x80  }
0x38: {  	[sflag:s24] =	ssyncset.done $0x0  }
0x39: {  	[sflag:s24] =	ssyncadd.s32 $0xFFFFFF80  }
0x3a: {  	v5 =	vld [tilespmem:$0x3180]  }
0x3b: {  	s31 =	sor.u32 s8, s30;
	v6 =	vld [tilespmem:$0x3170]  }
0x3c: {  	s0 =	smul.u32 $0x3100, s31;
	v7 =	vld [tilespmem:$0x3120];
	_ =	sdelay $0x1  }
0x3d: {  	s12 =	sadd.s32 $0x3100, s0;
	v3 =	vmov s0  }
0x3e: {  	v2 =	vmov s12;
	v9 =	vld [tilespmem:$0x3110];
	vm0 =	vge.s32 v5, v3  }
0x3f: {  	v4 =	vld [tilespmem:$0x3130];
	vm1 =	vlt.s32 v5, v2;
	v10 =	vsub.s32 v5, v3;
	vm2 =	vge.s32 v6, v3  }
0x40: {  	v5 =	vld [tilespmem:$0x3150];
	vm3 =	vlt.s32 v6, v2;
	v6 =	vsub.s32 v6, v3;
	v8 =	vsub.s32 v7, v3  }
0x41: {  	vm4 =	vlt.s32 v7, v2;
	vm2 =	vmand vm2, vm3;
	vm3 =	vge.s32 v7, v3;
	v7 =	vld [tilespmem:$0x3140]  }
0x42: {  	vm0 =	vmand vm0, vm1;
	v11 =	vnsel vm2, $0x3100, v6  }
0x43: {  	vm1 =	vlt.s32 v9, v2;
	vm2 =	vge.s32 v9, v3;
	[tilespmem:$0x31F0] =	vst v11;
	v11 =	vsub.s32 v9, v3;
	v9 =	vld [tilespmem:$0x3160]  }
0x44: {  	v6 =	vsub.s32 v4, v3;
	v12 =	vnsel vm0, $0x3100, v10;
	vm1 =	vmand vm2, vm1  }
0x45: {  	p0 =	por p2, p2;
	s12 =	simm.s32 $0x10;
	vm0 =	vmand vm3, vm4;
	[tilespmem:$0x3200] =	vst v12;
	v11 =	vnsel vm1, $0x3100, v11;
	v10 =	vsub.s32 v5, v3  }
.LBB2_5:
0x46: {  	p1 =	sne.s32 s12, $0x7A0;
	[tilespmem:$0x3190] =	vst v11;
	vm1 =	vge.s32 v4, v3;
	vm2 =	vge.s32 v7, v3;
	vm3 =	vlt.s32 v7, v2;
	s30 =	smov.u32 s12;
	s12 =	sadd.s32 $0x10, s12  }
0x47: {  	vm4 =	vlt.s32 v4, v2;
	vm2 =	vmand vm2, vm3;
	vm3 =	vlt.s32 v5, v2  }
0x48: {  	v4 =	vnsel vm0, $0x3100, v8;
	v7 =	vsub.s32 v7, v3;
	vm0 =	vlt.s32 v9, v2  }
0x49: {  	vm5 =	vge.s32 v9, v3;
	vm1 =	vmand vm1, vm4;
	vm4 =	vge.s32 v5, v3;
	[tilespmem:$0x31A0] =	vst v4  }
0x4a: {  	vm0 =	vmand vm5, vm0;
	vm3 =	vmand vm4, vm3;
	v4 =	vsub.s32 v9, v3  }
0x4b: {  	v5 =	vnsel vm1, $0x3100, v6;
	v6 =	vnsel vm3, $0x3100, v10;
	v4 =	vnsel vm0, $0x3100, v4  }
0x4c: {  	v7 =	vnsel vm2, $0x3100, v7;
	[tilespmem:$0x31E0] =	vst v4  }
0x4d: {  	[tilespmem:$0x31C0] =	vst v7  }
0x4e: {  	[tilespmem:$0x31D0] =	vst v6  }
0x4f: {  	[tilespmem:$0x31B0] =	vst v5  }
0x50: {  	[spmem:s2] =	stream.indirect.scatter.add.f32 [tilespmem:s29], [sflag:$0x1], $0x10, s28, s26, $0xb8;
	[tilespmem:$0xB210] =	vst v63  }
0x51: {  	_ =	swait.ge [sflag:s24], $0x800  }
0x52: {  	[sflag:s24] =	ssyncset.done $0x0  }
0x53: {  	s30 =	sadd.s32 s30, s19;
	[sflag:s24] =	ssyncadd.s32 $0xFFFFF800  }
0x54: {  	[tilespmem:s25], [sflag:$0x1] =	stream.linear.gather [hbm4b:s30+s3], $0x80, $0x38;
	[tilespmem:$0xB210] =	vst v63  }
0x55: {  	_ =	swait.ge [sflag:s24], $0x80  }
0x56: {  	[sflag:s24] =	ssyncset.done $0x0  }
0x57: {  	[sflag:s24] =	ssyncadd.s32 $0xFFFFFF80  }
0x58: {  	v5 =	vld [tilespmem:$0x3180]  }
0x59: {  	v6 =	vld [tilespmem:$0x3170]  }
0x5a: {  	v10 =	vld [tilespmem:$0x3120]  }
0x5b: {  	v11 =	vld [tilespmem:$0x3110]  }
0x5c: {  	v4 =	vld [tilespmem:$0x3130]  }
0x5d: {  	v7 =	vld [tilespmem:$0x3140];
	vm0 =	vge.s32 v5, v3;
	vm1 =	vlt.s32 v5, v2;
	v12 =	vsub.s32 v5, v3  }
0x5e: {  	v5 =	vld [tilespmem:$0x3150];
	vm2 =	vge.s32 v6, v3;
	vm3 =	vlt.s32 v6, v2;
	v6 =	vsub.s32 v6, v3  }
.Ltmp1:
0x5f: {  	vm0 =	vmand vm0, vm1;
	v8 =	vsub.s32 v10, v3;
	v9 =	vld [tilespmem:$0x3160];
	vm2 =	vmand vm2, vm3;
	(pc) =	sbr.rel @p1 .LBB2_5-.Ltmp1, $4  }
0x60: {  	vm3 =	vge.s32 v10, v3;
	vm1 =	vlt.s32 v11, v2;
	v13 =	vnsel vm2, $0x3100, v6  }
0x61: {  	vm4 =	vlt.s32 v10, v2;
	vm2 =	vge.s32 v11, v3;
	v6 =	vsub.s32 v4, v3;
	[tilespmem:$0x31F0] =	vst v13  }
0x62: {  	v12 =	vnsel vm0, $0x3100, v12;
	v10 =	vsub.s32 v11, v3;
	vm1 =	vmand vm2, vm1  }
0x63: {  	vm0 =	vmand vm3, vm4;
	v11 =	vnsel vm1, $0x3100, v10;
	v10 =	vsub.s32 v5, v3;
	[tilespmem:$0x3200] =	vst v12  }
0x64: {  	vm1 =	vge.s32 v7, v3  }
0x65: {  	vm2 =	vlt.s32 v7, v2;
	vm3 =	vge.s32 v4, v3;
	v8 =	vnsel vm0, $0x3100, v8  }
0x66: {  	vm12 =	vlt.s32 v9, v2;
	vm13 =	vge.s32 v9, v3;
	vm14 =	vlt.s32 v5, v2  }
0x67: {  	[tilespmem:$0x3190] =	vst v11;
	v62 =	vsub.s32 v9, v3;
	v63 =	vsub.s32 v7, v3;
	vm0 =	vmand vm13, vm12  }
0x68: {  	vm4 =	vge.s32 v5, v3;
	vm1 =	vmand vm1, vm2;
	[tilespmem:$0x31A0] =	vst v8;
	v3 =	vnsel vm0, $0x3100, v62  }
0x69: {  	vm15 =	vlt.s32 v4, v2;
	vm2 =	vmand vm4, vm14;
	v2 =	vnsel vm1, $0x3100, v63;
	[tilespmem:$0x31E0] =	vst v3  }
0x6a: {  	vm0 =	vmand vm3, vm15;
	v3 =	vnsel vm2, $0x3100, v10;
	[tilespmem:$0x31C0] =	vst v2  }
0x6b: {  	v2 =	vnsel vm0, $0x3100, v6;
	[tilespmem:$0x31D0] =	vst v3  }
0x6c: {  	[tilespmem:$0x31B0] =	vst v2  }
0x6d: {  	[spmem:s2] =	stream.indirect.scatter.add.f32 [tilespmem:s29], [sflag:$0x1], $0x10, s28, s26, $0xb8;
	[tilespmem:$0xB210] =	vst v63  }
0x6e: {  	s0 =	sadd.s32 s10, s0;
	_ =	swait.ge [sflag:s24], $0x800  }
0x6f: {  	s1 =	stileid.u32;
	s0 =	sshll.u32 s0, $0x4;
	[sflag:s24] =	ssyncset.done $0x0  }
0x70: {  	s12 =	sshll.u32 s1, $0x6;
	s30 =	sadd.s32 s4, s0;
	[sflag:s24] =	ssyncadd.s32 $0xFFFFF800  }
0x71: {  	s31 =	sor.u32 $0x1C01, s12;
	s0 =	sshrl.u32 s9, $0x3;
	[bflag:$0x0] =	sbarrier.arrive $0xFFFF  }
0x72: {  	[hbm:s30], [sflag:s31] =	dma.local [spmem:s0], $0x3100  }
0x73: {  	s30 =	simm.s32 $0x1  }
.Ltmp2:
0x74: {  	_ =	swait.ge [sflag:s30], $0x3100;
	(pc) =	sbr.rel @p0 .LBB2_4-.Ltmp2, $4  }
0x75: {  	[sflag:s30] =	ssyncset.done $0x0  }
0x76: {  	[sflag:s30] =	ssyncadd.s32 $0xFFFFCF00  }
0x77: {  	[bflag:$0x0] =	sbarrier.arrive $0xFFFF  }
0x78: {  	p1 =	por $0x1, $0x1;
	p2 =	por $0x0, $0x0;
	s12 =	simm.s32 $0x0  }
.LBB2_7:
0x79: {  	[spmem:s11] =	stream.linear.scatter [tilespmem:s23], [sflag:$0x1], $0x4000, $0x38;
	[tilespmem:$0xB210] =	vst v63  }
0x7a: {  	_ =	swait.ge [sflag:s24], $0x4000  }
0x7b: {  	[sflag:s24] =	ssyncset.done $0x0  }
0x7c: {  	[sflag:s24] =	ssyncadd.s32 $0xFFFFC000  }
0x7d: {  	[spmem:s13] =	stream.linear.scatter [tilespmem:s23], [sflag:$0x1], $0x4000, $0x38;
	[tilespmem:$0xB210] =	vst v63  }
0x7e: {  	_ =	swait.ge [sflag:s24], $0x4000  }
0x7f: {  	[sflag:s24] =	ssyncset.done $0x0  }
0x80: {  	[sflag:s24] =	ssyncadd.s32 $0xFFFFC000  }
0x81: {  	[spmem:s14] =	stream.linear.scatter [tilespmem:s23], [sflag:$0x1], $0x4000, $0x38;
	[tilespmem:$0xB210] =	vst v63  }
0x82: {  	_ =	swait.ge [sflag:s24], $0x4000  }
0x83: {  	[sflag:s24] =	ssyncset.done $0x0  }
0x84: {  	[sflag:s24] =	ssyncadd.s32 $0xFFFFC000  }
0x85: {  	[spmem:s15] =	stream.linear.scatter [tilespmem:s23], [sflag:$0x1], $0x4000, $0x38;
	[tilespmem:$0xB210] =	vst v63  }
0x86: {  	_ =	swait.ge [sflag:s24], $0x4000  }
0x87: {  	[sflag:s24] =	ssyncset.done $0x0  }
0x88: {  	[sflag:s24] =	ssyncadd.s32 $0xFFFFC000  }
0x89: {  	[spmem:s16] =	stream.linear.scatter [tilespmem:s23], [sflag:$0x1], $0x4000, $0x38;
	[tilespmem:$0xB210] =	vst v63  }
0x8a: {  	_ =	swait.ge [sflag:s24], $0x4000  }
0x8b: {  	[sflag:s24] =	ssyncset.done $0x0  }
0x8c: {  	[sflag:s24] =	ssyncadd.s32 $0xFFFFC000  }
0x8d: {  	[spmem:s17] =	stream.linear.scatter [tilespmem:s23], [sflag:$0x1], $0x4000, $0x38;
	[tilespmem:$0xB210] =	vst v63  }
0x8e: {  	_ =	swait.ge [sflag:s24], $0x4000  }
0x8f: {  	[sflag:s24] =	ssyncset.done $0x0  }
0x90: {  	[sflag:s24] =	ssyncadd.s32 $0xFFFFC000  }
0x91: {  	[spmem:s18] =	stream.linear.scatter [tilespmem:s23], [sflag:$0x1], $0x4000, $0x38;
	[tilespmem:$0xB210] =	vst v63  }
0x92: {  	_ =	swait.ge [sflag:s24], $0x4000  }
0x93: {  	[sflag:s24] =	ssyncset.done $0x0  }
0x94: {  	[sflag:s24] =	ssyncadd.s32 $0xFFFFC000  }
0x95: {  	s30 =	sadd.s32 $0x0, s20;
	[bflag:$0x0] =	sbarrier.arrive $0xFFFF  }
0x96: {  	[tilespmem:s25], [sflag:$0x1] =	stream.linear.gather [hbm4b:s30+s3], $0x80, $0x38;
	[tilespmem:$0xB210] =	vst v63  }
0x97: {  	_ =	swait.ge [sflag:s24], $0x80  }
0x98: {  	[sflag:s24] =	ssyncset.done $0x0  }
0x99: {  	[sflag:s24] =	ssyncadd.s32 $0xFFFFFF80  }
0x9a: {  	v5 =	vld [tilespmem:$0x3180]  }
0x9b: {  	s12 =	sor.u32 s8, s12;
	v6 =	vld [tilespmem:$0x3170]  }
0x9c: {  	s12 =	smul.u32 $0x3100, s12;
	v7 =	vld [tilespmem:$0x3120];
	_ =	sdelay $0x1  }
0x9d: {  	v3 =	vmov s12;
	s30 =	sadd.s32 $0x3100, s12  }
0x9e: {  	v2 =	vmov s30;
	v9 =	vld [tilespmem:$0x3110];
	vm0 =	vge.s32 v5, v3  }
0x9f: {  	v4 =	vld [tilespmem:$0x3130];
	vm1 =	vlt.s32 v5, v2;
	v10 =	vsub.s32 v5, v3;
	vm2 =	vge.s32 v6, v3  }
0xa0: {  	v5 =	vld [tilespmem:$0x3150];
	vm3 =	vlt.s32 v6, v2;
	v6 =	vsub.s32 v6, v3;
	v8 =	vsub.s32 v7, v3  }
0xa1: {  	vm4 =	vlt.s32 v7, v2;
	vm2 =	vmand vm2, vm3;
	vm3 =	vge.s32 v7, v3;
	v7 =	vld [tilespmem:$0x3140]  }
0xa2: {  	vm0 =	vmand vm0, vm1;
	v11 =	vnsel vm2, $0x3100, v6  }
0xa3: {  	vm1 =	vlt.s32 v9, v2;
	vm2 =	vge.s32 v9, v3;
	[tilespmem:$0x31F0] =	vst v11;
	v11 =	vsub.s32 v9, v3;
	v9 =	vld [tilespmem:$0x3160]  }
0xa4: {  	v6 =	vsub.s32 v4, v3;
	v12 =	vnsel vm0, $0x3100, v10;
	vm1 =	vmand vm2, vm1  }
0xa5: {  	p0 =	por p1, p1;
	s30 =	simm.s32 $0x10;
	vm0 =	vmand vm3, vm4;
	[tilespmem:$0x3200] =	vst v12;
	v11 =	vnsel vm1, $0x3100, v11;
	v10 =	vsub.s32 v5, v3  }
.LBB2_8:
0xa6: {  	p1 =	sne.s32 s30, $0x7A0;
	[tilespmem:$0x3190] =	vst v11;
	vm1 =	vge.s32 v4, v3;
	vm2 =	vge.s32 v7, v3;
	vm3 =	vlt.s32 v7, v2;
	s1 =	smov.u32 s30;
	s30 =	sadd.s32 $0x10, s30  }
0xa7: {  	vm4 =	vlt.s32 v4, v2;
	vm2 =	vmand vm2, vm3;
	vm3 =	vlt.s32 v5, v2  }
0xa8: {  	v4 =	vnsel vm0, $0x3100, v8;
	v7 =	vsub.s32 v7, v3;
	vm0 =	vlt.s32 v9, v2  }
0xa9: {  	vm5 =	vge.s32 v9, v3;
	vm1 =	vmand vm1, vm4;
	vm4 =	vge.s32 v5, v3;
	[tilespmem:$0x31A0] =	vst v4  }
0xaa: {  	vm0 =	vmand vm5, vm0;
	vm3 =	vmand vm4, vm3;
	v4 =	vsub.s32 v9, v3  }
0xab: {  	v5 =	vnsel vm1, $0x3100, v6;
	v6 =	vnsel vm3, $0x3100, v10;
	v4 =	vnsel vm0, $0x3100, v4  }
0xac: {  	v7 =	vnsel vm2, $0x3100, v7;
	[tilespmem:$0x31E0] =	vst v4  }
0xad: {  	[tilespmem:$0x31C0] =	vst v7  }
0xae: {  	[tilespmem:$0x31D0] =	vst v6  }
0xaf: {  	[tilespmem:$0x31B0] =	vst v5  }
0xb0: {  	[spmem:s2] =	stream.indirect.scatter.add.f32 [tilespmem:s29], [sflag:$0x1], $0x10, s28, s26, $0xb8;
	[tilespmem:$0xB210] =	vst v63  }
0xb1: {  	_ =	swait.ge [sflag:s24], $0x800  }
0xb2: {  	[sflag:s24] =	ssyncset.done $0x0  }
0xb3: {  	s1 =	sadd.s32 s1, s20;
	[sflag:s24] =	ssyncadd.s32 $0xFFFFF800  }
0xb4: {  	[tilespmem:s25], [sflag:$0x1] =	stream.linear.gather [hbm4b:s1+s3], $0x80, $0x38;
	[tilespmem:$0xB210] =	vst v63  }
0xb5: {  	_ =	swait.ge [sflag:s24], $0x80  }
0xb6: {  	[sflag:s24] =	ssyncset.done $0x0  }
0xb7: {  	[sflag:s24] =	ssyncadd.s32 $0xFFFFFF80  }
0xb8: {  	v5 =	vld [tilespmem:$0x3180]  }
0xb9: {  	v6 =	vld [tilespmem:$0x3170]  }
0xba: {  	v10 =	vld [tilespmem:$0x3120]  }
0xbb: {  	v11 =	vld [tilespmem:$0x3110]  }
0xbc: {  	v4 =	vld [tilespmem:$0x3130]  }
0xbd: {  	v7 =	vld [tilespmem:$0x3140];
	vm0 =	vge.s32 v5, v3;
	vm1 =	vlt.s32 v5, v2;
	v12 =	vsub.s32 v5, v3  }
0xbe: {  	v5 =	vld [tilespmem:$0x3150];
	vm2 =	vge.s32 v6, v3;
	vm3 =	vlt.s32 v6, v2;
	v6 =	vsub.s32 v6, v3  }
.Ltmp3:
0xbf: {  	vm0 =	vmand vm0, vm1;
	v8 =	vsub.s32 v10, v3;
	v9 =	vld [tilespmem:$0x3160];
	vm2 =	vmand vm2, vm3;
	(pc) =	sbr.rel @p1 .LBB2_8-.Ltmp3, $4  }
0xc0: {  	vm3 =	vge.s32 v10, v3;
	vm1 =	vlt.s32 v11, v2;
	v13 =	vnsel vm2, $0x3100, v6  }
0xc1: {  	vm4 =	vlt.s32 v10, v2;
	vm2 =	vge.s32 v11, v3;
	v6 =	vsub.s32 v4, v3;
	[tilespmem:$0x31F0] =	vst v13  }
0xc2: {  	v12 =	vnsel vm0, $0x3100, v12;
	v10 =	vsub.s32 v11, v3;
	vm1 =	vmand vm2, vm1  }
0xc3: {  	vm0 =	vmand vm3, vm4;
	v11 =	vnsel vm1, $0x3100, v10;
	v10 =	vsub.s32 v5, v3;
	[tilespmem:$0x3200] =	vst v12  }
0xc4: {  	vm1 =	vge.s32 v7, v3  }
0xc5: {  	vm2 =	vlt.s32 v7, v2;
	vm3 =	vge.s32 v4, v3;
	v8 =	vnsel vm0, $0x3100, v8  }
0xc6: {  	vm12 =	vlt.s32 v9, v2;
	vm13 =	vge.s32 v9, v3;
	vm14 =	vlt.s32 v5, v2  }
0xc7: {  	[tilespmem:$0x3190] =	vst v11;
	v62 =	vsub.s32 v9, v3;
	v63 =	vsub.s32 v7, v3;
	vm0 =	vmand vm13, vm12  }
0xc8: {  	vm4 =	vge.s32 v5, v3;
	vm1 =	vmand vm1, vm2;
	[tilespmem:$0x31A0] =	vst v8;
	v3 =	vnsel vm0, $0x3100, v62  }
0xc9: {  	vm15 =	vlt.s32 v4, v2;
	vm2 =	vmand vm4, vm14;
	v2 =	vnsel vm1, $0x3100, v63;
	[tilespmem:$0x31E0] =	vst v3  }
0xca: {  	vm0 =	vmand vm3, vm15;
	v3 =	vnsel vm2, $0x3100, v10;
	[tilespmem:$0x31C0] =	vst v2  }
0xcb: {  	v2 =	vnsel vm0, $0x3100, v6;
	[tilespmem:$0x31D0] =	vst v3  }
0xcc: {  	[tilespmem:$0x31B0] =	vst v2  }
0xcd: {  	[spmem:s2] =	stream.indirect.scatter.add.f32 [tilespmem:s29], [sflag:$0x1], $0x10, s28, s26, $0xb8;
	[tilespmem:$0xB210] =	vst v63  }
0xce: {  	_ =	swait.ge [sflag:s24], $0x800  }
0xcf: {  	s1 =	sadd.s32 s10, s12;
	[sflag:s24] =	ssyncset.done $0x0  }
0xd0: {  	s1 =	sshll.u32 s1, $0x4;
	[sflag:s24] =	ssyncadd.s32 $0xFFFFF800  }
0xd1: {  	s12 =	simm.s32 $0x1;
	s1 =	sadd.s32 s5, s1;
	[bflag:$0x0] =	sbarrier.arrive $0xFFFF  }
0xd2: {  	[hbm:s1], [sflag:s31] =	dma.local [spmem:s0], $0x3100  }
.Ltmp4:
0xd3: {  	_ =	swait.ge [sflag:s12], $0x3100;
	(pc) =	sbr.rel @p0 .LBB2_7-.Ltmp4, $4  }
0xd4: {  	[sflag:s12] =	ssyncset.done $0x0  }
0xd5: {  	[sflag:s12] =	ssyncadd.s32 $0xFFFFCF00  }
0xd6: {  	[bflag:$0x0] =	sbarrier.arrive $0xFFFF  }
0xd7: {  	s30 =	simm.s32 $0x0;
	p2 =	por $0x1, $0x1;
	p1 =	por $0x0, $0x0  }
.LBB2_10:
0xd8: {  	[spmem:s11] =	stream.linear.scatter [tilespmem:s23], [sflag:$0x1], $0x4000, $0x38;
	[tilespmem:$0xB210] =	vst v63  }
0xd9: {  	_ =	swait.ge [sflag:s24], $0x4000  }
0xda: {  	[sflag:s24] =	ssyncset.done $0x0  }
0xdb: {  	[sflag:s24] =	ssyncadd.s32 $0xFFFFC000  }
0xdc: {  	[spmem:s13] =	stream.linear.scatter [tilespmem:s23], [sflag:$0x1], $0x4000, $0x38;
	[tilespmem:$0xB210] =	vst v63  }
0xdd: {  	_ =	swait.ge [sflag:s24], $0x4000  }
0xde: {  	[sflag:s24] =	ssyncset.done $0x0  }
0xdf: {  	[sflag:s24] =	ssyncadd.s32 $0xFFFFC000  }
0xe0: {  	[spmem:s14] =	stream.linear.scatter [tilespmem:s23], [sflag:$0x1], $0x4000, $0x38;
	[tilespmem:$0xB210] =	vst v63  }
0xe1: {  	_ =	swait.ge [sflag:s24], $0x4000  }
0xe2: {  	[sflag:s24] =	ssyncset.done $0x0  }
0xe3: {  	[sflag:s24] =	ssyncadd.s32 $0xFFFFC000  }
0xe4: {  	[spmem:s15] =	stream.linear.scatter [tilespmem:s23], [sflag:$0x1], $0x4000, $0x38;
	[tilespmem:$0xB210] =	vst v63  }
0xe5: {  	_ =	swait.ge [sflag:s24], $0x4000  }
0xe6: {  	[sflag:s24] =	ssyncset.done $0x0  }
0xe7: {  	[sflag:s24] =	ssyncadd.s32 $0xFFFFC000  }
0xe8: {  	[spmem:s16] =	stream.linear.scatter [tilespmem:s23], [sflag:$0x1], $0x4000, $0x38;
	[tilespmem:$0xB210] =	vst v63  }
0xe9: {  	_ =	swait.ge [sflag:s24], $0x4000  }
0xea: {  	[sflag:s24] =	ssyncset.done $0x0  }
0xeb: {  	[sflag:s24] =	ssyncadd.s32 $0xFFFFC000  }
0xec: {  	[spmem:s17] =	stream.linear.scatter [tilespmem:s23], [sflag:$0x1], $0x4000, $0x38;
	[tilespmem:$0xB210] =	vst v63  }
0xed: {  	_ =	swait.ge [sflag:s24], $0x4000  }
0xee: {  	[sflag:s24] =	ssyncset.done $0x0  }
0xef: {  	[sflag:s24] =	ssyncadd.s32 $0xFFFFC000  }
0xf0: {  	[spmem:s18] =	stream.linear.scatter [tilespmem:s23], [sflag:$0x1], $0x4000, $0x38;
	[tilespmem:$0xB210] =	vst v63  }
0xf1: {  	_ =	swait.ge [sflag:s24], $0x4000  }
0xf2: {  	[sflag:s24] =	ssyncset.done $0x0  }
0xf3: {  	[sflag:s24] =	ssyncadd.s32 $0xFFFFC000  }
0xf4: {  	s1 =	sadd.s32 $0x0, s21;
	[bflag:$0x0] =	sbarrier.arrive $0xFFFF  }
0xf5: {  	[tilespmem:s25], [sflag:$0x1] =	stream.linear.gather [hbm4b:s1+s3], $0x80, $0x38;
	[tilespmem:$0xB210] =	vst v63  }
0xf6: {  	_ =	swait.ge [sflag:s24], $0x80  }
0xf7: {  	[sflag:s24] =	ssyncset.done $0x0  }
0xf8: {  	[sflag:s24] =	ssyncadd.s32 $0xFFFFFF80  }
0xf9: {  	v5 =	vld [tilespmem:$0x3180]  }
0xfa: {  	s12 =	sor.u32 s8, s30;
	v6 =	vld [tilespmem:$0x3170]  }
0xfb: {  	s12 =	smul.u32 $0x3100, s12;
	v7 =	vld [tilespmem:$0x3120];
	_ =	sdelay $0x1  }
0xfc: {  	v3 =	vmov s12;
	s1 =	sadd.s32 $0x3100, s12  }
0xfd: {  	v2 =	vmov s1;
	v9 =	vld [tilespmem:$0x3110];
	vm0 =	vge.s32 v5, v3  }
0xfe: {  	v4 =	vld [tilespmem:$0x3130];
	vm1 =	vlt.s32 v5, v2;
	v10 =	vsub.s32 v5, v3;
	vm2 =	vge.s32 v6, v3  }
0xff: {  	v5 =	vld [tilespmem:$0x3150];
	vm3 =	vlt.s32 v6, v2;
	v6 =	vsub.s32 v6, v3;
	v8 =	vsub.s32 v7, v3  }
0x100: {  	vm4 =	vlt.s32 v7, v2;
	vm2 =	vmand vm2, vm3;
	vm3 =	vge.s32 v7, v3;
	v7 =	vld [tilespmem:$0x3140]  }
0x101: {  	vm0 =	vmand vm0, vm1;
	v11 =	vnsel vm2, $0x3100, v6  }
0x102: {  	vm1 =	vlt.s32 v9, v2;
	vm2 =	vge.s32 v9, v3;
	[tilespmem:$0x31F0] =	vst v11;
	v11 =	vsub.s32 v9, v3;
	v9 =	vld [tilespmem:$0x3160]  }
0x103: {  	v6 =	vsub.s32 v4, v3;
	v12 =	vnsel vm0, $0x3100, v10;
	vm1 =	vmand vm2, vm1  }
0x104: {  	p0 =	por p2, p2;
	s30 =	simm.s32 $0x10;
	vm0 =	vmand vm3, vm4;
	[tilespmem:$0x3200] =	vst v12;
	v11 =	vnsel vm1, $0x3100, v11;
	v10 =	vsub.s32 v5, v3  }
.LBB2_11:
0x105: {  	p1 =	sne.s32 s30, $0x7A0;
	[tilespmem:$0x3190] =	vst v11;
	vm1 =	vge.s32 v4, v3;
	vm2 =	vge.s32 v7, v3;
	vm3 =	vlt.s32 v7, v2;
	s1 =	smov.u32 s30;
	s30 =	sadd.s32 $0x10, s30  }
0x106: {  	vm4 =	vlt.s32 v4, v2;
	vm2 =	vmand vm2, vm3;
	vm3 =	vlt.s32 v5, v2  }
0x107: {  	v4 =	vnsel vm0, $0x3100, v8;
	v7 =	vsub.s32 v7, v3;
	vm0 =	vlt.s32 v9, v2  }
0x108: {  	vm5 =	vge.s32 v9, v3;
	vm1 =	vmand vm1, vm4;
	vm4 =	vge.s32 v5, v3;
	[tilespmem:$0x31A0] =	vst v4  }
0x109: {  	vm0 =	vmand vm5, vm0;
	vm3 =	vmand vm4, vm3;
	v4 =	vsub.s32 v9, v3  }
0x10a: {  	v5 =	vnsel vm1, $0x3100, v6;
	v6 =	vnsel vm3, $0x3100, v10;
	v4 =	vnsel vm0, $0x3100, v4  }
0x10b: {  	v7 =	vnsel vm2, $0x3100, v7;
	[tilespmem:$0x31E0] =	vst v4  }
0x10c: {  	[tilespmem:$0x31C0] =	vst v7  }
0x10d: {  	[tilespmem:$0x31D0] =	vst v6  }
0x10e: {  	[tilespmem:$0x31B0] =	vst v5  }
0x10f: {  	[spmem:s2] =	stream.indirect.scatter.add.f32 [tilespmem:s29], [sflag:$0x1], $0x10, s28, s26, $0xb8;
	[tilespmem:$0xB210] =	vst v63  }
0x110: {  	_ =	swait.ge [sflag:s24], $0x800  }
0x111: {  	[sflag:s24] =	ssyncset.done $0x0  }
0x112: {  	s1 =	sadd.s32 s1, s21;
	[sflag:s24] =	ssyncadd.s32 $0xFFFFF800  }
0x113: {  	[tilespmem:s25], [sflag:$0x1] =	stream.linear.gather [hbm4b:s1+s3], $0x80, $0x38;
	[tilespmem:$0xB210] =	vst v63  }
0x114: {  	_ =	swait.ge [sflag:s24], $0x80  }
0x115: {  	[sflag:s24] =	ssyncset.done $0x0  }
0x116: {  	[sflag:s24] =	ssyncadd.s32 $0xFFFFFF80  }
0x117: {  	v5 =	vld [tilespmem:$0x3180]  }
0x118: {  	v6 =	vld [tilespmem:$0x3170]  }
0x119: {  	v10 =	vld [tilespmem:$0x3120]  }
0x11a: {  	v11 =	vld [tilespmem:$0x3110]  }
0x11b: {  	v4 =	vld [tilespmem:$0x3130]  }
0x11c: {  	v7 =	vld [tilespmem:$0x3140];
	vm0 =	vge.s32 v5, v3;
	vm1 =	vlt.s32 v5, v2;
	v12 =	vsub.s32 v5, v3  }
0x11d: {  	v5 =	vld [tilespmem:$0x3150];
	vm2 =	vge.s32 v6, v3;
	vm3 =	vlt.s32 v6, v2;
	v6 =	vsub.s32 v6, v3  }
.Ltmp5:
0x11e: {  	vm0 =	vmand vm0, vm1;
	v8 =	vsub.s32 v10, v3;
	v9 =	vld [tilespmem:$0x3160];
	vm2 =	vmand vm2, vm3;
	(pc) =	sbr.rel @p1 .LBB2_11-.Ltmp5, $4  }
0x11f: {  	vm3 =	vge.s32 v10, v3;
	vm1 =	vlt.s32 v11, v2;
	v13 =	vnsel vm2, $0x3100, v6  }
0x120: {  	vm4 =	vlt.s32 v10, v2;
	vm2 =	vge.s32 v11, v3;
	v6 =	vsub.s32 v4, v3;
	[tilespmem:$0x31F0] =	vst v13  }
0x121: {  	v12 =	vnsel vm0, $0x3100, v12;
	v10 =	vsub.s32 v11, v3;
	vm1 =	vmand vm2, vm1  }
0x122: {  	vm0 =	vmand vm3, vm4;
	v11 =	vnsel vm1, $0x3100, v10;
	v10 =	vsub.s32 v5, v3;
	[tilespmem:$0x3200] =	vst v12  }
0x123: {  	vm1 =	vge.s32 v7, v3  }
0x124: {  	vm2 =	vlt.s32 v7, v2;
	vm3 =	vge.s32 v4, v3;
	v8 =	vnsel vm0, $0x3100, v8  }
0x125: {  	vm12 =	vlt.s32 v9, v2;
	vm13 =	vge.s32 v9, v3;
	vm14 =	vlt.s32 v5, v2  }
0x126: {  	[tilespmem:$0x3190] =	vst v11;
	v62 =	vsub.s32 v9, v3;
	v63 =	vsub.s32 v7, v3;
	vm0 =	vmand vm13, vm12  }
0x127: {  	vm4 =	vge.s32 v5, v3;
	vm1 =	vmand vm1, vm2;
	[tilespmem:$0x31A0] =	vst v8;
	v3 =	vnsel vm0, $0x3100, v62  }
0x128: {  	vm15 =	vlt.s32 v4, v2;
	vm2 =	vmand vm4, vm14;
	v2 =	vnsel vm1, $0x3100, v63;
	[tilespmem:$0x31E0] =	vst v3  }
0x129: {  	vm0 =	vmand vm3, vm15;
	v3 =	vnsel vm2, $0x3100, v10;
	[tilespmem:$0x31C0] =	vst v2  }
0x12a: {  	v2 =	vnsel vm0, $0x3100, v6;
	[tilespmem:$0x31D0] =	vst v3  }
0x12b: {  	[tilespmem:$0x31B0] =	vst v2  }
0x12c: {  	[spmem:s2] =	stream.indirect.scatter.add.f32 [tilespmem:s29], [sflag:$0x1], $0x10, s28, s26, $0xb8;
	[tilespmem:$0xB210] =	vst v63  }
0x12d: {  	_ =	swait.ge [sflag:s24], $0x800  }
0x12e: {  	s1 =	sadd.s32 s10, s12;
	[sflag:s24] =	ssyncset.done $0x0  }
0x12f: {  	s1 =	sshll.u32 s1, $0x4;
	[sflag:s24] =	ssyncadd.s32 $0xFFFFF800  }
0x130: {  	s30 =	simm.s32 $0x1;
	s1 =	sadd.s32 s6, s1;
	[bflag:$0x0] =	sbarrier.arrive $0xFFFF  }
0x131: {  	[hbm:s1], [sflag:s31] =	dma.local [spmem:s0], $0x3100  }
.Ltmp6:
0x132: {  	_ =	swait.ge [sflag:s30], $0x3100;
	(pc) =	sbr.rel @p0 .LBB2_10-.Ltmp6, $4  }
0x133: {  	[sflag:s30] =	ssyncset.done $0x0  }
0x134: {  	[sflag:s30] =	ssyncadd.s32 $0xFFFFCF00  }
0x135: {  	[bflag:$0x0] =	sbarrier.arrive $0xFFFF  }
0x136: {  	s12 =	simm.s32 $0x0;
	p1 =	por $0x1, $0x1;
	p2 =	por $0x0, $0x0  }
.LBB2_13:
0x137: {  	[spmem:s11] =	stream.linear.scatter [tilespmem:s23], [sflag:$0x1], $0x4000, $0x38;
	[tilespmem:$0xB210] =	vst v63  }
0x138: {  	_ =	swait.ge [sflag:s24], $0x4000  }
0x139: {  	[sflag:s24] =	ssyncset.done $0x0  }
0x13a: {  	[sflag:s24] =	ssyncadd.s32 $0xFFFFC000  }
0x13b: {  	[spmem:s13] =	stream.linear.scatter [tilespmem:s23], [sflag:$0x1], $0x4000, $0x38;
	[tilespmem:$0xB210] =	vst v63  }
0x13c: {  	_ =	swait.ge [sflag:s24], $0x4000  }
0x13d: {  	[sflag:s24] =	ssyncset.done $0x0  }
0x13e: {  	[sflag:s24] =	ssyncadd.s32 $0xFFFFC000  }
0x13f: {  	[spmem:s14] =	stream.linear.scatter [tilespmem:s23], [sflag:$0x1], $0x4000, $0x38;
	[tilespmem:$0xB210] =	vst v63  }
0x140: {  	_ =	swait.ge [sflag:s24], $0x4000  }
0x141: {  	[sflag:s24] =	ssyncset.done $0x0  }
0x142: {  	[sflag:s24] =	ssyncadd.s32 $0xFFFFC000  }
0x143: {  	[spmem:s15] =	stream.linear.scatter [tilespmem:s23], [sflag:$0x1], $0x4000, $0x38;
	[tilespmem:$0xB210] =	vst v63  }
0x144: {  	_ =	swait.ge [sflag:s24], $0x4000  }
0x145: {  	[sflag:s24] =	ssyncset.done $0x0  }
0x146: {  	[sflag:s24] =	ssyncadd.s32 $0xFFFFC000  }
0x147: {  	[spmem:s16] =	stream.linear.scatter [tilespmem:s23], [sflag:$0x1], $0x4000, $0x38;
	[tilespmem:$0xB210] =	vst v63  }
0x148: {  	_ =	swait.ge [sflag:s24], $0x4000  }
0x149: {  	[sflag:s24] =	ssyncset.done $0x0  }
0x14a: {  	[sflag:s24] =	ssyncadd.s32 $0xFFFFC000  }
0x14b: {  	[spmem:s17] =	stream.linear.scatter [tilespmem:s23], [sflag:$0x1], $0x4000, $0x38;
	[tilespmem:$0xB210] =	vst v63  }
0x14c: {  	_ =	swait.ge [sflag:s24], $0x4000  }
0x14d: {  	[sflag:s24] =	ssyncset.done $0x0  }
0x14e: {  	[sflag:s24] =	ssyncadd.s32 $0xFFFFC000  }
0x14f: {  	[spmem:s18] =	stream.linear.scatter [tilespmem:s23], [sflag:$0x1], $0x4000, $0x38;
	[tilespmem:$0xB210] =	vst v63  }
0x150: {  	_ =	swait.ge [sflag:s24], $0x4000  }
0x151: {  	[sflag:s24] =	ssyncset.done $0x0  }
0x152: {  	[sflag:s24] =	ssyncadd.s32 $0xFFFFC000  }
0x153: {  	s1 =	sadd.s32 $0x0, s22;
	[bflag:$0x0] =	sbarrier.arrive $0xFFFF  }
0x154: {  	[tilespmem:s25], [sflag:$0x1] =	stream.linear.gather [hbm4b:s1+s3], $0x80, $0x38;
	[tilespmem:$0xB210] =	vst v63  }
0x155: {  	_ =	swait.ge [sflag:s24], $0x80  }
0x156: {  	[sflag:s24] =	ssyncset.done $0x0  }
0x157: {  	[sflag:s24] =	ssyncadd.s32 $0xFFFFFF80  }
0x158: {  	v5 =	vld [tilespmem:$0x3180]  }
0x159: {  	s12 =	sor.u32 s8, s12;
	v6 =	vld [tilespmem:$0x3170]  }
0x15a: {  	s12 =	smul.u32 $0x3100, s12;
	v7 =	vld [tilespmem:$0x3120];
	_ =	sdelay $0x1  }
0x15b: {  	v3 =	vmov s12;
	s1 =	sadd.s32 $0x3100, s12  }
0x15c: {  	v2 =	vmov s1;
	v9 =	vld [tilespmem:$0x3110];
	vm0 =	vge.s32 v5, v3  }
0x15d: {  	v4 =	vld [tilespmem:$0x3130];
	vm1 =	vlt.s32 v5, v2;
	v10 =	vsub.s32 v5, v3;
	vm2 =	vge.s32 v6, v3  }
0x15e: {  	v5 =	vld [tilespmem:$0x3150];
	vm3 =	vlt.s32 v6, v2;
	v6 =	vsub.s32 v6, v3;
	v8 =	vsub.s32 v7, v3  }
0x15f: {  	vm4 =	vlt.s32 v7, v2;
	vm2 =	vmand vm2, vm3;
	vm3 =	vge.s32 v7, v3;
	v7 =	vld [tilespmem:$0x3140]  }
0x160: {  	vm0 =	vmand vm0, vm1;
	v11 =	vnsel vm2, $0x3100, v6  }
0x161: {  	vm1 =	vlt.s32 v9, v2;
	vm2 =	vge.s32 v9, v3;
	[tilespmem:$0x31F0] =	vst v11;
	v11 =	vsub.s32 v9, v3;
	v9 =	vld [tilespmem:$0x3160]  }
0x162: {  	v6 =	vsub.s32 v4, v3;
	v12 =	vnsel vm0, $0x3100, v10;
	vm1 =	vmand vm2, vm1  }
0x163: {  	p0 =	por p1, p1;
	s30 =	simm.s32 $0x10;
	vm0 =	vmand vm3, vm4;
	[tilespmem:$0x3200] =	vst v12;
	v11 =	vnsel vm1, $0x3100, v11;
	v10 =	vsub.s32 v5, v3  }
.LBB2_14:
0x164: {  	p1 =	sne.s32 s30, $0x7A0;
	[tilespmem:$0x3190] =	vst v11;
	vm1 =	vge.s32 v4, v3;
	vm2 =	vge.s32 v7, v3;
	vm3 =	vlt.s32 v7, v2;
	s1 =	smov.u32 s30;
	s30 =	sadd.s32 $0x10, s30  }
0x165: {  	vm4 =	vlt.s32 v4, v2;
	vm2 =	vmand vm2, vm3;
	vm3 =	vlt.s32 v5, v2  }
0x166: {  	v4 =	vnsel vm0, $0x3100, v8;
	v7 =	vsub.s32 v7, v3;
	vm0 =	vlt.s32 v9, v2  }
0x167: {  	vm5 =	vge.s32 v9, v3;
	vm1 =	vmand vm1, vm4;
	vm4 =	vge.s32 v5, v3;
	[tilespmem:$0x31A0] =	vst v4  }
0x168: {  	vm0 =	vmand vm5, vm0;
	vm3 =	vmand vm4, vm3;
	v4 =	vsub.s32 v9, v3  }
0x169: {  	v5 =	vnsel vm1, $0x3100, v6;
	v6 =	vnsel vm3, $0x3100, v10;
	v4 =	vnsel vm0, $0x3100, v4  }
0x16a: {  	v7 =	vnsel vm2, $0x3100, v7;
	[tilespmem:$0x31E0] =	vst v4  }
0x16b: {  	[tilespmem:$0x31C0] =	vst v7  }
0x16c: {  	[tilespmem:$0x31D0] =	vst v6  }
0x16d: {  	[tilespmem:$0x31B0] =	vst v5  }
0x16e: {  	[spmem:s2] =	stream.indirect.scatter.add.f32 [tilespmem:s29], [sflag:$0x1], $0x10, s28, s26, $0xb8;
	[tilespmem:$0xB210] =	vst v63  }
0x16f: {  	_ =	swait.ge [sflag:s24], $0x800  }
0x170: {  	[sflag:s24] =	ssyncset.done $0x0  }
0x171: {  	s1 =	sadd.s32 s1, s22;
	[sflag:s24] =	ssyncadd.s32 $0xFFFFF800  }
0x172: {  	[tilespmem:s25], [sflag:$0x1] =	stream.linear.gather [hbm4b:s1+s3], $0x80, $0x38;
	[tilespmem:$0xB210] =	vst v63  }
0x173: {  	_ =	swait.ge [sflag:s24], $0x80  }
0x174: {  	[sflag:s24] =	ssyncset.done $0x0  }
0x175: {  	[sflag:s24] =	ssyncadd.s32 $0xFFFFFF80  }
0x176: {  	v5 =	vld [tilespmem:$0x3180]  }
0x177: {  	v6 =	vld [tilespmem:$0x3170]  }
0x178: {  	v10 =	vld [tilespmem:$0x3120]  }
0x179: {  	v11 =	vld [tilespmem:$0x3110]  }
0x17a: {  	v4 =	vld [tilespmem:$0x3130]  }
0x17b: {  	v7 =	vld [tilespmem:$0x3140];
	vm0 =	vge.s32 v5, v3;
	vm1 =	vlt.s32 v5, v2;
	v12 =	vsub.s32 v5, v3  }
0x17c: {  	v5 =	vld [tilespmem:$0x3150];
	vm2 =	vge.s32 v6, v3;
	vm3 =	vlt.s32 v6, v2;
	v6 =	vsub.s32 v6, v3  }
.Ltmp7:
0x17d: {  	vm0 =	vmand vm0, vm1;
	v8 =	vsub.s32 v10, v3;
	v9 =	vld [tilespmem:$0x3160];
	vm2 =	vmand vm2, vm3;
	(pc) =	sbr.rel @p1 .LBB2_14-.Ltmp7, $4  }
0x17e: {  	vm3 =	vge.s32 v10, v3;
	vm1 =	vlt.s32 v11, v2;
	v13 =	vnsel vm2, $0x3100, v6  }
0x17f: {  	vm4 =	vlt.s32 v10, v2;
	vm2 =	vge.s32 v11, v3;
	v6 =	vsub.s32 v4, v3;
	[tilespmem:$0x31F0] =	vst v13  }
0x180: {  	v12 =	vnsel vm0, $0x3100, v12;
	v10 =	vsub.s32 v11, v3;
	vm1 =	vmand vm2, vm1  }
0x181: {  	vm0 =	vmand vm3, vm4;
	v11 =	vnsel vm1, $0x3100, v10;
	v10 =	vsub.s32 v5, v3;
	[tilespmem:$0x3200] =	vst v12  }
0x182: {  	vm1 =	vge.s32 v7, v3  }
0x183: {  	vm2 =	vlt.s32 v7, v2;
	vm3 =	vge.s32 v4, v3;
	v8 =	vnsel vm0, $0x3100, v8  }
0x184: {  	vm12 =	vlt.s32 v9, v2;
	vm13 =	vge.s32 v9, v3;
	vm14 =	vlt.s32 v5, v2  }
0x185: {  	[tilespmem:$0x3190] =	vst v11;
	v62 =	vsub.s32 v9, v3;
	v63 =	vsub.s32 v7, v3;
	vm0 =	vmand vm13, vm12  }
0x186: {  	vm4 =	vge.s32 v5, v3;
	vm1 =	vmand vm1, vm2;
	[tilespmem:$0x31A0] =	vst v8;
	v3 =	vnsel vm0, $0x3100, v62  }
0x187: {  	vm15 =	vlt.s32 v4, v2;
	vm2 =	vmand vm4, vm14;
	v2 =	vnsel vm1, $0x3100, v63;
	[tilespmem:$0x31E0] =	vst v3  }
0x188: {  	vm0 =	vmand vm3, vm15;
	v3 =	vnsel vm2, $0x3100, v10;
	[tilespmem:$0x31C0] =	vst v2  }
0x189: {  	v2 =	vnsel vm0, $0x3100, v6;
	[tilespmem:$0x31D0] =	vst v3  }
0x18a: {  	[tilespmem:$0x31B0] =	vst v2  }
0x18b: {  	[spmem:s2] =	stream.indirect.scatter.add.f32 [tilespmem:s29], [sflag:$0x1], $0x10, s28, s26, $0xb8;
	[tilespmem:$0xB210] =	vst v63  }
0x18c: {  	_ =	swait.ge [sflag:s24], $0x800  }
0x18d: {  	s1 =	sadd.s32 s10, s12;
	[sflag:s24] =	ssyncset.done $0x0  }
0x18e: {  	s1 =	sshll.u32 s1, $0x4;
	[sflag:s24] =	ssyncadd.s32 $0xFFFFF800  }
0x18f: {  	s12 =	simm.s32 $0x1;
	s1 =	sadd.s32 s7, s1;
	[bflag:$0x0] =	sbarrier.arrive $0xFFFF  }
0x190: {  	[hbm:s1], [sflag:s31] =	dma.local [spmem:s0], $0x3100  }
.Ltmp8:
0x191: {  	_ =	swait.ge [sflag:s12], $0x3100;
	(pc) =	sbr.rel @p0 .LBB2_13-.Ltmp8, $4  }
0x192: {  	[sflag:s12] =	ssyncset.done $0x0  }
0x193: {  	[sflag:s12] =	ssyncadd.s32 $0xFFFFCF00  }
0x194: {  	[bflag:$0x0] =	sbarrier.arrive $0xFFFF  }
0x195: {  	p1 =	por $0x0, $0x0  }
0x196: {  	s1 =	rddreg [dreg:$0x4]  }
0x197: {  	s0 =	rddreg [dreg:$0x3];
	s1 =	sadd.s32 $0x1, s1  }
0x198: {  	p0 =	sne.s32 s1, s0  }
.Ltmp9:
0x199: {  	_ = 	snop;
	(pc) =	sbr.rel @p0 .LBB2_1-.Ltmp9, $1  }
0x19a: {  	_ =	sdelay $0x3  }
0x19b: {  	_ =	sfence.sel $0x180000  }
0x19c: {  	[bflag:$0x0] =	sbarrier.arrive $0xFFFF  }
0x19d: {  	_ =	strace $0x9000004A  }
0x19e: {  	s0 =	stileid.u32;
	[bflag:$0x2] =	sbarrier.arrive $0xFFFF  }
0x19f: {  	p0 =	sne.s32 s0, $0x0;
	s0 =	rddreg [dreg:$0x2]  }
0x1a0: {  	s0 =	sadd.s32 @!p0 $0x100000, s0  }
0x1a1: {  	[sflag:s0] =	ssyncadd.tile.s32 @!p0 $0x1;
	_ =	shalt  }
.Lfunc_end2:
_tile_overlayer_lowered:
.L_overlay_start_2:
0x1a2: {  	(tag) =	ssettag $0x2  }
0x1a3: {  	s0 =	rddreg [dreg:$0x0];
	s2 =	stileid.u32  }
0x1a4: {  	s1 =	rddreg [dreg:$0x1];
	p0 =	sne.s32 s2, $0x0  }
0x1a5: {  	s3 =	rddreg [dreg:$0x2];
	[bflag:$0x3] =	sbarrier.arrive $0xFFFF;
	s2 =	simm.s32 @!p0 $0x1C01  }
0x1a6: {  	[timem:s3], [sflag:s2] =	dma.local @!p0 [hbm:s0], s1  }
0x1a7: {  	s0 =	simm.s32 @!p0 $0x1  }
0x1a8: {  	_ =	swait.ge @!p0 [sflag:s0], s1  }
0x1a9: {  	s1 =	ssub.s32 @!p0 $0x0, s1;
	[sflag:s0] =	ssyncset.done @!p0 $0x0  }
0x1aa: {  	[sflag:s0] =	ssyncadd.s32 @!p0 s1  }
0x1ab: {  	[bflag:$0x3] =	sbarrier.arrive $0xFFFF  }
0x1ac: {  	_ =	shalt  }

// kernel: kernel.16.cloned.1.call-start
scs
__scs_entry_jumppad:
0x0: {  	(pc) =	sbr.rel $0x88, $3  }
0x1: {  	(tag) =	ssettag $0x0;
	lr =	simm.s32 $0x1  }
0x2: {  	[smem:$0x3F8D] =	sst lr;
	_ =	strace $0xD0000000  }
0x3: {  	_ = 	snop  }
0x4: {  	_ = 	snop  }
0x5: {  	_ = 	snop  }
0x6: {  	_ = 	snop  }
0x7: {  	_ = 	snop  }
__scs_overlays_trampoline_lowered:
0x8: {  	[smem:$0x3F9C] =	sst s0  }
0x9: {  	[smem:$0x3F9D] =	sst s1  }
0xa: {  	[smem:$0x3F9E] =	sst s2  }
0xb: {  	[smem:$0x3F9F] =	sst s3  }
0xc: {  	[smem:$0x3FA0] =	sst s4  }
0xd: {  	[smem:$0x3FA1] =	sst s5  }
0xe: {  	[smem:$0x3FA2] =	sst s6  }
0xf: {  	[smem:$0x3FA3] =	sst s7  }
0x10: {  	[smem:$0x3FA4] =	sst s8  }
0x11: {  	[smem:$0x3FA5] =	sst s9;
	s0 =	simm.s32 @!p0 $0x0  }
0x12: {  	s1 =	sld [smem:$0x3F8B];
	s0 =	simm.s32 @p0 $0x1  }
0x13: {  	[smem:$0x3FA6] =	sst s0;
	s0 =	simm.s32 @!p1 $0x0  }
0x14: {  	s2 =	sld [smem:$0x3F8A];
	s0 =	simm.s32 @p1 $0x1  }
0x15: {  	[smem:$0x3FA7] =	sst s0;
	s0 =	simm.s32 @!p2 $0x0  }
0x16: {  	s3 =	sld [smem:$0x3FDB];
	s0 =	simm.s32 @p2 $0x1  }
0x17: {  	s4 =	simm.s32 $0x1BF5;
	[smem:$0x3FA9] =	sst s0  }
0x18: {  	s0 =	sld [smem:$0x3F8C];
	_ =	swait.ge [sflag:s4], $0x0  }
0x19: {  	s7 =	sld [smem:$0x3F8D]  }
0x1a: {  	s8 =	sadd.s32 $0xFFFFE003, lr  }
0x1b: {  	s9 =	sadd.s32 $0xFFFFFEF7, lr;
	s5 =	simm.s32 $0xFFFFFFFF;
	p2 =	slt.u32 s8, $0xFFFFF086  }
0x1c: {  	p1 =	slt.u32 s9, $0xF7A;
	s5 =	simm.s32 @!p2 $0x0  }
0x1d: {  	s5 =	simm.s32 @p1 $0x1;
	p0 =	seq.s32 s7, s2  }
0x1e: {  	s7 =	smul.u32 @!p0 $0xF7A, s2;
	p2 =	seq.s32 @!p0 s5, $0x0  }
0x1f: {  	s9 =	smul.u32 $0xF7A, s1;
	s8 =	simm.s32 @!p0 $0x1BF5;
	p2 =	por !p2, p0  }
0x20: {  	[sflag:s8] =	ssyncset.s32 @!p0 $0xFFFFF086;
	s6 =	sadd.s32 @!p0 s3, s7;
	s7 =	simm.s32 @!p0 $0x108  }
0x21: {  	s3 =	sadd.s32 s3, s9;
	s6 =	sadd.s32 @!p0 $0x88, s6;
	s7 =	simm.s32 @p2 $0x1082  }
0x22: {  	[simem:s7], [sflag:s8] =	dma.local @!p0 [hbm:s6], $0xF7A  }
0x23: {  	s9 =	sor.u32 $0xD0000000, s2;
	s6 =	simm.s32 $0x108;
	_ =	swait.ge @!p0 [sflag:s8], $0x0  }
0x24: {  	s3 =	sadd.s32 $0x88, s3;
	s6 =	simm.s32 @!p1 $0x1082;
	[sflag:s4] =	ssyncset.s32 $0xFFFFF086  }
0x25: {  	[simem:s6], [sflag:s4] =	dma.local [hbm:s3], $0xF7A  }
0x26: {  	[smem:$0x3F8D] =	sst s1;
	(tag) =	ssettag s2;
	_ =	strace s9  }
0x27: {  	s1 =	sld [smem:$0x3F9D]  }
0x28: {  	s2 =	sld [smem:$0x3F9E]  }
0x29: {  	s4 =	sld [smem:$0x3FA0]  }
0x2a: {  	p0 =	seq.s32 s5, $0x0;
	s5 =	sld [smem:$0x3FA1]  }
0x2b: {  	s6 =	sld [smem:$0x3FA2]  }
0x2c: {  	s7 =	sld [smem:$0x3FA3]  }
0x2d: {  	s3 =	simm.s32 $0x108;
	s8 =	sld [smem:$0x3FA4]  }
0x2e: {  	s3 =	simm.s32 @!p0 $0x1082;
	s9 =	sld [smem:$0x3FA5]  }
0x2f: {  	lr =	sadd.s32 s0, s3;
	s0 =	sld [smem:$0x3F9C]  }
0x30: {  	s3 =	sld [smem:$0x3F9F]  }
0x31: {  	[smem:$0x3FA8] =	sst s10  }
0x32: {  	s10 =	sld [smem:$0x3FA6];
	_ =	sdelay $0x3  }
0x33: {  	p0 =	seq.s32 s10, $0x1;
	s10 =	sld [smem:$0x3FA8];
	_ =	sdelay $0x3  }
0x34: {  	[smem:$0x3FA8] =	sst s10  }
0x35: {  	s10 =	sld [smem:$0x3FA7];
	_ =	sdelay $0x3  }
0x36: {  	p1 =	seq.s32 s10, $0x1;
	s10 =	sld [smem:$0x3FA8];
	_ =	sdelay $0x3  }
0x37: {  	[smem:$0x3FA8] =	sst s10  }
0x38: {  	s10 =	sld [smem:$0x3FA9]  }
0x39: {  	_ = 	snop;
	(pc) =	sbr.ind lr, $3  }
0x3a: {  	_ = 	snop  }
0x3b: {  	_ = 	snop  }
0x3c: {  	p2 =	seq.s32 s10, $0x1;
	s10 =	sld [smem:$0x3FA8]  }
0x3d: {  	_ =	shalt  }
0x3e: {  	_ =	shalt  }
0x3f: {  	_ =	shalt  }
0x40: {  	_ =	shalt  }
0x41: {  	_ =	shalt  }
0x42: {  	_ =	shalt  }
0x43: {  	_ =	shalt  }
0x44: {  	_ =	shalt  }
0x45: {  	_ =	shalt  }
0x46: {  	_ =	shalt  }
0x47: {  	_ =	shalt  }
0x48: {  	_ =	shalt  }
0x49: {  	_ =	shalt  }
0x4a: {  	_ =	shalt  }
0x4b: {  	_ =	shalt  }
0x4c: {  	_ =	shalt  }
0x4d: {  	_ =	shalt  }
0x4e: {  	_ =	shalt  }
0x4f: {  	_ =	shalt  }
0x50: {  	_ =	shalt  }
0x51: {  	_ =	shalt  }
0x52: {  	_ =	shalt  }
0x53: {  	_ =	shalt  }
0x54: {  	_ =	shalt  }
0x55: {  	_ =	shalt  }
0x56: {  	_ =	shalt  }
0x57: {  	_ =	shalt  }
0x58: {  	_ =	shalt  }
0x59: {  	_ =	shalt  }
0x5a: {  	_ =	shalt  }
0x5b: {  	_ =	shalt  }
0x5c: {  	_ =	shalt  }
0x5d: {  	_ =	shalt  }
0x5e: {  	_ =	shalt  }
0x5f: {  	_ =	shalt  }
0x60: {  	_ =	shalt  }
0x61: {  	_ =	shalt  }
0x62: {  	_ =	shalt  }
0x63: {  	_ =	shalt  }
0x64: {  	_ =	shalt  }
0x65: {  	_ =	shalt  }
0x66: {  	_ =	shalt  }
0x67: {  	_ =	shalt  }
0x68: {  	_ =	shalt  }
0x69: {  	_ =	shalt  }
0x6a: {  	_ =	shalt  }
0x6b: {  	_ =	shalt  }
0x6c: {  	_ =	shalt  }
0x6d: {  	_ =	shalt  }
0x6e: {  	_ =	shalt  }
0x6f: {  	_ =	shalt  }
0x70: {  	_ =	shalt  }
0x71: {  	_ =	shalt  }
0x72: {  	_ =	shalt  }
0x73: {  	_ =	shalt  }
0x74: {  	_ =	shalt  }
0x75: {  	_ =	shalt  }
0x76: {  	_ =	shalt  }
0x77: {  	_ =	shalt  }
0x78: {  	_ =	shalt  }
0x79: {  	_ =	shalt  }
0x7a: {  	_ =	shalt  }
0x7b: {  	_ =	shalt  }
0x7c: {  	_ =	shalt  }
0x7d: {  	_ =	shalt  }
0x7e: {  	_ =	shalt  }
0x7f: {  	_ =	shalt  }
0x80: {  	_ =	shalt  }
0x81: {  	_ =	shalt  }
0x82: {  	_ =	shalt  }
0x83: {  	_ =	shalt  }
0x84: {  	_ =	shalt  }
0x85: {  	_ =	shalt  }
0x86: {  	_ =	shalt  }
0x87: {  	_ =	shalt  }
.Lfunc_end0:
.L_simem_size_0:
called_computation.1_lowered:
.L_overlay_start_0:
0x88: {  	s2 =	sld [smem:$0x3FD9]  }
0x89: {  	s3 =	sld [smem:$0x3FFE];
	_ =	sdelay $0x1  }
0x8a: {  	s1 =	srdreg.scid  }
0x8b: {  	s0 =	sand.u32 $0x1, s1  }
0x8c: {  	s14 =	sshll.u32 s0, $0xA;
	s2 =	sadd.s32 s3, s2  }
0x8d: {  	s2 =	sadd.s32 s2, s14  }
0x8e: {  	[smem:$0x3FB4] =	sst s2  }
0x8f: {  	_ = 	snop  }
0x90: {  	s2 =	sld [smem:$0x3FD0];
	_ =	sdelay $0x2  }
0x91: {  	s15 =	simm.s32 $0xB;
	s4 =	simm.s32 $0x10  }
0x92: {  	[smem:s4], [sflag:s15] =	dma.local [hbm:s2], $0x1  }
0x93: {  	_ =	swait.eq [sflag:s15], $0x1  }
0x94: {  	s16 =	sld [smem:$0x10]  }
0x95: {  	s17 =	sld [smem:$0x11];
	[sflag:s15] =	ssyncset.done $0x0  }
0x96: {  	s5 =	sld [smem:$0x12];
	[sflag:s15] =	ssyncadd.s32 $0xFFFFFFFF  }
0x97: {  	s18 =	sld [smem:$0x13];
	(tm) =	ssettm $0x1  }
0x98: {  	s6 =	sld [smem:$0x3FFB];
	_ =	sdelay $0x3  }
0x99: {  	_ =	strace s6  }
0x9a: {  	s6 =	sld [smem:$0x3FFC];
	_ =	sdelay $0x3  }
0x9b: {  	_ =	strace s6  }
0x9c: {  	s6 =	sld [smem:$0x3FFD];
	_ =	sdelay $0x3  }
0x9d: {  	_ =	strace s6  }
0x9e: {  	_ =	strace $0x8FFFFFFF  }
0x9f: {  	s19 =	sld [smem:$0x3FDB];
	_ =	sdelay $0x1  }
0xa0: {  	s7 =	simm.s32 $_scs_section_size  }
0xa1: {  	s8 =	simm.s32 $_size__tile_overlayer_lowered;
	s9 =	simm.s32 $_tile_overlayer_lowered  }
0xa2: {  	s22 =	simm.s32 $0x1BFF;
	s21 =	sshll.u32 s9, $0x1;
	s6 =	sadd.s32 s7, s19  }
0xa3: {  	s10 =	simm.s32 $0x0;
	s20 =	sshll.u32 s8, $0x1;
	s8 =	sadd.s32 s21, s6  }
0xa4: {  	[timem:s10], [sflag:s22] =	dma.local [hbm:s8], s20  }
0xa5: {  	_ =	swait.ge [sflag:s22], s20  }
0xa6: {  	s7 =	ssub.s32 $0x0, s20;
	[sflag:s22] =	ssyncset.done $0x0  }
0xa7: {  	[sflag:s22] =	ssyncadd.s32 s7;
	_ =	sdelay $0x1  }
0xa8: {  	s23 =	simm.s32 $0x1B8B  }
0xa9: {  	_ =	swait.ge [sflag:s23], $0x1  }
0xaa: {  	[sflag:s23] =	ssyncset.done $0x0  }
0xab: {  	s25 =	simm.s32 $0x1B8E;
	s24 =	sld [smem:$0x3FFE];
	[sflag:s23] =	ssyncadd.s32 $0xFFFFFFFF  }
0xac: {  	s26 =	simm.s32 $execute0_lowered;
	[smem:$0x3FD2] =	sst s25  }
0xad: {  	s8 =	sshll.u32 s26, $0x1;
	_ =	strace $0x80000046;
	[dreg:$0x1] =	wrdreg $0xFFFFFFFF  }
0xae: {  	s28 =	simm.s32 $_size_execute0_lowered;
	s6 =	sadd.s32 s6, s8;
	[dreg:$0x0] =	wrdreg $0x0  }
0xaf: {  	s8 =	sshll.u32 s28, $0x1;
	[dreg:$0x2] =	wrdreg s6  }
0xb0: {  	[dreg:$0x3] =	wrdreg s8  }
0xb1: {  	[dreg:$0x4] =	wrdreg $0xC0  }
0xb2: {  	_ =	task [dreg:s10], $0x5FFFF  }
0xb3: {  	[dreg:$0x1] =	wrdreg $0xFFFFFFFF  }
0xb4: {  	[dreg:$0x0] =	wrdreg $0x60  }
0xb5: {  	[dreg:$0x2] =	wrdreg s24  }
0xb6: {  	[dreg:$0x3] =	wrdreg s17  }
0xb7: {  	[dreg:$0x4] =	wrdreg s18  }
0xb8: {  	[dreg:$0x5] =	wrdreg s16  }
0xb9: {  	[dreg:$0x6] =	wrdreg s5  }
0xba: {  	[dreg:$0x7] =	wrdreg $0x0  }
0xbb: {  	[dreg:$0x8] =	wrdreg $0xA  }
0xbc: {  	_ =	task.clear_ibuf [dreg:s10], $0x9FFFF;
	_ =	strace $0x90000046  }
0xbd: {  	s29 =	simm.s32 $0xA;
	_ =	strace $0x80000048  }
0xbe: {  	_ =	swait.ge [sflag:s29], $0x1  }
0xbf: {  	[sflag:s29] =	ssyncadd.s32 $0xFFFFFFFF  }
0xc0: {  	_ =	strace $0x90000048  }
0xc1: {  	_ =	sfence  }
0xc2: {  	s30 =	sld [smem:$0x0];
	_ =	sdelay $0x2  }
0xc3: {  	s31 =	sshll.u32 s1, $0xD;
	s1 =	sshrl.u32 s1, $0x2  }
0xc4: {  	s3 =	sand.u32 $0x4000, s31;
	s1 =	sadd.s32 s1, s30  }
0xc5: {  	s0 =	sor.u32 s3, s0;
	s1 =	sshll.u32 s1, $0x11  }
0xc6: {  	s0 =	sor.u32 s1, s0  }
0xc7: {  	s0 =	sadd.s32 $0x8F2B, s0  }
0xc8: {  	[sflag:s0] =	ssyncadd.remote.s32 $0x1  }
0xc9: {  	_ =	sfence.sel $0xFFFF  }
0xca: {  	[dreg:$0x0] =	wrdreg $0xFFFFFFFF;
	(pc) =	sbr.abs _section_cstart, $3  }
0xcb: {  	[dreg:$0x1] =	wrdreg $0xFFFFFFFF  }
0xcc: {  	_ =	task.clear_ibuf [dreg:s10], $0x2FFFF;
	_ =	strace $0x9FFFFFFF  }
0xcd: {  	(tm) =	ssettm $0x7FFFFFFF  }
tec
execute0_lowered:
.L_overlay_start_1:
0x0: {  	(tag) =	ssettag $0x1  }
0x1: {  	s0 =	rddreg [dreg:$0x0]  }
0x2: {  	s1 =	rddreg [dreg:$0x1]  }
0x3: {  	s8 =	rddreg [dreg:$0x2]  }
0x4: {  	s9 =	rddreg [dreg:$0x3]  }
0x5: {  	s10 =	rddreg [dreg:$0x4]  }
0x6: {  	s2 =	rddreg [dreg:$0x5];
	s3 =	simm.s32 $0x0  }
0x7: {  	s18 =	stileid.u32;
	[smem:$0x7FF] =	sst s3;
	s4 =	sadd.s32 $0x24800, s0  }
0x8: {  	s11 =	smul.u32 $0x7B0, s18;
	s5 =	sadd.s32 $0xE8800, s0;
	s6 =	sadd.s32 $0x1AC800, s0  }
0x9: {  	s12 =	srdreg.scid;
	s7 =	sadd.s32 $0x270800, s0;
	s14 =	sadd.s32 $0x334800, s0  }
0xa: {  	s12 =	sand.u32 $0x1, s12;
	s15 =	smul.u32 $0x62000, s18;
	s16 =	sadd.s32 $0x4BC800, s0  }
0xb: {  	s17 =	smul.u32 $0x62200, s18;
	_ =	strace $0x80000047;
	[dreg:$0x7] =	wrdreg s14  }
0xc: {  	s19 =	sadd.s32 $0x3F8800, s0;
	s28 =	smul.u32 $0x310, s18;
	[dreg:$0x8] =	wrdreg s16  }
0xd: {  	s22 =	ssub.s32 $0x2, s12;
	[dreg:$0x9] =	wrdreg s19;
	s12 =	sshll.u32 s12, $0x1  }
0xe: {  	s14 =	simm.s32 $0x0;
	s13 =	sadd.s32 s11, s0;
	s23 =	sshrl.u32 s22, $0x1  }
0xf: {  	s0 =	sadd.s32 $0x580800, s0;
	[dreg:$0xb] =	wrdreg s12;
	s25 =	sshrl.u32 s15, $0x2  }
0x10: {  	s26 =	sshrl.u32 s17, $0x2;
	[dreg:$0xd] =	wrdreg s28;
	s19 =	sadd.s32 s11, s1  }
0x11: {  	s21 =	sadd.s32 s11, s8;
	s1 =	simm.s32 $0x18880;
	s8 =	simm.s32 $0x18900  }
0x12: {  	[dreg:$0xa] =	wrdreg s0;
	s24 =	ssub.s32 s22, s23;
	s12 =	sadd.s32 s25, s2  }
0x13: {  	s15 =	sadd.s32 s26, s2;
	s18 =	sadd.s32 $0x5800, s13;
	s20 =	sadd.s32 $0xD400, s13  }
0x14: {  	s22 =	sadd.s32 s11, s9;
	s23 =	sadd.s32 s11, s10;
	s25 =	sadd.s32 $0x1CC00, s13  }
0x15: {  	s9 =	simm.s32 $0x2;
	s10 =	simm.s32 $0x1;
	s11 =	simm.s32 $0x80  }
0x16: {  	[dreg:$0xc] =	wrdreg s12;
	s0 =	smax.u32 s24, $0x1;
	s16 =	sadd.s32 $0x4000, s15  }
0x17: {  	s24 =	sadd.s32 $0x15000, s13;
	s17 =	sadd.s32 $0x8000, s15;
	[dreg:$0xe] =	wrdreg s0  }
0x18: {  	s26 =	sadd.s32 $0xC000, s15;
	s28 =	sadd.s32 $0x10000, s15;
	[dreg:$0xf] =	wrdreg s16  }
0x19: {  	s30 =	sadd.s32 $0x14000, s15;
	s29 =	smov.u32 s15;
	[dreg:$0x10] =	wrdreg s17  }
0x1a: {  	s31 =	sadd.s32 $0x14880, s15;
	s13 =	simm.s32 $0x18980;
	[dreg:$0x11] =	wrdreg s26  }
0x1b: {  	v0 =	vimm.f32 $0.0e+00;
	[dreg:$0x12] =	wrdreg s28;
	s0 =	simm.s32 $0x18A00;
	s16 =	simm.s32 $0x3  }
.LBB2_1:
0x1c: {  	[dreg:$0x13] =	wrdreg s14;
	p2 =	por $0x1, $0x1;
	s17 =	simm.s32 $0x0  }
.LBB2_2:
0x1d: {  	p0 =	por p2, p2;
	s12 =	simm.s32 $0x0;
	s14 =	simm.s32 $0x200  }
.LBB2_3:
0x1e: {  	p1 =	sne.s32 s14, $0xFE00;
	[tilespmem:s12+$0x18A70] =	vst v0  }
0x1f: {  	[tilespmem:s12+$0x18A00] =	vst v0  }
0x20: {  	[tilespmem:s12+$0x18A10] =	vst v0  }
.Ltmp0:
0x21: {  	[tilespmem:s12+$0x18A20] =	vst v0;
	(pc) =	sbr.rel @p1 .LBB2_3-.Ltmp0, $4  }
0x22: {  	[tilespmem:s12+$0x18A30] =	vst v0  }
0x23: {  	[tilespmem:s12+$0x18A40] =	vst v0  }
0x24: {  	[tilespmem:s12+$0x18A50] =	vst v0  }
0x25: {  	[tilespmem:s12+$0x18A60] =	vst v0;
	s12 =	sshra.s32 s14, $0x2;
	s14 =	sadd.s32 $0x200, s14  }
0x26: {  	[tilespmem:s12+$0x18A70] =	vst v0  }
0x27: {  	[tilespmem:s12+$0x18A00] =	vst v0  }
0x28: {  	[tilespmem:s12+$0x18A10] =	vst v0  }
0x29: {  	[tilespmem:s12+$0x18A20] =	vst v0  }
0x2a: {  	[tilespmem:s12+$0x18A30] =	vst v0  }
0x2b: {  	[tilespmem:s12+$0x18A40] =	vst v0  }
0x2c: {  	[tilespmem:s12+$0x18A50] =	vst v0  }
0x2d: {  	[tilespmem:s12+$0x18A60] =	vst v0  }
0x2e: {  	[spmem:s29] =	stream.linear.scatter [tilespmem:s0], [sflag:$0x3], $0x4000, $0x38;
	[tilespmem:$0x1CA00] =	vst v63  }
0x2f: {  	_ =	swait.ge [sflag:s16], $0x4000  }
0x30: {  	[sflag:s16] =	ssyncset.done $0x0  }
0x31: {  	s15 =	rddreg [dreg:$0xf];
	[sflag:s16] =	ssyncadd.s32 $0xFFFFC000  }
0x32: {  	[spmem:s15] =	stream.linear.scatter [tilespmem:s0], [sflag:$0x3], $0x4000, $0x38;
	[tilespmem:$0x1CA00] =	vst v63  }
0x33: {  	_ =	swait.ge [sflag:s16], $0x4000  }
0x34: {  	[sflag:s16] =	ssyncset.done $0x0  }
0x35: {  	s26 =	rddreg [dreg:$0x10];
	[sflag:s16] =	ssyncadd.s32 $0xFFFFC000  }
0x36: {  	[spmem:s26] =	stream.linear.scatter [tilespmem:s0], [sflag:$0x3], $0x4000, $0x38;
	[tilespmem:$0x1CA00] =	vst v63  }
0x37: {  	_ =	swait.ge [sflag:s16], $0x4000  }
0x38: {  	[sflag:s16] =	ssyncset.done $0x0  }
0x39: {  	s28 =	rddreg [dreg:$0x11];
	[sflag:s16] =	ssyncadd.s32 $0xFFFFC000  }
0x3a: {  	[spmem:s28] =	stream.linear.scatter [tilespmem:s0], [sflag:$0x3], $0x4000, $0x38;
	[tilespmem:$0x1CA00] =	vst v63  }
0x3b: {  	_ =	swait.ge [sflag:s16], $0x4000  }
0x3c: {  	[sflag:s16] =	ssyncset.done $0x0  }
0x3d: {  	s14 =	rddreg [dreg:$0x12];
	[sflag:s16] =	ssyncadd.s32 $0xFFFFC000  }
0x3e: {  	[spmem:s14] =	stream.linear.scatter [tilespmem:s0], [sflag:$0x3], $0x4000, $0x38;
	[tilespmem:$0x1CA00] =	vst v63  }
0x3f: {  	_ =	swait.ge [sflag:s16], $0x4000  }
0x40: {  	[sflag:s16] =	ssyncset.done $0x0  }
0x41: {  	[sflag:s16] =	ssyncadd.s32 $0xFFFFC000  }
0x42: {  	[spmem:s30] =	stream.linear.scatter [tilespmem:s0], [sflag:$0x3], $0x4000, $0x38;
	[tilespmem:$0x1CA00] =	vst v63  }
0x43: {  	_ =	swait.ge [sflag:s16], $0x4000  }
0x44: {  	[sflag:s16] =	ssyncset.done $0x0  }
0x45: {  	[sflag:s16] =	ssyncadd.s32 $0xFFFFC000  }
0x46: {  	[spmem:s31] =	stream.linear.scatter [tilespmem:s0], [sflag:$0x3], $0x4000, $0x38;
	[tilespmem:$0x1CA00] =	vst v63  }
0x47: {  	_ =	swait.ge [sflag:s16], $0x4000  }
0x48: {  	[sflag:s16] =	ssyncset.done $0x0  }
0x49: {  	[sflag:s16] =	ssyncadd.s32 $0xFFFFC000  }
0x4a: {  	s15 =	sadd.s32 $0x0, s19;
	[bflag:$0x0] =	sbarrier.arrive $0xFFFF  }
0x4b: {  	[tilespmem:s1], [sflag:$0x1] =	stream.linear.gather [hbm4b:s15+s3], $0x80, $0x38;
	[tilespmem:$0x1CA00] =	vst v63  }
0x4c: {  	s26 =	sadd.s32 $0x0, s18  }
0x4d: {  	[tilespmem:s8], [sflag:$0x2] =	stream.linear.gather [hbm4b:s26+s3], $0x80, $0x38;
	[tilespmem:$0x1CA00] =	vst v63  }
0x4e: {  	_ =	swait.ge [sflag:s9], $0x80  }
0x4f: {  	[sflag:s9] =	ssyncset.done $0x0  }
0x50: {  	[sflag:s9] =	ssyncadd.s32 $0xFFFFFF80  }
0x51: {  	v3 =	vld [tilespmem:$0x18970]  }
0x52: {  	s28 =	rddreg [dreg:$0xb];
	v4 =	vld [tilespmem:$0x18960]  }
0x53: {  	s12 =	sor.u32 s28, s17;
	v5 =	vld [tilespmem:$0x18910]  }
0x54: {  	s12 =	smul.u32 $0x3100, s12;
	v6 =	vld [tilespmem:$0x18900]  }
0x55: {  	v7 =	vld [tilespmem:$0x18920]  }
0x56: {  	v8 =	vld [tilespmem:$0x18930];
	s14 =	sadd.s32 $0x3100, s12  }
0x57: {  	v9 =	vld [tilespmem:$0x18940];
	v1 =	vmov s12;
	v2 =	vmov s14  }
0x58: {  	v11 =	vld [tilespmem:$0x18950];
	vm0 =	vge.s32 v3, v1;
	vm1 =	vlt.s32 v3, v2  }
0x59: {  	v3 =	vsub.s32 v3, v1;
	vm2 =	vge.s32 v4, v1;
	vm3 =	vlt.s32 v4, v2  }
0x5a: {  	v4 =	vsub.s32 v4, v1;
	v10 =	vsub.s32 v5, v1;
	vm11 =	vlt.s32 v6, v2  }
0x5b: {  	vm12 =	vge.s32 v5, v1;
	vm13 =	vge.s32 v6, v1;
	v6 =	vsub.s32 v6, v1  }
0x5c: {  	vm4 =	vlt.s32 v5, v2;
	v5 =	vsub.s32 v7, v1;
	v12 =	vsub.s32 v9, v1  }
0x5d: {  	vm15 =	vge.s32 v7, v1;
	vm9 =	vge.s32 v8, v1;
	vm10 =	vlt.s32 v11, v2  }
0x5e: {  	vm5 =	vge.s32 v11, v1;
	vm6 =	vlt.s32 v7, v2;
	vm2 =	vmand vm2, vm3  }
0x5f: {  	vm0 =	vmand vm0, vm1;
	vm1 =	vmand vm13, vm11;
	v4 =	vnsel vm2, $0x3100, v4  }
0x60: {  	vm14 =	vmand vm12, vm4;
	vm11 =	vlt.s32 v8, v2;
	v3 =	vnsel vm0, $0x3100, v3;
	[tilespmem:$0x189E0] =	vst v4  }
0x61: {  	v8 =	vsub.s32 v8, v1;
	vm12 =	vlt.s32 v9, v2;
	v6 =	vnsel vm1, $0x3100, v6;
	[tilespmem:$0x189F0] =	vst v3  }
0x62: {  	vm13 =	vge.s32 v9, v1;
	vm1 =	vmand vm15, vm6;
	v4 =	vnsel vm14, $0x3100, v10;
	[tilespmem:$0x18980] =	vst v6  }
0x63: {  	vm0 =	vmand vm9, vm11;
	vm15 =	vmand vm13, vm12;
	v5 =	vnsel vm1, $0x3100, v5;
	[tilespmem:$0x18990] =	vst v4  }
0x64: {  	v3 =	vsub.s32 v11, v1;
	vm14 =	vmand vm5, vm10;
	v4 =	vnsel vm0, $0x3100, v8;
	[tilespmem:$0x189A0] =	vst v5  }
0x65: {  	s14 =	simm.s32 $0x10;
	v3 =	vnsel vm14, $0x3100, v3;
	[tilespmem:$0x189B0] =	vst v4;
	v4 =	vnsel vm15, $0x3100, v12  }
.LBB2_5:
0x66: {  	p1 =	sne.s32 s14, $0x7A0;
	[tilespmem:$0x189D0] =	vst v3;
	s15 =	smov.u32 s14;
	s14 =	sadd.s32 $0x10, s14  }
0x67: {  	[tilespmem:$0x189C0] =	vst v4  }
0x68: {  	_ =	swait.ge [sflag:s10], $0x80  }
0x69: {  	[sflag:s10] =	ssyncset.done $0x0  }
0x6a: {  	[sflag:s10] =	ssyncadd.s32 $0xFFFFFF80  }
0x6b: {  	[tilespmem:s0], [sflag:$0x3] =	stream.indirect.gather [hbm4b:s4+s11], $0x80, s1, s11, $0xb8;
	[tilespmem:$0x1CA00] =	vst v63  }
0x6c: {  	_ =	swait.ge [sflag:s16], $0x4000  }
0x6d: {  	[sflag:s16] =	ssyncset.done $0x0  }
0x6e: {  	[sflag:s16] =	ssyncadd.s32 $0xFFFFC000  }
0x6f: {  	[spmem:s2] =	stream.indirect.scatter.add.f32 [tilespmem:s0], [sflag:$0x3], $0x80, s13, s11, $0xb8;
	[tilespmem:$0x1CA00] =	vst v63  }
0x70: {  	_ =	swait.ge [sflag:s16], $0x4000  }
0x71: {  	[sflag:s16] =	ssyncset.done $0x0  }
0x72: {  	s17 =	sadd.s32 s15, s19;
	[sflag:s16] =	ssyncadd.s32 $0xFFFFC000  }
0x73: {  	[tilespmem:s1], [sflag:$0x1] =	stream.linear.gather [hbm4b:s17+s3], $0x80, $0x38;
	[tilespmem:$0x1CA00] =	vst v63  }
0x74: {  	s15 =	sadd.s32 s15, s18  }
0x75: {  	[tilespmem:s8], [sflag:$0x2] =	stream.linear.gather [hbm4b:s15+s3], $0x80, $0x38;
	[tilespmem:$0x1CA00] =	vst v63  }
0x76: {  	_ =	swait.ge [sflag:s9], $0x80  }
0x77: {  	[sflag:s9] =	ssyncset.done $0x0  }
0x78: {  	[sflag:s9] =	ssyncadd.s32 $0xFFFFFF80  }
0x79: {  	v3 =	vld [tilespmem:$0x18970]  }
0x7a: {  	v4 =	vld [tilespmem:$0x18960]  }
0x7b: {  	v5 =	vld [tilespmem:$0x18910]  }
0x7c: {  	v6 =	vld [tilespmem:$0x18900]  }
0x7d: {  	v7 =	vld [tilespmem:$0x18920]  }
0x7e: {  	v8 =	vld [tilespmem:$0x18930];
	vm0 =	vge.s32 v3, v1;
	vm1 =	vlt.s32 v3, v2;
	v3 =	vsub.s32 v3, v1  }
0x7f: {  	v9 =	vld [tilespmem:$0x18940];
	vm2 =	vge.s32 v4, v1;
	vm3 =	vlt.s32 v4, v2;
	v4 =	vsub.s32 v4, v1  }
0x80: {  	vm0 =	vmand vm0, vm1;
	v10 =	vsub.s32 v5, v1;
	v11 =	vld [tilespmem:$0x18950];
	vm2 =	vmand vm2, vm3  }
0x81: {  	vm3 =	vge.s32 v5, v1;
	vm1 =	vlt.s32 v6, v2;
	v4 =	vnsel vm2, $0x3100, v4  }
0x82: {  	vm4 =	vlt.s32 v5, v2;
	vm2 =	vge.s32 v6, v1;
	v6 =	vsub.s32 v6, v1;
	[tilespmem:$0x189E0] =	vst v4  }
0x83: {  	v3 =	vnsel vm0, $0x3100, v3;
	vm1 =	vmand vm2, vm1;
	v4 =	vsub.s32 v7, v1  }
0x84: {  	vm0 =	vmand vm3, vm4;
	v5 =	vnsel vm1, $0x3100, v6;
	v6 =	vsub.s32 v9, v1;
	[tilespmem:$0x189F0] =	vst v3  }
0x85: {  	vm1 =	vge.s32 v7, v1;
	vm2 =	vge.s32 v8, v1;
	[tilespmem:$0x18980] =	vst v5;
	vm3 =	vlt.s32 v11, v2  }
0x86: {  	v3 =	vnsel vm0, $0x3100, v10;
	vm0 =	vlt.s32 v8, v2;
	v5 =	vsub.s32 v11, v1  }
.Ltmp1:
0x87: {  	vm4 =	vlt.s32 v9, v2;
	vm5 =	vge.s32 v11, v1;
	[tilespmem:$0x18990] =	vst v3;
	v3 =	vsub.s32 v8, v1;
	(pc) =	sbr.rel @p1 .LBB2_5-.Ltmp1, $4  }
0x88: {  	vm6 =	vlt.s32 v7, v2;
	vm0 =	vmand vm2, vm0;
	vm2 =	vge.s32 v9, v1  }
0x89: {  	vm1 =	vmand vm1, vm6;
	v3 =	vnsel vm0, $0x3100, v3;
	vm0 =	vmand vm5, vm3  }
0x8a: {  	v4 =	vnsel vm1, $0x3100, v4;
	vm1 =	vmand vm2, vm4;
	[tilespmem:$0x189B0] =	vst v3;
	v3 =	vnsel vm0, $0x3100, v5  }
0x8b: {  	[tilespmem:$0x189A0] =	vst v4;
	v4 =	vnsel vm1, $0x3100, v6  }
0x8c: {  	[tilespmem:$0x189D0] =	vst v3  }
0x8d: {  	[tilespmem:$0x189C0] =	vst v4  }
0x8e: {  	_ =	swait.ge [sflag:s10], $0x80  }
0x8f: {  	[sflag:s10] =	ssyncset.done $0x0  }
0x90: {  	[sflag:s10] =	ssyncadd.s32 $0xFFFFFF80  }
0x91: {  	[tilespmem:s0], [sflag:$0x3] =	stream.indirect.gather [hbm4b:s4+s11], $0x80, s1, s11, $0xb8;
	[tilespmem:$0x1CA00] =	vst v63  }
0x92: {  	_ =	swait.ge [sflag:s16], $0x4000  }
0x93: {  	[sflag:s16] =	ssyncset.done $0x0  }
0x94: {  	[sflag:s16] =	ssyncadd.s32 $0xFFFFC000  }
0x95: {  	[spmem:s2] =	stream.indirect.scatter.add.f32 [tilespmem:s0], [sflag:$0x3], $0x80, s13, s11, $0xb8;
	[tilespmem:$0x1CA00] =	vst v63  }
0x96: {  	_ =	swait.ge [sflag:s16], $0x4000  }
0x97: {  	[sflag:s16] =	ssyncset.done $0x0  }
0x98: {  	[sflag:s16] =	ssyncadd.s32 $0xFFFFC000  }
0x99: {  	s14 =	rddreg [dreg:$0xd];
	[bflag:$0x0] =	sbarrier.arrive $0xFFFF  }
0x9a: {  	s26 =	stileid.u32;
	s12 =	sadd.s32 s14, s12;
	s15 =	rddreg [dreg:$0x7]  }
0x9b: {  	s14 =	sshll.u32 s26, $0x6;
	s12 =	sshll.u32 s12, $0x4;
	s28 =	rddreg [dreg:$0xc]  }
0x9c: {  	s15 =	sadd.s32 s15, s12;
	s12 =	sor.u32 $0x1C03, s14;
	s14 =	sshrl.u32 s28, $0x3  }
0x9d: {  	[hbm:s15], [sflag:s12] =	dma.local [spmem:s14], $0x3100  }
.Ltmp2:
0x9e: {  	_ =	swait.ge [sflag:s16], $0x3100;
	(pc) =	sbr.rel @p0 .LBB2_2-.Ltmp2, $4  }
0x9f: {  	[sflag:s16] =	ssyncset.done $0x0  }
0xa0: {  	[sflag:s16] =	ssyncadd.s32 $0xFFFFCF00  }
0xa1: {  	p1 =	por $0x1, $0x1;
	[bflag:$0x0] =	sbarrier.arrive $0xFFFF  }
0xa2: {  	s17 =	simm.s32 $0x1;
	p2 =	por $0x0, $0x0;
	s15 =	simm.s32 $0x0  }
.LBB2_7:
0xa3: {  	p0 =	por p1, p1;
	s17 =	simm.s32 $0x0;
	s26 =	simm.s32 $0x200  }
.LBB2_8:
0xa4: {  	p1 =	sne.s32 s26, $0xFE00;
	[tilespmem:s17+$0x18A70] =	vst v0  }
0xa5: {  	[tilespmem:s17+$0x18A00] =	vst v0  }
0xa6: {  	[tilespmem:s17+$0x18A10] =	vst v0  }
.Ltmp3:
0xa7: {  	[tilespmem:s17+$0x18A20] =	vst v0;
	(pc) =	sbr.rel @p1 .LBB2_8-.Ltmp3, $4  }
0xa8: {  	[tilespmem:s17+$0x18A30] =	vst v0  }
0xa9: {  	[tilespmem:s17+$0x18A40] =	vst v0  }
0xaa: {  	[tilespmem:s17+$0x18A50] =	vst v0  }
0xab: {  	[tilespmem:s17+$0x18A60] =	vst v0;
	s17 =	sshra.s32 s26, $0x2;
	s26 =	sadd.s32 $0x200, s26  }
0xac: {  	[tilespmem:s17+$0x18A70] =	vst v0  }
0xad: {  	[tilespmem:s17+$0x18A00] =	vst v0  }
0xae: {  	[tilespmem:s17+$0x18A10] =	vst v0  }
0xaf: {  	[tilespmem:s17+$0x18A20] =	vst v0  }
0xb0: {  	[tilespmem:s17+$0x18A30] =	vst v0  }
0xb1: {  	[tilespmem:s17+$0x18A40] =	vst v0  }
0xb2: {  	[tilespmem:s17+$0x18A50] =	vst v0  }
0xb3: {  	[tilespmem:s17+$0x18A60] =	vst v0  }
0xb4: {  	[spmem:s29] =	stream.linear.scatter [tilespmem:s0], [sflag:$0x3], $0x4000, $0x38;
	[tilespmem:$0x1CA00] =	vst v63  }
0xb5: {  	_ =	swait.ge [sflag:s16], $0x4000  }
0xb6: {  	[sflag:s16] =	ssyncset.done $0x0  }
0xb7: {  	s26 =	rddreg [dreg:$0xf];
	[sflag:s16] =	ssyncadd.s32 $0xFFFFC000  }
0xb8: {  	[spmem:s26] =	stream.linear.scatter [tilespmem:s0], [sflag:$0x3], $0x4000, $0x38;
	[tilespmem:$0x1CA00] =	vst v63  }
0xb9: {  	_ =	swait.ge [sflag:s16], $0x4000  }
0xba: {  	[sflag:s16] =	ssyncset.done $0x0  }
0xbb: {  	s28 =	rddreg [dreg:$0x10];
	[sflag:s16] =	ssyncadd.s32 $0xFFFFC000  }
0xbc: {  	[spmem:s28] =	stream.linear.scatter [tilespmem:s0], [sflag:$0x3], $0x4000, $0x38;
	[tilespmem:$0x1CA00] =	vst v63  }
0xbd: {  	_ =	swait.ge [sflag:s16], $0x4000  }
0xbe: {  	[sflag:s16] =	ssyncset.done $0x0  }
0xbf: {  	s26 =	rddreg [dreg:$0x11];
	[sflag:s16] =	ssyncadd.s32 $0xFFFFC000  }
0xc0: {  	[spmem:s26] =	stream.linear.scatter [tilespmem:s0], [sflag:$0x3], $0x4000, $0x38;
	[tilespmem:$0x1CA00] =	vst v63  }
0xc1: {  	_ =	swait.ge [sflag:s16], $0x4000  }
0xc2: {  	[sflag:s16] =	ssyncset.done $0x0  }
0xc3: {  	s28 =	rddreg [dreg:$0x12];
	[sflag:s16] =	ssyncadd.s32 $0xFFFFC000  }
0xc4: {  	[spmem:s28] =	stream.linear.scatter [tilespmem:s0], [sflag:$0x3], $0x4000, $0x38;
	[tilespmem:$0x1CA00] =	vst v63  }
0xc5: {  	_ =	swait.ge [sflag:s16], $0x4000  }
0xc6: {  	[sflag:s16] =	ssyncset.done $0x0  }
0xc7: {  	[sflag:s16] =	ssyncadd.s32 $0xFFFFC000  }
0xc8: {  	[spmem:s30] =	stream.linear.scatter [tilespmem:s0], [sflag:$0x3], $0x4000, $0x38;
	[tilespmem:$0x1CA00] =	vst v63  }
0xc9: {  	_ =	swait.ge [sflag:s16], $0x4000  }
0xca: {  	[sflag:s16] =	ssyncset.done $0x0  }
0xcb: {  	[sflag:s16] =	ssyncadd.s32 $0xFFFFC000  }
0xcc: {  	[spmem:s31] =	stream.linear.scatter [tilespmem:s0], [sflag:$0x3], $0x4000, $0x38;
	[tilespmem:$0x1CA00] =	vst v63  }
0xcd: {  	_ =	swait.ge [sflag:s16], $0x4000  }
0xce: {  	[sflag:s16] =	ssyncset.done $0x0  }
0xcf: {  	[sflag:s16] =	ssyncadd.s32 $0xFFFFC000  }
0xd0: {  	s26 =	sadd.s32 $0x0, s21;
	[bflag:$0x0] =	sbarrier.arrive $0xFFFF  }
0xd1: {  	[tilespmem:s1], [sflag:$0x1] =	stream.linear.gather [hbm4b:s26+s3], $0x80, $0x38;
	[tilespmem:$0x1CA00] =	vst v63  }
0xd2: {  	s28 =	sadd.s32 $0x0, s20  }
0xd3: {  	[tilespmem:s8], [sflag:$0x2] =	stream.linear.gather [hbm4b:s28+s3], $0x80, $0x38;
	[tilespmem:$0x1CA00] =	vst v63  }
0xd4: {  	_ =	swait.ge [sflag:s9], $0x80  }
0xd5: {  	[sflag:s9] =	ssyncset.done $0x0  }
0xd6: {  	[sflag:s9] =	ssyncadd.s32 $0xFFFFFF80  }
0xd7: {  	v3 =	vld [tilespmem:$0x18970]  }
0xd8: {  	s26 =	rddreg [dreg:$0xb];
	v4 =	vld [tilespmem:$0x18960]  }
0xd9: {  	s15 =	sor.u32 s26, s15;
	v5 =	vld [tilespmem:$0x18910]  }
0xda: {  	s15 =	smul.u32 $0x3100, s15;
	v6 =	vld [tilespmem:$0x18900]  }
0xdb: {  	v7 =	vld [tilespmem:$0x18920]  }
0xdc: {  	v8 =	vld [tilespmem:$0x18930];
	s28 =	sadd.s32 $0x3100, s15  }
0xdd: {  	v9 =	vld [tilespmem:$0x18940];
	v1 =	vmov s15;
	v2 =	vmov s28  }
0xde: {  	v11 =	vld [tilespmem:$0x18950];
	vm0 =	vge.s32 v3, v1;
	vm1 =	vlt.s32 v3, v2  }
0xdf: {  	v3 =	vsub.s32 v3, v1;
	vm2 =	vge.s32 v4, v1;
	vm3 =	vlt.s32 v4, v2  }
0xe0: {  	v4 =	vsub.s32 v4, v1;
	v10 =	vsub.s32 v5, v1;
	vm11 =	vlt.s32 v6, v2  }
0xe1: {  	vm12 =	vge.s32 v5, v1;
	vm13 =	vge.s32 v6, v1;
	v6 =	vsub.s32 v6, v1  }
0xe2: {  	vm4 =	vlt.s32 v5, v2;
	v5 =	vsub.s32 v7, v1;
	v12 =	vsub.s32 v9, v1  }
0xe3: {  	vm15 =	vge.s32 v7, v1;
	vm9 =	vge.s32 v8, v1;
	vm10 =	vlt.s32 v11, v2  }
0xe4: {  	vm5 =	vge.s32 v11, v1;
	vm6 =	vlt.s32 v7, v2;
	vm2 =	vmand vm2, vm3  }
0xe5: {  	vm0 =	vmand vm0, vm1;
	vm1 =	vmand vm13, vm11;
	v4 =	vnsel vm2, $0x3100, v4  }
0xe6: {  	vm14 =	vmand vm12, vm4;
	vm11 =	vlt.s32 v8, v2;
	v3 =	vnsel vm0, $0x3100, v3;
	[tilespmem:$0x189E0] =	vst v4  }
0xe7: {  	v8 =	vsub.s32 v8, v1;
	vm12 =	vlt.s32 v9, v2;
	v6 =	vnsel vm1, $0x3100, v6;
	[tilespmem:$0x189F0] =	vst v3  }
0xe8: {  	vm13 =	vge.s32 v9, v1;
	vm1 =	vmand vm15, vm6;
	v4 =	vnsel vm14, $0x3100, v10;
	[tilespmem:$0x18980] =	vst v6  }
0xe9: {  	vm0 =	vmand vm9, vm11;
	vm15 =	vmand vm13, vm12;
	v5 =	vnsel vm1, $0x3100, v5;
	[tilespmem:$0x18990] =	vst v4  }
0xea: {  	v3 =	vsub.s32 v11, v1;
	vm14 =	vmand vm5, vm10;
	v4 =	vnsel vm0, $0x3100, v8;
	[tilespmem:$0x189A0] =	vst v5  }
0xeb: {  	s17 =	simm.s32 $0x10;
	v3 =	vnsel vm14, $0x3100, v3;
	[tilespmem:$0x189B0] =	vst v4;
	v4 =	vnsel vm15, $0x3100, v12  }
.LBB2_10:
0xec: {  	p1 =	sne.s32 s17, $0x7A0;
	[tilespmem:$0x189D0] =	vst v3;
	s26 =	smov.u32 s17;
	s17 =	sadd.s32 $0x10, s17  }
0xed: {  	[tilespmem:$0x189C0] =	vst v4  }
0xee: {  	_ =	swait.ge [sflag:s10], $0x80  }
0xef: {  	[sflag:s10] =	ssyncset.done $0x0  }
0xf0: {  	[sflag:s10] =	ssyncadd.s32 $0xFFFFFF80  }
0xf1: {  	[tilespmem:s0], [sflag:$0x3] =	stream.indirect.gather [hbm4b:s5+s11], $0x80, s1, s11, $0xb8;
	[tilespmem:$0x1CA00] =	vst v63  }
0xf2: {  	_ =	swait.ge [sflag:s16], $0x4000  }
0xf3: {  	[sflag:s16] =	ssyncset.done $0x0  }
0xf4: {  	[sflag:s16] =	ssyncadd.s32 $0xFFFFC000  }
0xf5: {  	[spmem:s2] =	stream.indirect.scatter.add.f32 [tilespmem:s0], [sflag:$0x3], $0x80, s13, s11, $0xb8;
	[tilespmem:$0x1CA00] =	vst v63  }
0xf6: {  	_ =	swait.ge [sflag:s16], $0x4000  }
0xf7: {  	[sflag:s16] =	ssyncset.done $0x0  }
0xf8: {  	s28 =	sadd.s32 s26, s21;
	[sflag:s16] =	ssyncadd.s32 $0xFFFFC000  }
0xf9: {  	[tilespmem:s1], [sflag:$0x1] =	stream.linear.gather [hbm4b:s28+s3], $0x80, $0x38;
	[tilespmem:$0x1CA00] =	vst v63  }
0xfa: {  	s26 =	sadd.s32 s26, s20  }
0xfb: {  	[tilespmem:s8], [sflag:$0x2] =	stream.linear.gather [hbm4b:s26+s3], $0x80, $0x38;
	[tilespmem:$0x1CA00] =	vst v63  }
0xfc: {  	_ =	swait.ge [sflag:s9], $0x80  }
0xfd: {  	[sflag:s9] =	ssyncset.done $0x0  }
0xfe: {  	[sflag:s9] =	ssyncadd.s32 $0xFFFFFF80  }
0xff: {  	v3 =	vld [tilespmem:$0x18970]  }
0x100: {  	v4 =	vld [tilespmem:$0x18960]  }
0x101: {  	v5 =	vld [tilespmem:$0x18910]  }
0x102: {  	v6 =	vld [tilespmem:$0x18900]  }
0x103: {  	v7 =	vld [tilespmem:$0x18920]  }
0x104: {  	v8 =	vld [tilespmem:$0x18930];
	vm0 =	vge.s32 v3, v1;
	vm1 =	vlt.s32 v3, v2;
	v3 =	vsub.s32 v3, v1  }
0x105: {  	v9 =	vld [tilespmem:$0x18940];
	vm2 =	vge.s32 v4, v1;
	vm3 =	vlt.s32 v4, v2;
	v4 =	vsub.s32 v4, v1  }
0x106: {  	vm0 =	vmand vm0, vm1;
	v10 =	vsub.s32 v5, v1;
	v11 =	vld [tilespmem:$0x18950];
	vm2 =	vmand vm2, vm3  }
0x107: {  	vm3 =	vge.s32 v5, v1;
	vm1 =	vlt.s32 v6, v2;
	v4 =	vnsel vm2, $0x3100, v4  }
0x108: {  	vm4 =	vlt.s32 v5, v2;
	vm2 =	vge.s32 v6, v1;
	v6 =	vsub.s32 v6, v1;
	[tilespmem:$0x189E0] =	vst v4  }
0x109: {  	v3 =	vnsel vm0, $0x3100, v3;
	vm1 =	vmand vm2, vm1;
	v4 =	vsub.s32 v7, v1  }
0x10a: {  	vm0 =	vmand vm3, vm4;
	v5 =	vnsel vm1, $0x3100, v6;
	v6 =	vsub.s32 v9, v1;
	[tilespmem:$0x189F0] =	vst v3  }
0x10b: {  	vm1 =	vge.s32 v7, v1;
	vm2 =	vge.s32 v8, v1;
	[tilespmem:$0x18980] =	vst v5;
	vm3 =	vlt.s32 v11, v2  }
0x10c: {  	v3 =	vnsel vm0, $0x3100, v10;
	vm0 =	vlt.s32 v8, v2;
	v5 =	vsub.s32 v11, v1  }
.Ltmp4:
0x10d: {  	vm4 =	vlt.s32 v9, v2;
	vm5 =	vge.s32 v11, v1;
	[tilespmem:$0x18990] =	vst v3;
	v3 =	vsub.s32 v8, v1;
	(pc) =	sbr.rel @p1 .LBB2_10-.Ltmp4, $4  }
0x10e: {  	vm6 =	vlt.s32 v7, v2;
	vm0 =	vmand vm2, vm0;
	vm2 =	vge.s32 v9, v1  }
0x10f: {  	vm1 =	vmand vm1, vm6;
	v3 =	vnsel vm0, $0x3100, v3;
	vm0 =	vmand vm5, vm3  }
0x110: {  	v4 =	vnsel vm1, $0x3100, v4;
	vm1 =	vmand vm2, vm4;
	[tilespmem:$0x189B0] =	vst v3;
	v3 =	vnsel vm0, $0x3100, v5  }
0x111: {  	[tilespmem:$0x189A0] =	vst v4;
	v4 =	vnsel vm1, $0x3100, v6  }
0x112: {  	[tilespmem:$0x189D0] =	vst v3  }
0x113: {  	[tilespmem:$0x189C0] =	vst v4  }
0x114: {  	_ =	swait.ge [sflag:s10], $0x80  }
0x115: {  	[sflag:s10] =	ssyncset.done $0x0  }
0x116: {  	[sflag:s10] =	ssyncadd.s32 $0xFFFFFF80  }
0x117: {  	[tilespmem:s0], [sflag:$0x3] =	stream.indirect.gather [hbm4b:s5+s11], $0x80, s1, s11, $0xb8;
	[tilespmem:$0x1CA00] =	vst v63  }
0x118: {  	_ =	swait.ge [sflag:s16], $0x4000  }
0x119: {  	[sflag:s16] =	ssyncset.done $0x0  }
0x11a: {  	[sflag:s16] =	ssyncadd.s32 $0xFFFFC000  }
0x11b: {  	[spmem:s2] =	stream.indirect.scatter.add.f32 [tilespmem:s0], [sflag:$0x3], $0x80, s13, s11, $0xb8;
	[tilespmem:$0x1CA00] =	vst v63  }
0x11c: {  	_ =	swait.ge [sflag:s16], $0x4000  }
0x11d: {  	[sflag:s16] =	ssyncset.done $0x0  }
0x11e: {  	s17 =	rddreg [dreg:$0xd];
	[sflag:s16] =	ssyncadd.s32 $0xFFFFC000  }
0x11f: {  	s15 =	sadd.s32 s17, s15;
	[bflag:$0x0] =	sbarrier.arrive $0xFFFF  }
0x120: {  	s15 =	sshll.u32 s15, $0x4;
	s28 =	rddreg [dreg:$0x8]  }
0x121: {  	s15 =	sadd.s32 s28, s15  }
0x122: {  	[hbm:s15], [sflag:s12] =	dma.local [spmem:s14], $0x3100  }
.Ltmp5:
0x123: {  	_ =	swait.ge [sflag:s16], $0x3100;
	(pc) =	sbr.rel @p0 .LBB2_7-.Ltmp5, $4  }
0x124: {  	[sflag:s16] =	ssyncset.done $0x0  }
0x125: {  	[sflag:s16] =	ssyncadd.s32 $0xFFFFCF00  }
0x126: {  	p2 =	por $0x1, $0x1;
	[bflag:$0x0] =	sbarrier.arrive $0xFFFF  }
0x127: {  	p1 =	por $0x0, $0x0;
	s17 =	simm.s32 $0x0;
	s15 =	simm.s32 $0x1  }
.LBB2_12:
0x128: {  	p0 =	por p2, p2;
	s15 =	simm.s32 $0x0;
	s26 =	simm.s32 $0x200  }
.LBB2_13:
0x129: {  	p1 =	sne.s32 s26, $0xFE00;
	[tilespmem:s15+$0x18A70] =	vst v0  }
0x12a: {  	[tilespmem:s15+$0x18A00] =	vst v0  }
0x12b: {  	[tilespmem:s15+$0x18A10] =	vst v0  }
.Ltmp6:
0x12c: {  	[tilespmem:s15+$0x18A20] =	vst v0;
	(pc) =	sbr.rel @p1 .LBB2_13-.Ltmp6, $4  }
0x12d: {  	[tilespmem:s15+$0x18A30] =	vst v0  }
0x12e: {  	[tilespmem:s15+$0x18A40] =	vst v0  }
0x12f: {  	[tilespmem:s15+$0x18A50] =	vst v0  }
0x130: {  	[tilespmem:s15+$0x18A60] =	vst v0;
	s15 =	sshra.s32 s26, $0x2;
	s26 =	sadd.s32 $0x200, s26  }
0x131: {  	[tilespmem:s15+$0x18A70] =	vst v0  }
0x132: {  	[tilespmem:s15+$0x18A00] =	vst v0  }
0x133: {  	[tilespmem:s15+$0x18A10] =	vst v0  }
0x134: {  	[tilespmem:s15+$0x18A20] =	vst v0  }
0x135: {  	[tilespmem:s15+$0x18A30] =	vst v0  }
0x136: {  	[tilespmem:s15+$0x18A40] =	vst v0  }
0x137: {  	[tilespmem:s15+$0x18A50] =	vst v0  }
0x138: {  	[tilespmem:s15+$0x18A60] =	vst v0  }
0x139: {  	[spmem:s29] =	stream.linear.scatter [tilespmem:s0], [sflag:$0x3], $0x4000, $0x38;
	[tilespmem:$0x1CA00] =	vst v63  }
0x13a: {  	_ =	swait.ge [sflag:s16], $0x4000  }
0x13b: {  	[sflag:s16] =	ssyncset.done $0x0  }
0x13c: {  	s26 =	rddreg [dreg:$0xf];
	[sflag:s16] =	ssyncadd.s32 $0xFFFFC000  }
0x13d: {  	[spmem:s26] =	stream.linear.scatter [tilespmem:s0], [sflag:$0x3], $0x4000, $0x38;
	[tilespmem:$0x1CA00] =	vst v63  }
0x13e: {  	_ =	swait.ge [sflag:s16], $0x4000  }
0x13f: {  	[sflag:s16] =	ssyncset.done $0x0  }
0x140: {  	s28 =	rddreg [dreg:$0x10];
	[sflag:s16] =	ssyncadd.s32 $0xFFFFC000  }
0x141: {  	[spmem:s28] =	stream.linear.scatter [tilespmem:s0], [sflag:$0x3], $0x4000, $0x38;
	[tilespmem:$0x1CA00] =	vst v63  }
0x142: {  	_ =	swait.ge [sflag:s16], $0x4000  }
0x143: {  	[sflag:s16] =	ssyncset.done $0x0  }
0x144: {  	s26 =	rddreg [dreg:$0x11];
	[sflag:s16] =	ssyncadd.s32 $0xFFFFC000  }
0x145: {  	[spmem:s26] =	stream.linear.scatter [tilespmem:s0], [sflag:$0x3], $0x4000, $0x38;
	[tilespmem:$0x1CA00] =	vst v63  }
0x146: {  	_ =	swait.ge [sflag:s16], $0x4000  }
0x147: {  	[sflag:s16] =	ssyncset.done $0x0  }
0x148: {  	s28 =	rddreg [dreg:$0x12];
	[sflag:s16] =	ssyncadd.s32 $0xFFFFC000  }
0x149: {  	[spmem:s28] =	stream.linear.scatter [tilespmem:s0], [sflag:$0x3], $0x4000, $0x38;
	[tilespmem:$0x1CA00] =	vst v63  }
0x14a: {  	_ =	swait.ge [sflag:s16], $0x4000  }
0x14b: {  	[sflag:s16] =	ssyncset.done $0x0  }
0x14c: {  	[sflag:s16] =	ssyncadd.s32 $0xFFFFC000  }
0x14d: {  	[spmem:s30] =	stream.linear.scatter [tilespmem:s0], [sflag:$0x3], $0x4000, $0x38;
	[tilespmem:$0x1CA00] =	vst v63  }
0x14e: {  	_ =	swait.ge [sflag:s16], $0x4000  }
0x14f: {  	[sflag:s16] =	ssyncset.done $0x0  }
0x150: {  	[sflag:s16] =	ssyncadd.s32 $0xFFFFC000  }
0x151: {  	[spmem:s31] =	stream.linear.scatter [tilespmem:s0], [sflag:$0x3], $0x4000, $0x38;
	[tilespmem:$0x1CA00] =	vst v63  }
0x152: {  	_ =	swait.ge [sflag:s16], $0x4000  }
0x153: {  	[sflag:s16] =	ssyncset.done $0x0  }
0x154: {  	[sflag:s16] =	ssyncadd.s32 $0xFFFFC000  }
0x155: {  	s26 =	sadd.s32 $0x0, s22;
	[bflag:$0x0] =	sbarrier.arrive $0xFFFF  }
0x156: {  	[tilespmem:s1], [sflag:$0x1] =	stream.linear.gather [hbm4b:s26+s3], $0x80, $0x38;
	[tilespmem:$0x1CA00] =	vst v63  }
0x157: {  	s28 =	sadd.s32 $0x0, s24  }
0x158: {  	[tilespmem:s8], [sflag:$0x2] =	stream.linear.gather [hbm4b:s28+s3], $0x80, $0x38;
	[tilespmem:$0x1CA00] =	vst v63  }
0x159: {  	_ =	swait.ge [sflag:s9], $0x80  }
0x15a: {  	[sflag:s9] =	ssyncset.done $0x0  }
0x15b: {  	[sflag:s9] =	ssyncadd.s32 $0xFFFFFF80  }
0x15c: {  	v3 =	vld [tilespmem:$0x18970]  }
0x15d: {  	s26 =	rddreg [dreg:$0xb];
	v4 =	vld [tilespmem:$0x18960]  }
0x15e: {  	s15 =	sor.u32 s26, s17;
	v5 =	vld [tilespmem:$0x18910]  }
0x15f: {  	s15 =	smul.u32 $0x3100, s15;
	v6 =	vld [tilespmem:$0x18900]  }
0x160: {  	v7 =	vld [tilespmem:$0x18920]  }
0x161: {  	v8 =	vld [tilespmem:$0x18930];
	s28 =	sadd.s32 $0x3100, s15  }
0x162: {  	v9 =	vld [tilespmem:$0x18940];
	v1 =	vmov s15;
	v2 =	vmov s28  }
0x163: {  	v11 =	vld [tilespmem:$0x18950];
	vm0 =	vge.s32 v3, v1;
	vm1 =	vlt.s32 v3, v2  }
0x164: {  	v3 =	vsub.s32 v3, v1;
	vm2 =	vge.s32 v4, v1;
	vm3 =	vlt.s32 v4, v2  }
0x165: {  	v4 =	vsub.s32 v4, v1;
	v10 =	vsub.s32 v5, v1;
	vm11 =	vlt.s32 v6, v2  }
0x166: {  	vm12 =	vge.s32 v5, v1;
	vm13 =	vge.s32 v6, v1;
	v6 =	vsub.s32 v6, v1  }
0x167: {  	vm4 =	vlt.s32 v5, v2;
	v5 =	vsub.s32 v7, v1;
	v12 =	vsub.s32 v9, v1  }
0x168: {  	vm15 =	vge.s32 v7, v1;
	vm9 =	vge.s32 v8, v1;
	vm10 =	vlt.s32 v11, v2  }
0x169: {  	vm5 =	vge.s32 v11, v1;
	vm6 =	vlt.s32 v7, v2;
	vm2 =	vmand vm2, vm3  }
0x16a: {  	vm0 =	vmand vm0, vm1;
	vm1 =	vmand vm13, vm11;
	v4 =	vnsel vm2, $0x3100, v4  }
0x16b: {  	vm14 =	vmand vm12, vm4;
	vm11 =	vlt.s32 v8, v2;
	v3 =	vnsel vm0, $0x3100, v3;
	[tilespmem:$0x189E0] =	vst v4  }
0x16c: {  	v8 =	vsub.s32 v8, v1;
	vm12 =	vlt.s32 v9, v2;
	v6 =	vnsel vm1, $0x3100, v6;
	[tilespmem:$0x189F0] =	vst v3  }
0x16d: {  	vm13 =	vge.s32 v9, v1;
	vm1 =	vmand vm15, vm6;
	v4 =	vnsel vm14, $0x3100, v10;
	[tilespmem:$0x18980] =	vst v6  }
0x16e: {  	vm0 =	vmand vm9, vm11;
	vm15 =	vmand vm13, vm12;
	v5 =	vnsel vm1, $0x3100, v5;
	[tilespmem:$0x18990] =	vst v4  }
0x16f: {  	v3 =	vsub.s32 v11, v1;
	vm14 =	vmand vm5, vm10;
	v4 =	vnsel vm0, $0x3100, v8;
	[tilespmem:$0x189A0] =	vst v5  }
0x170: {  	s17 =	simm.s32 $0x10;
	v3 =	vnsel vm14, $0x3100, v3;
	[tilespmem:$0x189B0] =	vst v4;
	v4 =	vnsel vm15, $0x3100, v12  }
.LBB2_15:
0x171: {  	p1 =	sne.s32 s17, $0x7A0;
	[tilespmem:$0x189D0] =	vst v3;
	s26 =	smov.u32 s17;
	s17 =	sadd.s32 $0x10, s17  }
0x172: {  	[tilespmem:$0x189C0] =	vst v4  }
0x173: {  	_ =	swait.ge [sflag:s10], $0x80  }
0x174: {  	[sflag:s10] =	ssyncset.done $0x0  }
0x175: {  	[sflag:s10] =	ssyncadd.s32 $0xFFFFFF80  }
0x176: {  	[tilespmem:s0], [sflag:$0x3] =	stream.indirect.gather [hbm4b:s6+s11], $0x80, s1, s11, $0xb8;
	[tilespmem:$0x1CA00] =	vst v63  }
0x177: {  	_ =	swait.ge [sflag:s16], $0x4000  }
0x178: {  	[sflag:s16] =	ssyncset.done $0x0  }
0x179: {  	[sflag:s16] =	ssyncadd.s32 $0xFFFFC000  }
0x17a: {  	[spmem:s2] =	stream.indirect.scatter.add.f32 [tilespmem:s0], [sflag:$0x3], $0x80, s13, s11, $0xb8;
	[tilespmem:$0x1CA00] =	vst v63  }
0x17b: {  	_ =	swait.ge [sflag:s16], $0x4000  }
0x17c: {  	[sflag:s16] =	ssyncset.done $0x0  }
0x17d: {  	s28 =	sadd.s32 s26, s22;
	[sflag:s16] =	ssyncadd.s32 $0xFFFFC000  }
0x17e: {  	[tilespmem:s1], [sflag:$0x1] =	stream.linear.gather [hbm4b:s28+s3], $0x80, $0x38;
	[tilespmem:$0x1CA00] =	vst v63  }
0x17f: {  	s26 =	sadd.s32 s26, s24  }
0x180: {  	[tilespmem:s8], [sflag:$0x2] =	stream.linear.gather [hbm4b:s26+s3], $0x80, $0x38;
	[tilespmem:$0x1CA00] =	vst v63  }
0x181: {  	_ =	swait.ge [sflag:s9], $0x80  }
0x182: {  	[sflag:s9] =	ssyncset.done $0x0  }
0x183: {  	[sflag:s9] =	ssyncadd.s32 $0xFFFFFF80  }
0x184: {  	v3 =	vld [tilespmem:$0x18970]  }
0x185: {  	v4 =	vld [tilespmem:$0x18960]  }
0x186: {  	v5 =	vld [tilespmem:$0x18910]  }
0x187: {  	v6 =	vld [tilespmem:$0x18900]  }
0x188: {  	v7 =	vld [tilespmem:$0x18920]  }
0x189: {  	v8 =	vld [tilespmem:$0x18930];
	vm0 =	vge.s32 v3, v1;
	vm1 =	vlt.s32 v3, v2;
	v3 =	vsub.s32 v3, v1  }
0x18a: {  	v9 =	vld [tilespmem:$0x18940];
	vm2 =	vge.s32 v4, v1;
	vm3 =	vlt.s32 v4, v2;
	v4 =	vsub.s32 v4, v1  }
0x18b: {  	vm0 =	vmand vm0, vm1;
	v10 =	vsub.s32 v5, v1;
	v11 =	vld [tilespmem:$0x18950];
	vm2 =	vmand vm2, vm3  }
0x18c: {  	vm3 =	vge.s32 v5, v1;
	vm1 =	vlt.s32 v6, v2;
	v4 =	vnsel vm2, $0x3100, v4  }
0x18d: {  	vm4 =	vlt.s32 v5, v2;
	vm2 =	vge.s32 v6, v1;
	v6 =	vsub.s32 v6, v1;
	[tilespmem:$0x189E0] =	vst v4  }
0x18e: {  	v3 =	vnsel vm0, $0x3100, v3;
	vm1 =	vmand vm2, vm1;
	v4 =	vsub.s32 v7, v1  }
0x18f: {  	vm0 =	vmand vm3, vm4;
	v5 =	vnsel vm1, $0x3100, v6;
	v6 =	vsub.s32 v9, v1;
	[tilespmem:$0x189F0] =	vst v3  }
0x190: {  	vm1 =	vge.s32 v7, v1;
	vm2 =	vge.s32 v8, v1;
	[tilespmem:$0x18980] =	vst v5;
	vm3 =	vlt.s32 v11, v2  }
0x191: {  	v3 =	vnsel vm0, $0x3100, v10;
	vm0 =	vlt.s32 v8, v2;
	v5 =	vsub.s32 v11, v1  }
.Ltmp7:
0x192: {  	vm4 =	vlt.s32 v9, v2;
	vm5 =	vge.s32 v11, v1;
	[tilespmem:$0x18990] =	vst v3;
	v3 =	vsub.s32 v8, v1;
	(pc) =	sbr.rel @p1 .LBB2_15-.Ltmp7, $4  }
0x193: {  	vm6 =	vlt.s32 v7, v2;
	vm0 =	vmand vm2, vm0;
	vm2 =	vge.s32 v9, v1  }
0x194: {  	vm1 =	vmand vm1, vm6;
	v3 =	vnsel vm0, $0x3100, v3;
	vm0 =	vmand vm5, vm3  }
0x195: {  	v4 =	vnsel vm1, $0x3100, v4;
	vm1 =	vmand vm2, vm4;
	[tilespmem:$0x189B0] =	vst v3;
	v3 =	vnsel vm0, $0x3100, v5  }
0x196: {  	[tilespmem:$0x189A0] =	vst v4;
	v4 =	vnsel vm1, $0x3100, v6  }
0x197: {  	[tilespmem:$0x189D0] =	vst v3  }
0x198: {  	[tilespmem:$0x189C0] =	vst v4  }
0x199: {  	_ =	swait.ge [sflag:s10], $0x80  }
0x19a: {  	[sflag:s10] =	ssyncset.done $0x0  }
0x19b: {  	[sflag:s10] =	ssyncadd.s32 $0xFFFFFF80  }
0x19c: {  	[tilespmem:s0], [sflag:$0x3] =	stream.indirect.gather [hbm4b:s6+s11], $0x80, s1, s11, $0xb8;
	[tilespmem:$0x1CA00] =	vst v63  }
0x19d: {  	_ =	swait.ge [sflag:s16], $0x4000  }
0x19e: {  	[sflag:s16] =	ssyncset.done $0x0  }
0x19f: {  	[sflag:s16] =	ssyncadd.s32 $0xFFFFC000  }
0x1a0: {  	[spmem:s2] =	stream.indirect.scatter.add.f32 [tilespmem:s0], [sflag:$0x3], $0x80, s13, s11, $0xb8;
	[tilespmem:$0x1CA00] =	vst v63  }
0x1a1: {  	_ =	swait.ge [sflag:s16], $0x4000  }
0x1a2: {  	[sflag:s16] =	ssyncset.done $0x0  }
0x1a3: {  	s17 =	rddreg [dreg:$0xd];
	[sflag:s16] =	ssyncadd.s32 $0xFFFFC000  }
0x1a4: {  	s15 =	sadd.s32 s17, s15;
	[bflag:$0x0] =	sbarrier.arrive $0xFFFF  }
0x1a5: {  	s15 =	sshll.u32 s15, $0x4;
	s28 =	rddreg [dreg:$0x9]  }
0x1a6: {  	s15 =	sadd.s32 s28, s15  }
0x1a7: {  	[hbm:s15], [sflag:s12] =	dma.local [spmem:s14], $0x3100  }
.Ltmp8:
0x1a8: {  	_ =	swait.ge [sflag:s16], $0x3100;
	(pc) =	sbr.rel @p0 .LBB2_12-.Ltmp8, $4  }
0x1a9: {  	[sflag:s16] =	ssyncset.done $0x0  }
0x1aa: {  	[sflag:s16] =	ssyncadd.s32 $0xFFFFCF00  }
0x1ab: {  	p1 =	por $0x1, $0x1;
	[bflag:$0x0] =	sbarrier.arrive $0xFFFF  }
0x1ac: {  	p2 =	por $0x0, $0x0;
	s17 =	simm.s32 $0x1;
	s15 =	simm.s32 $0x0  }
.LBB2_17:
0x1ad: {  	p0 =	por p1, p1;
	s17 =	simm.s32 $0x0;
	s26 =	simm.s32 $0x200  }
.LBB2_18:
0x1ae: {  	p1 =	sne.s32 s26, $0xFE00;
	[tilespmem:s17+$0x18A70] =	vst v0  }
0x1af: {  	[tilespmem:s17+$0x18A00] =	vst v0  }
0x1b0: {  	[tilespmem:s17+$0x18A10] =	vst v0  }
.Ltmp9:
0x1b1: {  	[tilespmem:s17+$0x18A20] =	vst v0;
	(pc) =	sbr.rel @p1 .LBB2_18-.Ltmp9, $4  }
0x1b2: {  	[tilespmem:s17+$0x18A30] =	vst v0  }
0x1b3: {  	[tilespmem:s17+$0x18A40] =	vst v0  }
0x1b4: {  	[tilespmem:s17+$0x18A50] =	vst v0  }
0x1b5: {  	[tilespmem:s17+$0x18A60] =	vst v0;
	s17 =	sshra.s32 s26, $0x2;
	s26 =	sadd.s32 $0x200, s26  }
0x1b6: {  	[tilespmem:s17+$0x18A70] =	vst v0  }
0x1b7: {  	[tilespmem:s17+$0x18A00] =	vst v0  }
0x1b8: {  	[tilespmem:s17+$0x18A10] =	vst v0  }
0x1b9: {  	[tilespmem:s17+$0x18A20] =	vst v0  }
0x1ba: {  	[tilespmem:s17+$0x18A30] =	vst v0  }
0x1bb: {  	[tilespmem:s17+$0x18A40] =	vst v0  }
0x1bc: {  	[tilespmem:s17+$0x18A50] =	vst v0  }
0x1bd: {  	[tilespmem:s17+$0x18A60] =	vst v0  }
0x1be: {  	[spmem:s29] =	stream.linear.scatter [tilespmem:s0], [sflag:$0x3], $0x4000, $0x38;
	[tilespmem:$0x1CA00] =	vst v63  }
0x1bf: {  	_ =	swait.ge [sflag:s16], $0x4000  }
0x1c0: {  	[sflag:s16] =	ssyncset.done $0x0  }
0x1c1: {  	s26 =	rddreg [dreg:$0xf];
	[sflag:s16] =	ssyncadd.s32 $0xFFFFC000  }
0x1c2: {  	[spmem:s26] =	stream.linear.scatter [tilespmem:s0], [sflag:$0x3], $0x4000, $0x38;
	[tilespmem:$0x1CA00] =	vst v63  }
0x1c3: {  	_ =	swait.ge [sflag:s16], $0x4000  }
0x1c4: {  	[sflag:s16] =	ssyncset.done $0x0  }
0x1c5: {  	s28 =	rddreg [dreg:$0x10];
	[sflag:s16] =	ssyncadd.s32 $0xFFFFC000  }
0x1c6: {  	[spmem:s28] =	stream.linear.scatter [tilespmem:s0], [sflag:$0x3], $0x4000, $0x38;
	[tilespmem:$0x1CA00] =	vst v63  }
0x1c7: {  	_ =	swait.ge [sflag:s16], $0x4000  }
0x1c8: {  	[sflag:s16] =	ssyncset.done $0x0  }
0x1c9: {  	s26 =	rddreg [dreg:$0x11];
	[sflag:s16] =	ssyncadd.s32 $0xFFFFC000  }
0x1ca: {  	[spmem:s26] =	stream.linear.scatter [tilespmem:s0], [sflag:$0x3], $0x4000, $0x38;
	[tilespmem:$0x1CA00] =	vst v63  }
0x1cb: {  	_ =	swait.ge [sflag:s16], $0x4000  }
0x1cc: {  	[sflag:s16] =	ssyncset.done $0x0  }
0x1cd: {  	s28 =	rddreg [dreg:$0x12];
	[sflag:s16] =	ssyncadd.s32 $0xFFFFC000  }
0x1ce: {  	[spmem:s28] =	stream.linear.scatter [tilespmem:s0], [sflag:$0x3], $0x4000, $0x38;
	[tilespmem:$0x1CA00] =	vst v63  }
0x1cf: {  	_ =	swait.ge [sflag:s16], $0x4000  }
0x1d0: {  	[sflag:s16] =	ssyncset.done $0x0  }
0x1d1: {  	[sflag:s16] =	ssyncadd.s32 $0xFFFFC000  }
0x1d2: {  	[spmem:s30] =	stream.linear.scatter [tilespmem:s0], [sflag:$0x3], $0x4000, $0x38;
	[tilespmem:$0x1CA00] =	vst v63  }
0x1d3: {  	_ =	swait.ge [sflag:s16], $0x4000  }
0x1d4: {  	[sflag:s16] =	ssyncset.done $0x0  }
0x1d5: {  	[sflag:s16] =	ssyncadd.s32 $0xFFFFC000  }
0x1d6: {  	[spmem:s31] =	stream.linear.scatter [tilespmem:s0], [sflag:$0x3], $0x4000, $0x38;
	[tilespmem:$0x1CA00] =	vst v63  }
0x1d7: {  	_ =	swait.ge [sflag:s16], $0x4000  }
0x1d8: {  	[sflag:s16] =	ssyncset.done $0x0  }
0x1d9: {  	[sflag:s16] =	ssyncadd.s32 $0xFFFFC000  }
0x1da: {  	s26 =	sadd.s32 $0x0, s23;
	[bflag:$0x0] =	sbarrier.arrive $0xFFFF  }
0x1db: {  	[tilespmem:s1], [sflag:$0x1] =	stream.linear.gather [hbm4b:s26+s3], $0x80, $0x38;
	[tilespmem:$0x1CA00] =	vst v63  }
0x1dc: {  	s28 =	sadd.s32 $0x0, s25  }
0x1dd: {  	[tilespmem:s8], [sflag:$0x2] =	stream.linear.gather [hbm4b:s28+s3], $0x80, $0x38;
	[tilespmem:$0x1CA00] =	vst v63  }
0x1de: {  	_ =	swait.ge [sflag:s9], $0x80  }
0x1df: {  	[sflag:s9] =	ssyncset.done $0x0  }
0x1e0: {  	[sflag:s9] =	ssyncadd.s32 $0xFFFFFF80  }
0x1e1: {  	v3 =	vld [tilespmem:$0x18970]  }
0x1e2: {  	s26 =	rddreg [dreg:$0xb];
	v4 =	vld [tilespmem:$0x18960]  }
0x1e3: {  	s15 =	sor.u32 s26, s15;
	v5 =	vld [tilespmem:$0x18910]  }
0x1e4: {  	s15 =	smul.u32 $0x3100, s15;
	v6 =	vld [tilespmem:$0x18900]  }
0x1e5: {  	v7 =	vld [tilespmem:$0x18920]  }
0x1e6: {  	v8 =	vld [tilespmem:$0x18930];
	s28 =	sadd.s32 $0x3100, s15  }
0x1e7: {  	v9 =	vld [tilespmem:$0x18940];
	v1 =	vmov s15;
	v2 =	vmov s28  }
0x1e8: {  	v11 =	vld [tilespmem:$0x18950];
	vm0 =	vge.s32 v3, v1;
	vm1 =	vlt.s32 v3, v2  }
0x1e9: {  	v3 =	vsub.s32 v3, v1;
	vm2 =	vge.s32 v4, v1;
	vm3 =	vlt.s32 v4, v2  }
0x1ea: {  	v4 =	vsub.s32 v4, v1;
	v10 =	vsub.s32 v5, v1;
	vm11 =	vlt.s32 v6, v2  }
0x1eb: {  	vm12 =	vge.s32 v5, v1;
	vm13 =	vge.s32 v6, v1;
	v6 =	vsub.s32 v6, v1  }
0x1ec: {  	vm4 =	vlt.s32 v5, v2;
	v5 =	vsub.s32 v7, v1;
	v12 =	vsub.s32 v9, v1  }
0x1ed: {  	vm15 =	vge.s32 v7, v1;
	vm9 =	vge.s32 v8, v1;
	vm10 =	vlt.s32 v11, v2  }
0x1ee: {  	vm5 =	vge.s32 v11, v1;
	vm6 =	vlt.s32 v7, v2;
	vm2 =	vmand vm2, vm3  }
0x1ef: {  	vm0 =	vmand vm0, vm1;
	vm1 =	vmand vm13, vm11;
	v4 =	vnsel vm2, $0x3100, v4  }
0x1f0: {  	vm14 =	vmand vm12, vm4;
	vm11 =	vlt.s32 v8, v2;
	v3 =	vnsel vm0, $0x3100, v3;
	[tilespmem:$0x189E0] =	vst v4  }
0x1f1: {  	v8 =	vsub.s32 v8, v1;
	vm12 =	vlt.s32 v9, v2;
	v6 =	vnsel vm1, $0x3100, v6;
	[tilespmem:$0x189F0] =	vst v3  }
0x1f2: {  	vm13 =	vge.s32 v9, v1;
	vm1 =	vmand vm15, vm6;
	v4 =	vnsel vm14, $0x3100, v10;
	[tilespmem:$0x18980] =	vst v6  }
0x1f3: {  	vm0 =	vmand vm9, vm11;
	vm15 =	vmand vm13, vm12;
	v5 =	vnsel vm1, $0x3100, v5;
	[tilespmem:$0x18990] =	vst v4  }
0x1f4: {  	v3 =	vsub.s32 v11, v1;
	vm14 =	vmand vm5, vm10;
	v4 =	vnsel vm0, $0x3100, v8;
	[tilespmem:$0x189A0] =	vst v5  }
0x1f5: {  	s17 =	simm.s32 $0x10;
	v3 =	vnsel vm14, $0x3100, v3;
	[tilespmem:$0x189B0] =	vst v4;
	v4 =	vnsel vm15, $0x3100, v12  }
.LBB2_20:
0x1f6: {  	p1 =	sne.s32 s17, $0x7A0;
	[tilespmem:$0x189D0] =	vst v3;
	s26 =	smov.u32 s17;
	s17 =	sadd.s32 $0x10, s17  }
0x1f7: {  	[tilespmem:$0x189C0] =	vst v4  }
0x1f8: {  	_ =	swait.ge [sflag:s10], $0x80  }
0x1f9: {  	[sflag:s10] =	ssyncset.done $0x0  }
0x1fa: {  	[sflag:s10] =	ssyncadd.s32 $0xFFFFFF80  }
0x1fb: {  	[tilespmem:s0], [sflag:$0x3] =	stream.indirect.gather [hbm4b:s7+s11], $0x80, s1, s11, $0xb8;
	[tilespmem:$0x1CA00] =	vst v63  }
0x1fc: {  	_ =	swait.ge [sflag:s16], $0x4000  }
0x1fd: {  	[sflag:s16] =	ssyncset.done $0x0  }
0x1fe: {  	[sflag:s16] =	ssyncadd.s32 $0xFFFFC000  }
0x1ff: {  	[spmem:s2] =	stream.indirect.scatter.add.f32 [tilespmem:s0], [sflag:$0x3], $0x80, s13, s11, $0xb8;
	[tilespmem:$0x1CA00] =	vst v63  }
0x200: {  	_ =	swait.ge [sflag:s16], $0x4000  }
0x201: {  	[sflag:s16] =	ssyncset.done $0x0  }
0x202: {  	s28 =	sadd.s32 s26, s23;
	[sflag:s16] =	ssyncadd.s32 $0xFFFFC000  }
0x203: {  	[tilespmem:s1], [sflag:$0x1] =	stream.linear.gather [hbm4b:s28+s3], $0x80, $0x38;
	[tilespmem:$0x1CA00] =	vst v63  }
0x204: {  	s26 =	sadd.s32 s26, s25  }
0x205: {  	[tilespmem:s8], [sflag:$0x2] =	stream.linear.gather [hbm4b:s26+s3], $0x80, $0x38;
	[tilespmem:$0x1CA00] =	vst v63  }
0x206: {  	_ =	swait.ge [sflag:s9], $0x80  }
0x207: {  	[sflag:s9] =	ssyncset.done $0x0  }
0x208: {  	[sflag:s9] =	ssyncadd.s32 $0xFFFFFF80  }
0x209: {  	v3 =	vld [tilespmem:$0x18970]  }
0x20a: {  	v4 =	vld [tilespmem:$0x18960]  }
0x20b: {  	v5 =	vld [tilespmem:$0x18910]  }
0x20c: {  	v6 =	vld [tilespmem:$0x18900]  }
0x20d: {  	v7 =	vld [tilespmem:$0x18920]  }
0x20e: {  	v8 =	vld [tilespmem:$0x18930];
	vm0 =	vge.s32 v3, v1;
	vm1 =	vlt.s32 v3, v2;
	v3 =	vsub.s32 v3, v1  }
0x20f: {  	v9 =	vld [tilespmem:$0x18940];
	vm2 =	vge.s32 v4, v1;
	vm3 =	vlt.s32 v4, v2;
	v4 =	vsub.s32 v4, v1  }
0x210: {  	vm0 =	vmand vm0, vm1;
	v10 =	vsub.s32 v5, v1;
	v11 =	vld [tilespmem:$0x18950];
	vm2 =	vmand vm2, vm3  }
0x211: {  	vm3 =	vge.s32 v5, v1;
	vm1 =	vlt.s32 v6, v2;
	v4 =	vnsel vm2, $0x3100, v4  }
0x212: {  	vm4 =	vlt.s32 v5, v2;
	vm2 =	vge.s32 v6, v1;
	v6 =	vsub.s32 v6, v1;
	[tilespmem:$0x189E0] =	vst v4  }
0x213: {  	v3 =	vnsel vm0, $0x3100, v3;
	vm1 =	vmand vm2, vm1;
	v4 =	vsub.s32 v7, v1  }
0x214: {  	vm0 =	vmand vm3, vm4;
	v5 =	vnsel vm1, $0x3100, v6;
	v6 =	vsub.s32 v9, v1;
	[tilespmem:$0x189F0] =	vst v3  }
0x215: {  	vm1 =	vge.s32 v7, v1;
	vm2 =	vge.s32 v8, v1;
	[tilespmem:$0x18980] =	vst v5;
	vm3 =	vlt.s32 v11, v2  }
0x216: {  	v3 =	vnsel vm0, $0x3100, v10;
	vm0 =	vlt.s32 v8, v2;
	v5 =	vsub.s32 v11, v1  }
.Ltmp10:
0x217: {  	vm4 =	vlt.s32 v9, v2;
	vm5 =	vge.s32 v11, v1;
	[tilespmem:$0x18990] =	vst v3;
	v3 =	vsub.s32 v8, v1;
	(pc) =	sbr.rel @p1 .LBB2_20-.Ltmp10, $4  }
0x218: {  	vm6 =	vlt.s32 v7, v2;
	vm0 =	vmand vm2, vm0;
	vm2 =	vge.s32 v9, v1  }
0x219: {  	vm1 =	vmand vm1, vm6;
	v3 =	vnsel vm0, $0x3100, v3;
	vm0 =	vmand vm5, vm3  }
0x21a: {  	v4 =	vnsel vm1, $0x3100, v4;
	vm1 =	vmand vm2, vm4;
	[tilespmem:$0x189B0] =	vst v3;
	v3 =	vnsel vm0, $0x3100, v5  }
0x21b: {  	[tilespmem:$0x189A0] =	vst v4;
	v4 =	vnsel vm1, $0x3100, v6  }
0x21c: {  	[tilespmem:$0x189D0] =	vst v3  }
0x21d: {  	[tilespmem:$0x189C0] =	vst v4  }
0x21e: {  	_ =	swait.ge [sflag:s10], $0x80  }
0x21f: {  	[sflag:s10] =	ssyncset.done $0x0  }
0x220: {  	[sflag:s10] =	ssyncadd.s32 $0xFFFFFF80  }
0x221: {  	[tilespmem:s0], [sflag:$0x3] =	stream.indirect.gather [hbm4b:s7+s11], $0x80, s1, s11, $0xb8;
	[tilespmem:$0x1CA00] =	vst v63  }
0x222: {  	_ =	swait.ge [sflag:s16], $0x4000  }
0x223: {  	[sflag:s16] =	ssyncset.done $0x0  }
0x224: {  	[sflag:s16] =	ssyncadd.s32 $0xFFFFC000  }
0x225: {  	[spmem:s2] =	stream.indirect.scatter.add.f32 [tilespmem:s0], [sflag:$0x3], $0x80, s13, s11, $0xb8;
	[tilespmem:$0x1CA00] =	vst v63  }
0x226: {  	_ =	swait.ge [sflag:s16], $0x4000  }
0x227: {  	[sflag:s16] =	ssyncset.done $0x0  }
0x228: {  	s17 =	rddreg [dreg:$0xd];
	[sflag:s16] =	ssyncadd.s32 $0xFFFFC000  }
0x229: {  	s15 =	sadd.s32 s17, s15;
	[bflag:$0x0] =	sbarrier.arrive $0xFFFF  }
0x22a: {  	s15 =	sshll.u32 s15, $0x4;
	s28 =	rddreg [dreg:$0xa]  }
0x22b: {  	s15 =	sadd.s32 s28, s15  }
0x22c: {  	[hbm:s15], [sflag:s12] =	dma.local [spmem:s14], $0x3100  }
.Ltmp11:
0x22d: {  	_ =	swait.ge [sflag:s16], $0x3100;
	(pc) =	sbr.rel @p0 .LBB2_17-.Ltmp11, $4  }
0x22e: {  	[sflag:s16] =	ssyncset.done $0x0  }
0x22f: {  	[sflag:s16] =	ssyncadd.s32 $0xFFFFCF00  }
0x230: {  	[bflag:$0x0] =	sbarrier.arrive $0xFFFF  }
0x231: {  	p1 =	por $0x0, $0x0;
	s15 =	simm.s32 $0x1  }
0x232: {  	s14 =	rddreg [dreg:$0x13]  }
0x233: {  	s12 =	rddreg [dreg:$0xe];
	s14 =	sadd.s32 $0x1, s14  }
0x234: {  	p0 =	sne.s32 s14, s12  }
.Ltmp12:
0x235: {  	_ = 	snop;
	(pc) =	sbr.rel @p0 .LBB2_1-.Ltmp12, $1  }
0x236: {  	_ =	sdelay $0x3  }
0x237: {  	_ =	sfence.sel $0x180000  }
0x238: {  	[bflag:$0x0] =	sbarrier.arrive $0xFFFF  }
0x239: {  	_ =	strace $0x90000047  }
0x23a: {  	s0 =	stileid.u32;
	[bflag:$0x2] =	sbarrier.arrive $0xFFFF  }
0x23b: {  	p0 =	sne.s32 s0, $0x0;
	s0 =	rddreg [dreg:$0x6]  }
0x23c: {  	s0 =	sadd.s32 @!p0 $0x100000, s0  }
0x23d: {  	[sflag:s0] =	ssyncadd.tile.s32 @!p0 $0x1;
	_ =	shalt  }
.Lfunc_end2:
_tile_overlayer_lowered:
.L_overlay_start_2:
0x23e: {  	(tag) =	ssettag $0x2  }
0x23f: {  	s0 =	rddreg [dreg:$0x0];
	s2 =	stileid.u32  }
0x240: {  	s1 =	rddreg [dreg:$0x1];
	p0 =	sne.s32 s2, $0x0  }
0x241: {  	s3 =	rddreg [dreg:$0x2];
	[bflag:$0x3] =	sbarrier.arrive $0xFFFF;
	s2 =	simm.s32 @!p0 $0x1C03  }
0x242: {  	[timem:s3], [sflag:s2] =	dma.local @!p0 [hbm:s0], s1  }
0x243: {  	s0 =	simm.s32 @!p0 $0x3  }
0x244: {  	_ =	swait.ge @!p0 [sflag:s0], s1  }
0x245: {  	s1 =	ssub.s32 @!p0 $0x0, s1;
	[sflag:s0] =	ssyncset.done @!p0 $0x0  }
0x246: {  	[sflag:s0] =	ssyncadd.s32 @!p0 s1  }
0x247: {  	[bflag:$0x3] =	sbarrier.arrive $0xFFFF  }
0x248: {  	_ =	shalt  }

// kernel: kernel.19.cloned.1.call-start
scs
__scs_entry_jumppad:
0x0: {  	(pc) =	sbr.rel $0x88, $3  }
0x1: {  	(tag) =	ssettag $0x0;
	lr =	simm.s32 $0x1  }
0x2: {  	[smem:$0x3F8D] =	sst lr;
	_ =	strace $0xD0000000  }
0x3: {  	_ = 	snop  }
0x4: {  	_ = 	snop  }
0x5: {  	_ = 	snop  }
0x6: {  	_ = 	snop  }
0x7: {  	_ = 	snop  }
__scs_overlays_trampoline_lowered:
0x8: {  	[smem:$0x3F9C] =	sst s0  }
0x9: {  	[smem:$0x3F9D] =	sst s1  }
0xa: {  	[smem:$0x3F9E] =	sst s2  }
0xb: {  	[smem:$0x3F9F] =	sst s3  }
0xc: {  	[smem:$0x3FA0] =	sst s4  }
0xd: {  	[smem:$0x3FA1] =	sst s5  }
0xe: {  	[smem:$0x3FA2] =	sst s6  }
0xf: {  	[smem:$0x3FA3] =	sst s7  }
0x10: {  	[smem:$0x3FA4] =	sst s8  }
0x11: {  	[smem:$0x3FA5] =	sst s9;
	s0 =	simm.s32 @!p0 $0x0  }
0x12: {  	s1 =	sld [smem:$0x3F8B];
	s0 =	simm.s32 @p0 $0x1  }
0x13: {  	[smem:$0x3FA6] =	sst s0;
	s0 =	simm.s32 @!p1 $0x0  }
0x14: {  	s2 =	sld [smem:$0x3F8A];
	s0 =	simm.s32 @p1 $0x1  }
0x15: {  	[smem:$0x3FA7] =	sst s0;
	s0 =	simm.s32 @!p2 $0x0  }
0x16: {  	s3 =	sld [smem:$0x3FDB];
	s0 =	simm.s32 @p2 $0x1  }
0x17: {  	s4 =	simm.s32 $0x1BF5;
	[smem:$0x3FA9] =	sst s0  }
0x18: {  	s0 =	sld [smem:$0x3F8C];
	_ =	swait.ge [sflag:s4], $0x0  }
0x19: {  	s7 =	sld [smem:$0x3F8D]  }
0x1a: {  	s8 =	sadd.s32 $0xFFFFE003, lr  }
0x1b: {  	s9 =	sadd.s32 $0xFFFFFEF7, lr;
	s5 =	simm.s32 $0xFFFFFFFF;
	p2 =	slt.u32 s8, $0xFFFFF086  }
0x1c: {  	p1 =	slt.u32 s9, $0xF7A;
	s5 =	simm.s32 @!p2 $0x0  }
0x1d: {  	s5 =	simm.s32 @p1 $0x1;
	p0 =	seq.s32 s7, s2  }
0x1e: {  	s7 =	smul.u32 @!p0 $0xF7A, s2;
	p2 =	seq.s32 @!p0 s5, $0x0  }
0x1f: {  	s9 =	smul.u32 $0xF7A, s1;
	s8 =	simm.s32 @!p0 $0x1BF5;
	p2 =	por !p2, p0  }
0x20: {  	[sflag:s8] =	ssyncset.s32 @!p0 $0xFFFFF086;
	s6 =	sadd.s32 @!p0 s3, s7;
	s7 =	simm.s32 @!p0 $0x108  }
0x21: {  	s3 =	sadd.s32 s3, s9;
	s6 =	sadd.s32 @!p0 $0x88, s6;
	s7 =	simm.s32 @p2 $0x1082  }
0x22: {  	[simem:s7], [sflag:s8] =	dma.local @!p0 [hbm:s6], $0xF7A  }
0x23: {  	s9 =	sor.u32 $0xD0000000, s2;
	s6 =	simm.s32 $0x108;
	_ =	swait.ge @!p0 [sflag:s8], $0x0  }
0x24: {  	s3 =	sadd.s32 $0x88, s3;
	s6 =	simm.s32 @!p1 $0x1082;
	[sflag:s4] =	ssyncset.s32 $0xFFFFF086  }
0x25: {  	[simem:s6], [sflag:s4] =	dma.local [hbm:s3], $0xF7A  }
0x26: {  	[smem:$0x3F8D] =	sst s1;
	(tag) =	ssettag s2;
	_ =	strace s9  }
0x27: {  	s1 =	sld [smem:$0x3F9D]  }
0x28: {  	s2 =	sld [smem:$0x3F9E]  }
0x29: {  	s4 =	sld [smem:$0x3FA0]  }
0x2a: {  	p0 =	seq.s32 s5, $0x0;
	s5 =	sld [smem:$0x3FA1]  }
0x2b: {  	s6 =	sld [smem:$0x3FA2]  }
0x2c: {  	s7 =	sld [smem:$0x3FA3]  }
0x2d: {  	s3 =	simm.s32 $0x108;
	s8 =	sld [smem:$0x3FA4]  }
0x2e: {  	s3 =	simm.s32 @!p0 $0x1082;
	s9 =	sld [smem:$0x3FA5]  }
0x2f: {  	lr =	sadd.s32 s0, s3;
	s0 =	sld [smem:$0x3F9C]  }
0x30: {  	s3 =	sld [smem:$0x3F9F]  }
0x31: {  	[smem:$0x3FA8] =	sst s10  }
0x32: {  	s10 =	sld [smem:$0x3FA6];
	_ =	sdelay $0x3  }
0x33: {  	p0 =	seq.s32 s10, $0x1;
	s10 =	sld [smem:$0x3FA8];
	_ =	sdelay $0x3  }
0x34: {  	[smem:$0x3FA8] =	sst s10  }
0x35: {  	s10 =	sld [smem:$0x3FA7];
	_ =	sdelay $0x3  }
0x36: {  	p1 =	seq.s32 s10, $0x1;
	s10 =	sld [smem:$0x3FA8];
	_ =	sdelay $0x3  }
0x37: {  	[smem:$0x3FA8] =	sst s10  }
0x38: {  	s10 =	sld [smem:$0x3FA9]  }
0x39: {  	_ = 	snop;
	(pc) =	sbr.ind lr, $3  }
0x3a: {  	_ = 	snop  }
0x3b: {  	_ = 	snop  }
0x3c: {  	p2 =	seq.s32 s10, $0x1;
	s10 =	sld [smem:$0x3FA8]  }
0x3d: {  	_ =	shalt  }
0x3e: {  	_ =	shalt  }
0x3f: {  	_ =	shalt  }
0x40: {  	_ =	shalt  }
0x41: {  	_ =	shalt  }
0x42: {  	_ =	shalt  }
0x43: {  	_ =	shalt  }
0x44: {  	_ =	shalt  }
0x45: {  	_ =	shalt  }
0x46: {  	_ =	shalt  }
0x47: {  	_ =	shalt  }
0x48: {  	_ =	shalt  }
0x49: {  	_ =	shalt  }
0x4a: {  	_ =	shalt  }
0x4b: {  	_ =	shalt  }
0x4c: {  	_ =	shalt  }
0x4d: {  	_ =	shalt  }
0x4e: {  	_ =	shalt  }
0x4f: {  	_ =	shalt  }
0x50: {  	_ =	shalt  }
0x51: {  	_ =	shalt  }
0x52: {  	_ =	shalt  }
0x53: {  	_ =	shalt  }
0x54: {  	_ =	shalt  }
0x55: {  	_ =	shalt  }
0x56: {  	_ =	shalt  }
0x57: {  	_ =	shalt  }
0x58: {  	_ =	shalt  }
0x59: {  	_ =	shalt  }
0x5a: {  	_ =	shalt  }
0x5b: {  	_ =	shalt  }
0x5c: {  	_ =	shalt  }
0x5d: {  	_ =	shalt  }
0x5e: {  	_ =	shalt  }
0x5f: {  	_ =	shalt  }
0x60: {  	_ =	shalt  }
0x61: {  	_ =	shalt  }
0x62: {  	_ =	shalt  }
0x63: {  	_ =	shalt  }
0x64: {  	_ =	shalt  }
0x65: {  	_ =	shalt  }
0x66: {  	_ =	shalt  }
0x67: {  	_ =	shalt  }
0x68: {  	_ =	shalt  }
0x69: {  	_ =	shalt  }
0x6a: {  	_ =	shalt  }
0x6b: {  	_ =	shalt  }
0x6c: {  	_ =	shalt  }
0x6d: {  	_ =	shalt  }
0x6e: {  	_ =	shalt  }
0x6f: {  	_ =	shalt  }
0x70: {  	_ =	shalt  }
0x71: {  	_ =	shalt  }
0x72: {  	_ =	shalt  }
0x73: {  	_ =	shalt  }
0x74: {  	_ =	shalt  }
0x75: {  	_ =	shalt  }
0x76: {  	_ =	shalt  }
0x77: {  	_ =	shalt  }
0x78: {  	_ =	shalt  }
0x79: {  	_ =	shalt  }
0x7a: {  	_ =	shalt  }
0x7b: {  	_ =	shalt  }
0x7c: {  	_ =	shalt  }
0x7d: {  	_ =	shalt  }
0x7e: {  	_ =	shalt  }
0x7f: {  	_ =	shalt  }
0x80: {  	_ =	shalt  }
0x81: {  	_ =	shalt  }
0x82: {  	_ =	shalt  }
0x83: {  	_ =	shalt  }
0x84: {  	_ =	shalt  }
0x85: {  	_ =	shalt  }
0x86: {  	_ =	shalt  }
0x87: {  	_ =	shalt  }
.Lfunc_end0:
.L_simem_size_0:
called_computation.2_lowered:
.L_overlay_start_0:
0x88: {  	s2 =	sld [smem:$0x3FD9]  }
0x89: {  	s3 =	sld [smem:$0x3FFE];
	_ =	sdelay $0x1  }
0x8a: {  	s1 =	srdreg.scid  }
0x8b: {  	s0 =	sand.u32 $0x1, s1  }
0x8c: {  	s14 =	sshll.u32 s0, $0xA;
	s2 =	sadd.s32 s3, s2  }
0x8d: {  	s2 =	sadd.s32 s2, s14  }
0x8e: {  	[smem:$0x3FB4] =	sst s2  }
0x8f: {  	_ = 	snop  }
0x90: {  	s2 =	sld [smem:$0x3FD0];
	_ =	sdelay $0x2  }
0x91: {  	s15 =	simm.s32 $0xB;
	s4 =	simm.s32 $0x10  }
0x92: {  	[smem:s4], [sflag:s15] =	dma.local [hbm:s2], $0x1  }
0x93: {  	_ =	swait.eq [sflag:s15], $0x1  }
0x94: {  	s16 =	sld [smem:$0x10]  }
0x95: {  	s17 =	sld [smem:$0x11];
	[sflag:s15] =	ssyncset.done $0x0  }
0x96: {  	s5 =	sld [smem:$0x12];
	[sflag:s15] =	ssyncadd.s32 $0xFFFFFFFF  }
0x97: {  	s18 =	sld [smem:$0x13];
	(tm) =	ssettm $0x1  }
0x98: {  	s6 =	sld [smem:$0x3FFB];
	_ =	sdelay $0x3  }
0x99: {  	_ =	strace s6  }
0x9a: {  	s6 =	sld [smem:$0x3FFC];
	_ =	sdelay $0x3  }
0x9b: {  	_ =	strace s6  }
0x9c: {  	s6 =	sld [smem:$0x3FFD];
	_ =	sdelay $0x3  }
0x9d: {  	_ =	strace s6  }
0x9e: {  	_ =	strace $0x8FFFFFFF  }
0x9f: {  	s19 =	sld [smem:$0x3FDB];
	_ =	sdelay $0x1  }
0xa0: {  	s7 =	simm.s32 $_scs_section_size  }
0xa1: {  	s8 =	simm.s32 $_size__tile_overlayer_lowered;
	s9 =	simm.s32 $_tile_overlayer_lowered  }
0xa2: {  	s22 =	simm.s32 $0x1BFF;
	s21 =	sshll.u32 s9, $0x1;
	s6 =	sadd.s32 s7, s19  }
0xa3: {  	s10 =	simm.s32 $0x0;
	s20 =	sshll.u32 s8, $0x1;
	s8 =	sadd.s32 s21, s6  }
0xa4: {  	[timem:s10], [sflag:s22] =	dma.local [hbm:s8], s20  }
0xa5: {  	_ =	swait.ge [sflag:s22], s20  }
0xa6: {  	s7 =	ssub.s32 $0x0, s20;
	[sflag:s22] =	ssyncset.done $0x0  }
0xa7: {  	[sflag:s22] =	ssyncadd.s32 s7;
	_ =	sdelay $0x1  }
0xa8: {  	s23 =	simm.s32 $0x1B8B  }
0xa9: {  	_ =	swait.ge [sflag:s23], $0x1  }
0xaa: {  	[sflag:s23] =	ssyncset.done $0x0  }
0xab: {  	s25 =	simm.s32 $0x1B8E;
	s24 =	sld [smem:$0x3FFE];
	[sflag:s23] =	ssyncadd.s32 $0xFFFFFFFF  }
0xac: {  	s26 =	simm.s32 $execute0_lowered;
	[smem:$0x3FD2] =	sst s25  }
0xad: {  	s8 =	sshll.u32 s26, $0x1;
	_ =	strace $0x8000004C;
	[dreg:$0x1] =	wrdreg $0xFFFFFFFF  }
0xae: {  	s28 =	simm.s32 $_size_execute0_lowered;
	s6 =	sadd.s32 s6, s8;
	[dreg:$0x0] =	wrdreg $0x0  }
0xaf: {  	s8 =	sshll.u32 s28, $0x1;
	[dreg:$0x2] =	wrdreg s6  }
0xb0: {  	[dreg:$0x3] =	wrdreg s8  }
0xb1: {  	[dreg:$0x4] =	wrdreg $0xC0  }
0xb2: {  	_ =	task [dreg:s10], $0x5FFFF  }
0xb3: {  	[dreg:$0x1] =	wrdreg $0xFFFFFFFF  }
0xb4: {  	[dreg:$0x0] =	wrdreg $0x60  }
0xb5: {  	[dreg:$0x2] =	wrdreg s24  }
0xb6: {  	[dreg:$0x3] =	wrdreg s17  }
0xb7: {  	[dreg:$0x4] =	wrdreg s18  }
0xb8: {  	[dreg:$0x5] =	wrdreg s16  }
0xb9: {  	[dreg:$0x6] =	wrdreg s5  }
0xba: {  	[dreg:$0x7] =	wrdreg $0x0  }
0xbb: {  	[dreg:$0x8] =	wrdreg $0x9  }
0xbc: {  	_ =	task.clear_ibuf [dreg:s10], $0x9FFFF;
	_ =	strace $0x9000004C  }
0xbd: {  	s29 =	simm.s32 $0x9;
	_ =	strace $0x8000004E  }
0xbe: {  	_ =	swait.ge [sflag:s29], $0x1  }
0xbf: {  	[sflag:s29] =	ssyncadd.s32 $0xFFFFFFFF  }
0xc0: {  	_ =	strace $0x9000004E  }
0xc1: {  	_ =	sfence  }
0xc2: {  	s30 =	sld [smem:$0x0];
	_ =	sdelay $0x2  }
0xc3: {  	s31 =	sshll.u32 s1, $0xD;
	s1 =	sshrl.u32 s1, $0x2  }
0xc4: {  	s3 =	sand.u32 $0x4000, s31;
	s1 =	sadd.s32 s1, s30  }
0xc5: {  	s0 =	sor.u32 s3, s0;
	s1 =	sshll.u32 s1, $0x11  }
0xc6: {  	s0 =	sor.u32 s1, s0  }
0xc7: {  	s0 =	sadd.s32 $0x8F2B, s0  }
0xc8: {  	[sflag:s0] =	ssyncadd.remote.s32 $0x1  }
0xc9: {  	_ =	sfence.sel $0xFFFF  }
0xca: {  	[dreg:$0x0] =	wrdreg $0xFFFFFFFF;
	(pc) =	sbr.abs _section_cstart, $3  }
0xcb: {  	[dreg:$0x1] =	wrdreg $0xFFFFFFFF  }
0xcc: {  	_ =	task.clear_ibuf [dreg:s10], $0x2FFFF;
	_ =	strace $0x9FFFFFFF  }
0xcd: {  	(tm) =	ssettm $0x7FFFFFFF  }
tec
execute0_lowered:
.L_overlay_start_1:
0x0: {  	(tag) =	ssettag $0x1  }
0x1: {  	s0 =	rddreg [dreg:$0x0]  }
0x2: {  	s2 =	rddreg [dreg:$0x1]  }
0x3: {  	s8 =	rddreg [dreg:$0x2]  }
0x4: {  	s9 =	rddreg [dreg:$0x3]  }
0x5: {  	s10 =	rddreg [dreg:$0x4]  }
0x6: {  	s1 =	rddreg [dreg:$0x5];
	s3 =	simm.s32 $0x0  }
0x7: {  	s18 =	stileid.u32;
	s12 =	srdreg.scid;
	s4 =	sadd.s32 $0x270800, s0  }
0x8: {  	[smem:$0x7FF] =	sst s3;
	s11 =	smul.u32 $0x7B0, s18;
	s5 =	sadd.s32 $0x956800, s0  }
0x9: {  	s6 =	sadd.s32 $0x24800, s0;
	s7 =	sadd.s32 $0xE8800, s0;
	s14 =	sadd.s32 $0x1AC800, s0  }
0xa: {  	s12 =	sand.u32 $0x1, s12;
	s15 =	smul.u32 $0x62000, s18;
	s16 =	sadd.s32 $0x3F8800, s0  }
0xb: {  	s17 =	smul.u32 $0x62200, s18;
	_ =	strace $0x8000004D;
	[dreg:$0x7] =	wrdreg s14  }
0xc: {  	s19 =	sadd.s32 $0x334800, s0;
	s28 =	smul.u32 $0x310, s18;
	[dreg:$0x8] =	wrdreg s16  }
0xd: {  	s22 =	ssub.s32 $0x2, s12;
	[dreg:$0x9] =	wrdreg s19;
	s12 =	sshll.u32 s12, $0x1  }
0xe: {  	s14 =	simm.s32 $0x0;
	s13 =	sadd.s32 s11, s0;
	s23 =	sshrl.u32 s22, $0x1  }
0xf: {  	s0 =	sadd.s32 $0x4BC800, s0;
	[dreg:$0xb] =	wrdreg s12;
	s25 =	sshrl.u32 s15, $0x2  }
0x10: {  	s26 =	sshrl.u32 s17, $0x2;
	[dreg:$0xd] =	wrdreg s28;
	s19 =	sadd.s32 s11, s2  }
0x11: {  	s21 =	sadd.s32 s11, s8;
	s2 =	simm.s32 $0x18880;
	s8 =	simm.s32 $0x18900  }
0x12: {  	[dreg:$0xa] =	wrdreg s0;
	s24 =	ssub.s32 s22, s23;
	s12 =	sadd.s32 s25, s1  }
0x13: {  	s15 =	sadd.s32 s26, s1;
	s18 =	sadd.s32 $0x5800, s13;
	s20 =	sadd.s32 $0xD400, s13  }
0x14: {  	s22 =	sadd.s32 s11, s9;
	s23 =	sadd.s32 s11, s10;
	s25 =	sadd.s32 $0x1CC00, s13  }
0x15: {  	s9 =	simm.s32 $0x2;
	s10 =	simm.s32 $0x1;
	s11 =	simm.s32 $0x80  }
0x16: {  	[dreg:$0xc] =	wrdreg s12;
	s0 =	smax.u32 s24, $0x1;
	s16 =	sadd.s32 $0x4000, s15  }
0x17: {  	s24 =	sadd.s32 $0x15000, s13;
	s17 =	sadd.s32 $0x8000, s15;
	[dreg:$0xe] =	wrdreg s0  }
0x18: {  	s26 =	sadd.s32 $0xC000, s15;
	s28 =	sadd.s32 $0x10000, s15;
	[dreg:$0xf] =	wrdreg s16  }
0x19: {  	s30 =	sadd.s32 $0x14000, s15;
	s29 =	smov.u32 s15;
	[dreg:$0x10] =	wrdreg s17  }
0x1a: {  	s31 =	sadd.s32 $0x14880, s15;
	s13 =	simm.s32 $0x18980;
	[dreg:$0x11] =	wrdreg s26  }
0x1b: {  	v0 =	vimm.f32 $0.0e+00;
	[dreg:$0x12] =	wrdreg s28;
	s0 =	simm.s32 $0x18A00;
	s16 =	simm.s32 $0x3  }
.LBB2_1:
0x1c: {  	[dreg:$0x13] =	wrdreg s14;
	p2 =	por $0x1, $0x1;
	s17 =	simm.s32 $0x0  }
.LBB2_2:
0x1d: {  	p0 =	por p2, p2;
	s12 =	simm.s32 $0x0;
	s14 =	simm.s32 $0x200  }
.LBB2_3:
0x1e: {  	p1 =	sne.s32 s14, $0xFE00;
	[tilespmem:s12+$0x18A70] =	vst v0  }
0x1f: {  	[tilespmem:s12+$0x18A00] =	vst v0  }
0x20: {  	[tilespmem:s12+$0x18A10] =	vst v0  }
.Ltmp0:
0x21: {  	[tilespmem:s12+$0x18A20] =	vst v0;
	(pc) =	sbr.rel @p1 .LBB2_3-.Ltmp0, $4  }
0x22: {  	[tilespmem:s12+$0x18A30] =	vst v0  }
0x23: {  	[tilespmem:s12+$0x18A40] =	vst v0  }
0x24: {  	[tilespmem:s12+$0x18A50] =	vst v0  }
0x25: {  	[tilespmem:s12+$0x18A60] =	vst v0;
	s12 =	sshra.s32 s14, $0x2;
	s14 =	sadd.s32 $0x200, s14  }
0x26: {  	[tilespmem:s12+$0x18A70] =	vst v0  }
0x27: {  	[tilespmem:s12+$0x18A00] =	vst v0  }
0x28: {  	[tilespmem:s12+$0x18A10] =	vst v0  }
0x29: {  	[tilespmem:s12+$0x18A20] =	vst v0  }
0x2a: {  	[tilespmem:s12+$0x18A30] =	vst v0  }
0x2b: {  	[tilespmem:s12+$0x18A40] =	vst v0  }
0x2c: {  	[tilespmem:s12+$0x18A50] =	vst v0  }
0x2d: {  	[tilespmem:s12+$0x18A60] =	vst v0  }
0x2e: {  	[spmem:s29] =	stream.linear.scatter [tilespmem:s0], [sflag:$0x3], $0x4000, $0x38;
	[tilespmem:$0x1CA00] =	vst v63  }
0x2f: {  	_ =	swait.ge [sflag:s16], $0x4000  }
0x30: {  	[sflag:s16] =	ssyncset.done $0x0  }
0x31: {  	s15 =	rddreg [dreg:$0xf];
	[sflag:s16] =	ssyncadd.s32 $0xFFFFC000  }
0x32: {  	[spmem:s15] =	stream.linear.scatter [tilespmem:s0], [sflag:$0x3], $0x4000, $0x38;
	[tilespmem:$0x1CA00] =	vst v63  }
0x33: {  	_ =	swait.ge [sflag:s16], $0x4000  }
0x34: {  	[sflag:s16] =	ssyncset.done $0x0  }
0x35: {  	s26 =	rddreg [dreg:$0x10];
	[sflag:s16] =	ssyncadd.s32 $0xFFFFC000  }
0x36: {  	[spmem:s26] =	stream.linear.scatter [tilespmem:s0], [sflag:$0x3], $0x4000, $0x38;
	[tilespmem:$0x1CA00] =	vst v63  }
0x37: {  	_ =	swait.ge [sflag:s16], $0x4000  }
0x38: {  	[sflag:s16] =	ssyncset.done $0x0  }
0x39: {  	s28 =	rddreg [dreg:$0x11];
	[sflag:s16] =	ssyncadd.s32 $0xFFFFC000  }
0x3a: {  	[spmem:s28] =	stream.linear.scatter [tilespmem:s0], [sflag:$0x3], $0x4000, $0x38;
	[tilespmem:$0x1CA00] =	vst v63  }
0x3b: {  	_ =	swait.ge [sflag:s16], $0x4000  }
0x3c: {  	[sflag:s16] =	ssyncset.done $0x0  }
0x3d: {  	s14 =	rddreg [dreg:$0x12];
	[sflag:s16] =	ssyncadd.s32 $0xFFFFC000  }
0x3e: {  	[spmem:s14] =	stream.linear.scatter [tilespmem:s0], [sflag:$0x3], $0x4000, $0x38;
	[tilespmem:$0x1CA00] =	vst v63  }
0x3f: {  	_ =	swait.ge [sflag:s16], $0x4000  }
0x40: {  	[sflag:s16] =	ssyncset.done $0x0  }
0x41: {  	[sflag:s16] =	ssyncadd.s32 $0xFFFFC000  }
0x42: {  	[spmem:s30] =	stream.linear.scatter [tilespmem:s0], [sflag:$0x3], $0x4000, $0x38;
	[tilespmem:$0x1CA00] =	vst v63  }
0x43: {  	_ =	swait.ge [sflag:s16], $0x4000  }
0x44: {  	[sflag:s16] =	ssyncset.done $0x0  }
0x45: {  	[sflag:s16] =	ssyncadd.s32 $0xFFFFC000  }
0x46: {  	[spmem:s31] =	stream.linear.scatter [tilespmem:s0], [sflag:$0x3], $0x4000, $0x38;
	[tilespmem:$0x1CA00] =	vst v63  }
0x47: {  	_ =	swait.ge [sflag:s16], $0x4000  }
0x48: {  	[sflag:s16] =	ssyncset.done $0x0  }
0x49: {  	[sflag:s16] =	ssyncadd.s32 $0xFFFFC000  }
0x4a: {  	s15 =	sadd.s32 $0x0, s19;
	[bflag:$0x0] =	sbarrier.arrive $0xFFFF  }
0x4b: {  	[tilespmem:s2], [sflag:$0x1] =	stream.linear.gather [hbm4b:s15+s3], $0x80, $0x38;
	[tilespmem:$0x1CA00] =	vst v63  }
0x4c: {  	s26 =	sadd.s32 $0x0, s18  }
0x4d: {  	[tilespmem:s8], [sflag:$0x2] =	stream.linear.gather [hbm4b:s26+s3], $0x80, $0x38;
	[tilespmem:$0x1CA00] =	vst v63  }
0x4e: {  	_ =	swait.ge [sflag:s9], $0x80  }
0x4f: {  	[sflag:s9] =	ssyncset.done $0x0  }
0x50: {  	[sflag:s9] =	ssyncadd.s32 $0xFFFFFF80  }
0x51: {  	v3 =	vld [tilespmem:$0x18970]  }
0x52: {  	s28 =	rddreg [dreg:$0xb];
	v4 =	vld [tilespmem:$0x18960]  }
0x53: {  	s12 =	sor.u32 s28, s17;
	v5 =	vld [tilespmem:$0x18910]  }
0x54: {  	s12 =	smul.u32 $0x3100, s12;
	v6 =	vld [tilespmem:$0x18900]  }
0x55: {  	v7 =	vld [tilespmem:$0x18920]  }
0x56: {  	v8 =	vld [tilespmem:$0x18930];
	s14 =	sadd.s32 $0x3100, s12  }
0x57: {  	v9 =	vld [tilespmem:$0x18940];
	v1 =	vmov s12;
	v2 =	vmov s14  }
0x58: {  	v11 =	vld [tilespmem:$0x18950];
	vm0 =	vge.s32 v3, v1;
	vm1 =	vlt.s32 v3, v2  }
0x59: {  	v3 =	vsub.s32 v3, v1;
	vm2 =	vge.s32 v4, v1;
	vm3 =	vlt.s32 v4, v2  }
0x5a: {  	v4 =	vsub.s32 v4, v1;
	v10 =	vsub.s32 v5, v1;
	vm11 =	vlt.s32 v6, v2  }
0x5b: {  	vm12 =	vge.s32 v5, v1;
	vm13 =	vge.s32 v6, v1;
	v6 =	vsub.s32 v6, v1  }
0x5c: {  	vm4 =	vlt.s32 v5, v2;
	v5 =	vsub.s32 v7, v1;
	v12 =	vsub.s32 v9, v1  }
0x5d: {  	vm15 =	vge.s32 v7, v1;
	vm9 =	vge.s32 v8, v1;
	vm10 =	vlt.s32 v11, v2  }
0x5e: {  	vm5 =	vge.s32 v11, v1;
	vm6 =	vlt.s32 v7, v2;
	vm2 =	vmand vm2, vm3  }
0x5f: {  	vm0 =	vmand vm0, vm1;
	vm1 =	vmand vm13, vm11;
	v4 =	vnsel vm2, $0x3100, v4  }
0x60: {  	vm14 =	vmand vm12, vm4;
	vm11 =	vlt.s32 v8, v2;
	v3 =	vnsel vm0, $0x3100, v3;
	[tilespmem:$0x189E0] =	vst v4  }
0x61: {  	v8 =	vsub.s32 v8, v1;
	vm12 =	vlt.s32 v9, v2;
	v6 =	vnsel vm1, $0x3100, v6;
	[tilespmem:$0x189F0] =	vst v3  }
0x62: {  	vm13 =	vge.s32 v9, v1;
	vm1 =	vmand vm15, vm6;
	v4 =	vnsel vm14, $0x3100, v10;
	[tilespmem:$0x18980] =	vst v6  }
0x63: {  	vm0 =	vmand vm9, vm11;
	vm15 =	vmand vm13, vm12;
	v5 =	vnsel vm1, $0x3100, v5;
	[tilespmem:$0x18990] =	vst v4  }
0x64: {  	v3 =	vsub.s32 v11, v1;
	vm14 =	vmand vm5, vm10;
	v4 =	vnsel vm0, $0x3100, v8;
	[tilespmem:$0x189A0] =	vst v5  }
0x65: {  	s14 =	simm.s32 $0x10;
	v3 =	vnsel vm14, $0x3100, v3;
	[tilespmem:$0x189B0] =	vst v4;
	v4 =	vnsel vm15, $0x3100, v12  }
.LBB2_5:
0x66: {  	p1 =	sne.s32 s14, $0x7A0;
	[tilespmem:$0x189D0] =	vst v3;
	s15 =	smov.u32 s14;
	s14 =	sadd.s32 $0x10, s14  }
0x67: {  	[tilespmem:$0x189C0] =	vst v4  }
0x68: {  	_ =	swait.ge [sflag:s10], $0x80  }
0x69: {  	[sflag:s10] =	ssyncset.done $0x0  }
0x6a: {  	[sflag:s10] =	ssyncadd.s32 $0xFFFFFF80  }
0x6b: {  	[tilespmem:s0], [sflag:$0x3] =	stream.indirect.gather [hbm4b:s4+s11], $0x80, s2, s11, $0xb8;
	[tilespmem:$0x1CA00] =	vst v63  }
0x6c: {  	_ =	swait.ge [sflag:s16], $0x4000  }
0x6d: {  	[sflag:s16] =	ssyncset.done $0x0  }
0x6e: {  	[sflag:s16] =	ssyncadd.s32 $0xFFFFC000  }
0x6f: {  	[spmem:s1] =	stream.indirect.scatter.add.f32 [tilespmem:s0], [sflag:$0x3], $0x80, s13, s11, $0xb8;
	[tilespmem:$0x1CA00] =	vst v63  }
0x70: {  	_ =	swait.ge [sflag:s16], $0x4000  }
0x71: {  	[sflag:s16] =	ssyncset.done $0x0  }
0x72: {  	s17 =	sadd.s32 s15, s19;
	[sflag:s16] =	ssyncadd.s32 $0xFFFFC000  }
0x73: {  	[tilespmem:s2], [sflag:$0x1] =	stream.linear.gather [hbm4b:s17+s3], $0x80, $0x38;
	[tilespmem:$0x1CA00] =	vst v63  }
0x74: {  	s15 =	sadd.s32 s15, s18  }
0x75: {  	[tilespmem:s8], [sflag:$0x2] =	stream.linear.gather [hbm4b:s15+s3], $0x80, $0x38;
	[tilespmem:$0x1CA00] =	vst v63  }
0x76: {  	_ =	swait.ge [sflag:s9], $0x80  }
0x77: {  	[sflag:s9] =	ssyncset.done $0x0  }
0x78: {  	[sflag:s9] =	ssyncadd.s32 $0xFFFFFF80  }
0x79: {  	v3 =	vld [tilespmem:$0x18970]  }
0x7a: {  	v4 =	vld [tilespmem:$0x18960]  }
0x7b: {  	v5 =	vld [tilespmem:$0x18910]  }
0x7c: {  	v6 =	vld [tilespmem:$0x18900]  }
0x7d: {  	v7 =	vld [tilespmem:$0x18920]  }
0x7e: {  	v8 =	vld [tilespmem:$0x18930];
	vm0 =	vge.s32 v3, v1;
	vm1 =	vlt.s32 v3, v2;
	v3 =	vsub.s32 v3, v1  }
0x7f: {  	v9 =	vld [tilespmem:$0x18940];
	vm2 =	vge.s32 v4, v1;
	vm3 =	vlt.s32 v4, v2;
	v4 =	vsub.s32 v4, v1  }
0x80: {  	vm0 =	vmand vm0, vm1;
	v10 =	vsub.s32 v5, v1;
	v11 =	vld [tilespmem:$0x18950];
	vm2 =	vmand vm2, vm3  }
0x81: {  	vm3 =	vge.s32 v5, v1;
	vm1 =	vlt.s32 v6, v2;
	v4 =	vnsel vm2, $0x3100, v4  }
0x82: {  	vm4 =	vlt.s32 v5, v2;
	vm2 =	vge.s32 v6, v1;
	v6 =	vsub.s32 v6, v1;
	[tilespmem:$0x189E0] =	vst v4  }
0x83: {  	v3 =	vnsel vm0, $0x3100, v3;
	vm1 =	vmand vm2, vm1;
	v4 =	vsub.s32 v7, v1  }
0x84: {  	vm0 =	vmand vm3, vm4;
	v5 =	vnsel vm1, $0x3100, v6;
	v6 =	vsub.s32 v9, v1;
	[tilespmem:$0x189F0] =	vst v3  }
0x85: {  	vm1 =	vge.s32 v7, v1;
	vm2 =	vge.s32 v8, v1;
	[tilespmem:$0x18980] =	vst v5;
	vm3 =	vlt.s32 v11, v2  }
0x86: {  	v3 =	vnsel vm0, $0x3100, v10;
	vm0 =	vlt.s32 v8, v2;
	v5 =	vsub.s32 v11, v1  }
.Ltmp1:
0x87: {  	vm4 =	vlt.s32 v9, v2;
	vm5 =	vge.s32 v11, v1;
	[tilespmem:$0x18990] =	vst v3;
	v3 =	vsub.s32 v8, v1;
	(pc) =	sbr.rel @p1 .LBB2_5-.Ltmp1, $4  }
0x88: {  	vm6 =	vlt.s32 v7, v2;
	vm0 =	vmand vm2, vm0;
	vm2 =	vge.s32 v9, v1  }
0x89: {  	vm1 =	vmand vm1, vm6;
	v3 =	vnsel vm0, $0x3100, v3;
	vm0 =	vmand vm5, vm3  }
0x8a: {  	v4 =	vnsel vm1, $0x3100, v4;
	vm1 =	vmand vm2, vm4;
	[tilespmem:$0x189B0] =	vst v3;
	v3 =	vnsel vm0, $0x3100, v5  }
0x8b: {  	[tilespmem:$0x189A0] =	vst v4;
	v4 =	vnsel vm1, $0x3100, v6  }
0x8c: {  	[tilespmem:$0x189D0] =	vst v3  }
0x8d: {  	[tilespmem:$0x189C0] =	vst v4  }
0x8e: {  	_ =	swait.ge [sflag:s10], $0x80  }
0x8f: {  	[sflag:s10] =	ssyncset.done $0x0  }
0x90: {  	[sflag:s10] =	ssyncadd.s32 $0xFFFFFF80  }
0x91: {  	[tilespmem:s0], [sflag:$0x3] =	stream.indirect.gather [hbm4b:s4+s11], $0x80, s2, s11, $0xb8;
	[tilespmem:$0x1CA00] =	vst v63  }
0x92: {  	_ =	swait.ge [sflag:s16], $0x4000  }
0x93: {  	[sflag:s16] =	ssyncset.done $0x0  }
0x94: {  	[sflag:s16] =	ssyncadd.s32 $0xFFFFC000  }
0x95: {  	[spmem:s1] =	stream.indirect.scatter.add.f32 [tilespmem:s0], [sflag:$0x3], $0x80, s13, s11, $0xb8;
	[tilespmem:$0x1CA00] =	vst v63  }
0x96: {  	_ =	swait.ge [sflag:s16], $0x4000  }
0x97: {  	[sflag:s16] =	ssyncset.done $0x0  }
0x98: {  	[sflag:s16] =	ssyncadd.s32 $0xFFFFC000  }
0x99: {  	s14 =	rddreg [dreg:$0xd];
	[bflag:$0x0] =	sbarrier.arrive $0xFFFF  }
0x9a: {  	s26 =	stileid.u32;
	s12 =	sadd.s32 s14, s12;
	s15 =	rddreg [dreg:$0x7]  }
0x9b: {  	s14 =	sshll.u32 s26, $0x6;
	s12 =	sshll.u32 s12, $0x4;
	s28 =	rddreg [dreg:$0xc]  }
0x9c: {  	s15 =	sadd.s32 s15, s12;
	s12 =	sor.u32 $0x1C03, s14;
	s14 =	sshrl.u32 s28, $0x3  }
0x9d: {  	[hbm:s15], [sflag:s12] =	dma.local [spmem:s14], $0x3100  }
.Ltmp2:
0x9e: {  	_ =	swait.ge [sflag:s16], $0x3100;
	(pc) =	sbr.rel @p0 .LBB2_2-.Ltmp2, $4  }
0x9f: {  	[sflag:s16] =	ssyncset.done $0x0  }
0xa0: {  	[sflag:s16] =	ssyncadd.s32 $0xFFFFCF00  }
0xa1: {  	p1 =	por $0x1, $0x1;
	[bflag:$0x0] =	sbarrier.arrive $0xFFFF  }
0xa2: {  	s17 =	simm.s32 $0x1;
	p2 =	por $0x0, $0x0;
	s15 =	simm.s32 $0x0  }
.LBB2_7:
0xa3: {  	p0 =	por p1, p1;
	s17 =	simm.s32 $0x0;
	s26 =	simm.s32 $0x200  }
.LBB2_8:
0xa4: {  	p1 =	sne.s32 s26, $0xFE00;
	[tilespmem:s17+$0x18A70] =	vst v0  }
0xa5: {  	[tilespmem:s17+$0x18A00] =	vst v0  }
0xa6: {  	[tilespmem:s17+$0x18A10] =	vst v0  }
.Ltmp3:
0xa7: {  	[tilespmem:s17+$0x18A20] =	vst v0;
	(pc) =	sbr.rel @p1 .LBB2_8-.Ltmp3, $4  }
0xa8: {  	[tilespmem:s17+$0x18A30] =	vst v0  }
0xa9: {  	[tilespmem:s17+$0x18A40] =	vst v0  }
0xaa: {  	[tilespmem:s17+$0x18A50] =	vst v0  }
0xab: {  	[tilespmem:s17+$0x18A60] =	vst v0;
	s17 =	sshra.s32 s26, $0x2;
	s26 =	sadd.s32 $0x200, s26  }
0xac: {  	[tilespmem:s17+$0x18A70] =	vst v0  }
0xad: {  	[tilespmem:s17+$0x18A00] =	vst v0  }
0xae: {  	[tilespmem:s17+$0x18A10] =	vst v0  }
0xaf: {  	[tilespmem:s17+$0x18A20] =	vst v0  }
0xb0: {  	[tilespmem:s17+$0x18A30] =	vst v0  }
0xb1: {  	[tilespmem:s17+$0x18A40] =	vst v0  }
0xb2: {  	[tilespmem:s17+$0x18A50] =	vst v0  }
0xb3: {  	[tilespmem:s17+$0x18A60] =	vst v0  }
0xb4: {  	[spmem:s29] =	stream.linear.scatter [tilespmem:s0], [sflag:$0x3], $0x4000, $0x38;
	[tilespmem:$0x1CA00] =	vst v63  }
0xb5: {  	_ =	swait.ge [sflag:s16], $0x4000  }
0xb6: {  	[sflag:s16] =	ssyncset.done $0x0  }
0xb7: {  	s26 =	rddreg [dreg:$0xf];
	[sflag:s16] =	ssyncadd.s32 $0xFFFFC000  }
0xb8: {  	[spmem:s26] =	stream.linear.scatter [tilespmem:s0], [sflag:$0x3], $0x4000, $0x38;
	[tilespmem:$0x1CA00] =	vst v63  }
0xb9: {  	_ =	swait.ge [sflag:s16], $0x4000  }
0xba: {  	[sflag:s16] =	ssyncset.done $0x0  }
0xbb: {  	s28 =	rddreg [dreg:$0x10];
	[sflag:s16] =	ssyncadd.s32 $0xFFFFC000  }
0xbc: {  	[spmem:s28] =	stream.linear.scatter [tilespmem:s0], [sflag:$0x3], $0x4000, $0x38;
	[tilespmem:$0x1CA00] =	vst v63  }
0xbd: {  	_ =	swait.ge [sflag:s16], $0x4000  }
0xbe: {  	[sflag:s16] =	ssyncset.done $0x0  }
0xbf: {  	s26 =	rddreg [dreg:$0x11];
	[sflag:s16] =	ssyncadd.s32 $0xFFFFC000  }
0xc0: {  	[spmem:s26] =	stream.linear.scatter [tilespmem:s0], [sflag:$0x3], $0x4000, $0x38;
	[tilespmem:$0x1CA00] =	vst v63  }
0xc1: {  	_ =	swait.ge [sflag:s16], $0x4000  }
0xc2: {  	[sflag:s16] =	ssyncset.done $0x0  }
0xc3: {  	s28 =	rddreg [dreg:$0x12];
	[sflag:s16] =	ssyncadd.s32 $0xFFFFC000  }
0xc4: {  	[spmem:s28] =	stream.linear.scatter [tilespmem:s0], [sflag:$0x3], $0x4000, $0x38;
	[tilespmem:$0x1CA00] =	vst v63  }
0xc5: {  	_ =	swait.ge [sflag:s16], $0x4000  }
0xc6: {  	[sflag:s16] =	ssyncset.done $0x0  }
0xc7: {  	[sflag:s16] =	ssyncadd.s32 $0xFFFFC000  }
0xc8: {  	[spmem:s30] =	stream.linear.scatter [tilespmem:s0], [sflag:$0x3], $0x4000, $0x38;
	[tilespmem:$0x1CA00] =	vst v63  }
0xc9: {  	_ =	swait.ge [sflag:s16], $0x4000  }
0xca: {  	[sflag:s16] =	ssyncset.done $0x0  }
0xcb: {  	[sflag:s16] =	ssyncadd.s32 $0xFFFFC000  }
0xcc: {  	[spmem:s31] =	stream.linear.scatter [tilespmem:s0], [sflag:$0x3], $0x4000, $0x38;
	[tilespmem:$0x1CA00] =	vst v63  }
0xcd: {  	_ =	swait.ge [sflag:s16], $0x4000  }
0xce: {  	[sflag:s16] =	ssyncset.done $0x0  }
0xcf: {  	[sflag:s16] =	ssyncadd.s32 $0xFFFFC000  }
0xd0: {  	s26 =	sadd.s32 $0x0, s21;
	[bflag:$0x0] =	sbarrier.arrive $0xFFFF  }
0xd1: {  	[tilespmem:s2], [sflag:$0x1] =	stream.linear.gather [hbm4b:s26+s3], $0x80, $0x38;
	[tilespmem:$0x1CA00] =	vst v63  }
0xd2: {  	s28 =	sadd.s32 $0x0, s20  }
0xd3: {  	[tilespmem:s8], [sflag:$0x2] =	stream.linear.gather [hbm4b:s28+s3], $0x80, $0x38;
	[tilespmem:$0x1CA00] =	vst v63  }
0xd4: {  	_ =	swait.ge [sflag:s9], $0x80  }
0xd5: {  	[sflag:s9] =	ssyncset.done $0x0  }
0xd6: {  	[sflag:s9] =	ssyncadd.s32 $0xFFFFFF80  }
0xd7: {  	v3 =	vld [tilespmem:$0x18970]  }
0xd8: {  	s26 =	rddreg [dreg:$0xb];
	v4 =	vld [tilespmem:$0x18960]  }
0xd9: {  	s15 =	sor.u32 s26, s15;
	v5 =	vld [tilespmem:$0x18910]  }
0xda: {  	s15 =	smul.u32 $0x3100, s15;
	v6 =	vld [tilespmem:$0x18900]  }
0xdb: {  	v7 =	vld [tilespmem:$0x18920]  }
0xdc: {  	v8 =	vld [tilespmem:$0x18930];
	s28 =	sadd.s32 $0x3100, s15  }
0xdd: {  	v9 =	vld [tilespmem:$0x18940];
	v1 =	vmov s15;
	v2 =	vmov s28  }
0xde: {  	v11 =	vld [tilespmem:$0x18950];
	vm0 =	vge.s32 v3, v1;
	vm1 =	vlt.s32 v3, v2  }
0xdf: {  	v3 =	vsub.s32 v3, v1;
	vm2 =	vge.s32 v4, v1;
	vm3 =	vlt.s32 v4, v2  }
0xe0: {  	v4 =	vsub.s32 v4, v1;
	v10 =	vsub.s32 v5, v1;
	vm11 =	vlt.s32 v6, v2  }
0xe1: {  	vm12 =	vge.s32 v5, v1;
	vm13 =	vge.s32 v6, v1;
	v6 =	vsub.s32 v6, v1  }
0xe2: {  	vm4 =	vlt.s32 v5, v2;
	v5 =	vsub.s32 v7, v1;
	v12 =	vsub.s32 v9, v1  }
0xe3: {  	vm15 =	vge.s32 v7, v1;
	vm9 =	vge.s32 v8, v1;
	vm10 =	vlt.s32 v11, v2  }
0xe4: {  	vm5 =	vge.s32 v11, v1;
	vm6 =	vlt.s32 v7, v2;
	vm2 =	vmand vm2, vm3  }
0xe5: {  	vm0 =	vmand vm0, vm1;
	vm1 =	vmand vm13, vm11;
	v4 =	vnsel vm2, $0x3100, v4  }
0xe6: {  	vm14 =	vmand vm12, vm4;
	vm11 =	vlt.s32 v8, v2;
	v3 =	vnsel vm0, $0x3100, v3;
	[tilespmem:$0x189E0] =	vst v4  }
0xe7: {  	v8 =	vsub.s32 v8, v1;
	vm12 =	vlt.s32 v9, v2;
	v6 =	vnsel vm1, $0x3100, v6;
	[tilespmem:$0x189F0] =	vst v3  }
0xe8: {  	vm13 =	vge.s32 v9, v1;
	vm1 =	vmand vm15, vm6;
	v4 =	vnsel vm14, $0x3100, v10;
	[tilespmem:$0x18980] =	vst v6  }
0xe9: {  	vm0 =	vmand vm9, vm11;
	vm15 =	vmand vm13, vm12;
	v5 =	vnsel vm1, $0x3100, v5;
	[tilespmem:$0x18990] =	vst v4  }
0xea: {  	v3 =	vsub.s32 v11, v1;
	vm14 =	vmand vm5, vm10;
	v4 =	vnsel vm0, $0x3100, v8;
	[tilespmem:$0x189A0] =	vst v5  }
0xeb: {  	s17 =	simm.s32 $0x10;
	v3 =	vnsel vm14, $0x3100, v3;
	[tilespmem:$0x189B0] =	vst v4;
	v4 =	vnsel vm15, $0x3100, v12  }
.LBB2_10:
0xec: {  	p1 =	sne.s32 s17, $0x7A0;
	[tilespmem:$0x189D0] =	vst v3;
	s26 =	smov.u32 s17;
	s17 =	sadd.s32 $0x10, s17  }
0xed: {  	[tilespmem:$0x189C0] =	vst v4  }
0xee: {  	_ =	swait.ge [sflag:s10], $0x80  }
0xef: {  	[sflag:s10] =	ssyncset.done $0x0  }
0xf0: {  	[sflag:s10] =	ssyncadd.s32 $0xFFFFFF80  }
0xf1: {  	[tilespmem:s0], [sflag:$0x3] =	stream.indirect.gather [hbm4b:s5+s11], $0x80, s2, s11, $0xb8;
	[tilespmem:$0x1CA00] =	vst v63  }
0xf2: {  	_ =	swait.ge [sflag:s16], $0x4000  }
0xf3: {  	[sflag:s16] =	ssyncset.done $0x0  }
0xf4: {  	[sflag:s16] =	ssyncadd.s32 $0xFFFFC000  }
0xf5: {  	[spmem:s1] =	stream.indirect.scatter.add.f32 [tilespmem:s0], [sflag:$0x3], $0x80, s13, s11, $0xb8;
	[tilespmem:$0x1CA00] =	vst v63  }
0xf6: {  	_ =	swait.ge [sflag:s16], $0x4000  }
0xf7: {  	[sflag:s16] =	ssyncset.done $0x0  }
0xf8: {  	s28 =	sadd.s32 s26, s21;
	[sflag:s16] =	ssyncadd.s32 $0xFFFFC000  }
0xf9: {  	[tilespmem:s2], [sflag:$0x1] =	stream.linear.gather [hbm4b:s28+s3], $0x80, $0x38;
	[tilespmem:$0x1CA00] =	vst v63  }
0xfa: {  	s26 =	sadd.s32 s26, s20  }
0xfb: {  	[tilespmem:s8], [sflag:$0x2] =	stream.linear.gather [hbm4b:s26+s3], $0x80, $0x38;
	[tilespmem:$0x1CA00] =	vst v63  }
0xfc: {  	_ =	swait.ge [sflag:s9], $0x80  }
0xfd: {  	[sflag:s9] =	ssyncset.done $0x0  }
0xfe: {  	[sflag:s9] =	ssyncadd.s32 $0xFFFFFF80  }
0xff: {  	v3 =	vld [tilespmem:$0x18970]  }
0x100: {  	v4 =	vld [tilespmem:$0x18960]  }
0x101: {  	v5 =	vld [tilespmem:$0x18910]  }
0x102: {  	v6 =	vld [tilespmem:$0x18900]  }
0x103: {  	v7 =	vld [tilespmem:$0x18920]  }
0x104: {  	v8 =	vld [tilespmem:$0x18930];
	vm0 =	vge.s32 v3, v1;
	vm1 =	vlt.s32 v3, v2;
	v3 =	vsub.s32 v3, v1  }
0x105: {  	v9 =	vld [tilespmem:$0x18940];
	vm2 =	vge.s32 v4, v1;
	vm3 =	vlt.s32 v4, v2;
	v4 =	vsub.s32 v4, v1  }
0x106: {  	vm0 =	vmand vm0, vm1;
	v10 =	vsub.s32 v5, v1;
	v11 =	vld [tilespmem:$0x18950];
	vm2 =	vmand vm2, vm3  }
0x107: {  	vm3 =	vge.s32 v5, v1;
	vm1 =	vlt.s32 v6, v2;
	v4 =	vnsel vm2, $0x3100, v4  }
0x108: {  	vm4 =	vlt.s32 v5, v2;
	vm2 =	vge.s32 v6, v1;
	v6 =	vsub.s32 v6, v1;
	[tilespmem:$0x189E0] =	vst v4  }
0x109: {  	v3 =	vnsel vm0, $0x3100, v3;
	vm1 =	vmand vm2, vm1;
	v4 =	vsub.s32 v7, v1  }
0x10a: {  	vm0 =	vmand vm3, vm4;
	v5 =	vnsel vm1, $0x3100, v6;
	v6 =	vsub.s32 v9, v1;
	[tilespmem:$0x189F0] =	vst v3  }
0x10b: {  	vm1 =	vge.s32 v7, v1;
	vm2 =	vge.s32 v8, v1;
	[tilespmem:$0x18980] =	vst v5;
	vm3 =	vlt.s32 v11, v2  }
0x10c: {  	v3 =	vnsel vm0, $0x3100, v10;
	vm0 =	vlt.s32 v8, v2;
	v5 =	vsub.s32 v11, v1  }
.Ltmp4:
0x10d: {  	vm4 =	vlt.s32 v9, v2;
	vm5 =	vge.s32 v11, v1;
	[tilespmem:$0x18990] =	vst v3;
	v3 =	vsub.s32 v8, v1;
	(pc) =	sbr.rel @p1 .LBB2_10-.Ltmp4, $4  }
0x10e: {  	vm6 =	vlt.s32 v7, v2;
	vm0 =	vmand vm2, vm0;
	vm2 =	vge.s32 v9, v1  }
0x10f: {  	vm1 =	vmand vm1, vm6;
	v3 =	vnsel vm0, $0x3100, v3;
	vm0 =	vmand vm5, vm3  }
0x110: {  	v4 =	vnsel vm1, $0x3100, v4;
	vm1 =	vmand vm2, vm4;
	[tilespmem:$0x189B0] =	vst v3;
	v3 =	vnsel vm0, $0x3100, v5  }
0x111: {  	[tilespmem:$0x189A0] =	vst v4;
	v4 =	vnsel vm1, $0x3100, v6  }
0x112: {  	[tilespmem:$0x189D0] =	vst v3  }
0x113: {  	[tilespmem:$0x189C0] =	vst v4  }
0x114: {  	_ =	swait.ge [sflag:s10], $0x80  }
0x115: {  	[sflag:s10] =	ssyncset.done $0x0  }
0x116: {  	[sflag:s10] =	ssyncadd.s32 $0xFFFFFF80  }
0x117: {  	[tilespmem:s0], [sflag:$0x3] =	stream.indirect.gather [hbm4b:s5+s11], $0x80, s2, s11, $0xb8;
	[tilespmem:$0x1CA00] =	vst v63  }
0x118: {  	_ =	swait.ge [sflag:s16], $0x4000  }
0x119: {  	[sflag:s16] =	ssyncset.done $0x0  }
0x11a: {  	[sflag:s16] =	ssyncadd.s32 $0xFFFFC000  }
0x11b: {  	[spmem:s1] =	stream.indirect.scatter.add.f32 [tilespmem:s0], [sflag:$0x3], $0x80, s13, s11, $0xb8;
	[tilespmem:$0x1CA00] =	vst v63  }
0x11c: {  	_ =	swait.ge [sflag:s16], $0x4000  }
0x11d: {  	[sflag:s16] =	ssyncset.done $0x0  }
0x11e: {  	s17 =	rddreg [dreg:$0xd];
	[sflag:s16] =	ssyncadd.s32 $0xFFFFC000  }
0x11f: {  	s15 =	sadd.s32 s17, s15;
	[bflag:$0x0] =	sbarrier.arrive $0xFFFF  }
0x120: {  	s15 =	sshll.u32 s15, $0x4;
	s28 =	rddreg [dreg:$0x8]  }
0x121: {  	s15 =	sadd.s32 s28, s15  }
0x122: {  	[hbm:s15], [sflag:s12] =	dma.local [spmem:s14], $0x3100  }
.Ltmp5:
0x123: {  	_ =	swait.ge [sflag:s16], $0x3100;
	(pc) =	sbr.rel @p0 .LBB2_7-.Ltmp5, $4  }
0x124: {  	[sflag:s16] =	ssyncset.done $0x0  }
0x125: {  	[sflag:s16] =	ssyncadd.s32 $0xFFFFCF00  }
0x126: {  	p2 =	por $0x1, $0x1;
	[bflag:$0x0] =	sbarrier.arrive $0xFFFF  }
0x127: {  	p1 =	por $0x0, $0x0;
	s17 =	simm.s32 $0x0;
	s15 =	simm.s32 $0x1  }
.LBB2_12:
0x128: {  	p0 =	por p2, p2;
	s15 =	simm.s32 $0x0;
	s26 =	simm.s32 $0x200  }
.LBB2_13:
0x129: {  	p1 =	sne.s32 s26, $0xFE00;
	[tilespmem:s15+$0x18A70] =	vst v0  }
0x12a: {  	[tilespmem:s15+$0x18A00] =	vst v0  }
0x12b: {  	[tilespmem:s15+$0x18A10] =	vst v0  }
.Ltmp6:
0x12c: {  	[tilespmem:s15+$0x18A20] =	vst v0;
	(pc) =	sbr.rel @p1 .LBB2_13-.Ltmp6, $4  }
0x12d: {  	[tilespmem:s15+$0x18A30] =	vst v0  }
0x12e: {  	[tilespmem:s15+$0x18A40] =	vst v0  }
0x12f: {  	[tilespmem:s15+$0x18A50] =	vst v0  }
0x130: {  	[tilespmem:s15+$0x18A60] =	vst v0;
	s15 =	sshra.s32 s26, $0x2;
	s26 =	sadd.s32 $0x200, s26  }
0x131: {  	[tilespmem:s15+$0x18A70] =	vst v0  }
0x132: {  	[tilespmem:s15+$0x18A00] =	vst v0  }
0x133: {  	[tilespmem:s15+$0x18A10] =	vst v0  }
0x134: {  	[tilespmem:s15+$0x18A20] =	vst v0  }
0x135: {  	[tilespmem:s15+$0x18A30] =	vst v0  }
0x136: {  	[tilespmem:s15+$0x18A40] =	vst v0  }
0x137: {  	[tilespmem:s15+$0x18A50] =	vst v0  }
0x138: {  	[tilespmem:s15+$0x18A60] =	vst v0  }
0x139: {  	[spmem:s29] =	stream.linear.scatter [tilespmem:s0], [sflag:$0x3], $0x4000, $0x38;
	[tilespmem:$0x1CA00] =	vst v63  }
0x13a: {  	_ =	swait.ge [sflag:s16], $0x4000  }
0x13b: {  	[sflag:s16] =	ssyncset.done $0x0  }
0x13c: {  	s26 =	rddreg [dreg:$0xf];
	[sflag:s16] =	ssyncadd.s32 $0xFFFFC000  }
0x13d: {  	[spmem:s26] =	stream.linear.scatter [tilespmem:s0], [sflag:$0x3], $0x4000, $0x38;
	[tilespmem:$0x1CA00] =	vst v63  }
0x13e: {  	_ =	swait.ge [sflag:s16], $0x4000  }
0x13f: {  	[sflag:s16] =	ssyncset.done $0x0  }
0x140: {  	s28 =	rddreg [dreg:$0x10];
	[sflag:s16] =	ssyncadd.s32 $0xFFFFC000  }
0x141: {  	[spmem:s28] =	stream.linear.scatter [tilespmem:s0], [sflag:$0x3], $0x4000, $0x38;
	[tilespmem:$0x1CA00] =	vst v63  }
0x142: {  	_ =	swait.ge [sflag:s16], $0x4000  }
0x143: {  	[sflag:s16] =	ssyncset.done $0x0  }
0x144: {  	s26 =	rddreg [dreg:$0x11];
	[sflag:s16] =	ssyncadd.s32 $0xFFFFC000  }
0x145: {  	[spmem:s26] =	stream.linear.scatter [tilespmem:s0], [sflag:$0x3], $0x4000, $0x38;
	[tilespmem:$0x1CA00] =	vst v63  }
0x146: {  	_ =	swait.ge [sflag:s16], $0x4000  }
0x147: {  	[sflag:s16] =	ssyncset.done $0x0  }
0x148: {  	s28 =	rddreg [dreg:$0x12];
	[sflag:s16] =	ssyncadd.s32 $0xFFFFC000  }
0x149: {  	[spmem:s28] =	stream.linear.scatter [tilespmem:s0], [sflag:$0x3], $0x4000, $0x38;
	[tilespmem:$0x1CA00] =	vst v63  }
0x14a: {  	_ =	swait.ge [sflag:s16], $0x4000  }
0x14b: {  	[sflag:s16] =	ssyncset.done $0x0  }
0x14c: {  	[sflag:s16] =	ssyncadd.s32 $0xFFFFC000  }
0x14d: {  	[spmem:s30] =	stream.linear.scatter [tilespmem:s0], [sflag:$0x3], $0x4000, $0x38;
	[tilespmem:$0x1CA00] =	vst v63  }
0x14e: {  	_ =	swait.ge [sflag:s16], $0x4000  }
0x14f: {  	[sflag:s16] =	ssyncset.done $0x0  }
0x150: {  	[sflag:s16] =	ssyncadd.s32 $0xFFFFC000  }
0x151: {  	[spmem:s31] =	stream.linear.scatter [tilespmem:s0], [sflag:$0x3], $0x4000, $0x38;
	[tilespmem:$0x1CA00] =	vst v63  }
0x152: {  	_ =	swait.ge [sflag:s16], $0x4000  }
0x153: {  	[sflag:s16] =	ssyncset.done $0x0  }
0x154: {  	[sflag:s16] =	ssyncadd.s32 $0xFFFFC000  }
0x155: {  	s26 =	sadd.s32 $0x0, s22;
	[bflag:$0x0] =	sbarrier.arrive $0xFFFF  }
0x156: {  	[tilespmem:s2], [sflag:$0x1] =	stream.linear.gather [hbm4b:s26+s3], $0x80, $0x38;
	[tilespmem:$0x1CA00] =	vst v63  }
0x157: {  	s28 =	sadd.s32 $0x0, s24  }
0x158: {  	[tilespmem:s8], [sflag:$0x2] =	stream.linear.gather [hbm4b:s28+s3], $0x80, $0x38;
	[tilespmem:$0x1CA00] =	vst v63  }
0x159: {  	_ =	swait.ge [sflag:s9], $0x80  }
0x15a: {  	[sflag:s9] =	ssyncset.done $0x0  }
0x15b: {  	[sflag:s9] =	ssyncadd.s32 $0xFFFFFF80  }
0x15c: {  	v3 =	vld [tilespmem:$0x18970]  }
0x15d: {  	s26 =	rddreg [dreg:$0xb];
	v4 =	vld [tilespmem:$0x18960]  }
0x15e: {  	s15 =	sor.u32 s26, s17;
	v5 =	vld [tilespmem:$0x18910]  }
0x15f: {  	s15 =	smul.u32 $0x3100, s15;
	v6 =	vld [tilespmem:$0x18900]  }
0x160: {  	v7 =	vld [tilespmem:$0x18920]  }
0x161: {  	v8 =	vld [tilespmem:$0x18930];
	s28 =	sadd.s32 $0x3100, s15  }
0x162: {  	v9 =	vld [tilespmem:$0x18940];
	v1 =	vmov s15;
	v2 =	vmov s28  }
0x163: {  	v11 =	vld [tilespmem:$0x18950];
	vm0 =	vge.s32 v3, v1;
	vm1 =	vlt.s32 v3, v2  }
0x164: {  	v3 =	vsub.s32 v3, v1;
	vm2 =	vge.s32 v4, v1;
	vm3 =	vlt.s32 v4, v2  }
0x165: {  	v4 =	vsub.s32 v4, v1;
	v10 =	vsub.s32 v5, v1;
	vm11 =	vlt.s32 v6, v2  }
0x166: {  	vm12 =	vge.s32 v5, v1;
	vm13 =	vge.s32 v6, v1;
	v6 =	vsub.s32 v6, v1  }
0x167: {  	vm4 =	vlt.s32 v5, v2;
	v5 =	vsub.s32 v7, v1;
	v12 =	vsub.s32 v9, v1  }
0x168: {  	vm15 =	vge.s32 v7, v1;
	vm9 =	vge.s32 v8, v1;
	vm10 =	vlt.s32 v11, v2  }
0x169: {  	vm5 =	vge.s32 v11, v1;
	vm6 =	vlt.s32 v7, v2;
	vm2 =	vmand vm2, vm3  }
0x16a: {  	vm0 =	vmand vm0, vm1;
	vm1 =	vmand vm13, vm11;
	v4 =	vnsel vm2, $0x3100, v4  }
0x16b: {  	vm14 =	vmand vm12, vm4;
	vm11 =	vlt.s32 v8, v2;
	v3 =	vnsel vm0, $0x3100, v3;
	[tilespmem:$0x189E0] =	vst v4  }
0x16c: {  	v8 =	vsub.s32 v8, v1;
	vm12 =	vlt.s32 v9, v2;
	v6 =	vnsel vm1, $0x3100, v6;
	[tilespmem:$0x189F0] =	vst v3  }
0x16d: {  	vm13 =	vge.s32 v9, v1;
	vm1 =	vmand vm15, vm6;
	v4 =	vnsel vm14, $0x3100, v10;
	[tilespmem:$0x18980] =	vst v6  }
0x16e: {  	vm0 =	vmand vm9, vm11;
	vm15 =	vmand vm13, vm12;
	v5 =	vnsel vm1, $0x3100, v5;
	[tilespmem:$0x18990] =	vst v4  }
0x16f: {  	v3 =	vsub.s32 v11, v1;
	vm14 =	vmand vm5, vm10;
	v4 =	vnsel vm0, $0x3100, v8;
	[tilespmem:$0x189A0] =	vst v5  }
0x170: {  	s17 =	simm.s32 $0x10;
	v3 =	vnsel vm14, $0x3100, v3;
	[tilespmem:$0x189B0] =	vst v4;
	v4 =	vnsel vm15, $0x3100, v12  }
.LBB2_15:
0x171: {  	p1 =	sne.s32 s17, $0x7A0;
	[tilespmem:$0x189D0] =	vst v3;
	s26 =	smov.u32 s17;
	s17 =	sadd.s32 $0x10, s17  }
0x172: {  	[tilespmem:$0x189C0] =	vst v4  }
0x173: {  	_ =	swait.ge [sflag:s10], $0x80  }
0x174: {  	[sflag:s10] =	ssyncset.done $0x0  }
0x175: {  	[sflag:s10] =	ssyncadd.s32 $0xFFFFFF80  }
0x176: {  	[tilespmem:s0], [sflag:$0x3] =	stream.indirect.gather [hbm4b:s6+s11], $0x80, s2, s11, $0xb8;
	[tilespmem:$0x1CA00] =	vst v63  }
0x177: {  	_ =	swait.ge [sflag:s16], $0x4000  }
0x178: {  	[sflag:s16] =	ssyncset.done $0x0  }
0x179: {  	[sflag:s16] =	ssyncadd.s32 $0xFFFFC000  }
0x17a: {  	[spmem:s1] =	stream.indirect.scatter.add.f32 [tilespmem:s0], [sflag:$0x3], $0x80, s13, s11, $0xb8;
	[tilespmem:$0x1CA00] =	vst v63  }
0x17b: {  	_ =	swait.ge [sflag:s16], $0x4000  }
0x17c: {  	[sflag:s16] =	ssyncset.done $0x0  }
0x17d: {  	s28 =	sadd.s32 s26, s22;
	[sflag:s16] =	ssyncadd.s32 $0xFFFFC000  }
0x17e: {  	[tilespmem:s2], [sflag:$0x1] =	stream.linear.gather [hbm4b:s28+s3], $0x80, $0x38;
	[tilespmem:$0x1CA00] =	vst v63  }
0x17f: {  	s26 =	sadd.s32 s26, s24  }
0x180: {  	[tilespmem:s8], [sflag:$0x2] =	stream.linear.gather [hbm4b:s26+s3], $0x80, $0x38;
	[tilespmem:$0x1CA00] =	vst v63  }
0x181: {  	_ =	swait.ge [sflag:s9], $0x80  }
0x182: {  	[sflag:s9] =	ssyncset.done $0x0  }
0x183: {  	[sflag:s9] =	ssyncadd.s32 $0xFFFFFF80  }
0x184: {  	v3 =	vld [tilespmem:$0x18970]  }
0x185: {  	v4 =	vld [tilespmem:$0x18960]  }
0x186: {  	v5 =	vld [tilespmem:$0x18910]  }
0x187: {  	v6 =	vld [tilespmem:$0x18900]  }
0x188: {  	v7 =	vld [tilespmem:$0x18920]  }
0x189: {  	v8 =	vld [tilespmem:$0x18930];
	vm0 =	vge.s32 v3, v1;
	vm1 =	vlt.s32 v3, v2;
	v3 =	vsub.s32 v3, v1  }
0x18a: {  	v9 =	vld [tilespmem:$0x18940];
	vm2 =	vge.s32 v4, v1;
	vm3 =	vlt.s32 v4, v2;
	v4 =	vsub.s32 v4, v1  }
0x18b: {  	vm0 =	vmand vm0, vm1;
	v10 =	vsub.s32 v5, v1;
	v11 =	vld [tilespmem:$0x18950];
	vm2 =	vmand vm2, vm3  }
0x18c: {  	vm3 =	vge.s32 v5, v1;
	vm1 =	vlt.s32 v6, v2;
	v4 =	vnsel vm2, $0x3100, v4  }
0x18d: {  	vm4 =	vlt.s32 v5, v2;
	vm2 =	vge.s32 v6, v1;
	v6 =	vsub.s32 v6, v1;
	[tilespmem:$0x189E0] =	vst v4  }
0x18e: {  	v3 =	vnsel vm0, $0x3100, v3;
	vm1 =	vmand vm2, vm1;
	v4 =	vsub.s32 v7, v1  }
0x18f: {  	vm0 =	vmand vm3, vm4;
	v5 =	vnsel vm1, $0x3100, v6;
	v6 =	vsub.s32 v9, v1;
	[tilespmem:$0x189F0] =	vst v3  }
0x190: {  	vm1 =	vge.s32 v7, v1;
	vm2 =	vge.s32 v8, v1;
	[tilespmem:$0x18980] =	vst v5;
	vm3 =	vlt.s32 v11, v2  }
0x191: {  	v3 =	vnsel vm0, $0x3100, v10;
	vm0 =	vlt.s32 v8, v2;
	v5 =	vsub.s32 v11, v1  }
.Ltmp7:
0x192: {  	vm4 =	vlt.s32 v9, v2;
	vm5 =	vge.s32 v11, v1;
	[tilespmem:$0x18990] =	vst v3;
	v3 =	vsub.s32 v8, v1;
	(pc) =	sbr.rel @p1 .LBB2_15-.Ltmp7, $4  }
0x193: {  	vm6 =	vlt.s32 v7, v2;
	vm0 =	vmand vm2, vm0;
	vm2 =	vge.s32 v9, v1  }
0x194: {  	vm1 =	vmand vm1, vm6;
	v3 =	vnsel vm0, $0x3100, v3;
	vm0 =	vmand vm5, vm3  }
0x195: {  	v4 =	vnsel vm1, $0x3100, v4;
	vm1 =	vmand vm2, vm4;
	[tilespmem:$0x189B0] =	vst v3;
	v3 =	vnsel vm0, $0x3100, v5  }
0x196: {  	[tilespmem:$0x189A0] =	vst v4;
	v4 =	vnsel vm1, $0x3100, v6  }
0x197: {  	[tilespmem:$0x189D0] =	vst v3  }
0x198: {  	[tilespmem:$0x189C0] =	vst v4  }
0x199: {  	_ =	swait.ge [sflag:s10], $0x80  }
0x19a: {  	[sflag:s10] =	ssyncset.done $0x0  }
0x19b: {  	[sflag:s10] =	ssyncadd.s32 $0xFFFFFF80  }
0x19c: {  	[tilespmem:s0], [sflag:$0x3] =	stream.indirect.gather [hbm4b:s6+s11], $0x80, s2, s11, $0xb8;
	[tilespmem:$0x1CA00] =	vst v63  }
0x19d: {  	_ =	swait.ge [sflag:s16], $0x4000  }
0x19e: {  	[sflag:s16] =	ssyncset.done $0x0  }
0x19f: {  	[sflag:s16] =	ssyncadd.s32 $0xFFFFC000  }
0x1a0: {  	[spmem:s1] =	stream.indirect.scatter.add.f32 [tilespmem:s0], [sflag:$0x3], $0x80, s13, s11, $0xb8;
	[tilespmem:$0x1CA00] =	vst v63  }
0x1a1: {  	_ =	swait.ge [sflag:s16], $0x4000  }
0x1a2: {  	[sflag:s16] =	ssyncset.done $0x0  }
0x1a3: {  	s17 =	rddreg [dreg:$0xd];
	[sflag:s16] =	ssyncadd.s32 $0xFFFFC000  }
0x1a4: {  	s15 =	sadd.s32 s17, s15;
	[bflag:$0x0] =	sbarrier.arrive $0xFFFF  }
0x1a5: {  	s15 =	sshll.u32 s15, $0x4;
	s28 =	rddreg [dreg:$0x9]  }
0x1a6: {  	s15 =	sadd.s32 s28, s15  }
0x1a7: {  	[hbm:s15], [sflag:s12] =	dma.local [spmem:s14], $0x3100  }
.Ltmp8:
0x1a8: {  	_ =	swait.ge [sflag:s16], $0x3100;
	(pc) =	sbr.rel @p0 .LBB2_12-.Ltmp8, $4  }
0x1a9: {  	[sflag:s16] =	ssyncset.done $0x0  }
0x1aa: {  	[sflag:s16] =	ssyncadd.s32 $0xFFFFCF00  }
0x1ab: {  	p1 =	por $0x1, $0x1;
	[bflag:$0x0] =	sbarrier.arrive $0xFFFF  }
0x1ac: {  	p2 =	por $0x0, $0x0;
	s17 =	simm.s32 $0x1;
	s15 =	simm.s32 $0x0  }
.LBB2_17:
0x1ad: {  	p0 =	por p1, p1;
	s17 =	simm.s32 $0x0;
	s26 =	simm.s32 $0x200  }
.LBB2_18:
0x1ae: {  	p1 =	sne.s32 s26, $0xFE00;
	[tilespmem:s17+$0x18A70] =	vst v0  }
0x1af: {  	[tilespmem:s17+$0x18A00] =	vst v0  }
0x1b0: {  	[tilespmem:s17+$0x18A10] =	vst v0  }
.Ltmp9:
0x1b1: {  	[tilespmem:s17+$0x18A20] =	vst v0;
	(pc) =	sbr.rel @p1 .LBB2_18-.Ltmp9, $4  }
0x1b2: {  	[tilespmem:s17+$0x18A30] =	vst v0  }
0x1b3: {  	[tilespmem:s17+$0x18A40] =	vst v0  }
0x1b4: {  	[tilespmem:s17+$0x18A50] =	vst v0  }
0x1b5: {  	[tilespmem:s17+$0x18A60] =	vst v0;
	s17 =	sshra.s32 s26, $0x2;
	s26 =	sadd.s32 $0x200, s26  }
0x1b6: {  	[tilespmem:s17+$0x18A70] =	vst v0  }
0x1b7: {  	[tilespmem:s17+$0x18A00] =	vst v0  }
0x1b8: {  	[tilespmem:s17+$0x18A10] =	vst v0  }
0x1b9: {  	[tilespmem:s17+$0x18A20] =	vst v0  }
0x1ba: {  	[tilespmem:s17+$0x18A30] =	vst v0  }
0x1bb: {  	[tilespmem:s17+$0x18A40] =	vst v0  }
0x1bc: {  	[tilespmem:s17+$0x18A50] =	vst v0  }
0x1bd: {  	[tilespmem:s17+$0x18A60] =	vst v0  }
0x1be: {  	[spmem:s29] =	stream.linear.scatter [tilespmem:s0], [sflag:$0x3], $0x4000, $0x38;
	[tilespmem:$0x1CA00] =	vst v63  }
0x1bf: {  	_ =	swait.ge [sflag:s16], $0x4000  }
0x1c0: {  	[sflag:s16] =	ssyncset.done $0x0  }
0x1c1: {  	s26 =	rddreg [dreg:$0xf];
	[sflag:s16] =	ssyncadd.s32 $0xFFFFC000  }
0x1c2: {  	[spmem:s26] =	stream.linear.scatter [tilespmem:s0], [sflag:$0x3], $0x4000, $0x38;
	[tilespmem:$0x1CA00] =	vst v63  }
0x1c3: {  	_ =	swait.ge [sflag:s16], $0x4000  }
0x1c4: {  	[sflag:s16] =	ssyncset.done $0x0  }
0x1c5: {  	s28 =	rddreg [dreg:$0x10];
	[sflag:s16] =	ssyncadd.s32 $0xFFFFC000  }
0x1c6: {  	[spmem:s28] =	stream.linear.scatter [tilespmem:s0], [sflag:$0x3], $0x4000, $0x38;
	[tilespmem:$0x1CA00] =	vst v63  }
0x1c7: {  	_ =	swait.ge [sflag:s16], $0x4000  }
0x1c8: {  	[sflag:s16] =	ssyncset.done $0x0  }
0x1c9: {  	s26 =	rddreg [dreg:$0x11];
	[sflag:s16] =	ssyncadd.s32 $0xFFFFC000  }
0x1ca: {  	[spmem:s26] =	stream.linear.scatter [tilespmem:s0], [sflag:$0x3], $0x4000, $0x38;
	[tilespmem:$0x1CA00] =	vst v63  }
0x1cb: {  	_ =	swait.ge [sflag:s16], $0x4000  }
0x1cc: {  	[sflag:s16] =	ssyncset.done $0x0  }
0x1cd: {  	s28 =	rddreg [dreg:$0x12];
	[sflag:s16] =	ssyncadd.s32 $0xFFFFC000  }
0x1ce: {  	[spmem:s28] =	stream.linear.scatter [tilespmem:s0], [sflag:$0x3], $0x4000, $0x38;
	[tilespmem:$0x1CA00] =	vst v63  }
0x1cf: {  	_ =	swait.ge [sflag:s16], $0x4000  }
0x1d0: {  	[sflag:s16] =	ssyncset.done $0x0  }
0x1d1: {  	[sflag:s16] =	ssyncadd.s32 $0xFFFFC000  }
0x1d2: {  	[spmem:s30] =	stream.linear.scatter [tilespmem:s0], [sflag:$0x3], $0x4000, $0x38;
	[tilespmem:$0x1CA00] =	vst v63  }
0x1d3: {  	_ =	swait.ge [sflag:s16], $0x4000  }
0x1d4: {  	[sflag:s16] =	ssyncset.done $0x0  }
0x1d5: {  	[sflag:s16] =	ssyncadd.s32 $0xFFFFC000  }
0x1d6: {  	[spmem:s31] =	stream.linear.scatter [tilespmem:s0], [sflag:$0x3], $0x4000, $0x38;
	[tilespmem:$0x1CA00] =	vst v63  }
0x1d7: {  	_ =	swait.ge [sflag:s16], $0x4000  }
0x1d8: {  	[sflag:s16] =	ssyncset.done $0x0  }
0x1d9: {  	[sflag:s16] =	ssyncadd.s32 $0xFFFFC000  }
0x1da: {  	s26 =	sadd.s32 $0x0, s23;
	[bflag:$0x0] =	sbarrier.arrive $0xFFFF  }
0x1db: {  	[tilespmem:s2], [sflag:$0x1] =	stream.linear.gather [hbm4b:s26+s3], $0x80, $0x38;
	[tilespmem:$0x1CA00] =	vst v63  }
0x1dc: {  	s28 =	sadd.s32 $0x0, s25  }
0x1dd: {  	[tilespmem:s8], [sflag:$0x2] =	stream.linear.gather [hbm4b:s28+s3], $0x80, $0x38;
	[tilespmem:$0x1CA00] =	vst v63  }
0x1de: {  	_ =	swait.ge [sflag:s9], $0x80  }
0x1df: {  	[sflag:s9] =	ssyncset.done $0x0  }
0x1e0: {  	[sflag:s9] =	ssyncadd.s32 $0xFFFFFF80  }
0x1e1: {  	v3 =	vld [tilespmem:$0x18970]  }
0x1e2: {  	s26 =	rddreg [dreg:$0xb];
	v4 =	vld [tilespmem:$0x18960]  }
0x1e3: {  	s15 =	sor.u32 s26, s15;
	v5 =	vld [tilespmem:$0x18910]  }
0x1e4: {  	s15 =	smul.u32 $0x3100, s15;
	v6 =	vld [tilespmem:$0x18900]  }
0x1e5: {  	v7 =	vld [tilespmem:$0x18920]  }
0x1e6: {  	v8 =	vld [tilespmem:$0x18930];
	s28 =	sadd.s32 $0x3100, s15  }
0x1e7: {  	v9 =	vld [tilespmem:$0x18940];
	v1 =	vmov s15;
	v2 =	vmov s28  }
0x1e8: {  	v11 =	vld [tilespmem:$0x18950];
	vm0 =	vge.s32 v3, v1;
	vm1 =	vlt.s32 v3, v2  }
0x1e9: {  	v3 =	vsub.s32 v3, v1;
	vm2 =	vge.s32 v4, v1;
	vm3 =	vlt.s32 v4, v2  }
0x1ea: {  	v4 =	vsub.s32 v4, v1;
	v10 =	vsub.s32 v5, v1;
	vm11 =	vlt.s32 v6, v2  }
0x1eb: {  	vm12 =	vge.s32 v5, v1;
	vm13 =	vge.s32 v6, v1;
	v6 =	vsub.s32 v6, v1  }
0x1ec: {  	vm4 =	vlt.s32 v5, v2;
	v5 =	vsub.s32 v7, v1;
	v12 =	vsub.s32 v9, v1  }
0x1ed: {  	vm15 =	vge.s32 v7, v1;
	vm9 =	vge.s32 v8, v1;
	vm10 =	vlt.s32 v11, v2  }
0x1ee: {  	vm5 =	vge.s32 v11, v1;
	vm6 =	vlt.s32 v7, v2;
	vm2 =	vmand vm2, vm3  }
0x1ef: {  	vm0 =	vmand vm0, vm1;
	vm1 =	vmand vm13, vm11;
	v4 =	vnsel vm2, $0x3100, v4  }
0x1f0: {  	vm14 =	vmand vm12, vm4;
	vm11 =	vlt.s32 v8, v2;
	v3 =	vnsel vm0, $0x3100, v3;
	[tilespmem:$0x189E0] =	vst v4  }
0x1f1: {  	v8 =	vsub.s32 v8, v1;
	vm12 =	vlt.s32 v9, v2;
	v6 =	vnsel vm1, $0x3100, v6;
	[tilespmem:$0x189F0] =	vst v3  }
0x1f2: {  	vm13 =	vge.s32 v9, v1;
	vm1 =	vmand vm15, vm6;
	v4 =	vnsel vm14, $0x3100, v10;
	[tilespmem:$0x18980] =	vst v6  }
0x1f3: {  	vm0 =	vmand vm9, vm11;
	vm15 =	vmand vm13, vm12;
	v5 =	vnsel vm1, $0x3100, v5;
	[tilespmem:$0x18990] =	vst v4  }
0x1f4: {  	v3 =	vsub.s32 v11, v1;
	vm14 =	vmand vm5, vm10;
	v4 =	vnsel vm0, $0x3100, v8;
	[tilespmem:$0x189A0] =	vst v5  }
0x1f5: {  	s17 =	simm.s32 $0x10;
	v3 =	vnsel vm14, $0x3100, v3;
	[tilespmem:$0x189B0] =	vst v4;
	v4 =	vnsel vm15, $0x3100, v12  }
.LBB2_20:
0x1f6: {  	p1 =	sne.s32 s17, $0x7A0;
	[tilespmem:$0x189D0] =	vst v3;
	s26 =	smov.u32 s17;
	s17 =	sadd.s32 $0x10, s17  }
0x1f7: {  	[tilespmem:$0x189C0] =	vst v4  }
0x1f8: {  	_ =	swait.ge [sflag:s10], $0x80  }
0x1f9: {  	[sflag:s10] =	ssyncset.done $0x0  }
0x1fa: {  	[sflag:s10] =	ssyncadd.s32 $0xFFFFFF80  }
0x1fb: {  	[tilespmem:s0], [sflag:$0x3] =	stream.indirect.gather [hbm4b:s7+s11], $0x80, s2, s11, $0xb8;
	[tilespmem:$0x1CA00] =	vst v63  }
0x1fc: {  	_ =	swait.ge [sflag:s16], $0x4000  }
0x1fd: {  	[sflag:s16] =	ssyncset.done $0x0  }
0x1fe: {  	[sflag:s16] =	ssyncadd.s32 $0xFFFFC000  }
0x1ff: {  	[spmem:s1] =	stream.indirect.scatter.add.f32 [tilespmem:s0], [sflag:$0x3], $0x80, s13, s11, $0xb8;
	[tilespmem:$0x1CA00] =	vst v63  }
0x200: {  	_ =	swait.ge [sflag:s16], $0x4000  }
0x201: {  	[sflag:s16] =	ssyncset.done $0x0  }
0x202: {  	s28 =	sadd.s32 s26, s23;
	[sflag:s16] =	ssyncadd.s32 $0xFFFFC000  }
0x203: {  	[tilespmem:s2], [sflag:$0x1] =	stream.linear.gather [hbm4b:s28+s3], $0x80, $0x38;
	[tilespmem:$0x1CA00] =	vst v63  }
0x204: {  	s26 =	sadd.s32 s26, s25  }
0x205: {  	[tilespmem:s8], [sflag:$0x2] =	stream.linear.gather [hbm4b:s26+s3], $0x80, $0x38;
	[tilespmem:$0x1CA00] =	vst v63  }
0x206: {  	_ =	swait.ge [sflag:s9], $0x80  }
0x207: {  	[sflag:s9] =	ssyncset.done $0x0  }
0x208: {  	[sflag:s9] =	ssyncadd.s32 $0xFFFFFF80  }
0x209: {  	v3 =	vld [tilespmem:$0x18970]  }
0x20a: {  	v4 =	vld [tilespmem:$0x18960]  }
0x20b: {  	v5 =	vld [tilespmem:$0x18910]  }
0x20c: {  	v6 =	vld [tilespmem:$0x18900]  }
0x20d: {  	v7 =	vld [tilespmem:$0x18920]  }
0x20e: {  	v8 =	vld [tilespmem:$0x18930];
	vm0 =	vge.s32 v3, v1;
	vm1 =	vlt.s32 v3, v2;
	v3 =	vsub.s32 v3, v1  }
0x20f: {  	v9 =	vld [tilespmem:$0x18940];
	vm2 =	vge.s32 v4, v1;
	vm3 =	vlt.s32 v4, v2;
	v4 =	vsub.s32 v4, v1  }
0x210: {  	vm0 =	vmand vm0, vm1;
	v10 =	vsub.s32 v5, v1;
	v11 =	vld [tilespmem:$0x18950];
	vm2 =	vmand vm2, vm3  }
0x211: {  	vm3 =	vge.s32 v5, v1;
	vm1 =	vlt.s32 v6, v2;
	v4 =	vnsel vm2, $0x3100, v4  }
0x212: {  	vm4 =	vlt.s32 v5, v2;
	vm2 =	vge.s32 v6, v1;
	v6 =	vsub.s32 v6, v1;
	[tilespmem:$0x189E0] =	vst v4  }
0x213: {  	v3 =	vnsel vm0, $0x3100, v3;
	vm1 =	vmand vm2, vm1;
	v4 =	vsub.s32 v7, v1  }
0x214: {  	vm0 =	vmand vm3, vm4;
	v5 =	vnsel vm1, $0x3100, v6;
	v6 =	vsub.s32 v9, v1;
	[tilespmem:$0x189F0] =	vst v3  }
0x215: {  	vm1 =	vge.s32 v7, v1;
	vm2 =	vge.s32 v8, v1;
	[tilespmem:$0x18980] =	vst v5;
	vm3 =	vlt.s32 v11, v2  }
0x216: {  	v3 =	vnsel vm0, $0x3100, v10;
	vm0 =	vlt.s32 v8, v2;
	v5 =	vsub.s32 v11, v1  }
.Ltmp10:
0x217: {  	vm4 =	vlt.s32 v9, v2;
	vm5 =	vge.s32 v11, v1;
	[tilespmem:$0x18990] =	vst v3;
	v3 =	vsub.s32 v8, v1;
	(pc) =	sbr.rel @p1 .LBB2_20-.Ltmp10, $4  }
0x218: {  	vm6 =	vlt.s32 v7, v2;
	vm0 =	vmand vm2, vm0;
	vm2 =	vge.s32 v9, v1  }
0x219: {  	vm1 =	vmand vm1, vm6;
	v3 =	vnsel vm0, $0x3100, v3;
	vm0 =	vmand vm5, vm3  }
0x21a: {  	v4 =	vnsel vm1, $0x3100, v4;
	vm1 =	vmand vm2, vm4;
	[tilespmem:$0x189B0] =	vst v3;
	v3 =	vnsel vm0, $0x3100, v5  }
0x21b: {  	[tilespmem:$0x189A0] =	vst v4;
	v4 =	vnsel vm1, $0x3100, v6  }
0x21c: {  	[tilespmem:$0x189D0] =	vst v3  }
0x21d: {  	[tilespmem:$0x189C0] =	vst v4  }
0x21e: {  	_ =	swait.ge [sflag:s10], $0x80  }
0x21f: {  	[sflag:s10] =	ssyncset.done $0x0  }
0x220: {  	[sflag:s10] =	ssyncadd.s32 $0xFFFFFF80  }
0x221: {  	[tilespmem:s0], [sflag:$0x3] =	stream.indirect.gather [hbm4b:s7+s11], $0x80, s2, s11, $0xb8;
	[tilespmem:$0x1CA00] =	vst v63  }
0x222: {  	_ =	swait.ge [sflag:s16], $0x4000  }
0x223: {  	[sflag:s16] =	ssyncset.done $0x0  }
0x224: {  	[sflag:s16] =	ssyncadd.s32 $0xFFFFC000  }
0x225: {  	[spmem:s1] =	stream.indirect.scatter.add.f32 [tilespmem:s0], [sflag:$0x3], $0x80, s13, s11, $0xb8;
	[tilespmem:$0x1CA00] =	vst v63  }
0x226: {  	_ =	swait.ge [sflag:s16], $0x4000  }
0x227: {  	[sflag:s16] =	ssyncset.done $0x0  }
0x228: {  	s17 =	rddreg [dreg:$0xd];
	[sflag:s16] =	ssyncadd.s32 $0xFFFFC000  }
0x229: {  	s15 =	sadd.s32 s17, s15;
	[bflag:$0x0] =	sbarrier.arrive $0xFFFF  }
0x22a: {  	s15 =	sshll.u32 s15, $0x4;
	s28 =	rddreg [dreg:$0xa]  }
0x22b: {  	s15 =	sadd.s32 s28, s15  }
0x22c: {  	[hbm:s15], [sflag:s12] =	dma.local [spmem:s14], $0x3100  }
.Ltmp11:
0x22d: {  	_ =	swait.ge [sflag:s16], $0x3100;
	(pc) =	sbr.rel @p0 .LBB2_17-.Ltmp11, $4  }
0x22e: {  	[sflag:s16] =	ssyncset.done $0x0  }
0x22f: {  	[sflag:s16] =	ssyncadd.s32 $0xFFFFCF00  }
0x230: {  	[bflag:$0x0] =	sbarrier.arrive $0xFFFF  }
0x231: {  	p1 =	por $0x0, $0x0;
	s15 =	simm.s32 $0x1  }
0x232: {  	s14 =	rddreg [dreg:$0x13]  }
0x233: {  	s12 =	rddreg [dreg:$0xe];
	s14 =	sadd.s32 $0x1, s14  }
0x234: {  	p0 =	sne.s32 s14, s12  }
.Ltmp12:
0x235: {  	_ = 	snop;
	(pc) =	sbr.rel @p0 .LBB2_1-.Ltmp12, $1  }
0x236: {  	_ =	sdelay $0x3  }
0x237: {  	_ =	sfence.sel $0x180000  }
0x238: {  	[bflag:$0x0] =	sbarrier.arrive $0xFFFF  }
0x239: {  	_ =	strace $0x9000004D  }
0x23a: {  	s0 =	stileid.u32;
	[bflag:$0x2] =	sbarrier.arrive $0xFFFF  }
0x23b: {  	p0 =	sne.s32 s0, $0x0;
	s0 =	rddreg [dreg:$0x6]  }
0x23c: {  	s0 =	sadd.s32 @!p0 $0x100000, s0  }
0x23d: {  	[sflag:s0] =	ssyncadd.tile.s32 @!p0 $0x1;
	_ =	shalt  }
.Lfunc_end2:
_tile_overlayer_lowered:
.L_overlay_start_2:
0x23e: {  	(tag) =	ssettag $0x2  }
0x23f: {  	s0 =	rddreg [dreg:$0x0];
	s2 =	stileid.u32  }
0x240: {  	s1 =	rddreg [dreg:$0x1];
	p0 =	sne.s32 s2, $0x0  }
0x241: {  	s3 =	rddreg [dreg:$0x2];
	[bflag:$0x3] =	sbarrier.arrive $0xFFFF;
	s2 =	simm.s32 @!p0 $0x1C03  }
0x242: {  	[timem:s3], [sflag:s2] =	dma.local @!p0 [hbm:s0], s1  }
0x243: {  	s0 =	simm.s32 @!p0 $0x3  }
0x244: {  	_ =	swait.ge @!p0 [sflag:s0], s1  }
0x245: {  	s1 =	ssub.s32 @!p0 $0x0, s1;
	[sflag:s0] =	ssyncset.done @!p0 $0x0  }
0x246: {  	[sflag:s0] =	ssyncadd.s32 @!p0 s1  }
0x247: {  	[bflag:$0x3] =	sbarrier.arrive $0xFFFF  }
0x248: {  	_ =	shalt  }

</sc_bundles>
